<compile_context>
chip_gen: v7x
topology: tpu7x:2x2x1
jax: 0.10.2.dev20260603
libtpu: 0.0.44.dev20260713+nightly
codegen_flags: <defaults>
</compile_context>

<pallas_src>
import functools

import jax
import jax.numpy as jnp
from jax import lax
from jax.experimental import pallas as pl
from jax.experimental.pallas import tpu as pltpu
from jax.experimental.pallas import tpu_sc as plsc

N_NODES = 10000
N_PAD = 10240
E_EDGES = 320000
H_DIM = 128
NC, NS = 2, 16
NW = NC * NS
CHUNK = 128
ROWS_PER_SUB = N_PAD // NS
EB = 512
CPR = EB // CHUNK
E_A = 312 * EB
E_B = E_EDGES - E_A

_f32 = jnp.float32
_i32 = jnp.int32
_mesh = plsc.VectorSubcoreMesh(core_axis_name="c", subcore_axis_name="s")


def _make_gather(ne):
  nchunk = ne // CHUNK
  steps = (nchunk + NW - 1) // NW
  erows = ne // EB

  @functools.partial(
      pl.kernel,
      out_type=(
          jax.ShapeDtypeStruct((ne, H_DIM), _f32),
          jax.ShapeDtypeStruct((ne, H_DIM), _f32),
          jax.ShapeDtypeStruct((erows, 1, EB), _f32),
          jax.ShapeDtypeStruct((erows, 1, EB), _f32),
          jax.ShapeDtypeStruct((erows, 1, EB), _f32),
          jax.ShapeDtypeStruct((erows, 1, EB), _f32),
      ),
      mesh=_mesh,
      scratch_types=[
          pltpu.VMEM((4 * N_NODES,), _f32),
          pltpu.VMEM((CHUNK,), _i32),
          pltpu.VMEM((CHUNK,), _i32),
          pltpu.VMEM((CHUNK, H_DIM), _f32),
          pltpu.VMEM((CHUNK, H_DIM), _f32),
          pltpu.VMEM((1, CHUNK), _f32),
          pltpu.VMEM((1, CHUNK), _f32),
          pltpu.VMEM((1, CHUNK), _f32),
          pltpu.VMEM((1, CHUNK), _f32),
          pltpu.SemaphoreType.DMA,
      ],
      compiler_params=pltpu.CompilerParams(needs_layout_passes=False),
  )
  def gather_k(p_hbm, xflat_hbm, row_hbm, col_hbm, q_hbm,
               hi_out, hj_out, dx_out, dy_out, dz_out, d2_out,
               xtab, rowv, colv, hbi, hbj, dxb, dyb, dzb, d2b, sem):
    wid = lax.axis_index("s") * NC + lax.axis_index("c")
    pltpu.sync_copy(xflat_hbm, xtab)

    def body(t, _):
      ci = wid + t * NW

      @pl.when(ci < nchunk)
      def _():
        base = ci * CHUNK
        i1 = pltpu.async_copy(row_hbm.at[pl.ds(base, CHUNK)], rowv, sem)
        i2 = pltpu.async_copy(col_hbm.at[pl.ds(base, CHUNK)], colv, sem)
        i1.wait()
        i2.wait()
        c1 = pltpu.async_copy(p_hbm.at[colv], hbi, sem)
        c2 = pltpu.async_copy(q_hbm.at[rowv], hbj, sem)
        for g in range(CHUNK // 16):
          r16 = rowv[pl.ds(g * 16, 16)] * 4
          c16 = colv[pl.ds(g * 16, 16)] * 4
          dx = plsc.load_gather(xtab, [c16]) - plsc.load_gather(xtab, [r16])
          dy = (plsc.load_gather(xtab, [c16 + 1])
                - plsc.load_gather(xtab, [r16 + 1]))
          dz = (plsc.load_gather(xtab, [c16 + 2])
                - plsc.load_gather(xtab, [r16 + 2]))
          dxb[0, pl.ds(g * 16, 16)] = dx
          dyb[0, pl.ds(g * 16, 16)] = dy
          dzb[0, pl.ds(g * 16, 16)] = dz
          d2b[0, pl.ds(g * 16, 16)] = dx * dx + dy * dy + dz * dz
        er = ci // CPR
        ec = (ci % CPR) * CHUNK
        w3 = pltpu.async_copy(dxb, dx_out.at[er, pl.ds(0, 1),
                                             pl.ds(ec, CHUNK)], sem)
        w4 = pltpu.async_copy(dyb, dy_out.at[er, pl.ds(0, 1),
                                             pl.ds(ec, CHUNK)], sem)
        w5 = pltpu.async_copy(dzb, dz_out.at[er, pl.ds(0, 1),
                                             pl.ds(ec, CHUNK)], sem)
        w6 = pltpu.async_copy(d2b, d2_out.at[er, pl.ds(0, 1),
                                             pl.ds(ec, CHUNK)], sem)
        c1.wait()
        c2.wait()
        w1 = pltpu.async_copy(hbi, hi_out.at[pl.ds(base, CHUNK)], sem)
        w2 = pltpu.async_copy(hbj, hj_out.at[pl.ds(base, CHUNK)], sem)
        w3.wait()
        w4.wait()
        w5.wait()
        w6.wait()
        w1.wait()
        w2.wait()
      return 0

    lax.fori_loop(0, steps, body, 0)

  return gather_k


def _make_scatter(ne):
  nchunk = ne // CHUNK
  steps = (nchunk + NW - 1) // NW

  @functools.partial(
      pl.kernel,
      out_type=(
          jax.ShapeDtypeStruct((NC, N_PAD, H_DIM), _f32),
          jax.ShapeDtypeStruct((NW, 3 * N_PAD), _f32),
      ),
      mesh=_mesh,
      scratch_types=[
          pltpu.VMEM((CHUNK,), _i32),
          pltpu.VMEM((CHUNK, H_DIM), _f32),
          pltpu.VMEM((CHUNK,), _f32),
          pltpu.VMEM((CHUNK,), _f32),
          pltpu.VMEM((CHUNK,), _f32),
          pltpu.VMEM((CHUNK,), _f32),
          pltpu.VMEM((3 * N_PAD,), _f32),
          pltpu.VMEM_SHARED((N_PAD, H_DIM), _f32),
          pltpu.SemaphoreType.DMA,
      ],
      compiler_params=pltpu.CompilerParams(needs_layout_passes=False),
  )
  def scatter_k(m_hbm, cw_hbm, dx_hbm, dy_hbm, dz_hbm, col_hbm, z_hbm, zc_hbm,
                magg_out, cagg_out,
                colv, mbuf, cwb, dxb, dyb, dzb, cacc, macc, sem):
    cid = lax.axis_index("c")
    sid = lax.axis_index("s")
    wid = sid * NC + cid
    rbase = sid * ROWS_PER_SUB

    pltpu.sync_copy(z_hbm.at[pl.ds(rbase, ROWS_PER_SUB)],
                    macc.at[pl.ds(rbase, ROWS_PER_SUB)])
    pltpu.sync_copy(zc_hbm, cacc)
    plsc.subcore_barrier()

    def body(t, _):
      ci = wid + t * NW

      @pl.when(ci < nchunk)
      def _():
        base = ci * CHUNK
        er = ci // CPR
        ec = (ci % CPR) * CHUNK
        i1 = pltpu.async_copy(col_hbm.at[pl.ds(base, CHUNK)], colv, sem)
        i2 = pltpu.async_copy(m_hbm.at[pl.ds(base, CHUNK)], mbuf, sem)
        i3 = pltpu.async_copy(cw_hbm.at[er, 0, pl.ds(ec, CHUNK)], cwb, sem)
        i4 = pltpu.async_copy(dx_hbm.at[er, 0, pl.ds(ec, CHUNK)], dxb, sem)
        i5 = pltpu.async_copy(dy_hbm.at[er, 0, pl.ds(ec, CHUNK)], dyb, sem)
        i6 = pltpu.async_copy(dz_hbm.at[er, 0, pl.ds(ec, CHUNK)], dzb, sem)
        i1.wait()
        i2.wait()
        i3.wait()
        i4.wait()
        i5.wait()
        i6.wait()
        pltpu.sync_copy(mbuf, macc.at[colv], add=True)
        for g in range(CHUNK // 16):
          sl = pl.ds(g * 16, 16)
          c3 = colv[sl] * 3
          cw = cwb[sl]
          plsc.addupdate_scatter(cacc, [c3], dxb[sl] * cw)
          plsc.addupdate_scatter(cacc, [c3 + 1], dyb[sl] * cw)
          plsc.addupdate_scatter(cacc, [c3 + 2], dzb[sl] * cw)
      return 0

    lax.fori_loop(0, steps, body, 0)
    plsc.subcore_barrier()

    pltpu.sync_copy(macc.at[pl.ds(rbase, ROWS_PER_SUB)],
                    magg_out.at[cid, pl.ds(rbase, ROWS_PER_SUB)])
    pltpu.sync_copy(cacc, cagg_out.at[wid])

  return scatter_k


_GATHER = {E_A: _make_gather(E_A), E_B: _make_gather(E_B)}
_SCATTER = {E_A: _make_scatter(E_A), E_B: _make_scatter(E_B)}


def _prep_body(h, A, B, p_out, q_out):
  p_out[...] = jnp.dot(h[...], A[...], preferred_element_type=_f32)
  q_out[...] = jnp.dot(h[...], B[...], preferred_element_type=_f32)


def _edge_body(hi, hj, d2, ea, mask,
               wd, C, be1, We2, be2, wg, bg, wc, bc,
               m_out, cw_out):
  d2c = d2[...].reshape(EB, 1)
  dist = jnp.sqrt(d2c + 1e-8)
  t = (hi[...] + hj[...]
       + dist * wd[...]
       + jnp.dot(ea[...], C[...], preferred_element_type=_f32)
       + be1[...])
  m1 = t * jax.nn.sigmoid(t)
  u = jnp.dot(m1, We2[...], preferred_element_type=_f32) + be2[...]
  m2 = u * jax.nn.sigmoid(u)
  gate = jax.nn.sigmoid(
      jnp.sum(m2 * wg[...], axis=-1, keepdims=True) + bg[...])
  mg = m2 * (gate * mask[...].reshape(EB, 1))
  cw = jnp.sum(mg * wc[...], axis=-1, keepdims=True) + bc[...]
  m_out[...] = mg
  cw_out[...] = cw.reshape(1, 1, EB)


def _full_spec(shape):
  return pl.BlockSpec(shape, lambda i: tuple(0 for _ in shape))


def _edge_call(hi, hj, d2, ea, mask, weights):
  ne = hi.shape[0]
  erows = ne // EB
  return pl.pallas_call(
      _edge_body,
      grid=(erows,),
      in_specs=[
          pl.BlockSpec((EB, H_DIM), lambda i: (i, 0)),
          pl.BlockSpec((EB, H_DIM), lambda i: (i, 0)),
          pl.BlockSpec((1, 1, EB), lambda i: (i, 0, 0)),
          pl.BlockSpec((EB, 16), lambda i: (i, 0)),
          pl.BlockSpec((1, 1, EB), lambda i: (i, 0, 0)),
          _full_spec((1, H_DIM)),
          _full_spec((16, H_DIM)),
          _full_spec((1, H_DIM)),
          _full_spec((H_DIM, H_DIM)),
          _full_spec((1, H_DIM)),
          _full_spec((1, H_DIM)),
          _full_spec((1, 1)),
          _full_spec((1, H_DIM)),
          _full_spec((1, 1)),
      ],
      out_specs=[
          pl.BlockSpec((EB, H_DIM), lambda i: (i, 0)),
          pl.BlockSpec((1, 1, EB), lambda i: (i, 0, 0)),
      ],
      out_shape=[
          jax.ShapeDtypeStruct((ne, H_DIM), _f32),
          jax.ShapeDtypeStruct((erows, 1, EB), _f32),
      ],
      compiler_params=pltpu.CompilerParams(
          dimension_semantics=("arbitrary",)),
  )(hi, hj, d2, ea, mask, *weights)


def _node_body(h, pa0, pa1, pb0, pb1, cpa, cpb, xp,
               Wn1a, Wn1b, bn1, Wn2, bn2,
               h_out, x_out):
  ma = (pa0[0] + pa1[0]) + (pb0[0] + pb1[0])
  t = (jnp.dot(h[...], Wn1a[...], preferred_element_type=_f32)
       + jnp.dot(ma, Wn1b[...], preferred_element_type=_f32)
       + bn1[...])
  s = t * jax.nn.sigmoid(t)
  dh = jnp.dot(s, Wn2[...], preferred_element_type=_f32) + bn2[...]
  h_out[...] = h[...] + dh
  cx = jnp.sum(cpa[...], axis=0) + jnp.sum(cpb[...], axis=0)
  x_out[...] = xp[...] + cx.reshape(1, 1, -1)


def kernel(h, x, edge_index, edge_mask, edge_attr,
           We1, be1, We2, be2, Wg, bg, Wn1, bn1, Wn2, bn2, Wc, bc):
  row = edge_index[0]
  col = edge_index[1]
  x_flat = jnp.pad(x, ((0, 0), (0, 1))).reshape(-1)

  A = We1[:H_DIM]
  B = We1[H_DIM:2 * H_DIM]
  wd = We1[2 * H_DIM:2 * H_DIM + 1]
  C = We1[2 * H_DIM + 1:]
  ew = (wd, C, be1.reshape(1, -1), We2, be2.reshape(1, -1),
        Wg.reshape(1, -1), bg.reshape(1, 1), Wc.reshape(1, -1),
        bc.reshape(1, 1))

  h_pad = jnp.pad(h, ((0, N_PAD - N_NODES), (0, 0)))
  NB = 512
  ngrid = N_PAD // NB
  P, Q = pl.pallas_call(
      _prep_body,
      grid=(ngrid,),
      in_specs=[
          pl.BlockSpec((NB, H_DIM), lambda i: (i, 0)),
          _full_spec((H_DIM, H_DIM)),
          _full_spec((H_DIM, H_DIM)),
      ],
      out_specs=[
          pl.BlockSpec((NB, H_DIM), lambda i: (i, 0)),
          pl.BlockSpec((NB, H_DIM), lambda i: (i, 0)),
      ],
      out_shape=[
          jax.ShapeDtypeStruct((N_PAD, H_DIM), _f32),
          jax.ShapeDtypeStruct((N_PAD, H_DIM), _f32),
      ],
      compiler_params=pltpu.CompilerParams(
          dimension_semantics=("arbitrary",)),
  )(h_pad, A, B)

  zeros = jnp.zeros((N_PAD, H_DIM), _f32)
  zeros_c = jnp.zeros((3 * N_PAD,), _f32)

  rows = (row[:E_A], row[E_A:])
  cols = (col[:E_A], col[E_A:])
  eas = (edge_attr[:E_A], edge_attr[E_A:])
  mask_r = edge_mask.reshape(E_EDGES // EB, 1, EB)
  masks = (mask_r[:E_A // EB], mask_r[E_A // EB:])
  sizes = (E_A, E_B)

  gat = [None, None]
  emlp = [None, None]
  scat = [None, None]
  gat[0] = _GATHER[E_A](P, x_flat, rows[0], cols[0], Q)
  gat[1] = _GATHER[E_B](P, x_flat, rows[1], cols[1], Q)
  for half in range(2):
    hi, hj, dx, dy, dz, d2 = gat[half]
    emlp[half] = _edge_call(hi, hj, d2, eas[half], masks[half], ew)
    m_ij, cw = emlp[half]
    scat[half] = _SCATTER[sizes[half]](m_ij, cw, dx, dy, dz, cols[half],
                                       zeros, zeros_c)

  magg_a, cagg_a = scat[0]
  magg_b, cagg_b = scat[1]

  xp_flat = jnp.pad(x, ((0, N_PAD - N_NODES), (0, 0))).reshape(ngrid, 1, -1)

  h_out, x_out = pl.pallas_call(
      _node_body,
      grid=(ngrid,),
      in_specs=[
          pl.BlockSpec((NB, H_DIM), lambda i: (i, 0)),
          pl.BlockSpec((1, NB, H_DIM), lambda i: (0, i, 0)),
          pl.BlockSpec((1, NB, H_DIM), lambda i: (1, i, 0)),
          pl.BlockSpec((1, NB, H_DIM), lambda i: (0, i, 0)),
          pl.BlockSpec((1, NB, H_DIM), lambda i: (1, i, 0)),
          pl.BlockSpec((NW, 3 * NB), lambda i: (0, i)),
          pl.BlockSpec((NW, 3 * NB), lambda i: (0, i)),
          pl.BlockSpec((1, 1, 3 * NB), lambda i: (i, 0, 0)),
          _full_spec((H_DIM, H_DIM)),
          _full_spec((H_DIM, H_DIM)),
          _full_spec((1, H_DIM)),
          _full_spec((H_DIM, H_DIM)),
          _full_spec((1, H_DIM)),
      ],
      out_specs=[
          pl.BlockSpec((NB, H_DIM), lambda i: (i, 0)),
          pl.BlockSpec((1, 1, 3 * NB), lambda i: (i, 0, 0)),
      ],
      out_shape=[
          jax.ShapeDtypeStruct((N_PAD, H_DIM), _f32),
          jax.ShapeDtypeStruct((ngrid, 1, 3 * NB), _f32),
      ],
      compiler_params=pltpu.CompilerParams(
          dimension_semantics=("arbitrary",)),
  )(h_pad, magg_a, magg_a, magg_b, magg_b, cagg_a, cagg_b, xp_flat,
    Wn1[:H_DIM], Wn1[H_DIM:], bn1.reshape(1, -1), Wn2, bn2.reshape(1, -1))

  return (h_out[:N_NODES], x_out.reshape(N_PAD, 3)[:N_NODES])

# --- scband reference (transcript-rebuilt; emitter-appended) ---
"""Pipeline reference for scband-egnnlayer-perturb-30983894073591 (READ-ONLY COPY).

The authoritative reference and input builder live on the scoring server;
editing this copy changes nothing except your own understanding.
"""

import jax, jax.numpy as jnp
import numpy as np

N = 10000
E = 320000
H = 128
D_EDGE = 16
COORD = 3
MSG_IN = H + H + 1 + D_EDGE  # 273


def setup_inputs(seed: int = 0) -> dict:
    key = jax.random.key(seed)
    ks = jax.random.split(key, 20)
    inp = {}
    inp["h"] = jax.random.normal(ks[0], (N, H), dtype=jnp.float32)
    inp["x"] = jax.random.normal(ks[1], (N, COORD), dtype=jnp.float32)
    inp["edge_index"] = jax.random.randint(ks[2], (2, E), 0, N, dtype=jnp.int32)
    inp["edge_mask"] = jax.random.uniform(ks[3], (E, 1), dtype=jnp.float32)
    inp["edge_attr"] = jax.random.normal(ks[4], (E, D_EDGE), dtype=jnp.float32)
    # learned parameters (edge_mlp: Linear-SiLU-Linear-SiLU, edge_gate: Linear+sigmoid,
    # node_mlp: Linear-SiLU-Linear, coor_mlp: Linear)
    def lin(k, fi, fo):
        return jax.random.normal(k, (fi, fo), dtype=jnp.float32) / np.sqrt(fi)
    inp["We1"] = lin(ks[5], MSG_IN, H); inp["be1"] = jnp.zeros((H,), jnp.float32)
    inp["We2"] = lin(ks[6], H, H);      inp["be2"] = jnp.zeros((H,), jnp.float32)
    inp["Wg"]  = lin(ks[7], H, 1);      inp["bg"]  = jnp.zeros((1,), jnp.float32)
    inp["Wn1"] = lin(ks[8], 2 * H, H);  inp["bn1"] = jnp.zeros((H,), jnp.float32)
    inp["Wn2"] = lin(ks[9], H, H);      inp["bn2"] = jnp.zeros((H,), jnp.float32)
    inp["Wc"]  = lin(ks[10], H, 1);     inp["bc"]  = jnp.zeros((1,), jnp.float32)
    return inp


def reference(h, x, edge_index, edge_mask, edge_attr,
              We1, be1, We2, be2, Wg, bg, Wn1, bn1, Wn2, bn2, Wc, bc):
    row = edge_index[0]
    col = edge_index[1]
    x_j = x[row]
    x_i = x[col]
    coord_diff = x_i - x_j
    dist = jnp.sqrt(jnp.sum(coord_diff * coord_diff, axis=-1, keepdims=True) + 1e-8)
    h_j = h[row]
    h_i = h[col]
    msg_inputs = jnp.concatenate([h_i, h_j, dist, edge_attr], axis=-1)
    m_ij = jax.nn.silu(msg_inputs @ We1 + be1)
    m_ij = jax.nn.silu(m_ij @ We2 + be2)
    gate = jax.nn.sigmoid(m_ij @ Wg + bg)
    m_ij = m_ij * gate * edge_mask
    m_aggr = jnp.zeros((h.shape[0], m_ij.shape[-1]), dtype=h.dtype).at[col].add(m_ij)
    node_input = jnp.concatenate([h, m_aggr], axis=-1)
    delta_h = jax.nn.silu(node_input @ Wn1 + bn1) @ Wn2 + bn2
    h_out = h + delta_h
    coor_weights = (m_ij @ Wc + bc)  # [E, 1]
    coord_updates = coord_diff * coor_weights
    coord_aggr = jnp.zeros_like(x).at[col].add(coord_updates)
    x_out = x + coord_aggr
    return (h_out, x_out)

if __name__ == "__main__":
    import jax
    _d = setup_inputs()
    print(jax.jit(kernel)(*tuple(_d.values())))

</pallas_src>

<mosaic_0001>
#map = affine_map<(d0, d1) -> (0, 0)>
#map1 = affine_map<(d0, d1) -> (0, 0, 0)>
#map2 = affine_map<(d0, d1) -> (0)>
module attributes {stable_mosaic.version = 14 : i64} {
  func.func @scatter_k(%arg0: i32, %arg1: i32, %arg2: memref<160256x128xf32, #tpu.memory_space<hbm>>, %arg3: memref<313x1x512xf32, #tpu.memory_space<hbm>>, %arg4: memref<313x1x512xf32, #tpu.memory_space<hbm>>, %arg5: memref<313x1x512xf32, #tpu.memory_space<hbm>>, %arg6: memref<313x1x512xf32, #tpu.memory_space<hbm>>, %arg7: memref<160256xi32, #tpu.memory_space<hbm>>, %arg8: memref<10240x128xf32, #tpu.memory_space<hbm>>, %arg9: memref<30720xf32, #tpu.memory_space<hbm>>, %arg10: memref<2x10240x128xf32, #tpu.memory_space<hbm>>, %arg11: memref<32x30720xf32, #tpu.memory_space<hbm>>, %arg12: memref<128xi32, #tpu.memory_space<vmem>>, %arg13: memref<128x128xf32, #tpu.memory_space<vmem>>, %arg14: memref<128xf32, #tpu.memory_space<vmem>>, %arg15: memref<128xf32, #tpu.memory_space<vmem>>, %arg16: memref<128xf32, #tpu.memory_space<vmem>>, %arg17: memref<128xf32, #tpu.memory_space<vmem>>, %arg18: memref<30720xf32, #tpu.memory_space<vmem>>, %arg19: memref<10240x128xf32, #tpu.memory_space<vmem_shared>>, %arg20: memref<!tpu.dma_semaphore, #tpu.memory_space<semaphore_mem>>) attributes {dimension_semantics = [#tpu.dimension_semantics<core_parallel>, #tpu.dimension_semantics<subcore_parallel>], iteration_bounds = array<i64: 2, 16>, scalar_prefetch = 0 : i64, scratch_operands = 9 : i64, tpu.core_type = #tpu.core_type<sc_vector_subcore>, window_params = [{transform_indices = #map}, {transform_indices = #map1}, {transform_indices = #map1}, {transform_indices = #map1}, {transform_indices = #map1}, {transform_indices = #map2}, {transform_indices = #map}, {transform_indices = #map2}, {transform_indices = #map1}, {transform_indices = #map}]} {
    %mul3A = arith.constant 2 : i32
    %mul3A_0 = arith.muli %arg1, %mul3A : i32
    %add3A = arith.addi %mul3A_0, %arg0 : i32
    %mul3A_1 = arith.constant 640 : i32
    %mul3A_2 = arith.muli %arg1, %mul3A_1 : i32
    "tpu.region"() ({
      %run_scoped3A = tpu.sem_alloc : memref<!tpu.dma_semaphore, #tpu.memory_space<semaphore_mem>>
      %dma_start3A = arith.constant 0 : i32
      %dma_start3A_10 = tpu.memref_slice %arg19[%mul3A_2, %dma_start3A] : memref<10240x128xf32, #tpu.memory_space<vmem_shared>> -> memref<640x128xf32, #tpu.memory_space<vmem_shared>>
      %dma_start3A_11 = arith.constant 0 : i32
      %dma_start3A_12 = tpu.memref_slice %arg8[%mul3A_2, %dma_start3A_11] : memref<10240x128xf32, #tpu.memory_space<hbm>> -> memref<640x128xf32, #tpu.memory_space<hbm>>
      tpu.enqueue_dma source(%dma_start3A_12 : memref<640x128xf32, #tpu.memory_space<hbm>>) target(%dma_start3A_10 : memref<640x128xf32, #tpu.memory_space<vmem_shared>>) target_semaphore(%run_scoped3A : memref<!tpu.dma_semaphore, #tpu.memory_space<semaphore_mem>>)
      %dma_wait3A = arith.constant 0 : i32
      %dma_wait3A_13 = tpu.memref_slice %arg19[%mul3A_2, %dma_wait3A] : memref<10240x128xf32, #tpu.memory_space<vmem_shared>> -> memref<640x128xf32, #tpu.memory_space<vmem_shared>>
      %dma_wait3A_14 = arith.constant 0 : i32
      %dma_wait3A_15 = tpu.memref_slice %arg8[%mul3A_2, %dma_wait3A_14] : memref<10240x128xf32, #tpu.memory_space<hbm>> -> memref<640x128xf32, #tpu.memory_space<hbm>>
      tpu.wait_dma2 semaphore(%run_scoped3A : memref<!tpu.dma_semaphore, #tpu.memory_space<semaphore_mem>>) src(%dma_wait3A_15 : memref<640x128xf32, #tpu.memory_space<hbm>>) dst(%dma_wait3A_13 : memref<640x128xf32, #tpu.memory_space<vmem_shared>>)
      tpu.yield
    }) : () -> ()
    "tpu.region"() ({
      %run_scoped3A = tpu.sem_alloc : memref<!tpu.dma_semaphore, #tpu.memory_space<semaphore_mem>>
      tpu.enqueue_dma source(%arg9 : memref<30720xf32, #tpu.memory_space<hbm>>) target(%arg18 : memref<30720xf32, #tpu.memory_space<vmem>>) target_semaphore(%run_scoped3A : memref<!tpu.dma_semaphore, #tpu.memory_space<semaphore_mem>>)
      tpu.wait_dma2 semaphore(%run_scoped3A : memref<!tpu.dma_semaphore, #tpu.memory_space<semaphore_mem>>) src(%arg9 : memref<30720xf32, #tpu.memory_space<hbm>>) dst(%arg18 : memref<30720xf32, #tpu.memory_space<vmem>>)
      tpu.yield
    }) : () -> ()
    %barrier3A = arith.constant 0 : index
    tpu.barrier barrier_id(%barrier3A)
    %scan3A = arith.constant 0 : i32
    %scan3A_3 = arith.constant 0 : i32
    %scan3A_4 = arith.constant 40 : i32
    %scan3A_5 = arith.addi %scan3A_3, %scan3A_4 : i32
    %scan3A_6 = arith.constant 1 : i32
    %scan3A_7 = scf.for %scan3A_10 = %scan3A_3 to %scan3A_5 step %scan3A_6 iter_args(%scan3A_11 = %scan3A) -> (i32)  : i32 {
      %mul3A_12 = arith.constant 32 : i32
      %mul3A_13 = arith.muli %scan3A_10, %mul3A_12 : i32
      %add3A_14 = arith.addi %add3A, %mul3A_13 : i32
      %lt3A = arith.constant 1252 : i32
      %lt3A_15 = arith.cmpi slt, %add3A_14, %lt3A : i32
      %convert_element_type3A = arith.extui %lt3A_15 : i1 to i32
      %cond3A = arith.constant 0 : i32
      %cond3A_16 = arith.cmpi ne, %convert_element_type3A, %cond3A : i32
      scf.if %cond3A_16 {
        %mul3A_18 = arith.constant 128 : i32
        %mul3A_19 = arith.muli %add3A_14, %mul3A_18 : i32
        %jit3A = arith.constant 4 : i32
        %div3A = arith.divsi %add3A_14, %jit3A : i32
        %sign3A = arith.constant 0 : i32
        %sign3A_20 = arith.cmpi sgt, %add3A_14, %sign3A : i32
        %sign3A_21 = arith.extui %sign3A_20 : i1 to i32
        %sign3A_22 = arith.constant 0 : i32
        %sign3A_23 = arith.cmpi slt, %add3A_14, %sign3A_22 : i32
        %sign3A_24 = arith.extui %sign3A_23 : i1 to i32
        %sign3A_25 = arith.subi %sign3A_21, %sign3A_24 : i32
        %sign3A_26 = arith.constant 0 : i32
        %sign3A_27 = arith.cmpi sgt, %jit3A, %sign3A_26 : i32
        %sign3A_28 = arith.extui %sign3A_27 : i1 to i32
        %sign3A_29 = arith.constant 0 : i32
        %sign3A_30 = arith.cmpi slt, %jit3A, %sign3A_29 : i32
        %sign3A_31 = arith.extui %sign3A_30 : i1 to i32
        %sign3A_32 = arith.subi %sign3A_28, %sign3A_31 : i32
        %ne3A = arith.cmpi ne, %sign3A_25, %sign3A_32 : i32
        %rem3A = arith.remsi %add3A_14, %jit3A : i32
        %ne3A_33 = arith.constant 0 : i32
        %ne3A_34 = arith.cmpi ne, %rem3A, %ne3A_33 : i32
        %and3A = arith.andi %ne3A, %ne3A_34 : i1
        %sub3A = arith.constant 1 : i32
        %sub3A_35 = arith.subi %div3A, %sub3A : i32
        %select_n3A = arith.select %and3A, %sub3A_35, %div3A : i32
        %jit3A_36 = arith.constant 4 : i32
        %eq3A = arith.constant 0 : i32
        %eq3A_37 = arith.cmpi eq, %jit3A_36, %eq3A : i32
        %jit3A_38 = arith.constant 1 : i32
        %select_n3A_39 = arith.select %eq3A_37, %jit3A_38, %jit3A_36 : i32
        %rem3A_40 = arith.remsi %add3A_14, %select_n3A_39 : i32
        %ne3A_41 = arith.constant 0 : i32
        %ne3A_42 = arith.cmpi ne, %rem3A_40, %ne3A_41 : i32
        %lt3A_43 = arith.constant 0 : i32
        %lt3A_44 = arith.cmpi slt, %rem3A_40, %lt3A_43 : i32
        %lt3A_45 = arith.constant 0 : i32
        %lt3A_46 = arith.cmpi slt, %select_n3A_39, %lt3A_45 : i32
        %ne3A_47 = arith.xori %lt3A_44, %lt3A_46 : i1
        %and3A_48 = arith.andi %ne3A_47, %ne3A_42 : i1
        %add3A_49 = arith.addi %rem3A_40, %select_n3A_39 : i32
        %select_n3A_50 = arith.select %and3A_48, %add3A_49, %rem3A_40 : i32
        %mul3A_51 = arith.constant 128 : i32
        %mul3A_52 = arith.muli %select_n3A_50, %mul3A_51 : i32
        %dma_start3A = tpu.memref_slice %arg7[%mul3A_19] : memref<160256xi32, #tpu.memory_space<hbm>> -> memref<128xi32, #tpu.memory_space<hbm>>
        %dma_start3A_53 = tpu.memref_slice %arg7[%mul3A_19] : memref<160256xi32, #tpu.memory_space<hbm>> -> memref<128xi32, #tpu.memory_space<hbm>>
        tpu.enqueue_dma source(%dma_start3A_53 : memref<128xi32, #tpu.memory_space<hbm>>) target(%arg12 : memref<128xi32, #tpu.memory_space<vmem>>) target_semaphore(%arg20 : memref<!tpu.dma_semaphore, #tpu.memory_space<semaphore_mem>>)
        %dma_start3A_54 = arith.constant 0 : i32
        %dma_start3A_55 = tpu.memref_slice %arg2[%mul3A_19, %dma_start3A_54] : memref<160256x128xf32, #tpu.memory_space<hbm>> -> memref<128x128xf32, #tpu.memory_space<hbm>>
        %dma_start3A_56 = arith.constant 0 : i32
        %dma_start3A_57 = tpu.memref_slice %arg2[%mul3A_19, %dma_start3A_56] : memref<160256x128xf32, #tpu.memory_space<hbm>> -> memref<128x128xf32, #tpu.memory_space<hbm>>
        tpu.enqueue_dma source(%dma_start3A_57 : memref<128x128xf32, #tpu.memory_space<hbm>>) target(%arg13 : memref<128x128xf32, #tpu.memory_space<vmem>>) target_semaphore(%arg20 : memref<!tpu.dma_semaphore, #tpu.memory_space<semaphore_mem>>)
        %dma_start3A_58 = arith.constant 0 : i32
        %dma_start3A_59 = tpu.memref_slice %arg3[%select_n3A, %dma_start3A_58, %mul3A_52] : memref<313x1x512xf32, #tpu.memory_space<hbm>> -> memref<1x1x128xf32, #tpu.memory_space<hbm>>
        %dma_start3A_60 = tpu.memref_squeeze %dma_start3A_59 : memref<1x1x128xf32, #tpu.memory_space<hbm>> -> memref<128xf32, #tpu.memory_space<hbm>>
        %dma_start3A_61 = tpu.memref_slice %arg3[%select_n3A, %dma_start3A_58, %mul3A_52] : memref<313x1x512xf32, #tpu.memory_space<hbm>> -> memref<1x1x128xf32, #tpu.memory_space<hbm>>
        %dma_start3A_62 = tpu.memref_squeeze %dma_start3A_61 : memref<1x1x128xf32, #tpu.memory_space<hbm>> -> memref<128xf32, #tpu.memory_space<hbm>>
        tpu.enqueue_dma source(%dma_start3A_62 : memref<128xf32, #tpu.memory_space<hbm>>) target(%arg14 : memref<128xf32, #tpu.memory_space<vmem>>) target_semaphore(%arg20 : memref<!tpu.dma_semaphore, #tpu.memory_space<semaphore_mem>>)
        %dma_start3A_63 = arith.constant 0 : i32
        %dma_start3A_64 = tpu.memref_slice %arg4[%select_n3A, %dma_start3A_63, %mul3A_52] : memref<313x1x512xf32, #tpu.memory_space<hbm>> -> memref<1x1x128xf32, #tpu.memory_space<hbm>>
        %dma_start3A_65 = tpu.memref_squeeze %dma_start3A_64 : memref<1x1x128xf32, #tpu.memory_space<hbm>> -> memref<128xf32, #tpu.memory_space<hbm>>
        %dma_start3A_66 = tpu.memref_slice %arg4[%select_n3A, %dma_start3A_63, %mul3A_52] : memref<313x1x512xf32, #tpu.memory_space<hbm>> -> memref<1x1x128xf32, #tpu.memory_space<hbm>>
        %dma_start3A_67 = tpu.memref_squeeze %dma_start3A_66 : memref<1x1x128xf32, #tpu.memory_space<hbm>> -> memref<128xf32, #tpu.memory_space<hbm>>
        tpu.enqueue_dma source(%dma_start3A_67 : memref<128xf32, #tpu.memory_space<hbm>>) target(%arg15 : memref<128xf32, #tpu.memory_space<vmem>>) target_semaphore(%arg20 : memref<!tpu.dma_semaphore, #tpu.memory_space<semaphore_mem>>)
        %dma_start3A_68 = arith.constant 0 : i32
        %dma_start3A_69 = tpu.memref_slice %arg5[%select_n3A, %dma_start3A_68, %mul3A_52] : memref<313x1x512xf32, #tpu.memory_space<hbm>> -> memref<1x1x128xf32, #tpu.memory_space<hbm>>
        %dma_start3A_70 = tpu.memref_squeeze %dma_start3A_69 : memref<1x1x128xf32, #tpu.memory_space<hbm>> -> memref<128xf32, #tpu.memory_space<hbm>>
        %dma_start3A_71 = tpu.memref_slice %arg5[%select_n3A, %dma_start3A_68, %mul3A_52] : memref<313x1x512xf32, #tpu.memory_space<hbm>> -> memref<1x1x128xf32, #tpu.memory_space<hbm>>
        %dma_start3A_72 = tpu.memref_squeeze %dma_start3A_71 : memref<1x1x128xf32, #tpu.memory_space<hbm>> -> memref<128xf32, #tpu.memory_space<hbm>>
        tpu.enqueue_dma source(%dma_start3A_72 : memref<128xf32, #tpu.memory_space<hbm>>) target(%arg16 : memref<128xf32, #tpu.memory_space<vmem>>) target_semaphore(%arg20 : memref<!tpu.dma_semaphore, #tpu.memory_space<semaphore_mem>>)
        %dma_start3A_73 = arith.constant 0 : i32
        %dma_start3A_74 = tpu.memref_slice %arg6[%select_n3A, %dma_start3A_73, %mul3A_52] : memref<313x1x512xf32, #tpu.memory_space<hbm>> -> memref<1x1x128xf32, #tpu.memory_space<hbm>>
        %dma_start3A_75 = tpu.memref_squeeze %dma_start3A_74 : memref<1x1x128xf32, #tpu.memory_space<hbm>> -> memref<128xf32, #tpu.memory_space<hbm>>
        %dma_start3A_76 = tpu.memref_slice %arg6[%select_n3A, %dma_start3A_73, %mul3A_52] : memref<313x1x512xf32, #tpu.memory_space<hbm>> -> memref<1x1x128xf32, #tpu.memory_space<hbm>>
        %dma_start3A_77 = tpu.memref_squeeze %dma_start3A_76 : memref<1x1x128xf32, #tpu.memory_space<hbm>> -> memref<128xf32, #tpu.memory_space<hbm>>
        tpu.enqueue_dma source(%dma_start3A_77 : memref<128xf32, #tpu.memory_space<hbm>>) target(%arg17 : memref<128xf32, #tpu.memory_space<vmem>>) target_semaphore(%arg20 : memref<!tpu.dma_semaphore, #tpu.memory_space<semaphore_mem>>)
        %dma_wait3A = tpu.memref_slice %arg7[%mul3A_19] : memref<160256xi32, #tpu.memory_space<hbm>> -> memref<128xi32, #tpu.memory_space<hbm>>
        %dma_wait3A_78 = tpu.memref_slice %arg7[%mul3A_19] : memref<160256xi32, #tpu.memory_space<hbm>> -> memref<128xi32, #tpu.memory_space<hbm>>
        tpu.wait_dma2 semaphore(%arg20 : memref<!tpu.dma_semaphore, #tpu.memory_space<semaphore_mem>>) src(%dma_wait3A_78 : memref<128xi32, #tpu.memory_space<hbm>>) dst(%arg12 : memref<128xi32, #tpu.memory_space<vmem>>)
        %dma_wait3A_79 = arith.constant 0 : i32
        %dma_wait3A_80 = tpu.memref_slice %arg2[%mul3A_19, %dma_wait3A_79] : memref<160256x128xf32, #tpu.memory_space<hbm>> -> memref<128x128xf32, #tpu.memory_space<hbm>>
        %dma_wait3A_81 = arith.constant 0 : i32
        %dma_wait3A_82 = tpu.memref_slice %arg2[%mul3A_19, %dma_wait3A_81] : memref<160256x128xf32, #tpu.memory_space<hbm>> -> memref<128x128xf32, #tpu.memory_space<hbm>>
        tpu.wait_dma2 semaphore(%arg20 : memref<!tpu.dma_semaphore, #tpu.memory_space<semaphore_mem>>) src(%dma_wait3A_82 : memref<128x128xf32, #tpu.memory_space<hbm>>) dst(%arg13 : memref<128x128xf32, #tpu.memory_space<vmem>>)
        %dma_wait3A_83 = arith.constant 0 : i32
        %dma_wait3A_84 = tpu.memref_slice %arg3[%select_n3A, %dma_wait3A_83, %mul3A_52] : memref<313x1x512xf32, #tpu.memory_space<hbm>> -> memref<1x1x128xf32, #tpu.memory_space<hbm>>
        %dma_wait3A_85 = tpu.memref_squeeze %dma_wait3A_84 : memref<1x1x128xf32, #tpu.memory_space<hbm>> -> memref<128xf32, #tpu.memory_space<hbm>>
        %dma_wait3A_86 = tpu.memref_slice %arg3[%select_n3A, %dma_wait3A_83, %mul3A_52] : memref<313x1x512xf32, #tpu.memory_space<hbm>> -> memref<1x1x128xf32, #tpu.memory_space<hbm>>
        %dma_wait3A_87 = tpu.memref_squeeze %dma_wait3A_86 : memref<1x1x128xf32, #tpu.memory_space<hbm>> -> memref<128xf32, #tpu.memory_space<hbm>>
        tpu.wait_dma2 semaphore(%arg20 : memref<!tpu.dma_semaphore, #tpu.memory_space<semaphore_mem>>) src(%dma_wait3A_87 : memref<128xf32, #tpu.memory_space<hbm>>) dst(%arg14 : memref<128xf32, #tpu.memory_space<vmem>>)
        %dma_wait3A_88 = arith.constant 0 : i32
        %dma_wait3A_89 = tpu.memref_slice %arg4[%select_n3A, %dma_wait3A_88, %mul3A_52] : memref<313x1x512xf32, #tpu.memory_space<hbm>> -> memref<1x1x128xf32, #tpu.memory_space<hbm>>
        %dma_wait3A_90 = tpu.memref_squeeze %dma_wait3A_89 : memref<1x1x128xf32, #tpu.memory_space<hbm>> -> memref<128xf32, #tpu.memory_space<hbm>>
        %dma_wait3A_91 = tpu.memref_slice %arg4[%select_n3A, %dma_wait3A_88, %mul3A_52] : memref<313x1x512xf32, #tpu.memory_space<hbm>> -> memref<1x1x128xf32, #tpu.memory_space<hbm>>
        %dma_wait3A_92 = tpu.memref_squeeze %dma_wait3A_91 : memref<1x1x128xf32, #tpu.memory_space<hbm>> -> memref<128xf32, #tpu.memory_space<hbm>>
        tpu.wait_dma2 semaphore(%arg20 : memref<!tpu.dma_semaphore, #tpu.memory_space<semaphore_mem>>) src(%dma_wait3A_92 : memref<128xf32, #tpu.memory_space<hbm>>) dst(%arg15 : memref<128xf32, #tpu.memory_space<vmem>>)
        %dma_wait3A_93 = arith.constant 0 : i32
        %dma_wait3A_94 = tpu.memref_slice %arg5[%select_n3A, %dma_wait3A_93, %mul3A_52] : memref<313x1x512xf32, #tpu.memory_space<hbm>> -> memref<1x1x128xf32, #tpu.memory_space<hbm>>
        %dma_wait3A_95 = tpu.memref_squeeze %dma_wait3A_94 : memref<1x1x128xf32, #tpu.memory_space<hbm>> -> memref<128xf32, #tpu.memory_space<hbm>>
        %dma_wait3A_96 = tpu.memref_slice %arg5[%select_n3A, %dma_wait3A_93, %mul3A_52] : memref<313x1x512xf32, #tpu.memory_space<hbm>> -> memref<1x1x128xf32, #tpu.memory_space<hbm>>
        %dma_wait3A_97 = tpu.memref_squeeze %dma_wait3A_96 : memref<1x1x128xf32, #tpu.memory_space<hbm>> -> memref<128xf32, #tpu.memory_space<hbm>>
        tpu.wait_dma2 semaphore(%arg20 : memref<!tpu.dma_semaphore, #tpu.memory_space<semaphore_mem>>) src(%dma_wait3A_97 : memref<128xf32, #tpu.memory_space<hbm>>) dst(%arg16 : memref<128xf32, #tpu.memory_space<vmem>>)
        %dma_wait3A_98 = arith.constant 0 : i32
        %dma_wait3A_99 = tpu.memref_slice %arg6[%select_n3A, %dma_wait3A_98, %mul3A_52] : memref<313x1x512xf32, #tpu.memory_space<hbm>> -> memref<1x1x128xf32, #tpu.memory_space<hbm>>
        %dma_wait3A_100 = tpu.memref_squeeze %dma_wait3A_99 : memref<1x1x128xf32, #tpu.memory_space<hbm>> -> memref<128xf32, #tpu.memory_space<hbm>>
        %dma_wait3A_101 = tpu.memref_slice %arg6[%select_n3A, %dma_wait3A_98, %mul3A_52] : memref<313x1x512xf32, #tpu.memory_space<hbm>> -> memref<1x1x128xf32, #tpu.memory_space<hbm>>
        %dma_wait3A_102 = tpu.memref_squeeze %dma_wait3A_101 : memref<1x1x128xf32, #tpu.memory_space<hbm>> -> memref<128xf32, #tpu.memory_space<hbm>>
        tpu.wait_dma2 semaphore(%arg20 : memref<!tpu.dma_semaphore, #tpu.memory_space<semaphore_mem>>) src(%dma_wait3A_102 : memref<128xf32, #tpu.memory_space<hbm>>) dst(%arg17 : memref<128xf32, #tpu.memory_space<vmem>>)
        "tpu.region"() ({
          %run_scoped3A = tpu.sem_alloc : memref<!tpu.dma_semaphore, #tpu.memory_space<semaphore_mem>>
          %dma_start3A_278 = arith.constant 0 : i32
          %dma_start3A_279 = arith.constant 0 : i32
          %dma_start3A_280 = tpu.memref_slice %arg19[%dma_start3A_278, %dma_start3A_279] : memref<10240x128xf32, #tpu.memory_space<vmem_shared>> -> memref<10240x128xf32, #tpu.memory_space<vmem_shared>>
          tpu.enqueue_indirect_dma source(%arg13 : memref<128x128xf32, #tpu.memory_space<vmem>>) target(%dma_start3A_280 : memref<10240x128xf32, #tpu.memory_space<vmem_shared>>) offsets(%arg12 : memref<128xi32, #tpu.memory_space<vmem>>) semaphore(%run_scoped3A : memref<!tpu.dma_semaphore, #tpu.memory_space<semaphore_mem>>) {add = true}
          %dma_wait3A_281 = arith.constant 0 : i32
          %dma_wait3A_282 = arith.constant 0 : i32
          %dma_wait3A_283 = tpu.memref_slice %arg19[%dma_wait3A_281, %dma_wait3A_282] : memref<10240x128xf32, #tpu.memory_space<vmem_shared>> -> memref<10240x128xf32, #tpu.memory_space<vmem_shared>>
          tpu.wait_indirect_dma semaphore(%run_scoped3A : memref<!tpu.dma_semaphore, #tpu.memory_space<semaphore_mem>>) src(%arg13 : memref<128x128xf32, #tpu.memory_space<vmem>>) dst(%dma_wait3A_283 : memref<10240x128xf32, #tpu.memory_space<vmem_shared>>)
          tpu.yield
        }) : () -> ()
        %get3A = arith.constant 0 : index
        %get3A_103 = tpu.vector_load %arg12[%get3A] {strides = array<i32>} : memref<128xi32, #tpu.memory_space<vmem>>, vector<16xi32>,
        %mul3A_104 = arith.constant 3 : i32
        %mul3A_105 = vector.broadcast %mul3A_104 : i32 to vector<16xi32>
        %mul3A_106 = arith.muli %get3A_103, %mul3A_105 : vector<16xi32>
        %get3A_107 = arith.constant 0 : index
        %get3A_108 = tpu.vector_load %arg14[%get3A_107] {strides = array<i32>} : memref<128xf32, #tpu.memory_space<vmem>>, vector<16xf32>,
        %get3A_109 = arith.constant 0 : index
        %get3A_110 = tpu.vector_load %arg15[%get3A_109] {strides = array<i32>} : memref<128xf32, #tpu.memory_space<vmem>>, vector<16xf32>,
        %mul3A_111 = arith.mulf %get3A_110, %get3A_108 : vector<16xf32>
        tpu.vector_store_idx %arg18[%mul3A_106], %mul3A_111 {add = true} : memref<30720xf32, #tpu.memory_space<vmem>>[vector<16xi32>], vector<16xf32>,
        %add3A_112 = arith.constant 1 : i32
        %add3A_113 = vector.broadcast %add3A_112 : i32 to vector<16xi32>
        %add3A_114 = arith.addi %mul3A_106, %add3A_113 : vector<16xi32>
        %get3A_115 = arith.constant 0 : index
        %get3A_116 = tpu.vector_load %arg16[%get3A_115] {strides = array<i32>} : memref<128xf32, #tpu.memory_space<vmem>>, vector<16xf32>,
        %mul3A_117 = arith.mulf %get3A_116, %get3A_108 : vector<16xf32>
        tpu.vector_store_idx %arg18[%add3A_114], %mul3A_117 {add = true} : memref<30720xf32, #tpu.memory_space<vmem>>[vector<16xi32>], vector<16xf32>,
        %add3A_118 = arith.constant 2 : i32
        %add3A_119 = vector.broadcast %add3A_118 : i32 to vector<16xi32>
        %add3A_120 = arith.addi %mul3A_106, %add3A_119 : vector<16xi32>
        %get3A_121 = arith.constant 0 : index
        %get3A_122 = tpu.vector_load %arg17[%get3A_121] {strides = array<i32>} : memref<128xf32, #tpu.memory_space<vmem>>, vector<16xf32>,
        %mul3A_123 = arith.mulf %get3A_122, %get3A_108 : vector<16xf32>
        tpu.vector_store_idx %arg18[%add3A_120], %mul3A_123 {add = true} : memref<30720xf32, #tpu.memory_space<vmem>>[vector<16xi32>], vector<16xf32>,
        %get3A_124 = arith.constant 16 : index
        %get3A_125 = tpu.vector_load %arg12[%get3A_124] {strides = array<i32>} : memref<128xi32, #tpu.memory_space<vmem>>, vector<16xi32>,
        %mul3A_126 = arith.constant 3 : i32
        %mul3A_127 = vector.broadcast %mul3A_126 : i32 to vector<16xi32>
        %mul3A_128 = arith.muli %get3A_125, %mul3A_127 : vector<16xi32>
        %get3A_129 = arith.constant 16 : index
        %get3A_130 = tpu.vector_load %arg14[%get3A_129] {strides = array<i32>} : memref<128xf32, #tpu.memory_space<vmem>>, vector<16xf32>,
        %get3A_131 = arith.constant 16 : index
        %get3A_132 = tpu.vector_load %arg15[%get3A_131] {strides = array<i32>} : memref<128xf32, #tpu.memory_space<vmem>>, vector<16xf32>,
        %mul3A_133 = arith.mulf %get3A_132, %get3A_130 : vector<16xf32>
        tpu.vector_store_idx %arg18[%mul3A_128], %mul3A_133 {add = true} : memref<30720xf32, #tpu.memory_space<vmem>>[vector<16xi32>], vector<16xf32>,
        %add3A_134 = arith.constant 1 : i32
        %add3A_135 = vector.broadcast %add3A_134 : i32 to vector<16xi32>
        %add3A_136 = arith.addi %mul3A_128, %add3A_135 : vector<16xi32>
        %get3A_137 = arith.constant 16 : index
        %get3A_138 = tpu.vector_load %arg16[%get3A_137] {strides = array<i32>} : memref<128xf32, #tpu.memory_space<vmem>>, vector<16xf32>,
        %mul3A_139 = arith.mulf %get3A_138, %get3A_130 : vector<16xf32>
        tpu.vector_store_idx %arg18[%add3A_136], %mul3A_139 {add = true} : memref<30720xf32, #tpu.memory_space<vmem>>[vector<16xi32>], vector<16xf32>,
        %add3A_140 = arith.constant 2 : i32
        %add3A_141 = vector.broadcast %add3A_140 : i32 to vector<16xi32>
        %add3A_142 = arith.addi %mul3A_128, %add3A_141 : vector<16xi32>
        %get3A_143 = arith.constant 16 : index
        %get3A_144 = tpu.vector_load %arg17[%get3A_143] {strides = array<i32>} : memref<128xf32, #tpu.memory_space<vmem>>, vector<16xf32>,
        %mul3A_145 = arith.mulf %get3A_144, %get3A_130 : vector<16xf32>
        tpu.vector_store_idx %arg18[%add3A_142], %mul3A_145 {add = true} : memref<30720xf32, #tpu.memory_space<vmem>>[vector<16xi32>], vector<16xf32>,
        %get3A_146 = arith.constant 32 : index
        %get3A_147 = tpu.vector_load %arg12[%get3A_146] {strides = array<i32>} : memref<128xi32, #tpu.memory_space<vmem>>, vector<16xi32>,
        %mul3A_148 = arith.constant 3 : i32
        %mul3A_149 = vector.broadcast %mul3A_148 : i32 to vector<16xi32>
        %mul3A_150 = arith.muli %get3A_147, %mul3A_149 : vector<16xi32>
        %get3A_151 = arith.constant 32 : index
        %get3A_152 = tpu.vector_load %arg14[%get3A_151] {strides = array<i32>} : memref<128xf32, #tpu.memory_space<vmem>>, vector<16xf32>,
        %get3A_153 = arith.constant 32 : index
        %get3A_154 = tpu.vector_load %arg15[%get3A_153] {strides = array<i32>} : memref<128xf32, #tpu.memory_space<vmem>>, vector<16xf32>,
        %mul3A_155 = arith.mulf %get3A_154, %get3A_152 : vector<16xf32>
        tpu.vector_store_idx %arg18[%mul3A_150], %mul3A_155 {add = true} : memref<30720xf32, #tpu.memory_space<vmem>>[vector<16xi32>], vector<16xf32>,
        %add3A_156 = arith.constant 1 : i32
        %add3A_157 = vector.broadcast %add3A_156 : i32 to vector<16xi32>
        %add3A_158 = arith.addi %mul3A_150, %add3A_157 : vector<16xi32>
        %get3A_159 = arith.constant 32 : index
        %get3A_160 = tpu.vector_load %arg16[%get3A_159] {strides = array<i32>} : memref<128xf32, #tpu.memory_space<vmem>>, vector<16xf32>,
        %mul3A_161 = arith.mulf %get3A_160, %get3A_152 : vector<16xf32>
        tpu.vector_store_idx %arg18[%add3A_158], %mul3A_161 {add = true} : memref<30720xf32, #tpu.memory_space<vmem>>[vector<16xi32>], vector<16xf32>,
        %add3A_162 = arith.constant 2 : i32
        %add3A_163 = vector.broadcast %add3A_162 : i32 to vector<16xi32>
        %add3A_164 = arith.addi %mul3A_150, %add3A_163 : vector<16xi32>
        %get3A_165 = arith.constant 32 : index
        %get3A_166 = tpu.vector_load %arg17[%get3A_165] {strides = array<i32>} : memref<128xf32, #tpu.memory_space<vmem>>, vector<16xf32>,
        %mul3A_167 = arith.mulf %get3A_166, %get3A_152 : vector<16xf32>
        tpu.vector_store_idx %arg18[%add3A_164], %mul3A_167 {add = true} : memref<30720xf32, #tpu.memory_space<vmem>>[vector<16xi32>], vector<16xf32>,
        %get3A_168 = arith.constant 48 : index
        %get3A_169 = tpu.vector_load %arg12[%get3A_168] {strides = array<i32>} : memref<128xi32, #tpu.memory_space<vmem>>, vector<16xi32>,
        %mul3A_170 = arith.constant 3 : i32
        %mul3A_171 = vector.broadcast %mul3A_170 : i32 to vector<16xi32>
        %mul3A_172 = arith.muli %get3A_169, %mul3A_171 : vector<16xi32>
        %get3A_173 = arith.constant 48 : index
        %get3A_174 = tpu.vector_load %arg14[%get3A_173] {strides = array<i32>} : memref<128xf32, #tpu.memory_space<vmem>>, vector<16xf32>,
        %get3A_175 = arith.constant 48 : index
        %get3A_176 = tpu.vector_load %arg15[%get3A_175] {strides = array<i32>} : memref<128xf32, #tpu.memory_space<vmem>>, vector<16xf32>,
        %mul3A_177 = arith.mulf %get3A_176, %get3A_174 : vector<16xf32>
        tpu.vector_store_idx %arg18[%mul3A_172], %mul3A_177 {add = true} : memref<30720xf32, #tpu.memory_space<vmem>>[vector<16xi32>], vector<16xf32>,
        %add3A_178 = arith.constant 1 : i32
        %add3A_179 = vector.broadcast %add3A_178 : i32 to vector<16xi32>
        %add3A_180 = arith.addi %mul3A_172, %add3A_179 : vector<16xi32>
        %get3A_181 = arith.constant 48 : index
        %get3A_182 = tpu.vector_load %arg16[%get3A_181] {strides = array<i32>} : memref<128xf32, #tpu.memory_space<vmem>>, vector<16xf32>,
        %mul3A_183 = arith.mulf %get3A_182, %get3A_174 : vector<16xf32>
        tpu.vector_store_idx %arg18[%add3A_180], %mul3A_183 {add = true} : memref<30720xf32, #tpu.memory_space<vmem>>[vector<16xi32>], vector<16xf32>,
        %add3A_184 = arith.constant 2 : i32
        %add3A_185 = vector.broadcast %add3A_184 : i32 to vector<16xi32>
        %add3A_186 = arith.addi %mul3A_172, %add3A_185 : vector<16xi32>
        %get3A_187 = arith.constant 48 : index
        %get3A_188 = tpu.vector_load %arg17[%get3A_187] {strides = array<i32>} : memref<128xf32, #tpu.memory_space<vmem>>, vector<16xf32>,
        %mul3A_189 = arith.mulf %get3A_188, %get3A_174 : vector<16xf32>
        tpu.vector_store_idx %arg18[%add3A_186], %mul3A_189 {add = true} : memref<30720xf32, #tpu.memory_space<vmem>>[vector<16xi32>], vector<16xf32>,
        %get3A_190 = arith.constant 64 : index
        %get3A_191 = tpu.vector_load %arg12[%get3A_190] {strides = array<i32>} : memref<128xi32, #tpu.memory_space<vmem>>, vector<16xi32>,
        %mul3A_192 = arith.constant 3 : i32
        %mul3A_193 = vector.broadcast %mul3A_192 : i32 to vector<16xi32>
        %mul3A_194 = arith.muli %get3A_191, %mul3A_193 : vector<16xi32>
        %get3A_195 = arith.constant 64 : index
        %get3A_196 = tpu.vector_load %arg14[%get3A_195] {strides = array<i32>} : memref<128xf32, #tpu.memory_space<vmem>>, vector<16xf32>,
        %get3A_197 = arith.constant 64 : index
        %get3A_198 = tpu.vector_load %arg15[%get3A_197] {strides = array<i32>} : memref<128xf32, #tpu.memory_space<vmem>>, vector<16xf32>,
        %mul3A_199 = arith.mulf %get3A_198, %get3A_196 : vector<16xf32>
        tpu.vector_store_idx %arg18[%mul3A_194], %mul3A_199 {add = true} : memref<30720xf32, #tpu.memory_space<vmem>>[vector<16xi32>], vector<16xf32>,
        %add3A_200 = arith.constant 1 : i32
        %add3A_201 = vector.broadcast %add3A_200 : i32 to vector<16xi32>
        %add3A_202 = arith.addi %mul3A_194, %add3A_201 : vector<16xi32>
        %get3A_203 = arith.constant 64 : index
        %get3A_204 = tpu.vector_load %arg16[%get3A_203] {strides = array<i32>} : memref<128xf32, #tpu.memory_space<vmem>>, vector<16xf32>,
        %mul3A_205 = arith.mulf %get3A_204, %get3A_196 : vector<16xf32>
        tpu.vector_store_idx %arg18[%add3A_202], %mul3A_205 {add = true} : memref<30720xf32, #tpu.memory_space<vmem>>[vector<16xi32>], vector<16xf32>,
        %add3A_206 = arith.constant 2 : i32
        %add3A_207 = vector.broadcast %add3A_206 : i32 to vector<16xi32>
        %add3A_208 = arith.addi %mul3A_194, %add3A_207 : vector<16xi32>
        %get3A_209 = arith.constant 64 : index
        %get3A_210 = tpu.vector_load %arg17[%get3A_209] {strides = array<i32>} : memref<128xf32, #tpu.memory_space<vmem>>, vector<16xf32>,
        %mul3A_211 = arith.mulf %get3A_210, %get3A_196 : vector<16xf32>
        tpu.vector_store_idx %arg18[%add3A_208], %mul3A_211 {add = true} : memref<30720xf32, #tpu.memory_space<vmem>>[vector<16xi32>], vector<16xf32>,
        %get3A_212 = arith.constant 80 : index
        %get3A_213 = tpu.vector_load %arg12[%get3A_212] {strides = array<i32>} : memref<128xi32, #tpu.memory_space<vmem>>, vector<16xi32>,
        %mul3A_214 = arith.constant 3 : i32
        %mul3A_215 = vector.broadcast %mul3A_214 : i32 to vector<16xi32>
        %mul3A_216 = arith.muli %get3A_213, %mul3A_215 : vector<16xi32>
        %get3A_217 = arith.constant 80 : index
        %get3A_218 = tpu.vector_load %arg14[%get3A_217] {strides = array<i32>} : memref<128xf32, #tpu.memory_space<vmem>>, vector<16xf32>,
        %get3A_219 = arith.constant 80 : index
        %get3A_220 = tpu.vector_load %arg15[%get3A_219] {strides = array<i32>} : memref<128xf32, #tpu.memory_space<vmem>>, vector<16xf32>,
        %mul3A_221 = arith.mulf %get3A_220, %get3A_218 : vector<16xf32>
        tpu.vector_store_idx %arg18[%mul3A_216], %mul3A_221 {add = true} : memref<30720xf32, #tpu.memory_space<vmem>>[vector<16xi32>], vector<16xf32>,
        %add3A_222 = arith.constant 1 : i32
        %add3A_223 = vector.broadcast %add3A_222 : i32 to vector<16xi32>
        %add3A_224 = arith.addi %mul3A_216, %add3A_223 : vector<16xi32>
        %get3A_225 = arith.constant 80 : index
        %get3A_226 = tpu.vector_load %arg16[%get3A_225] {strides = array<i32>} : memref<128xf32, #tpu.memory_space<vmem>>, vector<16xf32>,
        %mul3A_227 = arith.mulf %get3A_226, %get3A_218 : vector<16xf32>
        tpu.vector_store_idx %arg18[%add3A_224], %mul3A_227 {add = true} : memref<30720xf32, #tpu.memory_space<vmem>>[vector<16xi32>], vector<16xf32>,
        %add3A_228 = arith.constant 2 : i32
        %add3A_229 = vector.broadcast %add3A_228 : i32 to vector<16xi32>
        %add3A_230 = arith.addi %mul3A_216, %add3A_229 : vector<16xi32>
        %get3A_231 = arith.constant 80 : index
        %get3A_232 = tpu.vector_load %arg17[%get3A_231] {strides = array<i32>} : memref<128xf32, #tpu.memory_space<vmem>>, vector<16xf32>,
        %mul3A_233 = arith.mulf %get3A_232, %get3A_218 : vector<16xf32>
        tpu.vector_store_idx %arg18[%add3A_230], %mul3A_233 {add = true} : memref<30720xf32, #tpu.memory_space<vmem>>[vector<16xi32>], vector<16xf32>,
        %get3A_234 = arith.constant 96 : index
        %get3A_235 = tpu.vector_load %arg12[%get3A_234] {strides = array<i32>} : memref<128xi32, #tpu.memory_space<vmem>>, vector<16xi32>,
        %mul3A_236 = arith.constant 3 : i32
        %mul3A_237 = vector.broadcast %mul3A_236 : i32 to vector<16xi32>
        %mul3A_238 = arith.muli %get3A_235, %mul3A_237 : vector<16xi32>
        %get3A_239 = arith.constant 96 : index
        %get3A_240 = tpu.vector_load %arg14[%get3A_239] {strides = array<i32>} : memref<128xf32, #tpu.memory_space<vmem>>, vector<16xf32>,
        %get3A_241 = arith.constant 96 : index
        %get3A_242 = tpu.vector_load %arg15[%get3A_241] {strides = array<i32>} : memref<128xf32, #tpu.memory_space<vmem>>, vector<16xf32>,
        %mul3A_243 = arith.mulf %get3A_242, %get3A_240 : vector<16xf32>
        tpu.vector_store_idx %arg18[%mul3A_238], %mul3A_243 {add = true} : memref<30720xf32, #tpu.memory_space<vmem>>[vector<16xi32>], vector<16xf32>,
        %add3A_244 = arith.constant 1 : i32
        %add3A_245 = vector.broadcast %add3A_244 : i32 to vector<16xi32>
        %add3A_246 = arith.addi %mul3A_238, %add3A_245 : vector<16xi32>
        %get3A_247 = arith.constant 96 : index
        %get3A_248 = tpu.vector_load %arg16[%get3A_247] {strides = array<i32>} : memref<128xf32, #tpu.memory_space<vmem>>, vector<16xf32>,
        %mul3A_249 = arith.mulf %get3A_248, %get3A_240 : vector<16xf32>
        tpu.vector_store_idx %arg18[%add3A_246], %mul3A_249 {add = true} : memref<30720xf32, #tpu.memory_space<vmem>>[vector<16xi32>], vector<16xf32>,
        %add3A_250 = arith.constant 2 : i32
        %add3A_251 = vector.broadcast %add3A_250 : i32 to vector<16xi32>
        %add3A_252 = arith.addi %mul3A_238, %add3A_251 : vector<16xi32>
        %get3A_253 = arith.constant 96 : index
        %get3A_254 = tpu.vector_load %arg17[%get3A_253] {strides = array<i32>} : memref<128xf32, #tpu.memory_space<vmem>>, vector<16xf32>,
        %mul3A_255 = arith.mulf %get3A_254, %get3A_240 : vector<16xf32>
        tpu.vector_store_idx %arg18[%add3A_252], %mul3A_255 {add = true} : memref<30720xf32, #tpu.memory_space<vmem>>[vector<16xi32>], vector<16xf32>,
        %get3A_256 = arith.constant 112 : index
        %get3A_257 = tpu.vector_load %arg12[%get3A_256] {strides = array<i32>} : memref<128xi32, #tpu.memory_space<vmem>>, vector<16xi32>,
        %mul3A_258 = arith.constant 3 : i32
        %mul3A_259 = vector.broadcast %mul3A_258 : i32 to vector<16xi32>
        %mul3A_260 = arith.muli %get3A_257, %mul3A_259 : vector<16xi32>
        %get3A_261 = arith.constant 112 : index
        %get3A_262 = tpu.vector_load %arg14[%get3A_261] {strides = array<i32>} : memref<128xf32, #tpu.memory_space<vmem>>, vector<16xf32>,
        %get3A_263 = arith.constant 112 : index
        %get3A_264 = tpu.vector_load %arg15[%get3A_263] {strides = array<i32>} : memref<128xf32, #tpu.memory_space<vmem>>, vector<16xf32>,
        %mul3A_265 = arith.mulf %get3A_264, %get3A_262 : vector<16xf32>
        tpu.vector_store_idx %arg18[%mul3A_260], %mul3A_265 {add = true} : memref<30720xf32, #tpu.memory_space<vmem>>[vector<16xi32>], vector<16xf32>,
        %add3A_266 = arith.constant 1 : i32
        %add3A_267 = vector.broadcast %add3A_266 : i32 to vector<16xi32>
        %add3A_268 = arith.addi %mul3A_260, %add3A_267 : vector<16xi32>
        %get3A_269 = arith.constant 112 : index
        %get3A_270 = tpu.vector_load %arg16[%get3A_269] {strides = array<i32>} : memref<128xf32, #tpu.memory_space<vmem>>, vector<16xf32>,
        %mul3A_271 = arith.mulf %get3A_270, %get3A_262 : vector<16xf32>
        tpu.vector_store_idx %arg18[%add3A_268], %mul3A_271 {add = true} : memref<30720xf32, #tpu.memory_space<vmem>>[vector<16xi32>], vector<16xf32>,
        %add3A_272 = arith.constant 2 : i32
        %add3A_273 = vector.broadcast %add3A_272 : i32 to vector<16xi32>
        %add3A_274 = arith.addi %mul3A_260, %add3A_273 : vector<16xi32>
        %get3A_275 = arith.constant 112 : index
        %get3A_276 = tpu.vector_load %arg17[%get3A_275] {strides = array<i32>} : memref<128xf32, #tpu.memory_space<vmem>>, vector<16xf32>,
        %mul3A_277 = arith.mulf %get3A_276, %get3A_262 : vector<16xf32>
        tpu.vector_store_idx %arg18[%add3A_274], %mul3A_277 {add = true} : memref<30720xf32, #tpu.memory_space<vmem>>[vector<16xi32>], vector<16xf32>,
      } else {
      }
      %scan3A_17 = arith.constant 0 : i32
      scf.yield %scan3A_17 : i32
    }
    %scan3A_8 = arith.constant 40 : i32
    %barrier3A_9 = arith.constant 0 : index
    tpu.barrier barrier_id(%barrier3A_9)
    "tpu.region"() ({
      %run_scoped3A = tpu.sem_alloc : memref<!tpu.dma_semaphore, #tpu.memory_space<semaphore_mem>>
      %dma_start3A = arith.constant 0 : i32
      %dma_start3A_10 = tpu.memref_slice %arg10[%arg0, %mul3A_2, %dma_start3A] : memref<2x10240x128xf32, #tpu.memory_space<hbm>> -> memref<1x640x128xf32, #tpu.memory_space<hbm>>
      %dma_start3A_11 = tpu.memref_squeeze %dma_start3A_10 : memref<1x640x128xf32, #tpu.memory_space<hbm>> -> memref<640x128xf32, #tpu.memory_space<hbm>>
      %dma_start3A_12 = arith.constant 0 : i32
      %dma_start3A_13 = tpu.memref_slice %arg19[%mul3A_2, %dma_start3A_12] : memref<10240x128xf32, #tpu.memory_space<vmem_shared>> -> memref<640x128xf32, #tpu.memory_space<vmem_shared>>
      tpu.enqueue_dma source(%dma_start3A_13 : memref<640x128xf32, #tpu.memory_space<vmem_shared>>) target(%dma_start3A_11 : memref<640x128xf32, #tpu.memory_space<hbm>>) target_semaphore(%run_scoped3A : memref<!tpu.dma_semaphore, #tpu.memory_space<semaphore_mem>>)
      %dma_wait3A = arith.constant 0 : i32
      %dma_wait3A_14 = tpu.memref_slice %arg10[%arg0, %mul3A_2, %dma_wait3A] : memref<2x10240x128xf32, #tpu.memory_space<hbm>> -> memref<1x640x128xf32, #tpu.memory_space<hbm>>
      %dma_wait3A_15 = tpu.memref_squeeze %dma_wait3A_14 : memref<1x640x128xf32, #tpu.memory_space<hbm>> -> memref<640x128xf32, #tpu.memory_space<hbm>>
      %dma_wait3A_16 = arith.constant 0 : i32
      %dma_wait3A_17 = tpu.memref_slice %arg19[%mul3A_2, %dma_wait3A_16] : memref<10240x128xf32, #tpu.memory_space<vmem_shared>> -> memref<640x128xf32, #tpu.memory_space<vmem_shared>>
      tpu.wait_dma2 semaphore(%run_scoped3A : memref<!tpu.dma_semaphore, #tpu.memory_space<semaphore_mem>>) src(%dma_wait3A_17 : memref<640x128xf32, #tpu.memory_space<vmem_shared>>) dst(%dma_wait3A_15 : memref<640x128xf32, #tpu.memory_space<hbm>>)
      tpu.yield
    }) : () -> ()
    "tpu.region"() ({
      %run_scoped3A = tpu.sem_alloc : memref<!tpu.dma_semaphore, #tpu.memory_space<semaphore_mem>>
      %dma_start3A = arith.constant 0 : i32
      %dma_start3A_10 = tpu.memref_slice %arg11[%add3A, %dma_start3A] : memref<32x30720xf32, #tpu.memory_space<hbm>> -> memref<1x30720xf32, #tpu.memory_space<hbm>>
      %dma_start3A_11 = tpu.memref_squeeze %dma_start3A_10 : memref<1x30720xf32, #tpu.memory_space<hbm>> -> memref<30720xf32, #tpu.memory_space<hbm>>
      %dma_start3A_12 = arith.constant 0 : i32
      %dma_start3A_13 = tpu.memref_slice %arg11[%add3A, %dma_start3A_12] : memref<32x30720xf32, #tpu.memory_space<hbm>> -> memref<1x30720xf32, #tpu.memory_space<hbm>>
      %dma_start3A_14 = tpu.memref_squeeze %dma_start3A_13 : memref<1x30720xf32, #tpu.memory_space<hbm>> -> memref<30720xf32, #tpu.memory_space<hbm>>
      tpu.enqueue_dma source(%arg18 : memref<30720xf32, #tpu.memory_space<vmem>>) target(%dma_start3A_14 : memref<30720xf32, #tpu.memory_space<hbm>>) target_semaphore(%run_scoped3A : memref<!tpu.dma_semaphore, #tpu.memory_space<semaphore_mem>>)
      %dma_wait3A = arith.constant 0 : i32
      %dma_wait3A_15 = tpu.memref_slice %arg11[%add3A, %dma_wait3A] : memref<32x30720xf32, #tpu.memory_space<hbm>> -> memref<1x30720xf32, #tpu.memory_space<hbm>>
      %dma_wait3A_16 = tpu.memref_squeeze %dma_wait3A_15 : memref<1x30720xf32, #tpu.memory_space<hbm>> -> memref<30720xf32, #tpu.memory_space<hbm>>
      %dma_wait3A_17 = arith.constant 0 : i32
      %dma_wait3A_18 = tpu.memref_slice %arg11[%add3A, %dma_wait3A_17] : memref<32x30720xf32, #tpu.memory_space<hbm>> -> memref<1x30720xf32, #tpu.memory_space<hbm>>
      %dma_wait3A_19 = tpu.memref_squeeze %dma_wait3A_18 : memref<1x30720xf32, #tpu.memory_space<hbm>> -> memref<30720xf32, #tpu.memory_space<hbm>>
      tpu.wait_dma2 semaphore(%run_scoped3A : memref<!tpu.dma_semaphore, #tpu.memory_space<semaphore_mem>>) src(%arg18 : memref<30720xf32, #tpu.memory_space<vmem>>) dst(%dma_wait3A_19 : memref<30720xf32, #tpu.memory_space<hbm>>)
      tpu.yield
    }) : () -> ()
    return
  }
}

#map = affine_map<(d0, d1) -> (0, 0)>
#map1 = affine_map<(d0, d1) -> (0)>
#map2 = affine_map<(d0, d1) -> (0, 0, 0)>
module attributes {stable_mosaic.version = 14 : i64} {
  func.func @gather_k(%arg0: i32, %arg1: i32, %arg2: memref<10240x128xf32, #tpu.memory_space<hbm>>, %arg3: memref<40000xf32, #tpu.memory_space<hbm>>, %arg4: memref<160256xi32, #tpu.memory_space<hbm>>, %arg5: memref<160256xi32, #tpu.memory_space<hbm>>, %arg6: memref<10240x128xf32, #tpu.memory_space<hbm>>, %arg7: memref<160256x128xf32, #tpu.memory_space<hbm>>, %arg8: memref<160256x128xf32, #tpu.memory_space<hbm>>, %arg9: memref<313x1x512xf32, #tpu.memory_space<hbm>>, %arg10: memref<313x1x512xf32, #tpu.memory_space<hbm>>, %arg11: memref<313x1x512xf32, #tpu.memory_space<hbm>>, %arg12: memref<313x1x512xf32, #tpu.memory_space<hbm>>, %arg13: memref<40000xf32, #tpu.memory_space<vmem>>, %arg14: memref<128xi32, #tpu.memory_space<vmem>>, %arg15: memref<128xi32, #tpu.memory_space<vmem>>, %arg16: memref<128x128xf32, #tpu.memory_space<vmem>>, %arg17: memref<128x128xf32, #tpu.memory_space<vmem>>, %arg18: memref<1x128xf32, #tpu.memory_space<vmem>>, %arg19: memref<1x128xf32, #tpu.memory_space<vmem>>, %arg20: memref<1x128xf32, #tpu.memory_space<vmem>>, %arg21: memref<1x128xf32, #tpu.memory_space<vmem>>, %arg22: memref<!tpu.dma_semaphore, #tpu.memory_space<semaphore_mem>>) attributes {dimension_semantics = [#tpu.dimension_semantics<core_parallel>, #tpu.dimension_semantics<subcore_parallel>], iteration_bounds = array<i64: 2, 16>, scalar_prefetch = 0 : i64, scratch_operands = 10 : i64, tpu.core_type = #tpu.core_type<sc_vector_subcore>, window_params = [{transform_indices = #map}, {transform_indices = #map1}, {transform_indices = #map1}, {transform_indices = #map1}, {transform_indices = #map}, {transform_indices = #map}, {transform_indices = #map}, {transform_indices = #map2}, {transform_indices = #map2}, {transform_indices = #map2}, {transform_indices = #map2}]} {
    %mul3A = arith.constant 2 : i32
    %mul3A_0 = arith.muli %arg1, %mul3A : i32
    %add3A = arith.addi %mul3A_0, %arg0 : i32
    "tpu.region"() ({
      %run_scoped3A = tpu.sem_alloc : memref<!tpu.dma_semaphore, #tpu.memory_space<semaphore_mem>>
      tpu.enqueue_dma source(%arg3 : memref<40000xf32, #tpu.memory_space<hbm>>) target(%arg13 : memref<40000xf32, #tpu.memory_space<vmem>>) target_semaphore(%run_scoped3A : memref<!tpu.dma_semaphore, #tpu.memory_space<semaphore_mem>>)
      tpu.wait_dma2 semaphore(%run_scoped3A : memref<!tpu.dma_semaphore, #tpu.memory_space<semaphore_mem>>) src(%arg3 : memref<40000xf32, #tpu.memory_space<hbm>>) dst(%arg13 : memref<40000xf32, #tpu.memory_space<vmem>>)
      tpu.yield
    }) : () -> ()
    %scan3A = arith.constant 0 : i32
    %scan3A_1 = arith.constant 0 : i32
    %scan3A_2 = arith.constant 40 : i32
    %scan3A_3 = arith.addi %scan3A_1, %scan3A_2 : i32
    %scan3A_4 = arith.constant 1 : i32
    %scan3A_5 = scf.for %scan3A_7 = %scan3A_1 to %scan3A_3 step %scan3A_4 iter_args(%scan3A_8 = %scan3A) -> (i32)  : i32 {
      %mul3A_9 = arith.constant 32 : i32
      %mul3A_10 = arith.muli %scan3A_7, %mul3A_9 : i32
      %add3A_11 = arith.addi %add3A, %mul3A_10 : i32
      %lt3A = arith.constant 1252 : i32
      %lt3A_12 = arith.cmpi slt, %add3A_11, %lt3A : i32
      %convert_element_type3A = arith.extui %lt3A_12 : i1 to i32
      %cond3A = arith.constant 0 : i32
      %cond3A_13 = arith.cmpi ne, %convert_element_type3A, %cond3A : i32
      scf.if %cond3A_13 {
        %mul3A_15 = arith.constant 128 : i32
        %mul3A_16 = arith.muli %add3A_11, %mul3A_15 : i32
        %dma_start3A = tpu.memref_slice %arg4[%mul3A_16] : memref<160256xi32, #tpu.memory_space<hbm>> -> memref<128xi32, #tpu.memory_space<hbm>>
        %dma_start3A_17 = tpu.memref_slice %arg4[%mul3A_16] : memref<160256xi32, #tpu.memory_space<hbm>> -> memref<128xi32, #tpu.memory_space<hbm>>
        tpu.enqueue_dma source(%dma_start3A_17 : memref<128xi32, #tpu.memory_space<hbm>>) target(%arg14 : memref<128xi32, #tpu.memory_space<vmem>>) target_semaphore(%arg22 : memref<!tpu.dma_semaphore, #tpu.memory_space<semaphore_mem>>)
        %dma_start3A_18 = tpu.memref_slice %arg5[%mul3A_16] : memref<160256xi32, #tpu.memory_space<hbm>> -> memref<128xi32, #tpu.memory_space<hbm>>
        %dma_start3A_19 = tpu.memref_slice %arg5[%mul3A_16] : memref<160256xi32, #tpu.memory_space<hbm>> -> memref<128xi32, #tpu.memory_space<hbm>>
        tpu.enqueue_dma source(%dma_start3A_19 : memref<128xi32, #tpu.memory_space<hbm>>) target(%arg15 : memref<128xi32, #tpu.memory_space<vmem>>) target_semaphore(%arg22 : memref<!tpu.dma_semaphore, #tpu.memory_space<semaphore_mem>>)
        %dma_wait3A = tpu.memref_slice %arg4[%mul3A_16] : memref<160256xi32, #tpu.memory_space<hbm>> -> memref<128xi32, #tpu.memory_space<hbm>>
        %dma_wait3A_20 = tpu.memref_slice %arg4[%mul3A_16] : memref<160256xi32, #tpu.memory_space<hbm>> -> memref<128xi32, #tpu.memory_space<hbm>>
        tpu.wait_dma2 semaphore(%arg22 : memref<!tpu.dma_semaphore, #tpu.memory_space<semaphore_mem>>) src(%dma_wait3A_20 : memref<128xi32, #tpu.memory_space<hbm>>) dst(%arg14 : memref<128xi32, #tpu.memory_space<vmem>>)
        %dma_wait3A_21 = tpu.memref_slice %arg5[%mul3A_16] : memref<160256xi32, #tpu.memory_space<hbm>> -> memref<128xi32, #tpu.memory_space<hbm>>
        %dma_wait3A_22 = tpu.memref_slice %arg5[%mul3A_16] : memref<160256xi32, #tpu.memory_space<hbm>> -> memref<128xi32, #tpu.memory_space<hbm>>
        tpu.wait_dma2 semaphore(%arg22 : memref<!tpu.dma_semaphore, #tpu.memory_space<semaphore_mem>>) src(%dma_wait3A_22 : memref<128xi32, #tpu.memory_space<hbm>>) dst(%arg15 : memref<128xi32, #tpu.memory_space<vmem>>)
        %dma_start3A_23 = arith.constant 0 : i32
        %dma_start3A_24 = arith.constant 0 : i32
        %dma_start3A_25 = tpu.memref_slice %arg2[%dma_start3A_23, %dma_start3A_24] : memref<10240x128xf32, #tpu.memory_space<hbm>> -> memref<10240x128xf32, #tpu.memory_space<hbm>>
        tpu.enqueue_indirect_dma source(%dma_start3A_25 : memref<10240x128xf32, #tpu.memory_space<hbm>>) target(%arg16 : memref<128x128xf32, #tpu.memory_space<vmem>>) offsets(%arg15 : memref<128xi32, #tpu.memory_space<vmem>>) semaphore(%arg22 : memref<!tpu.dma_semaphore, #tpu.memory_space<semaphore_mem>>)
        %dma_start3A_26 = arith.constant 0 : i32
        %dma_start3A_27 = arith.constant 0 : i32
        %dma_start3A_28 = tpu.memref_slice %arg6[%dma_start3A_26, %dma_start3A_27] : memref<10240x128xf32, #tpu.memory_space<hbm>> -> memref<10240x128xf32, #tpu.memory_space<hbm>>
        tpu.enqueue_indirect_dma source(%dma_start3A_28 : memref<10240x128xf32, #tpu.memory_space<hbm>>) target(%arg17 : memref<128x128xf32, #tpu.memory_space<vmem>>) offsets(%arg14 : memref<128xi32, #tpu.memory_space<vmem>>) semaphore(%arg22 : memref<!tpu.dma_semaphore, #tpu.memory_space<semaphore_mem>>)
        %get3A = arith.constant 0 : index
        %get3A_29 = tpu.vector_load %arg14[%get3A] {strides = array<i32>} : memref<128xi32, #tpu.memory_space<vmem>>, vector<16xi32>,
        %mul3A_30 = arith.constant 4 : i32
        %mul3A_31 = vector.broadcast %mul3A_30 : i32 to vector<16xi32>
        %mul3A_32 = arith.muli %get3A_29, %mul3A_31 : vector<16xi32>
        %get3A_33 = arith.constant 0 : index
        %get3A_34 = tpu.vector_load %arg15[%get3A_33] {strides = array<i32>} : memref<128xi32, #tpu.memory_space<vmem>>, vector<16xi32>,
        %mul3A_35 = arith.constant 4 : i32
        %mul3A_36 = vector.broadcast %mul3A_35 : i32 to vector<16xi32>
        %mul3A_37 = arith.muli %get3A_34, %mul3A_36 : vector<16xi32>
        %gather3A = tpu.vector_load_idx %arg13[%mul3A_37] : memref<40000xf32, #tpu.memory_space<vmem>>[vector<16xi32>], vector<16xf32>,
        %gather3A_38 = tpu.vector_load_idx %arg13[%mul3A_32] : memref<40000xf32, #tpu.memory_space<vmem>>[vector<16xi32>], vector<16xf32>,
        %sub3A = arith.subf %gather3A, %gather3A_38 : vector<16xf32>
        %add3A_39 = arith.constant 1 : i32
        %add3A_40 = vector.broadcast %add3A_39 : i32 to vector<16xi32>
        %add3A_41 = arith.addi %mul3A_37, %add3A_40 : vector<16xi32>
        %gather3A_42 = tpu.vector_load_idx %arg13[%add3A_41] : memref<40000xf32, #tpu.memory_space<vmem>>[vector<16xi32>], vector<16xf32>,
        %add3A_43 = arith.constant 1 : i32
        %add3A_44 = vector.broadcast %add3A_43 : i32 to vector<16xi32>
        %add3A_45 = arith.addi %mul3A_32, %add3A_44 : vector<16xi32>
        %gather3A_46 = tpu.vector_load_idx %arg13[%add3A_45] : memref<40000xf32, #tpu.memory_space<vmem>>[vector<16xi32>], vector<16xf32>,
        %sub3A_47 = arith.subf %gather3A_42, %gather3A_46 : vector<16xf32>
        %add3A_48 = arith.constant 2 : i32
        %add3A_49 = vector.broadcast %add3A_48 : i32 to vector<16xi32>
        %add3A_50 = arith.addi %mul3A_37, %add3A_49 : vector<16xi32>
        %gather3A_51 = tpu.vector_load_idx %arg13[%add3A_50] : memref<40000xf32, #tpu.memory_space<vmem>>[vector<16xi32>], vector<16xf32>,
        %add3A_52 = arith.constant 2 : i32
        %add3A_53 = vector.broadcast %add3A_52 : i32 to vector<16xi32>
        %add3A_54 = arith.addi %mul3A_32, %add3A_53 : vector<16xi32>
        %gather3A_55 = tpu.vector_load_idx %arg13[%add3A_54] : memref<40000xf32, #tpu.memory_space<vmem>>[vector<16xi32>], vector<16xf32>,
        %sub3A_56 = arith.subf %gather3A_51, %gather3A_55 : vector<16xf32>
        %swap3A = arith.constant 0 : i32
        %swap3A_57 = arith.index_cast %swap3A : i32 to index
        %swap3A_58 = arith.constant 0 : index
        %swap3A_59 = tpu.vector_load %arg18[%swap3A_57, %swap3A_58] {strides = array<i32>} : memref<1x128xf32, #tpu.memory_space<vmem>>, vector<16xf32>,
        tpu.vector_store %arg18[%swap3A_57, %swap3A_58], %sub3A {strides = array<i32>} : memref<1x128xf32, #tpu.memory_space<vmem>>, vector<16xf32>,
        %swap3A_60 = arith.constant 0 : i32
        %swap3A_61 = arith.index_cast %swap3A_60 : i32 to index
        %swap3A_62 = arith.constant 0 : index
        %swap3A_63 = tpu.vector_load %arg19[%swap3A_61, %swap3A_62] {strides = array<i32>} : memref<1x128xf32, #tpu.memory_space<vmem>>, vector<16xf32>,
        tpu.vector_store %arg19[%swap3A_61, %swap3A_62], %sub3A_47 {strides = array<i32>} : memref<1x128xf32, #tpu.memory_space<vmem>>, vector<16xf32>,
        %swap3A_64 = arith.constant 0 : i32
        %swap3A_65 = arith.index_cast %swap3A_64 : i32 to index
        %swap3A_66 = arith.constant 0 : index
        %swap3A_67 = tpu.vector_load %arg20[%swap3A_65, %swap3A_66] {strides = array<i32>} : memref<1x128xf32, #tpu.memory_space<vmem>>, vector<16xf32>,
        tpu.vector_store %arg20[%swap3A_65, %swap3A_66], %sub3A_56 {strides = array<i32>} : memref<1x128xf32, #tpu.memory_space<vmem>>, vector<16xf32>,
        %mul3A_68 = arith.mulf %sub3A, %sub3A : vector<16xf32>
        %mul3A_69 = arith.mulf %sub3A_47, %sub3A_47 : vector<16xf32>
        %add3A_70 = arith.addf %mul3A_68, %mul3A_69 : vector<16xf32>
        %mul3A_71 = arith.mulf %sub3A_56, %sub3A_56 : vector<16xf32>
        %add3A_72 = arith.addf %add3A_70, %mul3A_71 : vector<16xf32>
        %swap3A_73 = arith.constant 0 : i32
        %swap3A_74 = arith.index_cast %swap3A_73 : i32 to index
        %swap3A_75 = arith.constant 0 : index
        %swap3A_76 = tpu.vector_load %arg21[%swap3A_74, %swap3A_75] {strides = array<i32>} : memref<1x128xf32, #tpu.memory_space<vmem>>, vector<16xf32>,
        tpu.vector_store %arg21[%swap3A_74, %swap3A_75], %add3A_72 {strides = array<i32>} : memref<1x128xf32, #tpu.memory_space<vmem>>, vector<16xf32>,
        %get3A_77 = arith.constant 16 : index
        %get3A_78 = tpu.vector_load %arg14[%get3A_77] {strides = array<i32>} : memref<128xi32, #tpu.memory_space<vmem>>, vector<16xi32>,
        %mul3A_79 = arith.constant 4 : i32
        %mul3A_80 = vector.broadcast %mul3A_79 : i32 to vector<16xi32>
        %mul3A_81 = arith.muli %get3A_78, %mul3A_80 : vector<16xi32>
        %get3A_82 = arith.constant 16 : index
        %get3A_83 = tpu.vector_load %arg15[%get3A_82] {strides = array<i32>} : memref<128xi32, #tpu.memory_space<vmem>>, vector<16xi32>,
        %mul3A_84 = arith.constant 4 : i32
        %mul3A_85 = vector.broadcast %mul3A_84 : i32 to vector<16xi32>
        %mul3A_86 = arith.muli %get3A_83, %mul3A_85 : vector<16xi32>
        %gather3A_87 = tpu.vector_load_idx %arg13[%mul3A_86] : memref<40000xf32, #tpu.memory_space<vmem>>[vector<16xi32>], vector<16xf32>,
        %gather3A_88 = tpu.vector_load_idx %arg13[%mul3A_81] : memref<40000xf32, #tpu.memory_space<vmem>>[vector<16xi32>], vector<16xf32>,
        %sub3A_89 = arith.subf %gather3A_87, %gather3A_88 : vector<16xf32>
        %add3A_90 = arith.constant 1 : i32
        %add3A_91 = vector.broadcast %add3A_90 : i32 to vector<16xi32>
        %add3A_92 = arith.addi %mul3A_86, %add3A_91 : vector<16xi32>
        %gather3A_93 = tpu.vector_load_idx %arg13[%add3A_92] : memref<40000xf32, #tpu.memory_space<vmem>>[vector<16xi32>], vector<16xf32>,
        %add3A_94 = arith.constant 1 : i32
        %add3A_95 = vector.broadcast %add3A_94 : i32 to vector<16xi32>
        %add3A_96 = arith.addi %mul3A_81, %add3A_95 : vector<16xi32>
        %gather3A_97 = tpu.vector_load_idx %arg13[%add3A_96] : memref<40000xf32, #tpu.memory_space<vmem>>[vector<16xi32>], vector<16xf32>,
        %sub3A_98 = arith.subf %gather3A_93, %gather3A_97 : vector<16xf32>
        %add3A_99 = arith.constant 2 : i32
        %add3A_100 = vector.broadcast %add3A_99 : i32 to vector<16xi32>
        %add3A_101 = arith.addi %mul3A_86, %add3A_100 : vector<16xi32>
        %gather3A_102 = tpu.vector_load_idx %arg13[%add3A_101] : memref<40000xf32, #tpu.memory_space<vmem>>[vector<16xi32>], vector<16xf32>,
        %add3A_103 = arith.constant 2 : i32
        %add3A_104 = vector.broadcast %add3A_103 : i32 to vector<16xi32>
        %add3A_105 = arith.addi %mul3A_81, %add3A_104 : vector<16xi32>
        %gather3A_106 = tpu.vector_load_idx %arg13[%add3A_105] : memref<40000xf32, #tpu.memory_space<vmem>>[vector<16xi32>], vector<16xf32>,
        %sub3A_107 = arith.subf %gather3A_102, %gather3A_106 : vector<16xf32>
        %swap3A_108 = arith.constant 0 : i32
        %swap3A_109 = arith.index_cast %swap3A_108 : i32 to index
        %swap3A_110 = arith.constant 16 : index
        %swap3A_111 = tpu.vector_load %arg18[%swap3A_109, %swap3A_110] {strides = array<i32>} : memref<1x128xf32, #tpu.memory_space<vmem>>, vector<16xf32>,
        tpu.vector_store %arg18[%swap3A_109, %swap3A_110], %sub3A_89 {strides = array<i32>} : memref<1x128xf32, #tpu.memory_space<vmem>>, vector<16xf32>,
        %swap3A_112 = arith.constant 0 : i32
        %swap3A_113 = arith.index_cast %swap3A_112 : i32 to index
        %swap3A_114 = arith.constant 16 : index
        %swap3A_115 = tpu.vector_load %arg19[%swap3A_113, %swap3A_114] {strides = array<i32>} : memref<1x128xf32, #tpu.memory_space<vmem>>, vector<16xf32>,
        tpu.vector_store %arg19[%swap3A_113, %swap3A_114], %sub3A_98 {strides = array<i32>} : memref<1x128xf32, #tpu.memory_space<vmem>>, vector<16xf32>,
        %swap3A_116 = arith.constant 0 : i32
        %swap3A_117 = arith.index_cast %swap3A_116 : i32 to index
        %swap3A_118 = arith.constant 16 : index
        %swap3A_119 = tpu.vector_load %arg20[%swap3A_117, %swap3A_118] {strides = array<i32>} : memref<1x128xf32, #tpu.memory_space<vmem>>, vector<16xf32>,
        tpu.vector_store %arg20[%swap3A_117, %swap3A_118], %sub3A_107 {strides = array<i32>} : memref<1x128xf32, #tpu.memory_space<vmem>>, vector<16xf32>,
        %mul3A_120 = arith.mulf %sub3A_89, %sub3A_89 : vector<16xf32>
        %mul3A_121 = arith.mulf %sub3A_98, %sub3A_98 : vector<16xf32>
        %add3A_122 = arith.addf %mul3A_120, %mul3A_121 : vector<16xf32>
        %mul3A_123 = arith.mulf %sub3A_107, %sub3A_107 : vector<16xf32>
        %add3A_124 = arith.addf %add3A_122, %mul3A_123 : vector<16xf32>
        %swap3A_125 = arith.constant 0 : i32
        %swap3A_126 = arith.index_cast %swap3A_125 : i32 to index
        %swap3A_127 = arith.constant 16 : index
        %swap3A_128 = tpu.vector_load %arg21[%swap3A_126, %swap3A_127] {strides = array<i32>} : memref<1x128xf32, #tpu.memory_space<vmem>>, vector<16xf32>,
        tpu.vector_store %arg21[%swap3A_126, %swap3A_127], %add3A_124 {strides = array<i32>} : memref<1x128xf32, #tpu.memory_space<vmem>>, vector<16xf32>,
        %get3A_129 = arith.constant 32 : index
        %get3A_130 = tpu.vector_load %arg14[%get3A_129] {strides = array<i32>} : memref<128xi32, #tpu.memory_space<vmem>>, vector<16xi32>,
        %mul3A_131 = arith.constant 4 : i32
        %mul3A_132 = vector.broadcast %mul3A_131 : i32 to vector<16xi32>
        %mul3A_133 = arith.muli %get3A_130, %mul3A_132 : vector<16xi32>
        %get3A_134 = arith.constant 32 : index
        %get3A_135 = tpu.vector_load %arg15[%get3A_134] {strides = array<i32>} : memref<128xi32, #tpu.memory_space<vmem>>, vector<16xi32>,
        %mul3A_136 = arith.constant 4 : i32
        %mul3A_137 = vector.broadcast %mul3A_136 : i32 to vector<16xi32>
        %mul3A_138 = arith.muli %get3A_135, %mul3A_137 : vector<16xi32>
        %gather3A_139 = tpu.vector_load_idx %arg13[%mul3A_138] : memref<40000xf32, #tpu.memory_space<vmem>>[vector<16xi32>], vector<16xf32>,
        %gather3A_140 = tpu.vector_load_idx %arg13[%mul3A_133] : memref<40000xf32, #tpu.memory_space<vmem>>[vector<16xi32>], vector<16xf32>,
        %sub3A_141 = arith.subf %gather3A_139, %gather3A_140 : vector<16xf32>
        %add3A_142 = arith.constant 1 : i32
        %add3A_143 = vector.broadcast %add3A_142 : i32 to vector<16xi32>
        %add3A_144 = arith.addi %mul3A_138, %add3A_143 : vector<16xi32>
        %gather3A_145 = tpu.vector_load_idx %arg13[%add3A_144] : memref<40000xf32, #tpu.memory_space<vmem>>[vector<16xi32>], vector<16xf32>,
        %add3A_146 = arith.constant 1 : i32
        %add3A_147 = vector.broadcast %add3A_146 : i32 to vector<16xi32>
        %add3A_148 = arith.addi %mul3A_133, %add3A_147 : vector<16xi32>
        %gather3A_149 = tpu.vector_load_idx %arg13[%add3A_148] : memref<40000xf32, #tpu.memory_space<vmem>>[vector<16xi32>], vector<16xf32>,
        %sub3A_150 = arith.subf %gather3A_145, %gather3A_149 : vector<16xf32>
        %add3A_151 = arith.constant 2 : i32
        %add3A_152 = vector.broadcast %add3A_151 : i32 to vector<16xi32>
        %add3A_153 = arith.addi %mul3A_138, %add3A_152 : vector<16xi32>
        %gather3A_154 = tpu.vector_load_idx %arg13[%add3A_153] : memref<40000xf32, #tpu.memory_space<vmem>>[vector<16xi32>], vector<16xf32>,
        %add3A_155 = arith.constant 2 : i32
        %add3A_156 = vector.broadcast %add3A_155 : i32 to vector<16xi32>
        %add3A_157 = arith.addi %mul3A_133, %add3A_156 : vector<16xi32>
        %gather3A_158 = tpu.vector_load_idx %arg13[%add3A_157] : memref<40000xf32, #tpu.memory_space<vmem>>[vector<16xi32>], vector<16xf32>,
        %sub3A_159 = arith.subf %gather3A_154, %gather3A_158 : vector<16xf32>
        %swap3A_160 = arith.constant 0 : i32
        %swap3A_161 = arith.index_cast %swap3A_160 : i32 to index
        %swap3A_162 = arith.constant 32 : index
        %swap3A_163 = tpu.vector_load %arg18[%swap3A_161, %swap3A_162] {strides = array<i32>} : memref<1x128xf32, #tpu.memory_space<vmem>>, vector<16xf32>,
        tpu.vector_store %arg18[%swap3A_161, %swap3A_162], %sub3A_141 {strides = array<i32>} : memref<1x128xf32, #tpu.memory_space<vmem>>, vector<16xf32>,
        %swap3A_164 = arith.constant 0 : i32
        %swap3A_165 = arith.index_cast %swap3A_164 : i32 to index
        %swap3A_166 = arith.constant 32 : index
        %swap3A_167 = tpu.vector_load %arg19[%swap3A_165, %swap3A_166] {strides = array<i32>} : memref<1x128xf32, #tpu.memory_space<vmem>>, vector<16xf32>,
        tpu.vector_store %arg19[%swap3A_165, %swap3A_166], %sub3A_150 {strides = array<i32>} : memref<1x128xf32, #tpu.memory_space<vmem>>, vector<16xf32>,
        %swap3A_168 = arith.constant 0 : i32
        %swap3A_169 = arith.index_cast %swap3A_168 : i32 to index
        %swap3A_170 = arith.constant 32 : index
        %swap3A_171 = tpu.vector_load %arg20[%swap3A_169, %swap3A_170] {strides = array<i32>} : memref<1x128xf32, #tpu.memory_space<vmem>>, vector<16xf32>,
        tpu.vector_store %arg20[%swap3A_169, %swap3A_170], %sub3A_159 {strides = array<i32>} : memref<1x128xf32, #tpu.memory_space<vmem>>, vector<16xf32>,
        %mul3A_172 = arith.mulf %sub3A_141, %sub3A_141 : vector<16xf32>
        %mul3A_173 = arith.mulf %sub3A_150, %sub3A_150 : vector<16xf32>
        %add3A_174 = arith.addf %mul3A_172, %mul3A_173 : vector<16xf32>
        %mul3A_175 = arith.mulf %sub3A_159, %sub3A_159 : vector<16xf32>
        %add3A_176 = arith.addf %add3A_174, %mul3A_175 : vector<16xf32>
        %swap3A_177 = arith.constant 0 : i32
        %swap3A_178 = arith.index_cast %swap3A_177 : i32 to index
        %swap3A_179 = arith.constant 32 : index
        %swap3A_180 = tpu.vector_load %arg21[%swap3A_178, %swap3A_179] {strides = array<i32>} : memref<1x128xf32, #tpu.memory_space<vmem>>, vector<16xf32>,
        tpu.vector_store %arg21[%swap3A_178, %swap3A_179], %add3A_176 {strides = array<i32>} : memref<1x128xf32, #tpu.memory_space<vmem>>, vector<16xf32>,
        %get3A_181 = arith.constant 48 : index
        %get3A_182 = tpu.vector_load %arg14[%get3A_181] {strides = array<i32>} : memref<128xi32, #tpu.memory_space<vmem>>, vector<16xi32>,
        %mul3A_183 = arith.constant 4 : i32
        %mul3A_184 = vector.broadcast %mul3A_183 : i32 to vector<16xi32>
        %mul3A_185 = arith.muli %get3A_182, %mul3A_184 : vector<16xi32>
        %get3A_186 = arith.constant 48 : index
        %get3A_187 = tpu.vector_load %arg15[%get3A_186] {strides = array<i32>} : memref<128xi32, #tpu.memory_space<vmem>>, vector<16xi32>,
        %mul3A_188 = arith.constant 4 : i32
        %mul3A_189 = vector.broadcast %mul3A_188 : i32 to vector<16xi32>
        %mul3A_190 = arith.muli %get3A_187, %mul3A_189 : vector<16xi32>
        %gather3A_191 = tpu.vector_load_idx %arg13[%mul3A_190] : memref<40000xf32, #tpu.memory_space<vmem>>[vector<16xi32>], vector<16xf32>,
        %gather3A_192 = tpu.vector_load_idx %arg13[%mul3A_185] : memref<40000xf32, #tpu.memory_space<vmem>>[vector<16xi32>], vector<16xf32>,
        %sub3A_193 = arith.subf %gather3A_191, %gather3A_192 : vector<16xf32>
        %add3A_194 = arith.constant 1 : i32
        %add3A_195 = vector.broadcast %add3A_194 : i32 to vector<16xi32>
        %add3A_196 = arith.addi %mul3A_190, %add3A_195 : vector<16xi32>
        %gather3A_197 = tpu.vector_load_idx %arg13[%add3A_196] : memref<40000xf32, #tpu.memory_space<vmem>>[vector<16xi32>], vector<16xf32>,
        %add3A_198 = arith.constant 1 : i32
        %add3A_199 = vector.broadcast %add3A_198 : i32 to vector<16xi32>
        %add3A_200 = arith.addi %mul3A_185, %add3A_199 : vector<16xi32>
        %gather3A_201 = tpu.vector_load_idx %arg13[%add3A_200] : memref<40000xf32, #tpu.memory_space<vmem>>[vector<16xi32>], vector<16xf32>,
        %sub3A_202 = arith.subf %gather3A_197, %gather3A_201 : vector<16xf32>
        %add3A_203 = arith.constant 2 : i32
        %add3A_204 = vector.broadcast %add3A_203 : i32 to vector<16xi32>
        %add3A_205 = arith.addi %mul3A_190, %add3A_204 : vector<16xi32>
        %gather3A_206 = tpu.vector_load_idx %arg13[%add3A_205] : memref<40000xf32, #tpu.memory_space<vmem>>[vector<16xi32>], vector<16xf32>,
        %add3A_207 = arith.constant 2 : i32
        %add3A_208 = vector.broadcast %add3A_207 : i32 to vector<16xi32>
        %add3A_209 = arith.addi %mul3A_185, %add3A_208 : vector<16xi32>
        %gather3A_210 = tpu.vector_load_idx %arg13[%add3A_209] : memref<40000xf32, #tpu.memory_space<vmem>>[vector<16xi32>], vector<16xf32>,
        %sub3A_211 = arith.subf %gather3A_206, %gather3A_210 : vector<16xf32>
        %swap3A_212 = arith.constant 0 : i32
        %swap3A_213 = arith.index_cast %swap3A_212 : i32 to index
        %swap3A_214 = arith.constant 48 : index
        %swap3A_215 = tpu.vector_load %arg18[%swap3A_213, %swap3A_214] {strides = array<i32>} : memref<1x128xf32, #tpu.memory_space<vmem>>, vector<16xf32>,
        tpu.vector_store %arg18[%swap3A_213, %swap3A_214], %sub3A_193 {strides = array<i32>} : memref<1x128xf32, #tpu.memory_space<vmem>>, vector<16xf32>,
        %swap3A_216 = arith.constant 0 : i32
        %swap3A_217 = arith.index_cast %swap3A_216 : i32 to index
        %swap3A_218 = arith.constant 48 : index
        %swap3A_219 = tpu.vector_load %arg19[%swap3A_217, %swap3A_218] {strides = array<i32>} : memref<1x128xf32, #tpu.memory_space<vmem>>, vector<16xf32>,
        tpu.vector_store %arg19[%swap3A_217, %swap3A_218], %sub3A_202 {strides = array<i32>} : memref<1x128xf32, #tpu.memory_space<vmem>>, vector<16xf32>,
        %swap3A_220 = arith.constant 0 : i32
        %swap3A_221 = arith.index_cast %swap3A_220 : i32 to index
        %swap3A_222 = arith.constant 48 : index
        %swap3A_223 = tpu.vector_load %arg20[%swap3A_221, %swap3A_222] {strides = array<i32>} : memref<1x128xf32, #tpu.memory_space<vmem>>, vector<16xf32>,
        tpu.vector_store %arg20[%swap3A_221, %swap3A_222], %sub3A_211 {strides = array<i32>} : memref<1x128xf32, #tpu.memory_space<vmem>>, vector<16xf32>,
        %mul3A_224 = arith.mulf %sub3A_193, %sub3A_193 : vector<16xf32>
        %mul3A_225 = arith.mulf %sub3A_202, %sub3A_202 : vector<16xf32>
        %add3A_226 = arith.addf %mul3A_224, %mul3A_225 : vector<16xf32>
        %mul3A_227 = arith.mulf %sub3A_211, %sub3A_211 : vector<16xf32>
        %add3A_228 = arith.addf %add3A_226, %mul3A_227 : vector<16xf32>
        %swap3A_229 = arith.constant 0 : i32
        %swap3A_230 = arith.index_cast %swap3A_229 : i32 to index
        %swap3A_231 = arith.constant 48 : index
        %swap3A_232 = tpu.vector_load %arg21[%swap3A_230, %swap3A_231] {strides = array<i32>} : memref<1x128xf32, #tpu.memory_space<vmem>>, vector<16xf32>,
        tpu.vector_store %arg21[%swap3A_230, %swap3A_231], %add3A_228 {strides = array<i32>} : memref<1x128xf32, #tpu.memory_space<vmem>>, vector<16xf32>,
        %get3A_233 = arith.constant 64 : index
        %get3A_234 = tpu.vector_load %arg14[%get3A_233] {strides = array<i32>} : memref<128xi32, #tpu.memory_space<vmem>>, vector<16xi32>,
        %mul3A_235 = arith.constant 4 : i32
        %mul3A_236 = vector.broadcast %mul3A_235 : i32 to vector<16xi32>
        %mul3A_237 = arith.muli %get3A_234, %mul3A_236 : vector<16xi32>
        %get3A_238 = arith.constant 64 : index
        %get3A_239 = tpu.vector_load %arg15[%get3A_238] {strides = array<i32>} : memref<128xi32, #tpu.memory_space<vmem>>, vector<16xi32>,
        %mul3A_240 = arith.constant 4 : i32
        %mul3A_241 = vector.broadcast %mul3A_240 : i32 to vector<16xi32>
        %mul3A_242 = arith.muli %get3A_239, %mul3A_241 : vector<16xi32>
        %gather3A_243 = tpu.vector_load_idx %arg13[%mul3A_242] : memref<40000xf32, #tpu.memory_space<vmem>>[vector<16xi32>], vector<16xf32>,
        %gather3A_244 = tpu.vector_load_idx %arg13[%mul3A_237] : memref<40000xf32, #tpu.memory_space<vmem>>[vector<16xi32>], vector<16xf32>,
        %sub3A_245 = arith.subf %gather3A_243, %gather3A_244 : vector<16xf32>
        %add3A_246 = arith.constant 1 : i32
        %add3A_247 = vector.broadcast %add3A_246 : i32 to vector<16xi32>
        %add3A_248 = arith.addi %mul3A_242, %add3A_247 : vector<16xi32>
        %gather3A_249 = tpu.vector_load_idx %arg13[%add3A_248] : memref<40000xf32, #tpu.memory_space<vmem>>[vector<16xi32>], vector<16xf32>,
        %add3A_250 = arith.constant 1 : i32
        %add3A_251 = vector.broadcast %add3A_250 : i32 to vector<16xi32>
        %add3A_252 = arith.addi %mul3A_237, %add3A_251 : vector<16xi32>
        %gather3A_253 = tpu.vector_load_idx %arg13[%add3A_252] : memref<40000xf32, #tpu.memory_space<vmem>>[vector<16xi32>], vector<16xf32>,
        %sub3A_254 = arith.subf %gather3A_249, %gather3A_253 : vector<16xf32>
        %add3A_255 = arith.constant 2 : i32
        %add3A_256 = vector.broadcast %add3A_255 : i32 to vector<16xi32>
        %add3A_257 = arith.addi %mul3A_242, %add3A_256 : vector<16xi32>
        %gather3A_258 = tpu.vector_load_idx %arg13[%add3A_257] : memref<40000xf32, #tpu.memory_space<vmem>>[vector<16xi32>], vector<16xf32>,
        %add3A_259 = arith.constant 2 : i32
        %add3A_260 = vector.broadcast %add3A_259 : i32 to vector<16xi32>
        %add3A_261 = arith.addi %mul3A_237, %add3A_260 : vector<16xi32>
        %gather3A_262 = tpu.vector_load_idx %arg13[%add3A_261] : memref<40000xf32, #tpu.memory_space<vmem>>[vector<16xi32>], vector<16xf32>,
        %sub3A_263 = arith.subf %gather3A_258, %gather3A_262 : vector<16xf32>
        %swap3A_264 = arith.constant 0 : i32
        %swap3A_265 = arith.index_cast %swap3A_264 : i32 to index
        %swap3A_266 = arith.constant 64 : index
        %swap3A_267 = tpu.vector_load %arg18[%swap3A_265, %swap3A_266] {strides = array<i32>} : memref<1x128xf32, #tpu.memory_space<vmem>>, vector<16xf32>,
        tpu.vector_store %arg18[%swap3A_265, %swap3A_266], %sub3A_245 {strides = array<i32>} : memref<1x128xf32, #tpu.memory_space<vmem>>, vector<16xf32>,
        %swap3A_268 = arith.constant 0 : i32
        %swap3A_269 = arith.index_cast %swap3A_268 : i32 to index
        %swap3A_270 = arith.constant 64 : index
        %swap3A_271 = tpu.vector_load %arg19[%swap3A_269, %swap3A_270] {strides = array<i32>} : memref<1x128xf32, #tpu.memory_space<vmem>>, vector<16xf32>,
        tpu.vector_store %arg19[%swap3A_269, %swap3A_270], %sub3A_254 {strides = array<i32>} : memref<1x128xf32, #tpu.memory_space<vmem>>, vector<16xf32>,
        %swap3A_272 = arith.constant 0 : i32
        %swap3A_273 = arith.index_cast %swap3A_272 : i32 to index
        %swap3A_274 = arith.constant 64 : index
        %swap3A_275 = tpu.vector_load %arg20[%swap3A_273, %swap3A_274] {strides = array<i32>} : memref<1x128xf32, #tpu.memory_space<vmem>>, vector<16xf32>,
        tpu.vector_store %arg20[%swap3A_273, %swap3A_274], %sub3A_263 {strides = array<i32>} : memref<1x128xf32, #tpu.memory_space<vmem>>, vector<16xf32>,
        %mul3A_276 = arith.mulf %sub3A_245, %sub3A_245 : vector<16xf32>
        %mul3A_277 = arith.mulf %sub3A_254, %sub3A_254 : vector<16xf32>
        %add3A_278 = arith.addf %mul3A_276, %mul3A_277 : vector<16xf32>
        %mul3A_279 = arith.mulf %sub3A_263, %sub3A_263 : vector<16xf32>
        %add3A_280 = arith.addf %add3A_278, %mul3A_279 : vector<16xf32>
        %swap3A_281 = arith.constant 0 : i32
        %swap3A_282 = arith.index_cast %swap3A_281 : i32 to index
        %swap3A_283 = arith.constant 64 : index
        %swap3A_284 = tpu.vector_load %arg21[%swap3A_282, %swap3A_283] {strides = array<i32>} : memref<1x128xf32, #tpu.memory_space<vmem>>, vector<16xf32>,
        tpu.vector_store %arg21[%swap3A_282, %swap3A_283], %add3A_280 {strides = array<i32>} : memref<1x128xf32, #tpu.memory_space<vmem>>, vector<16xf32>,
        %get3A_285 = arith.constant 80 : index
        %get3A_286 = tpu.vector_load %arg14[%get3A_285] {strides = array<i32>} : memref<128xi32, #tpu.memory_space<vmem>>, vector<16xi32>,
        %mul3A_287 = arith.constant 4 : i32
        %mul3A_288 = vector.broadcast %mul3A_287 : i32 to vector<16xi32>
        %mul3A_289 = arith.muli %get3A_286, %mul3A_288 : vector<16xi32>
        %get3A_290 = arith.constant 80 : index
        %get3A_291 = tpu.vector_load %arg15[%get3A_290] {strides = array<i32>} : memref<128xi32, #tpu.memory_space<vmem>>, vector<16xi32>,
        %mul3A_292 = arith.constant 4 : i32
        %mul3A_293 = vector.broadcast %mul3A_292 : i32 to vector<16xi32>
        %mul3A_294 = arith.muli %get3A_291, %mul3A_293 : vector<16xi32>
        %gather3A_295 = tpu.vector_load_idx %arg13[%mul3A_294] : memref<40000xf32, #tpu.memory_space<vmem>>[vector<16xi32>], vector<16xf32>,
        %gather3A_296 = tpu.vector_load_idx %arg13[%mul3A_289] : memref<40000xf32, #tpu.memory_space<vmem>>[vector<16xi32>], vector<16xf32>,
        %sub3A_297 = arith.subf %gather3A_295, %gather3A_296 : vector<16xf32>
        %add3A_298 = arith.constant 1 : i32
        %add3A_299 = vector.broadcast %add3A_298 : i32 to vector<16xi32>
        %add3A_300 = arith.addi %mul3A_294, %add3A_299 : vector<16xi32>
        %gather3A_301 = tpu.vector_load_idx %arg13[%add3A_300] : memref<40000xf32, #tpu.memory_space<vmem>>[vector<16xi32>], vector<16xf32>,
        %add3A_302 = arith.constant 1 : i32
        %add3A_303 = vector.broadcast %add3A_302 : i32 to vector<16xi32>
        %add3A_304 = arith.addi %mul3A_289, %add3A_303 : vector<16xi32>
        %gather3A_305 = tpu.vector_load_idx %arg13[%add3A_304] : memref<40000xf32, #tpu.memory_space<vmem>>[vector<16xi32>], vector<16xf32>,
        %sub3A_306 = arith.subf %gather3A_301, %gather3A_305 : vector<16xf32>
        %add3A_307 = arith.constant 2 : i32
        %add3A_308 = vector.broadcast %add3A_307 : i32 to vector<16xi32>
        %add3A_309 = arith.addi %mul3A_294, %add3A_308 : vector<16xi32>
        %gather3A_310 = tpu.vector_load_idx %arg13[%add3A_309] : memref<40000xf32, #tpu.memory_space<vmem>>[vector<16xi32>], vector<16xf32>,
        %add3A_311 = arith.constant 2 : i32
        %add3A_312 = vector.broadcast %add3A_311 : i32 to vector<16xi32>
        %add3A_313 = arith.addi %mul3A_289, %add3A_312 : vector<16xi32>
        %gather3A_314 = tpu.vector_load_idx %arg13[%add3A_313] : memref<40000xf32, #tpu.memory_space<vmem>>[vector<16xi32>], vector<16xf32>,
        %sub3A_315 = arith.subf %gather3A_310, %gather3A_314 : vector<16xf32>
        %swap3A_316 = arith.constant 0 : i32
        %swap3A_317 = arith.index_cast %swap3A_316 : i32 to index
        %swap3A_318 = arith.constant 80 : index
        %swap3A_319 = tpu.vector_load %arg18[%swap3A_317, %swap3A_318] {strides = array<i32>} : memref<1x128xf32, #tpu.memory_space<vmem>>, vector<16xf32>,
        tpu.vector_store %arg18[%swap3A_317, %swap3A_318], %sub3A_297 {strides = array<i32>} : memref<1x128xf32, #tpu.memory_space<vmem>>, vector<16xf32>,
        %swap3A_320 = arith.constant 0 : i32
        %swap3A_321 = arith.index_cast %swap3A_320 : i32 to index
        %swap3A_322 = arith.constant 80 : index
        %swap3A_323 = tpu.vector_load %arg19[%swap3A_321, %swap3A_322] {strides = array<i32>} : memref<1x128xf32, #tpu.memory_space<vmem>>, vector<16xf32>,
        tpu.vector_store %arg19[%swap3A_321, %swap3A_322], %sub3A_306 {strides = array<i32>} : memref<1x128xf32, #tpu.memory_space<vmem>>, vector<16xf32>,
        %swap3A_324 = arith.constant 0 : i32
        %swap3A_325 = arith.index_cast %swap3A_324 : i32 to index
        %swap3A_326 = arith.constant 80 : index
        %swap3A_327 = tpu.vector_load %arg20[%swap3A_325, %swap3A_326] {strides = array<i32>} : memref<1x128xf32, #tpu.memory_space<vmem>>, vector<16xf32>,
        tpu.vector_store %arg20[%swap3A_325, %swap3A_326], %sub3A_315 {strides = array<i32>} : memref<1x128xf32, #tpu.memory_space<vmem>>, vector<16xf32>,
        %mul3A_328 = arith.mulf %sub3A_297, %sub3A_297 : vector<16xf32>
        %mul3A_329 = arith.mulf %sub3A_306, %sub3A_306 : vector<16xf32>
        %add3A_330 = arith.addf %mul3A_328, %mul3A_329 : vector<16xf32>
        %mul3A_331 = arith.mulf %sub3A_315, %sub3A_315 : vector<16xf32>
        %add3A_332 = arith.addf %add3A_330, %mul3A_331 : vector<16xf32>
        %swap3A_333 = arith.constant 0 : i32
        %swap3A_334 = arith.index_cast %swap3A_333 : i32 to index
        %swap3A_335 = arith.constant 80 : index
        %swap3A_336 = tpu.vector_load %arg21[%swap3A_334, %swap3A_335] {strides = array<i32>} : memref<1x128xf32, #tpu.memory_space<vmem>>, vector<16xf32>,
        tpu.vector_store %arg21[%swap3A_334, %swap3A_335], %add3A_332 {strides = array<i32>} : memref<1x128xf32, #tpu.memory_space<vmem>>, vector<16xf32>,
        %get3A_337 = arith.constant 96 : index
        %get3A_338 = tpu.vector_load %arg14[%get3A_337] {strides = array<i32>} : memref<128xi32, #tpu.memory_space<vmem>>, vector<16xi32>,
        %mul3A_339 = arith.constant 4 : i32
        %mul3A_340 = vector.broadcast %mul3A_339 : i32 to vector<16xi32>
        %mul3A_341 = arith.muli %get3A_338, %mul3A_340 : vector<16xi32>
        %get3A_342 = arith.constant 96 : index
        %get3A_343 = tpu.vector_load %arg15[%get3A_342] {strides = array<i32>} : memref<128xi32, #tpu.memory_space<vmem>>, vector<16xi32>,
        %mul3A_344 = arith.constant 4 : i32
        %mul3A_345 = vector.broadcast %mul3A_344 : i32 to vector<16xi32>
        %mul3A_346 = arith.muli %get3A_343, %mul3A_345 : vector<16xi32>
        %gather3A_347 = tpu.vector_load_idx %arg13[%mul3A_346] : memref<40000xf32, #tpu.memory_space<vmem>>[vector<16xi32>], vector<16xf32>,
        %gather3A_348 = tpu.vector_load_idx %arg13[%mul3A_341] : memref<40000xf32, #tpu.memory_space<vmem>>[vector<16xi32>], vector<16xf32>,
        %sub3A_349 = arith.subf %gather3A_347, %gather3A_348 : vector<16xf32>
        %add3A_350 = arith.constant 1 : i32
        %add3A_351 = vector.broadcast %add3A_350 : i32 to vector<16xi32>
        %add3A_352 = arith.addi %mul3A_346, %add3A_351 : vector<16xi32>
        %gather3A_353 = tpu.vector_load_idx %arg13[%add3A_352] : memref<40000xf32, #tpu.memory_space<vmem>>[vector<16xi32>], vector<16xf32>,
        %add3A_354 = arith.constant 1 : i32
        %add3A_355 = vector.broadcast %add3A_354 : i32 to vector<16xi32>
        %add3A_356 = arith.addi %mul3A_341, %add3A_355 : vector<16xi32>
        %gather3A_357 = tpu.vector_load_idx %arg13[%add3A_356] : memref<40000xf32, #tpu.memory_space<vmem>>[vector<16xi32>], vector<16xf32>,
        %sub3A_358 = arith.subf %gather3A_353, %gather3A_357 : vector<16xf32>
        %add3A_359 = arith.constant 2 : i32
        %add3A_360 = vector.broadcast %add3A_359 : i32 to vector<16xi32>
        %add3A_361 = arith.addi %mul3A_346, %add3A_360 : vector<16xi32>
        %gather3A_362 = tpu.vector_load_idx %arg13[%add3A_361] : memref<40000xf32, #tpu.memory_space<vmem>>[vector<16xi32>], vector<16xf32>,
        %add3A_363 = arith.constant 2 : i32
        %add3A_364 = vector.broadcast %add3A_363 : i32 to vector<16xi32>
        %add3A_365 = arith.addi %mul3A_341, %add3A_364 : vector<16xi32>
        %gather3A_366 = tpu.vector_load_idx %arg13[%add3A_365] : memref<40000xf32, #tpu.memory_space<vmem>>[vector<16xi32>], vector<16xf32>,
        %sub3A_367 = arith.subf %gather3A_362, %gather3A_366 : vector<16xf32>
        %swap3A_368 = arith.constant 0 : i32
        %swap3A_369 = arith.index_cast %swap3A_368 : i32 to index
        %swap3A_370 = arith.constant 96 : index
        %swap3A_371 = tpu.vector_load %arg18[%swap3A_369, %swap3A_370] {strides = array<i32>} : memref<1x128xf32, #tpu.memory_space<vmem>>, vector<16xf32>,
        tpu.vector_store %arg18[%swap3A_369, %swap3A_370], %sub3A_349 {strides = array<i32>} : memref<1x128xf32, #tpu.memory_space<vmem>>, vector<16xf32>,
        %swap3A_372 = arith.constant 0 : i32
        %swap3A_373 = arith.index_cast %swap3A_372 : i32 to index
        %swap3A_374 = arith.constant 96 : index
        %swap3A_375 = tpu.vector_load %arg19[%swap3A_373, %swap3A_374] {strides = array<i32>} : memref<1x128xf32, #tpu.memory_space<vmem>>, vector<16xf32>,
        tpu.vector_store %arg19[%swap3A_373, %swap3A_374], %sub3A_358 {strides = array<i32>} : memref<1x128xf32, #tpu.memory_space<vmem>>, vector<16xf32>,
        %swap3A_376 = arith.constant 0 : i32
        %swap3A_377 = arith.index_cast %swap3A_376 : i32 to index
        %swap3A_378 = arith.constant 96 : index
        %swap3A_379 = tpu.vector_load %arg20[%swap3A_377, %swap3A_378] {strides = array<i32>} : memref<1x128xf32, #tpu.memory_space<vmem>>, vector<16xf32>,
        tpu.vector_store %arg20[%swap3A_377, %swap3A_378], %sub3A_367 {strides = array<i32>} : memref<1x128xf32, #tpu.memory_space<vmem>>, vector<16xf32>,
        %mul3A_380 = arith.mulf %sub3A_349, %sub3A_349 : vector<16xf32>
        %mul3A_381 = arith.mulf %sub3A_358, %sub3A_358 : vector<16xf32>
        %add3A_382 = arith.addf %mul3A_380, %mul3A_381 : vector<16xf32>
        %mul3A_383 = arith.mulf %sub3A_367, %sub3A_367 : vector<16xf32>
        %add3A_384 = arith.addf %add3A_382, %mul3A_383 : vector<16xf32>
        %swap3A_385 = arith.constant 0 : i32
        %swap3A_386 = arith.index_cast %swap3A_385 : i32 to index
        %swap3A_387 = arith.constant 96 : index
        %swap3A_388 = tpu.vector_load %arg21[%swap3A_386, %swap3A_387] {strides = array<i32>} : memref<1x128xf32, #tpu.memory_space<vmem>>, vector<16xf32>,
        tpu.vector_store %arg21[%swap3A_386, %swap3A_387], %add3A_384 {strides = array<i32>} : memref<1x128xf32, #tpu.memory_space<vmem>>, vector<16xf32>,
        %get3A_389 = arith.constant 112 : index
        %get3A_390 = tpu.vector_load %arg14[%get3A_389] {strides = array<i32>} : memref<128xi32, #tpu.memory_space<vmem>>, vector<16xi32>,
        %mul3A_391 = arith.constant 4 : i32
        %mul3A_392 = vector.broadcast %mul3A_391 : i32 to vector<16xi32>
        %mul3A_393 = arith.muli %get3A_390, %mul3A_392 : vector<16xi32>
        %get3A_394 = arith.constant 112 : index
        %get3A_395 = tpu.vector_load %arg15[%get3A_394] {strides = array<i32>} : memref<128xi32, #tpu.memory_space<vmem>>, vector<16xi32>,
        %mul3A_396 = arith.constant 4 : i32
        %mul3A_397 = vector.broadcast %mul3A_396 : i32 to vector<16xi32>
        %mul3A_398 = arith.muli %get3A_395, %mul3A_397 : vector<16xi32>
        %gather3A_399 = tpu.vector_load_idx %arg13[%mul3A_398] : memref<40000xf32, #tpu.memory_space<vmem>>[vector<16xi32>], vector<16xf32>,
        %gather3A_400 = tpu.vector_load_idx %arg13[%mul3A_393] : memref<40000xf32, #tpu.memory_space<vmem>>[vector<16xi32>], vector<16xf32>,
        %sub3A_401 = arith.subf %gather3A_399, %gather3A_400 : vector<16xf32>
        %add3A_402 = arith.constant 1 : i32
        %add3A_403 = vector.broadcast %add3A_402 : i32 to vector<16xi32>
        %add3A_404 = arith.addi %mul3A_398, %add3A_403 : vector<16xi32>
        %gather3A_405 = tpu.vector_load_idx %arg13[%add3A_404] : memref<40000xf32, #tpu.memory_space<vmem>>[vector<16xi32>], vector<16xf32>,
        %add3A_406 = arith.constant 1 : i32
        %add3A_407 = vector.broadcast %add3A_406 : i32 to vector<16xi32>
        %add3A_408 = arith.addi %mul3A_393, %add3A_407 : vector<16xi32>
        %gather3A_409 = tpu.vector_load_idx %arg13[%add3A_408] : memref<40000xf32, #tpu.memory_space<vmem>>[vector<16xi32>], vector<16xf32>,
        %sub3A_410 = arith.subf %gather3A_405, %gather3A_409 : vector<16xf32>
        %add3A_411 = arith.constant 2 : i32
        %add3A_412 = vector.broadcast %add3A_411 : i32 to vector<16xi32>
        %add3A_413 = arith.addi %mul3A_398, %add3A_412 : vector<16xi32>
        %gather3A_414 = tpu.vector_load_idx %arg13[%add3A_413] : memref<40000xf32, #tpu.memory_space<vmem>>[vector<16xi32>], vector<16xf32>,
        %add3A_415 = arith.constant 2 : i32
        %add3A_416 = vector.broadcast %add3A_415 : i32 to vector<16xi32>
        %add3A_417 = arith.addi %mul3A_393, %add3A_416 : vector<16xi32>
        %gather3A_418 = tpu.vector_load_idx %arg13[%add3A_417] : memref<40000xf32, #tpu.memory_space<vmem>>[vector<16xi32>], vector<16xf32>,
        %sub3A_419 = arith.subf %gather3A_414, %gather3A_418 : vector<16xf32>
        %swap3A_420 = arith.constant 0 : i32
        %swap3A_421 = arith.index_cast %swap3A_420 : i32 to index
        %swap3A_422 = arith.constant 112 : index
        %swap3A_423 = tpu.vector_load %arg18[%swap3A_421, %swap3A_422] {strides = array<i32>} : memref<1x128xf32, #tpu.memory_space<vmem>>, vector<16xf32>,
        tpu.vector_store %arg18[%swap3A_421, %swap3A_422], %sub3A_401 {strides = array<i32>} : memref<1x128xf32, #tpu.memory_space<vmem>>, vector<16xf32>,
        %swap3A_424 = arith.constant 0 : i32
        %swap3A_425 = arith.index_cast %swap3A_424 : i32 to index
        %swap3A_426 = arith.constant 112 : index
        %swap3A_427 = tpu.vector_load %arg19[%swap3A_425, %swap3A_426] {strides = array<i32>} : memref<1x128xf32, #tpu.memory_space<vmem>>, vector<16xf32>,
        tpu.vector_store %arg19[%swap3A_425, %swap3A_426], %sub3A_410 {strides = array<i32>} : memref<1x128xf32, #tpu.memory_space<vmem>>, vector<16xf32>,
        %swap3A_428 = arith.constant 0 : i32
        %swap3A_429 = arith.index_cast %swap3A_428 : i32 to index
        %swap3A_430 = arith.constant 112 : index
        %swap3A_431 = tpu.vector_load %arg20[%swap3A_429, %swap3A_430] {strides = array<i32>} : memref<1x128xf32, #tpu.memory_space<vmem>>, vector<16xf32>,
        tpu.vector_store %arg20[%swap3A_429, %swap3A_430], %sub3A_419 {strides = array<i32>} : memref<1x128xf32, #tpu.memory_space<vmem>>, vector<16xf32>,
        %mul3A_432 = arith.mulf %sub3A_401, %sub3A_401 : vector<16xf32>
        %mul3A_433 = arith.mulf %sub3A_410, %sub3A_410 : vector<16xf32>
        %add3A_434 = arith.addf %mul3A_432, %mul3A_433 : vector<16xf32>
        %mul3A_435 = arith.mulf %sub3A_419, %sub3A_419 : vector<16xf32>
        %add3A_436 = arith.addf %add3A_434, %mul3A_435 : vector<16xf32>
        %swap3A_437 = arith.constant 0 : i32
        %swap3A_438 = arith.index_cast %swap3A_437 : i32 to index
        %swap3A_439 = arith.constant 112 : index
        %swap3A_440 = tpu.vector_load %arg21[%swap3A_438, %swap3A_439] {strides = array<i32>} : memref<1x128xf32, #tpu.memory_space<vmem>>, vector<16xf32>,
        tpu.vector_store %arg21[%swap3A_438, %swap3A_439], %add3A_436 {strides = array<i32>} : memref<1x128xf32, #tpu.memory_space<vmem>>, vector<16xf32>,
        %jit3A = arith.constant 4 : i32
        %div3A = arith.divsi %add3A_11, %jit3A : i32
        %sign3A = arith.constant 0 : i32
        %sign3A_441 = arith.cmpi sgt, %add3A_11, %sign3A : i32
        %sign3A_442 = arith.extui %sign3A_441 : i1 to i32
        %sign3A_443 = arith.constant 0 : i32
        %sign3A_444 = arith.cmpi slt, %add3A_11, %sign3A_443 : i32
        %sign3A_445 = arith.extui %sign3A_444 : i1 to i32
        %sign3A_446 = arith.subi %sign3A_442, %sign3A_445 : i32
        %sign3A_447 = arith.constant 0 : i32
        %sign3A_448 = arith.cmpi sgt, %jit3A, %sign3A_447 : i32
        %sign3A_449 = arith.extui %sign3A_448 : i1 to i32
        %sign3A_450 = arith.constant 0 : i32
        %sign3A_451 = arith.cmpi slt, %jit3A, %sign3A_450 : i32
        %sign3A_452 = arith.extui %sign3A_451 : i1 to i32
        %sign3A_453 = arith.subi %sign3A_449, %sign3A_452 : i32
        %ne3A = arith.cmpi ne, %sign3A_446, %sign3A_453 : i32
        %rem3A = arith.remsi %add3A_11, %jit3A : i32
        %ne3A_454 = arith.constant 0 : i32
        %ne3A_455 = arith.cmpi ne, %rem3A, %ne3A_454 : i32
        %and3A = arith.andi %ne3A, %ne3A_455 : i1
        %sub3A_456 = arith.constant 1 : i32
        %sub3A_457 = arith.subi %div3A, %sub3A_456 : i32
        %select_n3A = arith.select %and3A, %sub3A_457, %div3A : i32
        %jit3A_458 = arith.constant 4 : i32
        %eq3A = arith.constant 0 : i32
        %eq3A_459 = arith.cmpi eq, %jit3A_458, %eq3A : i32
        %jit3A_460 = arith.constant 1 : i32
        %select_n3A_461 = arith.select %eq3A_459, %jit3A_460, %jit3A_458 : i32
        %rem3A_462 = arith.remsi %add3A_11, %select_n3A_461 : i32
        %ne3A_463 = arith.constant 0 : i32
        %ne3A_464 = arith.cmpi ne, %rem3A_462, %ne3A_463 : i32
        %lt3A_465 = arith.constant 0 : i32
        %lt3A_466 = arith.cmpi slt, %rem3A_462, %lt3A_465 : i32
        %lt3A_467 = arith.constant 0 : i32
        %lt3A_468 = arith.cmpi slt, %select_n3A_461, %lt3A_467 : i32
        %ne3A_469 = arith.xori %lt3A_466, %lt3A_468 : i1
        %and3A_470 = arith.andi %ne3A_469, %ne3A_464 : i1
        %add3A_471 = arith.addi %rem3A_462, %select_n3A_461 : i32
        %select_n3A_472 = arith.select %and3A_470, %add3A_471, %rem3A_462 : i32
        %mul3A_473 = arith.constant 128 : i32
        %mul3A_474 = arith.muli %select_n3A_472, %mul3A_473 : i32
        %dma_start3A_475 = arith.constant 0 : i32
        %dma_start3A_476 = tpu.memref_slice %arg9[%select_n3A, %dma_start3A_475, %mul3A_474] : memref<313x1x512xf32, #tpu.memory_space<hbm>> -> memref<1x1x128xf32, #tpu.memory_space<hbm>>
        %dma_start3A_477 = tpu.memref_squeeze %dma_start3A_476 : memref<1x1x128xf32, #tpu.memory_space<hbm>> -> memref<1x128xf32, #tpu.memory_space<hbm>>
        %dma_start3A_478 = arith.constant 0 : i32
        %dma_start3A_479 = tpu.memref_slice %arg9[%select_n3A, %dma_start3A_478, %mul3A_474] : memref<313x1x512xf32, #tpu.memory_space<hbm>> -> memref<1x1x128xf32, #tpu.memory_space<hbm>>
        %dma_start3A_480 = tpu.memref_squeeze %dma_start3A_479 : memref<1x1x128xf32, #tpu.memory_space<hbm>> -> memref<1x128xf32, #tpu.memory_space<hbm>>
        tpu.enqueue_dma source(%arg18 : memref<1x128xf32, #tpu.memory_space<vmem>>) target(%dma_start3A_480 : memref<1x128xf32, #tpu.memory_space<hbm>>) target_semaphore(%arg22 : memref<!tpu.dma_semaphore, #tpu.memory_space<semaphore_mem>>)
        %dma_start3A_481 = arith.constant 0 : i32
        %dma_start3A_482 = tpu.memref_slice %arg10[%select_n3A, %dma_start3A_481, %mul3A_474] : memref<313x1x512xf32, #tpu.memory_space<hbm>> -> memref<1x1x128xf32, #tpu.memory_space<hbm>>
        %dma_start3A_483 = tpu.memref_squeeze %dma_start3A_482 : memref<1x1x128xf32, #tpu.memory_space<hbm>> -> memref<1x128xf32, #tpu.memory_space<hbm>>
        %dma_start3A_484 = arith.constant 0 : i32
        %dma_start3A_485 = tpu.memref_slice %arg10[%select_n3A, %dma_start3A_484, %mul3A_474] : memref<313x1x512xf32, #tpu.memory_space<hbm>> -> memref<1x1x128xf32, #tpu.memory_space<hbm>>
        %dma_start3A_486 = tpu.memref_squeeze %dma_start3A_485 : memref<1x1x128xf32, #tpu.memory_space<hbm>> -> memref<1x128xf32, #tpu.memory_space<hbm>>
        tpu.enqueue_dma source(%arg19 : memref<1x128xf32, #tpu.memory_space<vmem>>) target(%dma_start3A_486 : memref<1x128xf32, #tpu.memory_space<hbm>>) target_semaphore(%arg22 : memref<!tpu.dma_semaphore, #tpu.memory_space<semaphore_mem>>)
        %dma_start3A_487 = arith.constant 0 : i32
        %dma_start3A_488 = tpu.memref_slice %arg11[%select_n3A, %dma_start3A_487, %mul3A_474] : memref<313x1x512xf32, #tpu.memory_space<hbm>> -> memref<1x1x128xf32, #tpu.memory_space<hbm>>
        %dma_start3A_489 = tpu.memref_squeeze %dma_start3A_488 : memref<1x1x128xf32, #tpu.memory_space<hbm>> -> memref<1x128xf32, #tpu.memory_space<hbm>>
        %dma_start3A_490 = arith.constant 0 : i32
        %dma_start3A_491 = tpu.memref_slice %arg11[%select_n3A, %dma_start3A_490, %mul3A_474] : memref<313x1x512xf32, #tpu.memory_space<hbm>> -> memref<1x1x128xf32, #tpu.memory_space<hbm>>
        %dma_start3A_492 = tpu.memref_squeeze %dma_start3A_491 : memref<1x1x128xf32, #tpu.memory_space<hbm>> -> memref<1x128xf32, #tpu.memory_space<hbm>>
        tpu.enqueue_dma source(%arg20 : memref<1x128xf32, #tpu.memory_space<vmem>>) target(%dma_start3A_492 : memref<1x128xf32, #tpu.memory_space<hbm>>) target_semaphore(%arg22 : memref<!tpu.dma_semaphore, #tpu.memory_space<semaphore_mem>>)
        %dma_start3A_493 = arith.constant 0 : i32
        %dma_start3A_494 = tpu.memref_slice %arg12[%select_n3A, %dma_start3A_493, %mul3A_474] : memref<313x1x512xf32, #tpu.memory_space<hbm>> -> memref<1x1x128xf32, #tpu.memory_space<hbm>>
        %dma_start3A_495 = tpu.memref_squeeze %dma_start3A_494 : memref<1x1x128xf32, #tpu.memory_space<hbm>> -> memref<1x128xf32, #tpu.memory_space<hbm>>
        %dma_start3A_496 = arith.constant 0 : i32
        %dma_start3A_497 = tpu.memref_slice %arg12[%select_n3A, %dma_start3A_496, %mul3A_474] : memref<313x1x512xf32, #tpu.memory_space<hbm>> -> memref<1x1x128xf32, #tpu.memory_space<hbm>>
        %dma_start3A_498 = tpu.memref_squeeze %dma_start3A_497 : memref<1x1x128xf32, #tpu.memory_space<hbm>> -> memref<1x128xf32, #tpu.memory_space<hbm>>
        tpu.enqueue_dma source(%arg21 : memref<1x128xf32, #tpu.memory_space<vmem>>) target(%dma_start3A_498 : memref<1x128xf32, #tpu.memory_space<hbm>>) target_semaphore(%arg22 : memref<!tpu.dma_semaphore, #tpu.memory_space<semaphore_mem>>)
        %dma_wait3A_499 = arith.constant 0 : i32
        %dma_wait3A_500 = arith.constant 0 : i32
        %dma_wait3A_501 = tpu.memref_slice %arg2[%dma_wait3A_499, %dma_wait3A_500] : memref<10240x128xf32, #tpu.memory_space<hbm>> -> memref<10240x128xf32, #tpu.memory_space<hbm>>
        tpu.wait_indirect_dma semaphore(%arg22 : memref<!tpu.dma_semaphore, #tpu.memory_space<semaphore_mem>>) src(%dma_wait3A_501 : memref<10240x128xf32, #tpu.memory_space<hbm>>) dst(%arg16 : memref<128x128xf32, #tpu.memory_space<vmem>>)
        %dma_wait3A_502 = arith.constant 0 : i32
        %dma_wait3A_503 = arith.constant 0 : i32
        %dma_wait3A_504 = tpu.memref_slice %arg6[%dma_wait3A_502, %dma_wait3A_503] : memref<10240x128xf32, #tpu.memory_space<hbm>> -> memref<10240x128xf32, #tpu.memory_space<hbm>>
        tpu.wait_indirect_dma semaphore(%arg22 : memref<!tpu.dma_semaphore, #tpu.memory_space<semaphore_mem>>) src(%dma_wait3A_504 : memref<10240x128xf32, #tpu.memory_space<hbm>>) dst(%arg17 : memref<128x128xf32, #tpu.memory_space<vmem>>)
        %dma_start3A_505 = arith.constant 0 : i32
        %dma_start3A_506 = tpu.memref_slice %arg7[%mul3A_16, %dma_start3A_505] : memref<160256x128xf32, #tpu.memory_space<hbm>> -> memref<128x128xf32, #tpu.memory_space<hbm>>
        %dma_start3A_507 = arith.constant 0 : i32
        %dma_start3A_508 = tpu.memref_slice %arg7[%mul3A_16, %dma_start3A_507] : memref<160256x128xf32, #tpu.memory_space<hbm>> -> memref<128x128xf32, #tpu.memory_space<hbm>>
        tpu.enqueue_dma source(%arg16 : memref<128x128xf32, #tpu.memory_space<vmem>>) target(%dma_start3A_508 : memref<128x128xf32, #tpu.memory_space<hbm>>) target_semaphore(%arg22 : memref<!tpu.dma_semaphore, #tpu.memory_space<semaphore_mem>>)
        %dma_start3A_509 = arith.constant 0 : i32
        %dma_start3A_510 = tpu.memref_slice %arg8[%mul3A_16, %dma_start3A_509] : memref<160256x128xf32, #tpu.memory_space<hbm>> -> memref<128x128xf32, #tpu.memory_space<hbm>>
        %dma_start3A_511 = arith.constant 0 : i32
        %dma_start3A_512 = tpu.memref_slice %arg8[%mul3A_16, %dma_start3A_511] : memref<160256x128xf32, #tpu.memory_space<hbm>> -> memref<128x128xf32, #tpu.memory_space<hbm>>
        tpu.enqueue_dma source(%arg17 : memref<128x128xf32, #tpu.memory_space<vmem>>) target(%dma_start3A_512 : memref<128x128xf32, #tpu.memory_space<hbm>>) target_semaphore(%arg22 : memref<!tpu.dma_semaphore, #tpu.memory_space<semaphore_mem>>)
        %dma_wait3A_513 = arith.constant 0 : i32
        %dma_wait3A_514 = tpu.memref_slice %arg9[%select_n3A, %dma_wait3A_513, %mul3A_474] : memref<313x1x512xf32, #tpu.memory_space<hbm>> -> memref<1x1x128xf32, #tpu.memory_space<hbm>>
        %dma_wait3A_515 = tpu.memref_squeeze %dma_wait3A_514 : memref<1x1x128xf32, #tpu.memory_space<hbm>> -> memref<1x128xf32, #tpu.memory_space<hbm>>
        %dma_wait3A_516 = arith.constant 0 : i32
        %dma_wait3A_517 = tpu.memref_slice %arg9[%select_n3A, %dma_wait3A_516, %mul3A_474] : memref<313x1x512xf32, #tpu.memory_space<hbm>> -> memref<1x1x128xf32, #tpu.memory_space<hbm>>
        %dma_wait3A_518 = tpu.memref_squeeze %dma_wait3A_517 : memref<1x1x128xf32, #tpu.memory_space<hbm>> -> memref<1x128xf32, #tpu.memory_space<hbm>>
        tpu.wait_dma2 semaphore(%arg22 : memref<!tpu.dma_semaphore, #tpu.memory_space<semaphore_mem>>) src(%arg18 : memref<1x128xf32, #tpu.memory_space<vmem>>) dst(%dma_wait3A_518 : memref<1x128xf32, #tpu.memory_space<hbm>>)
        %dma_wait3A_519 = arith.constant 0 : i32
        %dma_wait3A_520 = tpu.memref_slice %arg10[%select_n3A, %dma_wait3A_519, %mul3A_474] : memref<313x1x512xf32, #tpu.memory_space<hbm>> -> memref<1x1x128xf32, #tpu.memory_space<hbm>>
        %dma_wait3A_521 = tpu.memref_squeeze %dma_wait3A_520 : memref<1x1x128xf32, #tpu.memory_space<hbm>> -> memref<1x128xf32, #tpu.memory_space<hbm>>
        %dma_wait3A_522 = arith.constant 0 : i32
        %dma_wait3A_523 = tpu.memref_slice %arg10[%select_n3A, %dma_wait3A_522, %mul3A_474] : memref<313x1x512xf32, #tpu.memory_space<hbm>> -> memref<1x1x128xf32, #tpu.memory_space<hbm>>
        %dma_wait3A_524 = tpu.memref_squeeze %dma_wait3A_523 : memref<1x1x128xf32, #tpu.memory_space<hbm>> -> memref<1x128xf32, #tpu.memory_space<hbm>>
        tpu.wait_dma2 semaphore(%arg22 : memref<!tpu.dma_semaphore, #tpu.memory_space<semaphore_mem>>) src(%arg19 : memref<1x128xf32, #tpu.memory_space<vmem>>) dst(%dma_wait3A_524 : memref<1x128xf32, #tpu.memory_space<hbm>>)
        %dma_wait3A_525 = arith.constant 0 : i32
        %dma_wait3A_526 = tpu.memref_slice %arg11[%select_n3A, %dma_wait3A_525, %mul3A_474] : memref<313x1x512xf32, #tpu.memory_space<hbm>> -> memref<1x1x128xf32, #tpu.memory_space<hbm>>
        %dma_wait3A_527 = tpu.memref_squeeze %dma_wait3A_526 : memref<1x1x128xf32, #tpu.memory_space<hbm>> -> memref<1x128xf32, #tpu.memory_space<hbm>>
        %dma_wait3A_528 = arith.constant 0 : i32
        %dma_wait3A_529 = tpu.memref_slice %arg11[%select_n3A, %dma_wait3A_528, %mul3A_474] : memref<313x1x512xf32, #tpu.memory_space<hbm>> -> memref<1x1x128xf32, #tpu.memory_space<hbm>>
        %dma_wait3A_530 = tpu.memref_squeeze %dma_wait3A_529 : memref<1x1x128xf32, #tpu.memory_space<hbm>> -> memref<1x128xf32, #tpu.memory_space<hbm>>
        tpu.wait_dma2 semaphore(%arg22 : memref<!tpu.dma_semaphore, #tpu.memory_space<semaphore_mem>>) src(%arg20 : memref<1x128xf32, #tpu.memory_space<vmem>>) dst(%dma_wait3A_530 : memref<1x128xf32, #tpu.memory_space<hbm>>)
        %dma_wait3A_531 = arith.constant 0 : i32
        %dma_wait3A_532 = tpu.memref_slice %arg12[%select_n3A, %dma_wait3A_531, %mul3A_474] : memref<313x1x512xf32, #tpu.memory_space<hbm>> -> memref<1x1x128xf32, #tpu.memory_space<hbm>>
        %dma_wait3A_533 = tpu.memref_squeeze %dma_wait3A_532 : memref<1x1x128xf32, #tpu.memory_space<hbm>> -> memref<1x128xf32, #tpu.memory_space<hbm>>
        %dma_wait3A_534 = arith.constant 0 : i32
        %dma_wait3A_535 = tpu.memref_slice %arg12[%select_n3A, %dma_wait3A_534, %mul3A_474] : memref<313x1x512xf32, #tpu.memory_space<hbm>> -> memref<1x1x128xf32, #tpu.memory_space<hbm>>
        %dma_wait3A_536 = tpu.memref_squeeze %dma_wait3A_535 : memref<1x1x128xf32, #tpu.memory_space<hbm>> -> memref<1x128xf32, #tpu.memory_space<hbm>>
        tpu.wait_dma2 semaphore(%arg22 : memref<!tpu.dma_semaphore, #tpu.memory_space<semaphore_mem>>) src(%arg21 : memref<1x128xf32, #tpu.memory_space<vmem>>) dst(%dma_wait3A_536 : memref<1x128xf32, #tpu.memory_space<hbm>>)
        %dma_wait3A_537 = arith.constant 0 : i32
        %dma_wait3A_538 = tpu.memref_slice %arg7[%mul3A_16, %dma_wait3A_537] : memref<160256x128xf32, #tpu.memory_space<hbm>> -> memref<128x128xf32, #tpu.memory_space<hbm>>
        %dma_wait3A_539 = arith.constant 0 : i32
        %dma_wait3A_540 = tpu.memref_slice %arg7[%mul3A_16, %dma_wait3A_539] : memref<160256x128xf32, #tpu.memory_space<hbm>> -> memref<128x128xf32, #tpu.memory_space<hbm>>
        tpu.wait_dma2 semaphore(%arg22 : memref<!tpu.dma_semaphore, #tpu.memory_space<semaphore_mem>>) src(%arg16 : memref<128x128xf32, #tpu.memory_space<vmem>>) dst(%dma_wait3A_540 : memref<128x128xf32, #tpu.memory_space<hbm>>)
        %dma_wait3A_541 = arith.constant 0 : i32
        %dma_wait3A_542 = tpu.memref_slice %arg8[%mul3A_16, %dma_wait3A_541] : memref<160256x128xf32, #tpu.memory_space<hbm>> -> memref<128x128xf32, #tpu.memory_space<hbm>>
        %dma_wait3A_543 = arith.constant 0 : i32
        %dma_wait3A_544 = tpu.memref_slice %arg8[%mul3A_16, %dma_wait3A_543] : memref<160256x128xf32, #tpu.memory_space<hbm>> -> memref<128x128xf32, #tpu.memory_space<hbm>>
        tpu.wait_dma2 semaphore(%arg22 : memref<!tpu.dma_semaphore, #tpu.memory_space<semaphore_mem>>) src(%arg17 : memref<128x128xf32, #tpu.memory_space<vmem>>) dst(%dma_wait3A_544 : memref<128x128xf32, #tpu.memory_space<hbm>>)
      } else {
      }
      %scan3A_14 = arith.constant 0 : i32
      scf.yield %scan3A_14 : i32
    }
    %scan3A_6 = arith.constant 40 : i32
    return
  }
}

#map = affine_map<(d0, d1) -> (0, 0)>
#map1 = affine_map<(d0, d1) -> (0)>
#map2 = affine_map<(d0, d1) -> (0, 0, 0)>
module attributes {stable_mosaic.version = 14 : i64} {
  func.func @gather_k(%arg0: i32, %arg1: i32, %arg2: memref<10240x128xf32, #tpu.memory_space<hbm>>, %arg3: memref<40000xf32, #tpu.memory_space<hbm>>, %arg4: memref<159744xi32, #tpu.memory_space<hbm>>, %arg5: memref<159744xi32, #tpu.memory_space<hbm>>, %arg6: memref<10240x128xf32, #tpu.memory_space<hbm>>, %arg7: memref<159744x128xf32, #tpu.memory_space<hbm>>, %arg8: memref<159744x128xf32, #tpu.memory_space<hbm>>, %arg9: memref<312x1x512xf32, #tpu.memory_space<hbm>>, %arg10: memref<312x1x512xf32, #tpu.memory_space<hbm>>, %arg11: memref<312x1x512xf32, #tpu.memory_space<hbm>>, %arg12: memref<312x1x512xf32, #tpu.memory_space<hbm>>, %arg13: memref<40000xf32, #tpu.memory_space<vmem>>, %arg14: memref<128xi32, #tpu.memory_space<vmem>>, %arg15: memref<128xi32, #tpu.memory_space<vmem>>, %arg16: memref<128x128xf32, #tpu.memory_space<vmem>>, %arg17: memref<128x128xf32, #tpu.memory_space<vmem>>, %arg18: memref<1x128xf32, #tpu.memory_space<vmem>>, %arg19: memref<1x128xf32, #tpu.memory_space<vmem>>, %arg20: memref<1x128xf32, #tpu.memory_space<vmem>>, %arg21: memref<1x128xf32, #tpu.memory_space<vmem>>, %arg22: memref<!tpu.dma_semaphore, #tpu.memory_space<semaphore_mem>>) attributes {dimension_semantics = [#tpu.dimension_semantics<core_parallel>, #tpu.dimension_semantics<subcore_parallel>], iteration_bounds = array<i64: 2, 16>, scalar_prefetch = 0 : i64, scratch_operands = 10 : i64, tpu.core_type = #tpu.core_type<sc_vector_subcore>, window_params = [{transform_indices = #map}, {transform_indices = #map1}, {transform_indices = #map1}, {transform_indices = #map1}, {transform_indices = #map}, {transform_indices = #map}, {transform_indices = #map}, {transform_indices = #map2}, {transform_indices = #map2}, {transform_indices = #map2}, {transform_indices = #map2}]} {
    %mul3A = arith.constant 2 : i32
    %mul3A_0 = arith.muli %arg1, %mul3A : i32
    %add3A = arith.addi %mul3A_0, %arg0 : i32
    "tpu.region"() ({
      %run_scoped3A = tpu.sem_alloc : memref<!tpu.dma_semaphore, #tpu.memory_space<semaphore_mem>>
      tpu.enqueue_dma source(%arg3 : memref<40000xf32, #tpu.memory_space<hbm>>) target(%arg13 : memref<40000xf32, #tpu.memory_space<vmem>>) target_semaphore(%run_scoped3A : memref<!tpu.dma_semaphore, #tpu.memory_space<semaphore_mem>>)
      tpu.wait_dma2 semaphore(%run_scoped3A : memref<!tpu.dma_semaphore, #tpu.memory_space<semaphore_mem>>) src(%arg3 : memref<40000xf32, #tpu.memory_space<hbm>>) dst(%arg13 : memref<40000xf32, #tpu.memory_space<vmem>>)
      tpu.yield
    }) : () -> ()
    %scan3A = arith.constant 0 : i32
    %scan3A_1 = arith.constant 0 : i32
    %scan3A_2 = arith.constant 39 : i32
    %scan3A_3 = arith.addi %scan3A_1, %scan3A_2 : i32
    %scan3A_4 = arith.constant 1 : i32
    %scan3A_5 = scf.for %scan3A_7 = %scan3A_1 to %scan3A_3 step %scan3A_4 iter_args(%scan3A_8 = %scan3A) -> (i32)  : i32 {
      %mul3A_9 = arith.constant 32 : i32
      %mul3A_10 = arith.muli %scan3A_7, %mul3A_9 : i32
      %add3A_11 = arith.addi %add3A, %mul3A_10 : i32
      %lt3A = arith.constant 1248 : i32
      %lt3A_12 = arith.cmpi slt, %add3A_11, %lt3A : i32
      %convert_element_type3A = arith.extui %lt3A_12 : i1 to i32
      %cond3A = arith.constant 0 : i32
      %cond3A_13 = arith.cmpi ne, %convert_element_type3A, %cond3A : i32
      scf.if %cond3A_13 {
        %mul3A_15 = arith.constant 128 : i32
        %mul3A_16 = arith.muli %add3A_11, %mul3A_15 : i32
        %dma_start3A = tpu.memref_slice %arg4[%mul3A_16] : memref<159744xi32, #tpu.memory_space<hbm>> -> memref<128xi32, #tpu.memory_space<hbm>>
        %dma_start3A_17 = tpu.memref_slice %arg4[%mul3A_16] : memref<159744xi32, #tpu.memory_space<hbm>> -> memref<128xi32, #tpu.memory_space<hbm>>
        tpu.enqueue_dma source(%dma_start3A_17 : memref<128xi32, #tpu.memory_space<hbm>>) target(%arg14 : memref<128xi32, #tpu.memory_space<vmem>>) target_semaphore(%arg22 : memref<!tpu.dma_semaphore, #tpu.memory_space<semaphore_mem>>)
        %dma_start3A_18 = tpu.memref_slice %arg5[%mul3A_16] : memref<159744xi32, #tpu.memory_space<hbm>> -> memref<128xi32, #tpu.memory_space<hbm>>
        %dma_start3A_19 = tpu.memref_slice %arg5[%mul3A_16] : memref<159744xi32, #tpu.memory_space<hbm>> -> memref<128xi32, #tpu.memory_space<hbm>>
        tpu.enqueue_dma source(%dma_start3A_19 : memref<128xi32, #tpu.memory_space<hbm>>) target(%arg15 : memref<128xi32, #tpu.memory_space<vmem>>) target_semaphore(%arg22 : memref<!tpu.dma_semaphore, #tpu.memory_space<semaphore_mem>>)
        %dma_wait3A = tpu.memref_slice %arg4[%mul3A_16] : memref<159744xi32, #tpu.memory_space<hbm>> -> memref<128xi32, #tpu.memory_space<hbm>>
        %dma_wait3A_20 = tpu.memref_slice %arg4[%mul3A_16] : memref<159744xi32, #tpu.memory_space<hbm>> -> memref<128xi32, #tpu.memory_space<hbm>>
        tpu.wait_dma2 semaphore(%arg22 : memref<!tpu.dma_semaphore, #tpu.memory_space<semaphore_mem>>) src(%dma_wait3A_20 : memref<128xi32, #tpu.memory_space<hbm>>) dst(%arg14 : memref<128xi32, #tpu.memory_space<vmem>>)
        %dma_wait3A_21 = tpu.memref_slice %arg5[%mul3A_16] : memref<159744xi32, #tpu.memory_space<hbm>> -> memref<128xi32, #tpu.memory_space<hbm>>
        %dma_wait3A_22 = tpu.memref_slice %arg5[%mul3A_16] : memref<159744xi32, #tpu.memory_space<hbm>> -> memref<128xi32, #tpu.memory_space<hbm>>
        tpu.wait_dma2 semaphore(%arg22 : memref<!tpu.dma_semaphore, #tpu.memory_space<semaphore_mem>>) src(%dma_wait3A_22 : memref<128xi32, #tpu.memory_space<hbm>>) dst(%arg15 : memref<128xi32, #tpu.memory_space<vmem>>)
        %dma_start3A_23 = arith.constant 0 : i32
        %dma_start3A_24 = arith.constant 0 : i32
        %dma_start3A_25 = tpu.memref_slice %arg2[%dma_start3A_23, %dma_start3A_24] : memref<10240x128xf32, #tpu.memory_space<hbm>> -> memref<10240x128xf32, #tpu.memory_space<hbm>>
        tpu.enqueue_indirect_dma source(%dma_start3A_25 : memref<10240x128xf32, #tpu.memory_space<hbm>>) target(%arg16 : memref<128x128xf32, #tpu.memory_space<vmem>>) offsets(%arg15 : memref<128xi32, #tpu.memory_space<vmem>>) semaphore(%arg22 : memref<!tpu.dma_semaphore, #tpu.memory_space<semaphore_mem>>)
        %dma_start3A_26 = arith.constant 0 : i32
        %dma_start3A_27 = arith.constant 0 : i32
        %dma_start3A_28 = tpu.memref_slice %arg6[%dma_start3A_26, %dma_start3A_27] : memref<10240x128xf32, #tpu.memory_space<hbm>> -> memref<10240x128xf32, #tpu.memory_space<hbm>>
        tpu.enqueue_indirect_dma source(%dma_start3A_28 : memref<10240x128xf32, #tpu.memory_space<hbm>>) target(%arg17 : memref<128x128xf32, #tpu.memory_space<vmem>>) offsets(%arg14 : memref<128xi32, #tpu.memory_space<vmem>>) semaphore(%arg22 : memref<!tpu.dma_semaphore, #tpu.memory_space<semaphore_mem>>)
        %get3A = arith.constant 0 : index
        %get3A_29 = tpu.vector_load %arg14[%get3A] {strides = array<i32>} : memref<128xi32, #tpu.memory_space<vmem>>, vector<16xi32>,
        %mul3A_30 = arith.constant 4 : i32
        %mul3A_31 = vector.broadcast %mul3A_30 : i32 to vector<16xi32>
        %mul3A_32 = arith.muli %get3A_29, %mul3A_31 : vector<16xi32>
        %get3A_33 = arith.constant 0 : index
        %get3A_34 = tpu.vector_load %arg15[%get3A_33] {strides = array<i32>} : memref<128xi32, #tpu.memory_space<vmem>>, vector<16xi32>,
        %mul3A_35 = arith.constant 4 : i32
        %mul3A_36 = vector.broadcast %mul3A_35 : i32 to vector<16xi32>
        %mul3A_37 = arith.muli %get3A_34, %mul3A_36 : vector<16xi32>
        %gather3A = tpu.vector_load_idx %arg13[%mul3A_37] : memref<40000xf32, #tpu.memory_space<vmem>>[vector<16xi32>], vector<16xf32>,
        %gather3A_38 = tpu.vector_load_idx %arg13[%mul3A_32] : memref<40000xf32, #tpu.memory_space<vmem>>[vector<16xi32>], vector<16xf32>,
        %sub3A = arith.subf %gather3A, %gather3A_38 : vector<16xf32>
        %add3A_39 = arith.constant 1 : i32
        %add3A_40 = vector.broadcast %add3A_39 : i32 to vector<16xi32>
        %add3A_41 = arith.addi %mul3A_37, %add3A_40 : vector<16xi32>
        %gather3A_42 = tpu.vector_load_idx %arg13[%add3A_41] : memref<40000xf32, #tpu.memory_space<vmem>>[vector<16xi32>], vector<16xf32>,
        %add3A_43 = arith.constant 1 : i32
        %add3A_44 = vector.broadcast %add3A_43 : i32 to vector<16xi32>
        %add3A_45 = arith.addi %mul3A_32, %add3A_44 : vector<16xi32>
        %gather3A_46 = tpu.vector_load_idx %arg13[%add3A_45] : memref<40000xf32, #tpu.memory_space<vmem>>[vector<16xi32>], vector<16xf32>,
        %sub3A_47 = arith.subf %gather3A_42, %gather3A_46 : vector<16xf32>
        %add3A_48 = arith.constant 2 : i32
        %add3A_49 = vector.broadcast %add3A_48 : i32 to vector<16xi32>
        %add3A_50 = arith.addi %mul3A_37, %add3A_49 : vector<16xi32>
        %gather3A_51 = tpu.vector_load_idx %arg13[%add3A_50] : memref<40000xf32, #tpu.memory_space<vmem>>[vector<16xi32>], vector<16xf32>,
        %add3A_52 = arith.constant 2 : i32
        %add3A_53 = vector.broadcast %add3A_52 : i32 to vector<16xi32>
        %add3A_54 = arith.addi %mul3A_32, %add3A_53 : vector<16xi32>
        %gather3A_55 = tpu.vector_load_idx %arg13[%add3A_54] : memref<40000xf32, #tpu.memory_space<vmem>>[vector<16xi32>], vector<16xf32>,
        %sub3A_56 = arith.subf %gather3A_51, %gather3A_55 : vector<16xf32>
        %swap3A = arith.constant 0 : i32
        %swap3A_57 = arith.index_cast %swap3A : i32 to index
        %swap3A_58 = arith.constant 0 : index
        %swap3A_59 = tpu.vector_load %arg18[%swap3A_57, %swap3A_58] {strides = array<i32>} : memref<1x128xf32, #tpu.memory_space<vmem>>, vector<16xf32>,
        tpu.vector_store %arg18[%swap3A_57, %swap3A_58], %sub3A {strides = array<i32>} : memref<1x128xf32, #tpu.memory_space<vmem>>, vector<16xf32>,
        %swap3A_60 = arith.constant 0 : i32
        %swap3A_61 = arith.index_cast %swap3A_60 : i32 to index
        %swap3A_62 = arith.constant 0 : index
        %swap3A_63 = tpu.vector_load %arg19[%swap3A_61, %swap3A_62] {strides = array<i32>} : memref<1x128xf32, #tpu.memory_space<vmem>>, vector<16xf32>,
        tpu.vector_store %arg19[%swap3A_61, %swap3A_62], %sub3A_47 {strides = array<i32>} : memref<1x128xf32, #tpu.memory_space<vmem>>, vector<16xf32>,
        %swap3A_64 = arith.constant 0 : i32
        %swap3A_65 = arith.index_cast %swap3A_64 : i32 to index
        %swap3A_66 = arith.constant 0 : index
        %swap3A_67 = tpu.vector_load %arg20[%swap3A_65, %swap3A_66] {strides = array<i32>} : memref<1x128xf32, #tpu.memory_space<vmem>>, vector<16xf32>,
        tpu.vector_store %arg20[%swap3A_65, %swap3A_66], %sub3A_56 {strides = array<i32>} : memref<1x128xf32, #tpu.memory_space<vmem>>, vector<16xf32>,
        %mul3A_68 = arith.mulf %sub3A, %sub3A : vector<16xf32>
        %mul3A_69 = arith.mulf %sub3A_47, %sub3A_47 : vector<16xf32>
        %add3A_70 = arith.addf %mul3A_68, %mul3A_69 : vector<16xf32>
        %mul3A_71 = arith.mulf %sub3A_56, %sub3A_56 : vector<16xf32>
        %add3A_72 = arith.addf %add3A_70, %mul3A_71 : vector<16xf32>
        %swap3A_73 = arith.constant 0 : i32
        %swap3A_74 = arith.index_cast %swap3A_73 : i32 to index
        %swap3A_75 = arith.constant 0 : index
        %swap3A_76 = tpu.vector_load %arg21[%swap3A_74, %swap3A_75] {strides = array<i32>} : memref<1x128xf32, #tpu.memory_space<vmem>>, vector<16xf32>,
        tpu.vector_store %arg21[%swap3A_74, %swap3A_75], %add3A_72 {strides = array<i32>} : memref<1x128xf32, #tpu.memory_space<vmem>>, vector<16xf32>,
        %get3A_77 = arith.constant 16 : index
        %get3A_78 = tpu.vector_load %arg14[%get3A_77] {strides = array<i32>} : memref<128xi32, #tpu.memory_space<vmem>>, vector<16xi32>,
        %mul3A_79 = arith.constant 4 : i32
        %mul3A_80 = vector.broadcast %mul3A_79 : i32 to vector<16xi32>
        %mul3A_81 = arith.muli %get3A_78, %mul3A_80 : vector<16xi32>
        %get3A_82 = arith.constant 16 : index
        %get3A_83 = tpu.vector_load %arg15[%get3A_82] {strides = array<i32>} : memref<128xi32, #tpu.memory_space<vmem>>, vector<16xi32>,
        %mul3A_84 = arith.constant 4 : i32
        %mul3A_85 = vector.broadcast %mul3A_84 : i32 to vector<16xi32>
        %mul3A_86 = arith.muli %get3A_83, %mul3A_85 : vector<16xi32>
        %gather3A_87 = tpu.vector_load_idx %arg13[%mul3A_86] : memref<40000xf32, #tpu.memory_space<vmem>>[vector<16xi32>], vector<16xf32>,
        %gather3A_88 = tpu.vector_load_idx %arg13[%mul3A_81] : memref<40000xf32, #tpu.memory_space<vmem>>[vector<16xi32>], vector<16xf32>,
        %sub3A_89 = arith.subf %gather3A_87, %gather3A_88 : vector<16xf32>
        %add3A_90 = arith.constant 1 : i32
        %add3A_91 = vector.broadcast %add3A_90 : i32 to vector<16xi32>
        %add3A_92 = arith.addi %mul3A_86, %add3A_91 : vector<16xi32>
        %gather3A_93 = tpu.vector_load_idx %arg13[%add3A_92] : memref<40000xf32, #tpu.memory_space<vmem>>[vector<16xi32>], vector<16xf32>,
        %add3A_94 = arith.constant 1 : i32
        %add3A_95 = vector.broadcast %add3A_94 : i32 to vector<16xi32>
        %add3A_96 = arith.addi %mul3A_81, %add3A_95 : vector<16xi32>
        %gather3A_97 = tpu.vector_load_idx %arg13[%add3A_96] : memref<40000xf32, #tpu.memory_space<vmem>>[vector<16xi32>], vector<16xf32>,
        %sub3A_98 = arith.subf %gather3A_93, %gather3A_97 : vector<16xf32>
        %add3A_99 = arith.constant 2 : i32
        %add3A_100 = vector.broadcast %add3A_99 : i32 to vector<16xi32>
        %add3A_101 = arith.addi %mul3A_86, %add3A_100 : vector<16xi32>
        %gather3A_102 = tpu.vector_load_idx %arg13[%add3A_101] : memref<40000xf32, #tpu.memory_space<vmem>>[vector<16xi32>], vector<16xf32>,
        %add3A_103 = arith.constant 2 : i32
        %add3A_104 = vector.broadcast %add3A_103 : i32 to vector<16xi32>
        %add3A_105 = arith.addi %mul3A_81, %add3A_104 : vector<16xi32>
        %gather3A_106 = tpu.vector_load_idx %arg13[%add3A_105] : memref<40000xf32, #tpu.memory_space<vmem>>[vector<16xi32>], vector<16xf32>,
        %sub3A_107 = arith.subf %gather3A_102, %gather3A_106 : vector<16xf32>
        %swap3A_108 = arith.constant 0 : i32
        %swap3A_109 = arith.index_cast %swap3A_108 : i32 to index
        %swap3A_110 = arith.constant 16 : index
        %swap3A_111 = tpu.vector_load %arg18[%swap3A_109, %swap3A_110] {strides = array<i32>} : memref<1x128xf32, #tpu.memory_space<vmem>>, vector<16xf32>,
        tpu.vector_store %arg18[%swap3A_109, %swap3A_110], %sub3A_89 {strides = array<i32>} : memref<1x128xf32, #tpu.memory_space<vmem>>, vector<16xf32>,
        %swap3A_112 = arith.constant 0 : i32
        %swap3A_113 = arith.index_cast %swap3A_112 : i32 to index
        %swap3A_114 = arith.constant 16 : index
        %swap3A_115 = tpu.vector_load %arg19[%swap3A_113, %swap3A_114] {strides = array<i32>} : memref<1x128xf32, #tpu.memory_space<vmem>>, vector<16xf32>,
        tpu.vector_store %arg19[%swap3A_113, %swap3A_114], %sub3A_98 {strides = array<i32>} : memref<1x128xf32, #tpu.memory_space<vmem>>, vector<16xf32>,
        %swap3A_116 = arith.constant 0 : i32
        %swap3A_117 = arith.index_cast %swap3A_116 : i32 to index
        %swap3A_118 = arith.constant 16 : index
        %swap3A_119 = tpu.vector_load %arg20[%swap3A_117, %swap3A_118] {strides = array<i32>} : memref<1x128xf32, #tpu.memory_space<vmem>>, vector<16xf32>,
        tpu.vector_store %arg20[%swap3A_117, %swap3A_118], %sub3A_107 {strides = array<i32>} : memref<1x128xf32, #tpu.memory_space<vmem>>, vector<16xf32>,
        %mul3A_120 = arith.mulf %sub3A_89, %sub3A_89 : vector<16xf32>
        %mul3A_121 = arith.mulf %sub3A_98, %sub3A_98 : vector<16xf32>
        %add3A_122 = arith.addf %mul3A_120, %mul3A_121 : vector<16xf32>
        %mul3A_123 = arith.mulf %sub3A_107, %sub3A_107 : vector<16xf32>
        %add3A_124 = arith.addf %add3A_122, %mul3A_123 : vector<16xf32>
        %swap3A_125 = arith.constant 0 : i32
        %swap3A_126 = arith.index_cast %swap3A_125 : i32 to index
        %swap3A_127 = arith.constant 16 : index
        %swap3A_128 = tpu.vector_load %arg21[%swap3A_126, %swap3A_127] {strides = array<i32>} : memref<1x128xf32, #tpu.memory_space<vmem>>, vector<16xf32>,
        tpu.vector_store %arg21[%swap3A_126, %swap3A_127], %add3A_124 {strides = array<i32>} : memref<1x128xf32, #tpu.memory_space<vmem>>, vector<16xf32>,
        %get3A_129 = arith.constant 32 : index
        %get3A_130 = tpu.vector_load %arg14[%get3A_129] {strides = array<i32>} : memref<128xi32, #tpu.memory_space<vmem>>, vector<16xi32>,
        %mul3A_131 = arith.constant 4 : i32
        %mul3A_132 = vector.broadcast %mul3A_131 : i32 to vector<16xi32>
        %mul3A_133 = arith.muli %get3A_130, %mul3A_132 : vector<16xi32>
        %get3A_134 = arith.constant 32 : index
        %get3A_135 = tpu.vector_load %arg15[%get3A_134] {strides = array<i32>} : memref<128xi32, #tpu.memory_space<vmem>>, vector<16xi32>,
        %mul3A_136 = arith.constant 4 : i32
        %mul3A_137 = vector.broadcast %mul3A_136 : i32 to vector<16xi32>
        %mul3A_138 = arith.muli %get3A_135, %mul3A_137 : vector<16xi32>
        %gather3A_139 = tpu.vector_load_idx %arg13[%mul3A_138] : memref<40000xf32, #tpu.memory_space<vmem>>[vector<16xi32>], vector<16xf32>,
        %gather3A_140 = tpu.vector_load_idx %arg13[%mul3A_133] : memref<40000xf32, #tpu.memory_space<vmem>>[vector<16xi32>], vector<16xf32>,
        %sub3A_141 = arith.subf %gather3A_139, %gather3A_140 : vector<16xf32>
        %add3A_142 = arith.constant 1 : i32
        %add3A_143 = vector.broadcast %add3A_142 : i32 to vector<16xi32>
        %add3A_144 = arith.addi %mul3A_138, %add3A_143 : vector<16xi32>
        %gather3A_145 = tpu.vector_load_idx %arg13[%add3A_144] : memref<40000xf32, #tpu.memory_space<vmem>>[vector<16xi32>], vector<16xf32>,
        %add3A_146 = arith.constant 1 : i32
        %add3A_147 = vector.broadcast %add3A_146 : i32 to vector<16xi32>
        %add3A_148 = arith.addi %mul3A_133, %add3A_147 : vector<16xi32>
        %gather3A_149 = tpu.vector_load_idx %arg13[%add3A_148] : memref<40000xf32, #tpu.memory_space<vmem>>[vector<16xi32>], vector<16xf32>,
        %sub3A_150 = arith.subf %gather3A_145, %gather3A_149 : vector<16xf32>
        %add3A_151 = arith.constant 2 : i32
        %add3A_152 = vector.broadcast %add3A_151 : i32 to vector<16xi32>
        %add3A_153 = arith.addi %mul3A_138, %add3A_152 : vector<16xi32>
        %gather3A_154 = tpu.vector_load_idx %arg13[%add3A_153] : memref<40000xf32, #tpu.memory_space<vmem>>[vector<16xi32>], vector<16xf32>,
        %add3A_155 = arith.constant 2 : i32
        %add3A_156 = vector.broadcast %add3A_155 : i32 to vector<16xi32>
        %add3A_157 = arith.addi %mul3A_133, %add3A_156 : vector<16xi32>
        %gather3A_158 = tpu.vector_load_idx %arg13[%add3A_157] : memref<40000xf32, #tpu.memory_space<vmem>>[vector<16xi32>], vector<16xf32>,
        %sub3A_159 = arith.subf %gather3A_154, %gather3A_158 : vector<16xf32>
        %swap3A_160 = arith.constant 0 : i32
        %swap3A_161 = arith.index_cast %swap3A_160 : i32 to index
        %swap3A_162 = arith.constant 32 : index
        %swap3A_163 = tpu.vector_load %arg18[%swap3A_161, %swap3A_162] {strides = array<i32>} : memref<1x128xf32, #tpu.memory_space<vmem>>, vector<16xf32>,
        tpu.vector_store %arg18[%swap3A_161, %swap3A_162], %sub3A_141 {strides = array<i32>} : memref<1x128xf32, #tpu.memory_space<vmem>>, vector<16xf32>,
        %swap3A_164 = arith.constant 0 : i32
        %swap3A_165 = arith.index_cast %swap3A_164 : i32 to index
        %swap3A_166 = arith.constant 32 : index
        %swap3A_167 = tpu.vector_load %arg19[%swap3A_165, %swap3A_166] {strides = array<i32>} : memref<1x128xf32, #tpu.memory_space<vmem>>, vector<16xf32>,
        tpu.vector_store %arg19[%swap3A_165, %swap3A_166], %sub3A_150 {strides = array<i32>} : memref<1x128xf32, #tpu.memory_space<vmem>>, vector<16xf32>,
        %swap3A_168 = arith.constant 0 : i32
        %swap3A_169 = arith.index_cast %swap3A_168 : i32 to index
        %swap3A_170 = arith.constant 32 : index
        %swap3A_171 = tpu.vector_load %arg20[%swap3A_169, %swap3A_170] {strides = array<i32>} : memref<1x128xf32, #tpu.memory_space<vmem>>, vector<16xf32>,
        tpu.vector_store %arg20[%swap3A_169, %swap3A_170], %sub3A_159 {strides = array<i32>} : memref<1x128xf32, #tpu.memory_space<vmem>>, vector<16xf32>,
        %mul3A_172 = arith.mulf %sub3A_141, %sub3A_141 : vector<16xf32>
        %mul3A_173 = arith.mulf %sub3A_150, %sub3A_150 : vector<16xf32>
        %add3A_174 = arith.addf %mul3A_172, %mul3A_173 : vector<16xf32>
        %mul3A_175 = arith.mulf %sub3A_159, %sub3A_159 : vector<16xf32>
        %add3A_176 = arith.addf %add3A_174, %mul3A_175 : vector<16xf32>
        %swap3A_177 = arith.constant 0 : i32
        %swap3A_178 = arith.index_cast %swap3A_177 : i32 to index
        %swap3A_179 = arith.constant 32 : index
        %swap3A_180 = tpu.vector_load %arg21[%swap3A_178, %swap3A_179] {strides = array<i32>} : memref<1x128xf32, #tpu.memory_space<vmem>>, vector<16xf32>,
        tpu.vector_store %arg21[%swap3A_178, %swap3A_179], %add3A_176 {strides = array<i32>} : memref<1x128xf32, #tpu.memory_space<vmem>>, vector<16xf32>,
        %get3A_181 = arith.constant 48 : index
        %get3A_182 = tpu.vector_load %arg14[%get3A_181] {strides = array<i32>} : memref<128xi32, #tpu.memory_space<vmem>>, vector<16xi32>,
        %mul3A_183 = arith.constant 4 : i32
        %mul3A_184 = vector.broadcast %mul3A_183 : i32 to vector<16xi32>
        %mul3A_185 = arith.muli %get3A_182, %mul3A_184 : vector<16xi32>
        %get3A_186 = arith.constant 48 : index
        %get3A_187 = tpu.vector_load %arg15[%get3A_186] {strides = array<i32>} : memref<128xi32, #tpu.memory_space<vmem>>, vector<16xi32>,
        %mul3A_188 = arith.constant 4 : i32
        %mul3A_189 = vector.broadcast %mul3A_188 : i32 to vector<16xi32>
        %mul3A_190 = arith.muli %get3A_187, %mul3A_189 : vector<16xi32>
        %gather3A_191 = tpu.vector_load_idx %arg13[%mul3A_190] : memref<40000xf32, #tpu.memory_space<vmem>>[vector<16xi32>], vector<16xf32>,
        %gather3A_192 = tpu.vector_load_idx %arg13[%mul3A_185] : memref<40000xf32, #tpu.memory_space<vmem>>[vector<16xi32>], vector<16xf32>,
        %sub3A_193 = arith.subf %gather3A_191, %gather3A_192 : vector<16xf32>
        %add3A_194 = arith.constant 1 : i32
        %add3A_195 = vector.broadcast %add3A_194 : i32 to vector<16xi32>
        %add3A_196 = arith.addi %mul3A_190, %add3A_195 : vector<16xi32>
        %gather3A_197 = tpu.vector_load_idx %arg13[%add3A_196] : memref<40000xf32, #tpu.memory_space<vmem>>[vector<16xi32>], vector<16xf32>,
        %add3A_198 = arith.constant 1 : i32
        %add3A_199 = vector.broadcast %add3A_198 : i32 to vector<16xi32>
        %add3A_200 = arith.addi %mul3A_185, %add3A_199 : vector<16xi32>
        %gather3A_201 = tpu.vector_load_idx %arg13[%add3A_200] : memref<40000xf32, #tpu.memory_space<vmem>>[vector<16xi32>], vector<16xf32>,
        %sub3A_202 = arith.subf %gather3A_197, %gather3A_201 : vector<16xf32>
        %add3A_203 = arith.constant 2 : i32
        %add3A_204 = vector.broadcast %add3A_203 : i32 to vector<16xi32>
        %add3A_205 = arith.addi %mul3A_190, %add3A_204 : vector<16xi32>
        %gather3A_206 = tpu.vector_load_idx %arg13[%add3A_205] : memref<40000xf32, #tpu.memory_space<vmem>>[vector<16xi32>], vector<16xf32>,
        %add3A_207 = arith.constant 2 : i32
        %add3A_208 = vector.broadcast %add3A_207 : i32 to vector<16xi32>
        %add3A_209 = arith.addi %mul3A_185, %add3A_208 : vector<16xi32>
        %gather3A_210 = tpu.vector_load_idx %arg13[%add3A_209] : memref<40000xf32, #tpu.memory_space<vmem>>[vector<16xi32>], vector<16xf32>,
        %sub3A_211 = arith.subf %gather3A_206, %gather3A_210 : vector<16xf32>
        %swap3A_212 = arith.constant 0 : i32
        %swap3A_213 = arith.index_cast %swap3A_212 : i32 to index
        %swap3A_214 = arith.constant 48 : index
        %swap3A_215 = tpu.vector_load %arg18[%swap3A_213, %swap3A_214] {strides = array<i32>} : memref<1x128xf32, #tpu.memory_space<vmem>>, vector<16xf32>,
        tpu.vector_store %arg18[%swap3A_213, %swap3A_214], %sub3A_193 {strides = array<i32>} : memref<1x128xf32, #tpu.memory_space<vmem>>, vector<16xf32>,
        %swap3A_216 = arith.constant 0 : i32
        %swap3A_217 = arith.index_cast %swap3A_216 : i32 to index
        %swap3A_218 = arith.constant 48 : index
        %swap3A_219 = tpu.vector_load %arg19[%swap3A_217, %swap3A_218] {strides = array<i32>} : memref<1x128xf32, #tpu.memory_space<vmem>>, vector<16xf32>,
        tpu.vector_store %arg19[%swap3A_217, %swap3A_218], %sub3A_202 {strides = array<i32>} : memref<1x128xf32, #tpu.memory_space<vmem>>, vector<16xf32>,
        %swap3A_220 = arith.constant 0 : i32
        %swap3A_221 = arith.index_cast %swap3A_220 : i32 to index
        %swap3A_222 = arith.constant 48 : index
        %swap3A_223 = tpu.vector_load %arg20[%swap3A_221, %swap3A_222] {strides = array<i32>} : memref<1x128xf32, #tpu.memory_space<vmem>>, vector<16xf32>,
        tpu.vector_store %arg20[%swap3A_221, %swap3A_222], %sub3A_211 {strides = array<i32>} : memref<1x128xf32, #tpu.memory_space<vmem>>, vector<16xf32>,
        %mul3A_224 = arith.mulf %sub3A_193, %sub3A_193 : vector<16xf32>
        %mul3A_225 = arith.mulf %sub3A_202, %sub3A_202 : vector<16xf32>
        %add3A_226 = arith.addf %mul3A_224, %mul3A_225 : vector<16xf32>
        %mul3A_227 = arith.mulf %sub3A_211, %sub3A_211 : vector<16xf32>
        %add3A_228 = arith.addf %add3A_226, %mul3A_227 : vector<16xf32>
        %swap3A_229 = arith.constant 0 : i32
        %swap3A_230 = arith.index_cast %swap3A_229 : i32 to index
        %swap3A_231 = arith.constant 48 : index
        %swap3A_232 = tpu.vector_load %arg21[%swap3A_230, %swap3A_231] {strides = array<i32>} : memref<1x128xf32, #tpu.memory_space<vmem>>, vector<16xf32>,
        tpu.vector_store %arg21[%swap3A_230, %swap3A_231], %add3A_228 {strides = array<i32>} : memref<1x128xf32, #tpu.memory_space<vmem>>, vector<16xf32>,
        %get3A_233 = arith.constant 64 : index
        %get3A_234 = tpu.vector_load %arg14[%get3A_233] {strides = array<i32>} : memref<128xi32, #tpu.memory_space<vmem>>, vector<16xi32>,
        %mul3A_235 = arith.constant 4 : i32
        %mul3A_236 = vector.broadcast %mul3A_235 : i32 to vector<16xi32>
        %mul3A_237 = arith.muli %get3A_234, %mul3A_236 : vector<16xi32>
        %get3A_238 = arith.constant 64 : index
        %get3A_239 = tpu.vector_load %arg15[%get3A_238] {strides = array<i32>} : memref<128xi32, #tpu.memory_space<vmem>>, vector<16xi32>,
        %mul3A_240 = arith.constant 4 : i32
        %mul3A_241 = vector.broadcast %mul3A_240 : i32 to vector<16xi32>
        %mul3A_242 = arith.muli %get3A_239, %mul3A_241 : vector<16xi32>
        %gather3A_243 = tpu.vector_load_idx %arg13[%mul3A_242] : memref<40000xf32, #tpu.memory_space<vmem>>[vector<16xi32>], vector<16xf32>,
        %gather3A_244 = tpu.vector_load_idx %arg13[%mul3A_237] : memref<40000xf32, #tpu.memory_space<vmem>>[vector<16xi32>], vector<16xf32>,
        %sub3A_245 = arith.subf %gather3A_243, %gather3A_244 : vector<16xf32>
        %add3A_246 = arith.constant 1 : i32
        %add3A_247 = vector.broadcast %add3A_246 : i32 to vector<16xi32>
        %add3A_248 = arith.addi %mul3A_242, %add3A_247 : vector<16xi32>
        %gather3A_249 = tpu.vector_load_idx %arg13[%add3A_248] : memref<40000xf32, #tpu.memory_space<vmem>>[vector<16xi32>], vector<16xf32>,
        %add3A_250 = arith.constant 1 : i32
        %add3A_251 = vector.broadcast %add3A_250 : i32 to vector<16xi32>
        %add3A_252 = arith.addi %mul3A_237, %add3A_251 : vector<16xi32>
        %gather3A_253 = tpu.vector_load_idx %arg13[%add3A_252] : memref<40000xf32, #tpu.memory_space<vmem>>[vector<16xi32>], vector<16xf32>,
        %sub3A_254 = arith.subf %gather3A_249, %gather3A_253 : vector<16xf32>
        %add3A_255 = arith.constant 2 : i32
        %add3A_256 = vector.broadcast %add3A_255 : i32 to vector<16xi32>
        %add3A_257 = arith.addi %mul3A_242, %add3A_256 : vector<16xi32>
        %gather3A_258 = tpu.vector_load_idx %arg13[%add3A_257] : memref<40000xf32, #tpu.memory_space<vmem>>[vector<16xi32>], vector<16xf32>,
        %add3A_259 = arith.constant 2 : i32
        %add3A_260 = vector.broadcast %add3A_259 : i32 to vector<16xi32>
        %add3A_261 = arith.addi %mul3A_237, %add3A_260 : vector<16xi32>
        %gather3A_262 = tpu.vector_load_idx %arg13[%add3A_261] : memref<40000xf32, #tpu.memory_space<vmem>>[vector<16xi32>], vector<16xf32>,
        %sub3A_263 = arith.subf %gather3A_258, %gather3A_262 : vector<16xf32>
        %swap3A_264 = arith.constant 0 : i32
        %swap3A_265 = arith.index_cast %swap3A_264 : i32 to index
        %swap3A_266 = arith.constant 64 : index
        %swap3A_267 = tpu.vector_load %arg18[%swap3A_265, %swap3A_266] {strides = array<i32>} : memref<1x128xf32, #tpu.memory_space<vmem>>, vector<16xf32>,
        tpu.vector_store %arg18[%swap3A_265, %swap3A_266], %sub3A_245 {strides = array<i32>} : memref<1x128xf32, #tpu.memory_space<vmem>>, vector<16xf32>,
        %swap3A_268 = arith.constant 0 : i32
        %swap3A_269 = arith.index_cast %swap3A_268 : i32 to index
        %swap3A_270 = arith.constant 64 : index
        %swap3A_271 = tpu.vector_load %arg19[%swap3A_269, %swap3A_270] {strides = array<i32>} : memref<1x128xf32, #tpu.memory_space<vmem>>, vector<16xf32>,
        tpu.vector_store %arg19[%swap3A_269, %swap3A_270], %sub3A_254 {strides = array<i32>} : memref<1x128xf32, #tpu.memory_space<vmem>>, vector<16xf32>,
        %swap3A_272 = arith.constant 0 : i32
        %swap3A_273 = arith.index_cast %swap3A_272 : i32 to index
        %swap3A_274 = arith.constant 64 : index
        %swap3A_275 = tpu.vector_load %arg20[%swap3A_273, %swap3A_274] {strides = array<i32>} : memref<1x128xf32, #tpu.memory_space<vmem>>, vector<16xf32>,
        tpu.vector_store %arg20[%swap3A_273, %swap3A_274], %sub3A_263 {strides = array<i32>} : memref<1x128xf32, #tpu.memory_space<vmem>>, vector<16xf32>,
        %mul3A_276 = arith.mulf %sub3A_245, %sub3A_245 : vector<16xf32>
        %mul3A_277 = arith.mulf %sub3A_254, %sub3A_254 : vector<16xf32>
        %add3A_278 = arith.addf %mul3A_276, %mul3A_277 : vector<16xf32>
        %mul3A_279 = arith.mulf %sub3A_263, %sub3A_263 : vector<16xf32>
        %add3A_280 = arith.addf %add3A_278, %mul3A_279 : vector<16xf32>
        %swap3A_281 = arith.constant 0 : i32
        %swap3A_282 = arith.index_cast %swap3A_281 : i32 to index
        %swap3A_283 = arith.constant 64 : index
        %swap3A_284 = tpu.vector_load %arg21[%swap3A_282, %swap3A_283] {strides = array<i32>} : memref<1x128xf32, #tpu.memory_space<vmem>>, vector<16xf32>,
        tpu.vector_store %arg21[%swap3A_282, %swap3A_283], %add3A_280 {strides = array<i32>} : memref<1x128xf32, #tpu.memory_space<vmem>>, vector<16xf32>,
        %get3A_285 = arith.constant 80 : index
        %get3A_286 = tpu.vector_load %arg14[%get3A_285] {strides = array<i32>} : memref<128xi32, #tpu.memory_space<vmem>>, vector<16xi32>,
        %mul3A_287 = arith.constant 4 : i32
        %mul3A_288 = vector.broadcast %mul3A_287 : i32 to vector<16xi32>
        %mul3A_289 = arith.muli %get3A_286, %mul3A_288 : vector<16xi32>
        %get3A_290 = arith.constant 80 : index
        %get3A_291 = tpu.vector_load %arg15[%get3A_290] {strides = array<i32>} : memref<128xi32, #tpu.memory_space<vmem>>, vector<16xi32>,
        %mul3A_292 = arith.constant 4 : i32
        %mul3A_293 = vector.broadcast %mul3A_292 : i32 to vector<16xi32>
        %mul3A_294 = arith.muli %get3A_291, %mul3A_293 : vector<16xi32>
        %gather3A_295 = tpu.vector_load_idx %arg13[%mul3A_294] : memref<40000xf32, #tpu.memory_space<vmem>>[vector<16xi32>], vector<16xf32>,
        %gather3A_296 = tpu.vector_load_idx %arg13[%mul3A_289] : memref<40000xf32, #tpu.memory_space<vmem>>[vector<16xi32>], vector<16xf32>,
        %sub3A_297 = arith.subf %gather3A_295, %gather3A_296 : vector<16xf32>
        %add3A_298 = arith.constant 1 : i32
        %add3A_299 = vector.broadcast %add3A_298 : i32 to vector<16xi32>
        %add3A_300 = arith.addi %mul3A_294, %add3A_299 : vector<16xi32>
        %gather3A_301 = tpu.vector_load_idx %arg13[%add3A_300] : memref<40000xf32, #tpu.memory_space<vmem>>[vector<16xi32>], vector<16xf32>,
        %add3A_302 = arith.constant 1 : i32
        %add3A_303 = vector.broadcast %add3A_302 : i32 to vector<16xi32>
        %add3A_304 = arith.addi %mul3A_289, %add3A_303 : vector<16xi32>
        %gather3A_305 = tpu.vector_load_idx %arg13[%add3A_304] : memref<40000xf32, #tpu.memory_space<vmem>>[vector<16xi32>], vector<16xf32>,
        %sub3A_306 = arith.subf %gather3A_301, %gather3A_305 : vector<16xf32>
        %add3A_307 = arith.constant 2 : i32
        %add3A_308 = vector.broadcast %add3A_307 : i32 to vector<16xi32>
        %add3A_309 = arith.addi %mul3A_294, %add3A_308 : vector<16xi32>
        %gather3A_310 = tpu.vector_load_idx %arg13[%add3A_309] : memref<40000xf32, #tpu.memory_space<vmem>>[vector<16xi32>], vector<16xf32>,
        %add3A_311 = arith.constant 2 : i32
        %add3A_312 = vector.broadcast %add3A_311 : i32 to vector<16xi32>
        %add3A_313 = arith.addi %mul3A_289, %add3A_312 : vector<16xi32>
        %gather3A_314 = tpu.vector_load_idx %arg13[%add3A_313] : memref<40000xf32, #tpu.memory_space<vmem>>[vector<16xi32>], vector<16xf32>,
        %sub3A_315 = arith.subf %gather3A_310, %gather3A_314 : vector<16xf32>
        %swap3A_316 = arith.constant 0 : i32
        %swap3A_317 = arith.index_cast %swap3A_316 : i32 to index
        %swap3A_318 = arith.constant 80 : index
        %swap3A_319 = tpu.vector_load %arg18[%swap3A_317, %swap3A_318] {strides = array<i32>} : memref<1x128xf32, #tpu.memory_space<vmem>>, vector<16xf32>,
        tpu.vector_store %arg18[%swap3A_317, %swap3A_318], %sub3A_297 {strides = array<i32>} : memref<1x128xf32, #tpu.memory_space<vmem>>, vector<16xf32>,
        %swap3A_320 = arith.constant 0 : i32
        %swap3A_321 = arith.index_cast %swap3A_320 : i32 to index
        %swap3A_322 = arith.constant 80 : index
        %swap3A_323 = tpu.vector_load %arg19[%swap3A_321, %swap3A_322] {strides = array<i32>} : memref<1x128xf32, #tpu.memory_space<vmem>>, vector<16xf32>,
        tpu.vector_store %arg19[%swap3A_321, %swap3A_322], %sub3A_306 {strides = array<i32>} : memref<1x128xf32, #tpu.memory_space<vmem>>, vector<16xf32>,
        %swap3A_324 = arith.constant 0 : i32
        %swap3A_325 = arith.index_cast %swap3A_324 : i32 to index
        %swap3A_326 = arith.constant 80 : index
        %swap3A_327 = tpu.vector_load %arg20[%swap3A_325, %swap3A_326] {strides = array<i32>} : memref<1x128xf32, #tpu.memory_space<vmem>>, vector<16xf32>,
        tpu.vector_store %arg20[%swap3A_325, %swap3A_326], %sub3A_315 {strides = array<i32>} : memref<1x128xf32, #tpu.memory_space<vmem>>, vector<16xf32>,
        %mul3A_328 = arith.mulf %sub3A_297, %sub3A_297 : vector<16xf32>
        %mul3A_329 = arith.mulf %sub3A_306, %sub3A_306 : vector<16xf32>
        %add3A_330 = arith.addf %mul3A_328, %mul3A_329 : vector<16xf32>
        %mul3A_331 = arith.mulf %sub3A_315, %sub3A_315 : vector<16xf32>
        %add3A_332 = arith.addf %add3A_330, %mul3A_331 : vector<16xf32>
        %swap3A_333 = arith.constant 0 : i32
        %swap3A_334 = arith.index_cast %swap3A_333 : i32 to index
        %swap3A_335 = arith.constant 80 : index
        %swap3A_336 = tpu.vector_load %arg21[%swap3A_334, %swap3A_335] {strides = array<i32>} : memref<1x128xf32, #tpu.memory_space<vmem>>, vector<16xf32>,
        tpu.vector_store %arg21[%swap3A_334, %swap3A_335], %add3A_332 {strides = array<i32>} : memref<1x128xf32, #tpu.memory_space<vmem>>, vector<16xf32>,
        %get3A_337 = arith.constant 96 : index
        %get3A_338 = tpu.vector_load %arg14[%get3A_337] {strides = array<i32>} : memref<128xi32, #tpu.memory_space<vmem>>, vector<16xi32>,
        %mul3A_339 = arith.constant 4 : i32
        %mul3A_340 = vector.broadcast %mul3A_339 : i32 to vector<16xi32>
        %mul3A_341 = arith.muli %get3A_338, %mul3A_340 : vector<16xi32>
        %get3A_342 = arith.constant 96 : index
        %get3A_343 = tpu.vector_load %arg15[%get3A_342] {strides = array<i32>} : memref<128xi32, #tpu.memory_space<vmem>>, vector<16xi32>,
        %mul3A_344 = arith.constant 4 : i32
        %mul3A_345 = vector.broadcast %mul3A_344 : i32 to vector<16xi32>
        %mul3A_346 = arith.muli %get3A_343, %mul3A_345 : vector<16xi32>
        %gather3A_347 = tpu.vector_load_idx %arg13[%mul3A_346] : memref<40000xf32, #tpu.memory_space<vmem>>[vector<16xi32>], vector<16xf32>,
        %gather3A_348 = tpu.vector_load_idx %arg13[%mul3A_341] : memref<40000xf32, #tpu.memory_space<vmem>>[vector<16xi32>], vector<16xf32>,
        %sub3A_349 = arith.subf %gather3A_347, %gather3A_348 : vector<16xf32>
        %add3A_350 = arith.constant 1 : i32
        %add3A_351 = vector.broadcast %add3A_350 : i32 to vector<16xi32>
        %add3A_352 = arith.addi %mul3A_346, %add3A_351 : vector<16xi32>
        %gather3A_353 = tpu.vector_load_idx %arg13[%add3A_352] : memref<40000xf32, #tpu.memory_space<vmem>>[vector<16xi32>], vector<16xf32>,
        %add3A_354 = arith.constant 1 : i32
        %add3A_355 = vector.broadcast %add3A_354 : i32 to vector<16xi32>
        %add3A_356 = arith.addi %mul3A_341, %add3A_355 : vector<16xi32>
        %gather3A_357 = tpu.vector_load_idx %arg13[%add3A_356] : memref<40000xf32, #tpu.memory_space<vmem>>[vector<16xi32>], vector<16xf32>,
        %sub3A_358 = arith.subf %gather3A_353, %gather3A_357 : vector<16xf32>
        %add3A_359 = arith.constant 2 : i32
        %add3A_360 = vector.broadcast %add3A_359 : i32 to vector<16xi32>
        %add3A_361 = arith.addi %mul3A_346, %add3A_360 : vector<16xi32>
        %gather3A_362 = tpu.vector_load_idx %arg13[%add3A_361] : memref<40000xf32, #tpu.memory_space<vmem>>[vector<16xi32>], vector<16xf32>,
        %add3A_363 = arith.constant 2 : i32
        %add3A_364 = vector.broadcast %add3A_363 : i32 to vector<16xi32>
        %add3A_365 = arith.addi %mul3A_341, %add3A_364 : vector<16xi32>
        %gather3A_366 = tpu.vector_load_idx %arg13[%add3A_365] : memref<40000xf32, #tpu.memory_space<vmem>>[vector<16xi32>], vector<16xf32>,
        %sub3A_367 = arith.subf %gather3A_362, %gather3A_366 : vector<16xf32>
        %swap3A_368 = arith.constant 0 : i32
        %swap3A_369 = arith.index_cast %swap3A_368 : i32 to index
        %swap3A_370 = arith.constant 96 : index
        %swap3A_371 = tpu.vector_load %arg18[%swap3A_369, %swap3A_370] {strides = array<i32>} : memref<1x128xf32, #tpu.memory_space<vmem>>, vector<16xf32>,
        tpu.vector_store %arg18[%swap3A_369, %swap3A_370], %sub3A_349 {strides = array<i32>} : memref<1x128xf32, #tpu.memory_space<vmem>>, vector<16xf32>,
        %swap3A_372 = arith.constant 0 : i32
        %swap3A_373 = arith.index_cast %swap3A_372 : i32 to index
        %swap3A_374 = arith.constant 96 : index
        %swap3A_375 = tpu.vector_load %arg19[%swap3A_373, %swap3A_374] {strides = array<i32>} : memref<1x128xf32, #tpu.memory_space<vmem>>, vector<16xf32>,
        tpu.vector_store %arg19[%swap3A_373, %swap3A_374], %sub3A_358 {strides = array<i32>} : memref<1x128xf32, #tpu.memory_space<vmem>>, vector<16xf32>,
        %swap3A_376 = arith.constant 0 : i32
        %swap3A_377 = arith.index_cast %swap3A_376 : i32 to index
        %swap3A_378 = arith.constant 96 : index
        %swap3A_379 = tpu.vector_load %arg20[%swap3A_377, %swap3A_378] {strides = array<i32>} : memref<1x128xf32, #tpu.memory_space<vmem>>, vector<16xf32>,
        tpu.vector_store %arg20[%swap3A_377, %swap3A_378], %sub3A_367 {strides = array<i32>} : memref<1x128xf32, #tpu.memory_space<vmem>>, vector<16xf32>,
        %mul3A_380 = arith.mulf %sub3A_349, %sub3A_349 : vector<16xf32>
        %mul3A_381 = arith.mulf %sub3A_358, %sub3A_358 : vector<16xf32>
        %add3A_382 = arith.addf %mul3A_380, %mul3A_381 : vector<16xf32>
        %mul3A_383 = arith.mulf %sub3A_367, %sub3A_367 : vector<16xf32>
        %add3A_384 = arith.addf %add3A_382, %mul3A_383 : vector<16xf32>
        %swap3A_385 = arith.constant 0 : i32
        %swap3A_386 = arith.index_cast %swap3A_385 : i32 to index
        %swap3A_387 = arith.constant 96 : index
        %swap3A_388 = tpu.vector_load %arg21[%swap3A_386, %swap3A_387] {strides = array<i32>} : memref<1x128xf32, #tpu.memory_space<vmem>>, vector<16xf32>,
        tpu.vector_store %arg21[%swap3A_386, %swap3A_387], %add3A_384 {strides = array<i32>} : memref<1x128xf32, #tpu.memory_space<vmem>>, vector<16xf32>,
        %get3A_389 = arith.constant 112 : index
        %get3A_390 = tpu.vector_load %arg14[%get3A_389] {strides = array<i32>} : memref<128xi32, #tpu.memory_space<vmem>>, vector<16xi32>,
        %mul3A_391 = arith.constant 4 : i32
        %mul3A_392 = vector.broadcast %mul3A_391 : i32 to vector<16xi32>
        %mul3A_393 = arith.muli %get3A_390, %mul3A_392 : vector<16xi32>
        %get3A_394 = arith.constant 112 : index
        %get3A_395 = tpu.vector_load %arg15[%get3A_394] {strides = array<i32>} : memref<128xi32, #tpu.memory_space<vmem>>, vector<16xi32>,
        %mul3A_396 = arith.constant 4 : i32
        %mul3A_397 = vector.broadcast %mul3A_396 : i32 to vector<16xi32>
        %mul3A_398 = arith.muli %get3A_395, %mul3A_397 : vector<16xi32>
        %gather3A_399 = tpu.vector_load_idx %arg13[%mul3A_398] : memref<40000xf32, #tpu.memory_space<vmem>>[vector<16xi32>], vector<16xf32>,
        %gather3A_400 = tpu.vector_load_idx %arg13[%mul3A_393] : memref<40000xf32, #tpu.memory_space<vmem>>[vector<16xi32>], vector<16xf32>,
        %sub3A_401 = arith.subf %gather3A_399, %gather3A_400 : vector<16xf32>
        %add3A_402 = arith.constant 1 : i32
        %add3A_403 = vector.broadcast %add3A_402 : i32 to vector<16xi32>
        %add3A_404 = arith.addi %mul3A_398, %add3A_403 : vector<16xi32>
        %gather3A_405 = tpu.vector_load_idx %arg13[%add3A_404] : memref<40000xf32, #tpu.memory_space<vmem>>[vector<16xi32>], vector<16xf32>,
        %add3A_406 = arith.constant 1 : i32
        %add3A_407 = vector.broadcast %add3A_406 : i32 to vector<16xi32>
        %add3A_408 = arith.addi %mul3A_393, %add3A_407 : vector<16xi32>
        %gather3A_409 = tpu.vector_load_idx %arg13[%add3A_408] : memref<40000xf32, #tpu.memory_space<vmem>>[vector<16xi32>], vector<16xf32>,
        %sub3A_410 = arith.subf %gather3A_405, %gather3A_409 : vector<16xf32>
        %add3A_411 = arith.constant 2 : i32
        %add3A_412 = vector.broadcast %add3A_411 : i32 to vector<16xi32>
        %add3A_413 = arith.addi %mul3A_398, %add3A_412 : vector<16xi32>
        %gather3A_414 = tpu.vector_load_idx %arg13[%add3A_413] : memref<40000xf32, #tpu.memory_space<vmem>>[vector<16xi32>], vector<16xf32>,
        %add3A_415 = arith.constant 2 : i32
        %add3A_416 = vector.broadcast %add3A_415 : i32 to vector<16xi32>
        %add3A_417 = arith.addi %mul3A_393, %add3A_416 : vector<16xi32>
        %gather3A_418 = tpu.vector_load_idx %arg13[%add3A_417] : memref<40000xf32, #tpu.memory_space<vmem>>[vector<16xi32>], vector<16xf32>,
        %sub3A_419 = arith.subf %gather3A_414, %gather3A_418 : vector<16xf32>
        %swap3A_420 = arith.constant 0 : i32
        %swap3A_421 = arith.index_cast %swap3A_420 : i32 to index
        %swap3A_422 = arith.constant 112 : index
        %swap3A_423 = tpu.vector_load %arg18[%swap3A_421, %swap3A_422] {strides = array<i32>} : memref<1x128xf32, #tpu.memory_space<vmem>>, vector<16xf32>,
        tpu.vector_store %arg18[%swap3A_421, %swap3A_422], %sub3A_401 {strides = array<i32>} : memref<1x128xf32, #tpu.memory_space<vmem>>, vector<16xf32>,
        %swap3A_424 = arith.constant 0 : i32
        %swap3A_425 = arith.index_cast %swap3A_424 : i32 to index
        %swap3A_426 = arith.constant 112 : index
        %swap3A_427 = tpu.vector_load %arg19[%swap3A_425, %swap3A_426] {strides = array<i32>} : memref<1x128xf32, #tpu.memory_space<vmem>>, vector<16xf32>,
        tpu.vector_store %arg19[%swap3A_425, %swap3A_426], %sub3A_410 {strides = array<i32>} : memref<1x128xf32, #tpu.memory_space<vmem>>, vector<16xf32>,
        %swap3A_428 = arith.constant 0 : i32
        %swap3A_429 = arith.index_cast %swap3A_428 : i32 to index
        %swap3A_430 = arith.constant 112 : index
        %swap3A_431 = tpu.vector_load %arg20[%swap3A_429, %swap3A_430] {strides = array<i32>} : memref<1x128xf32, #tpu.memory_space<vmem>>, vector<16xf32>,
        tpu.vector_store %arg20[%swap3A_429, %swap3A_430], %sub3A_419 {strides = array<i32>} : memref<1x128xf32, #tpu.memory_space<vmem>>, vector<16xf32>,
        %mul3A_432 = arith.mulf %sub3A_401, %sub3A_401 : vector<16xf32>
        %mul3A_433 = arith.mulf %sub3A_410, %sub3A_410 : vector<16xf32>
        %add3A_434 = arith.addf %mul3A_432, %mul3A_433 : vector<16xf32>
        %mul3A_435 = arith.mulf %sub3A_419, %sub3A_419 : vector<16xf32>
        %add3A_436 = arith.addf %add3A_434, %mul3A_435 : vector<16xf32>
        %swap3A_437 = arith.constant 0 : i32
        %swap3A_438 = arith.index_cast %swap3A_437 : i32 to index
        %swap3A_439 = arith.constant 112 : index
        %swap3A_440 = tpu.vector_load %arg21[%swap3A_438, %swap3A_439] {strides = array<i32>} : memref<1x128xf32, #tpu.memory_space<vmem>>, vector<16xf32>,
        tpu.vector_store %arg21[%swap3A_438, %swap3A_439], %add3A_436 {strides = array<i32>} : memref<1x128xf32, #tpu.memory_space<vmem>>, vector<16xf32>,
        %jit3A = arith.constant 4 : i32
        %div3A = arith.divsi %add3A_11, %jit3A : i32
        %sign3A = arith.constant 0 : i32
        %sign3A_441 = arith.cmpi sgt, %add3A_11, %sign3A : i32
        %sign3A_442 = arith.extui %sign3A_441 : i1 to i32
        %sign3A_443 = arith.constant 0 : i32
        %sign3A_444 = arith.cmpi slt, %add3A_11, %sign3A_443 : i32
        %sign3A_445 = arith.extui %sign3A_444 : i1 to i32
        %sign3A_446 = arith.subi %sign3A_442, %sign3A_445 : i32
        %sign3A_447 = arith.constant 0 : i32
        %sign3A_448 = arith.cmpi sgt, %jit3A, %sign3A_447 : i32
        %sign3A_449 = arith.extui %sign3A_448 : i1 to i32
        %sign3A_450 = arith.constant 0 : i32
        %sign3A_451 = arith.cmpi slt, %jit3A, %sign3A_450 : i32
        %sign3A_452 = arith.extui %sign3A_451 : i1 to i32
        %sign3A_453 = arith.subi %sign3A_449, %sign3A_452 : i32
        %ne3A = arith.cmpi ne, %sign3A_446, %sign3A_453 : i32
        %rem3A = arith.remsi %add3A_11, %jit3A : i32
        %ne3A_454 = arith.constant 0 : i32
        %ne3A_455 = arith.cmpi ne, %rem3A, %ne3A_454 : i32
        %and3A = arith.andi %ne3A, %ne3A_455 : i1
        %sub3A_456 = arith.constant 1 : i32
        %sub3A_457 = arith.subi %div3A, %sub3A_456 : i32
        %select_n3A = arith.select %and3A, %sub3A_457, %div3A : i32
        %jit3A_458 = arith.constant 4 : i32
        %eq3A = arith.constant 0 : i32
        %eq3A_459 = arith.cmpi eq, %jit3A_458, %eq3A : i32
        %jit3A_460 = arith.constant 1 : i32
        %select_n3A_461 = arith.select %eq3A_459, %jit3A_460, %jit3A_458 : i32
        %rem3A_462 = arith.remsi %add3A_11, %select_n3A_461 : i32
        %ne3A_463 = arith.constant 0 : i32
        %ne3A_464 = arith.cmpi ne, %rem3A_462, %ne3A_463 : i32
        %lt3A_465 = arith.constant 0 : i32
        %lt3A_466 = arith.cmpi slt, %rem3A_462, %lt3A_465 : i32
        %lt3A_467 = arith.constant 0 : i32
        %lt3A_468 = arith.cmpi slt, %select_n3A_461, %lt3A_467 : i32
        %ne3A_469 = arith.xori %lt3A_466, %lt3A_468 : i1
        %and3A_470 = arith.andi %ne3A_469, %ne3A_464 : i1
        %add3A_471 = arith.addi %rem3A_462, %select_n3A_461 : i32
        %select_n3A_472 = arith.select %and3A_470, %add3A_471, %rem3A_462 : i32
        %mul3A_473 = arith.constant 128 : i32
        %mul3A_474 = arith.muli %select_n3A_472, %mul3A_473 : i32
        %dma_start3A_475 = arith.constant 0 : i32
        %dma_start3A_476 = tpu.memref_slice %arg9[%select_n3A, %dma_start3A_475, %mul3A_474] : memref<312x1x512xf32, #tpu.memory_space<hbm>> -> memref<1x1x128xf32, #tpu.memory_space<hbm>>
        %dma_start3A_477 = tpu.memref_squeeze %dma_start3A_476 : memref<1x1x128xf32, #tpu.memory_space<hbm>> -> memref<1x128xf32, #tpu.memory_space<hbm>>
        %dma_start3A_478 = arith.constant 0 : i32
        %dma_start3A_479 = tpu.memref_slice %arg9[%select_n3A, %dma_start3A_478, %mul3A_474] : memref<312x1x512xf32, #tpu.memory_space<hbm>> -> memref<1x1x128xf32, #tpu.memory_space<hbm>>
        %dma_start3A_480 = tpu.memref_squeeze %dma_start3A_479 : memref<1x1x128xf32, #tpu.memory_space<hbm>> -> memref<1x128xf32, #tpu.memory_space<hbm>>
        tpu.enqueue_dma source(%arg18 : memref<1x128xf32, #tpu.memory_space<vmem>>) target(%dma_start3A_480 : memref<1x128xf32, #tpu.memory_space<hbm>>) target_semaphore(%arg22 : memref<!tpu.dma_semaphore, #tpu.memory_space<semaphore_mem>>)
        %dma_start3A_481 = arith.constant 0 : i32
        %dma_start3A_482 = tpu.memref_slice %arg10[%select_n3A, %dma_start3A_481, %mul3A_474] : memref<312x1x512xf32, #tpu.memory_space<hbm>> -> memref<1x1x128xf32, #tpu.memory_space<hbm>>
        %dma_start3A_483 = tpu.memref_squeeze %dma_start3A_482 : memref<1x1x128xf32, #tpu.memory_space<hbm>> -> memref<1x128xf32, #tpu.memory_space<hbm>>
        %dma_start3A_484 = arith.constant 0 : i32
        %dma_start3A_485 = tpu.memref_slice %arg10[%select_n3A, %dma_start3A_484, %mul3A_474] : memref<312x1x512xf32, #tpu.memory_space<hbm>> -> memref<1x1x128xf32, #tpu.memory_space<hbm>>
        %dma_start3A_486 = tpu.memref_squeeze %dma_start3A_485 : memref<1x1x128xf32, #tpu.memory_space<hbm>> -> memref<1x128xf32, #tpu.memory_space<hbm>>
        tpu.enqueue_dma source(%arg19 : memref<1x128xf32, #tpu.memory_space<vmem>>) target(%dma_start3A_486 : memref<1x128xf32, #tpu.memory_space<hbm>>) target_semaphore(%arg22 : memref<!tpu.dma_semaphore, #tpu.memory_space<semaphore_mem>>)
        %dma_start3A_487 = arith.constant 0 : i32
        %dma_start3A_488 = tpu.memref_slice %arg11[%select_n3A, %dma_start3A_487, %mul3A_474] : memref<312x1x512xf32, #tpu.memory_space<hbm>> -> memref<1x1x128xf32, #tpu.memory_space<hbm>>
        %dma_start3A_489 = tpu.memref_squeeze %dma_start3A_488 : memref<1x1x128xf32, #tpu.memory_space<hbm>> -> memref<1x128xf32, #tpu.memory_space<hbm>>
        %dma_start3A_490 = arith.constant 0 : i32
        %dma_start3A_491 = tpu.memref_slice %arg11[%select_n3A, %dma_start3A_490, %mul3A_474] : memref<312x1x512xf32, #tpu.memory_space<hbm>> -> memref<1x1x128xf32, #tpu.memory_space<hbm>>
        %dma_start3A_492 = tpu.memref_squeeze %dma_start3A_491 : memref<1x1x128xf32, #tpu.memory_space<hbm>> -> memref<1x128xf32, #tpu.memory_space<hbm>>
        tpu.enqueue_dma source(%arg20 : memref<1x128xf32, #tpu.memory_space<vmem>>) target(%dma_start3A_492 : memref<1x128xf32, #tpu.memory_space<hbm>>) target_semaphore(%arg22 : memref<!tpu.dma_semaphore, #tpu.memory_space<semaphore_mem>>)
        %dma_start3A_493 = arith.constant 0 : i32
        %dma_start3A_494 = tpu.memref_slice %arg12[%select_n3A, %dma_start3A_493, %mul3A_474] : memref<312x1x512xf32, #tpu.memory_space<hbm>> -> memref<1x1x128xf32, #tpu.memory_space<hbm>>
        %dma_start3A_495 = tpu.memref_squeeze %dma_start3A_494 : memref<1x1x128xf32, #tpu.memory_space<hbm>> -> memref<1x128xf32, #tpu.memory_space<hbm>>
        %dma_start3A_496 = arith.constant 0 : i32
        %dma_start3A_497 = tpu.memref_slice %arg12[%select_n3A, %dma_start3A_496, %mul3A_474] : memref<312x1x512xf32, #tpu.memory_space<hbm>> -> memref<1x1x128xf32, #tpu.memory_space<hbm>>
        %dma_start3A_498 = tpu.memref_squeeze %dma_start3A_497 : memref<1x1x128xf32, #tpu.memory_space<hbm>> -> memref<1x128xf32, #tpu.memory_space<hbm>>
        tpu.enqueue_dma source(%arg21 : memref<1x128xf32, #tpu.memory_space<vmem>>) target(%dma_start3A_498 : memref<1x128xf32, #tpu.memory_space<hbm>>) target_semaphore(%arg22 : memref<!tpu.dma_semaphore, #tpu.memory_space<semaphore_mem>>)
        %dma_wait3A_499 = arith.constant 0 : i32
        %dma_wait3A_500 = arith.constant 0 : i32
        %dma_wait3A_501 = tpu.memref_slice %arg2[%dma_wait3A_499, %dma_wait3A_500] : memref<10240x128xf32, #tpu.memory_space<hbm>> -> memref<10240x128xf32, #tpu.memory_space<hbm>>
        tpu.wait_indirect_dma semaphore(%arg22 : memref<!tpu.dma_semaphore, #tpu.memory_space<semaphore_mem>>) src(%dma_wait3A_501 : memref<10240x128xf32, #tpu.memory_space<hbm>>) dst(%arg16 : memref<128x128xf32, #tpu.memory_space<vmem>>)
        %dma_wait3A_502 = arith.constant 0 : i32
        %dma_wait3A_503 = arith.constant 0 : i32
        %dma_wait3A_504 = tpu.memref_slice %arg6[%dma_wait3A_502, %dma_wait3A_503] : memref<10240x128xf32, #tpu.memory_space<hbm>> -> memref<10240x128xf32, #tpu.memory_space<hbm>>
        tpu.wait_indirect_dma semaphore(%arg22 : memref<!tpu.dma_semaphore, #tpu.memory_space<semaphore_mem>>) src(%dma_wait3A_504 : memref<10240x128xf32, #tpu.memory_space<hbm>>) dst(%arg17 : memref<128x128xf32, #tpu.memory_space<vmem>>)
        %dma_start3A_505 = arith.constant 0 : i32
        %dma_start3A_506 = tpu.memref_slice %arg7[%mul3A_16, %dma_start3A_505] : memref<159744x128xf32, #tpu.memory_space<hbm>> -> memref<128x128xf32, #tpu.memory_space<hbm>>
        %dma_start3A_507 = arith.constant 0 : i32
        %dma_start3A_508 = tpu.memref_slice %arg7[%mul3A_16, %dma_start3A_507] : memref<159744x128xf32, #tpu.memory_space<hbm>> -> memref<128x128xf32, #tpu.memory_space<hbm>>
        tpu.enqueue_dma source(%arg16 : memref<128x128xf32, #tpu.memory_space<vmem>>) target(%dma_start3A_508 : memref<128x128xf32, #tpu.memory_space<hbm>>) target_semaphore(%arg22 : memref<!tpu.dma_semaphore, #tpu.memory_space<semaphore_mem>>)
        %dma_start3A_509 = arith.constant 0 : i32
        %dma_start3A_510 = tpu.memref_slice %arg8[%mul3A_16, %dma_start3A_509] : memref<159744x128xf32, #tpu.memory_space<hbm>> -> memref<128x128xf32, #tpu.memory_space<hbm>>
        %dma_start3A_511 = arith.constant 0 : i32
        %dma_start3A_512 = tpu.memref_slice %arg8[%mul3A_16, %dma_start3A_511] : memref<159744x128xf32, #tpu.memory_space<hbm>> -> memref<128x128xf32, #tpu.memory_space<hbm>>
        tpu.enqueue_dma source(%arg17 : memref<128x128xf32, #tpu.memory_space<vmem>>) target(%dma_start3A_512 : memref<128x128xf32, #tpu.memory_space<hbm>>) target_semaphore(%arg22 : memref<!tpu.dma_semaphore, #tpu.memory_space<semaphore_mem>>)
        %dma_wait3A_513 = arith.constant 0 : i32
        %dma_wait3A_514 = tpu.memref_slice %arg9[%select_n3A, %dma_wait3A_513, %mul3A_474] : memref<312x1x512xf32, #tpu.memory_space<hbm>> -> memref<1x1x128xf32, #tpu.memory_space<hbm>>
        %dma_wait3A_515 = tpu.memref_squeeze %dma_wait3A_514 : memref<1x1x128xf32, #tpu.memory_space<hbm>> -> memref<1x128xf32, #tpu.memory_space<hbm>>
        %dma_wait3A_516 = arith.constant 0 : i32
        %dma_wait3A_517 = tpu.memref_slice %arg9[%select_n3A, %dma_wait3A_516, %mul3A_474] : memref<312x1x512xf32, #tpu.memory_space<hbm>> -> memref<1x1x128xf32, #tpu.memory_space<hbm>>
        %dma_wait3A_518 = tpu.memref_squeeze %dma_wait3A_517 : memref<1x1x128xf32, #tpu.memory_space<hbm>> -> memref<1x128xf32, #tpu.memory_space<hbm>>
        tpu.wait_dma2 semaphore(%arg22 : memref<!tpu.dma_semaphore, #tpu.memory_space<semaphore_mem>>) src(%arg18 : memref<1x128xf32, #tpu.memory_space<vmem>>) dst(%dma_wait3A_518 : memref<1x128xf32, #tpu.memory_space<hbm>>)
        %dma_wait3A_519 = arith.constant 0 : i32
        %dma_wait3A_520 = tpu.memref_slice %arg10[%select_n3A, %dma_wait3A_519, %mul3A_474] : memref<312x1x512xf32, #tpu.memory_space<hbm>> -> memref<1x1x128xf32, #tpu.memory_space<hbm>>
        %dma_wait3A_521 = tpu.memref_squeeze %dma_wait3A_520 : memref<1x1x128xf32, #tpu.memory_space<hbm>> -> memref<1x128xf32, #tpu.memory_space<hbm>>
        %dma_wait3A_522 = arith.constant 0 : i32
        %dma_wait3A_523 = tpu.memref_slice %arg10[%select_n3A, %dma_wait3A_522, %mul3A_474] : memref<312x1x512xf32, #tpu.memory_space<hbm>> -> memref<1x1x128xf32, #tpu.memory_space<hbm>>
        %dma_wait3A_524 = tpu.memref_squeeze %dma_wait3A_523 : memref<1x1x128xf32, #tpu.memory_space<hbm>> -> memref<1x128xf32, #tpu.memory_space<hbm>>
        tpu.wait_dma2 semaphore(%arg22 : memref<!tpu.dma_semaphore, #tpu.memory_space<semaphore_mem>>) src(%arg19 : memref<1x128xf32, #tpu.memory_space<vmem>>) dst(%dma_wait3A_524 : memref<1x128xf32, #tpu.memory_space<hbm>>)
        %dma_wait3A_525 = arith.constant 0 : i32
        %dma_wait3A_526 = tpu.memref_slice %arg11[%select_n3A, %dma_wait3A_525, %mul3A_474] : memref<312x1x512xf32, #tpu.memory_space<hbm>> -> memref<1x1x128xf32, #tpu.memory_space<hbm>>
        %dma_wait3A_527 = tpu.memref_squeeze %dma_wait3A_526 : memref<1x1x128xf32, #tpu.memory_space<hbm>> -> memref<1x128xf32, #tpu.memory_space<hbm>>
        %dma_wait3A_528 = arith.constant 0 : i32
        %dma_wait3A_529 = tpu.memref_slice %arg11[%select_n3A, %dma_wait3A_528, %mul3A_474] : memref<312x1x512xf32, #tpu.memory_space<hbm>> -> memref<1x1x128xf32, #tpu.memory_space<hbm>>
        %dma_wait3A_530 = tpu.memref_squeeze %dma_wait3A_529 : memref<1x1x128xf32, #tpu.memory_space<hbm>> -> memref<1x128xf32, #tpu.memory_space<hbm>>
        tpu.wait_dma2 semaphore(%arg22 : memref<!tpu.dma_semaphore, #tpu.memory_space<semaphore_mem>>) src(%arg20 : memref<1x128xf32, #tpu.memory_space<vmem>>) dst(%dma_wait3A_530 : memref<1x128xf32, #tpu.memory_space<hbm>>)
        %dma_wait3A_531 = arith.constant 0 : i32
        %dma_wait3A_532 = tpu.memref_slice %arg12[%select_n3A, %dma_wait3A_531, %mul3A_474] : memref<312x1x512xf32, #tpu.memory_space<hbm>> -> memref<1x1x128xf32, #tpu.memory_space<hbm>>
        %dma_wait3A_533 = tpu.memref_squeeze %dma_wait3A_532 : memref<1x1x128xf32, #tpu.memory_space<hbm>> -> memref<1x128xf32, #tpu.memory_space<hbm>>
        %dma_wait3A_534 = arith.constant 0 : i32
        %dma_wait3A_535 = tpu.memref_slice %arg12[%select_n3A, %dma_wait3A_534, %mul3A_474] : memref<312x1x512xf32, #tpu.memory_space<hbm>> -> memref<1x1x128xf32, #tpu.memory_space<hbm>>
        %dma_wait3A_536 = tpu.memref_squeeze %dma_wait3A_535 : memref<1x1x128xf32, #tpu.memory_space<hbm>> -> memref<1x128xf32, #tpu.memory_space<hbm>>
        tpu.wait_dma2 semaphore(%arg22 : memref<!tpu.dma_semaphore, #tpu.memory_space<semaphore_mem>>) src(%arg21 : memref<1x128xf32, #tpu.memory_space<vmem>>) dst(%dma_wait3A_536 : memref<1x128xf32, #tpu.memory_space<hbm>>)
        %dma_wait3A_537 = arith.constant 0 : i32
        %dma_wait3A_538 = tpu.memref_slice %arg7[%mul3A_16, %dma_wait3A_537] : memref<159744x128xf32, #tpu.memory_space<hbm>> -> memref<128x128xf32, #tpu.memory_space<hbm>>
        %dma_wait3A_539 = arith.constant 0 : i32
        %dma_wait3A_540 = tpu.memref_slice %arg7[%mul3A_16, %dma_wait3A_539] : memref<159744x128xf32, #tpu.memory_space<hbm>> -> memref<128x128xf32, #tpu.memory_space<hbm>>
        tpu.wait_dma2 semaphore(%arg22 : memref<!tpu.dma_semaphore, #tpu.memory_space<semaphore_mem>>) src(%arg16 : memref<128x128xf32, #tpu.memory_space<vmem>>) dst(%dma_wait3A_540 : memref<128x128xf32, #tpu.memory_space<hbm>>)
        %dma_wait3A_541 = arith.constant 0 : i32
        %dma_wait3A_542 = tpu.memref_slice %arg8[%mul3A_16, %dma_wait3A_541] : memref<159744x128xf32, #tpu.memory_space<hbm>> -> memref<128x128xf32, #tpu.memory_space<hbm>>
        %dma_wait3A_543 = arith.constant 0 : i32
        %dma_wait3A_544 = tpu.memref_slice %arg8[%mul3A_16, %dma_wait3A_543] : memref<159744x128xf32, #tpu.memory_space<hbm>> -> memref<128x128xf32, #tpu.memory_space<hbm>>
        tpu.wait_dma2 semaphore(%arg22 : memref<!tpu.dma_semaphore, #tpu.memory_space<semaphore_mem>>) src(%arg17 : memref<128x128xf32, #tpu.memory_space<vmem>>) dst(%dma_wait3A_544 : memref<128x128xf32, #tpu.memory_space<hbm>>)
      } else {
      }
      %scan3A_14 = arith.constant 0 : i32
      scf.yield %scan3A_14 : i32
    }
    %scan3A_6 = arith.constant 39 : i32
    return
  }
}

#map = affine_map<(d0, d1) -> (0, 0)>
#map1 = affine_map<(d0, d1) -> (0, 0, 0)>
#map2 = affine_map<(d0, d1) -> (0)>
module attributes {stable_mosaic.version = 14 : i64} {
  func.func @scatter_k(%arg0: i32, %arg1: i32, %arg2: memref<159744x128xf32, #tpu.memory_space<hbm>>, %arg3: memref<312x1x512xf32, #tpu.memory_space<hbm>>, %arg4: memref<312x1x512xf32, #tpu.memory_space<hbm>>, %arg5: memref<312x1x512xf32, #tpu.memory_space<hbm>>, %arg6: memref<312x1x512xf32, #tpu.memory_space<hbm>>, %arg7: memref<159744xi32, #tpu.memory_space<hbm>>, %arg8: memref<10240x128xf32, #tpu.memory_space<hbm>>, %arg9: memref<30720xf32, #tpu.memory_space<hbm>>, %arg10: memref<2x10240x128xf32, #tpu.memory_space<hbm>>, %arg11: memref<32x30720xf32, #tpu.memory_space<hbm>>, %arg12: memref<128xi32, #tpu.memory_space<vmem>>, %arg13: memref<128x128xf32, #tpu.memory_space<vmem>>, %arg14: memref<128xf32, #tpu.memory_space<vmem>>, %arg15: memref<128xf32, #tpu.memory_space<vmem>>, %arg16: memref<128xf32, #tpu.memory_space<vmem>>, %arg17: memref<128xf32, #tpu.memory_space<vmem>>, %arg18: memref<30720xf32, #tpu.memory_space<vmem>>, %arg19: memref<10240x128xf32, #tpu.memory_space<vmem_shared>>, %arg20: memref<!tpu.dma_semaphore, #tpu.memory_space<semaphore_mem>>) attributes {dimension_semantics = [#tpu.dimension_semantics<core_parallel>, #tpu.dimension_semantics<subcore_parallel>], iteration_bounds = array<i64: 2, 16>, scalar_prefetch = 0 : i64, scratch_operands = 9 : i64, tpu.core_type = #tpu.core_type<sc_vector_subcore>, window_params = [{transform_indices = #map}, {transform_indices = #map1}, {transform_indices = #map1}, {transform_indices = #map1}, {transform_indices = #map1}, {transform_indices = #map2}, {transform_indices = #map}, {transform_indices = #map2}, {transform_indices = #map1}, {transform_indices = #map}]} {
    %mul3A = arith.constant 2 : i32
    %mul3A_0 = arith.muli %arg1, %mul3A : i32
    %add3A = arith.addi %mul3A_0, %arg0 : i32
    %mul3A_1 = arith.constant 640 : i32
    %mul3A_2 = arith.muli %arg1, %mul3A_1 : i32
    "tpu.region"() ({
      %run_scoped3A = tpu.sem_alloc : memref<!tpu.dma_semaphore, #tpu.memory_space<semaphore_mem>>
      %dma_start3A = arith.constant 0 : i32
      %dma_start3A_10 = tpu.memref_slice %arg19[%mul3A_2, %dma_start3A] : memref<10240x128xf32, #tpu.memory_space<vmem_shared>> -> memref<640x128xf32, #tpu.memory_space<vmem_shared>>
      %dma_start3A_11 = arith.constant 0 : i32
      %dma_start3A_12 = tpu.memref_slice %arg8[%mul3A_2, %dma_start3A_11] : memref<10240x128xf32, #tpu.memory_space<hbm>> -> memref<640x128xf32, #tpu.memory_space<hbm>>
      tpu.enqueue_dma source(%dma_start3A_12 : memref<640x128xf32, #tpu.memory_space<hbm>>) target(%dma_start3A_10 : memref<640x128xf32, #tpu.memory_space<vmem_shared>>) target_semaphore(%run_scoped3A : memref<!tpu.dma_semaphore, #tpu.memory_space<semaphore_mem>>)
      %dma_wait3A = arith.constant 0 : i32
      %dma_wait3A_13 = tpu.memref_slice %arg19[%mul3A_2, %dma_wait3A] : memref<10240x128xf32, #tpu.memory_space<vmem_shared>> -> memref<640x128xf32, #tpu.memory_space<vmem_shared>>
      %dma_wait3A_14 = arith.constant 0 : i32
      %dma_wait3A_15 = tpu.memref_slice %arg8[%mul3A_2, %dma_wait3A_14] : memref<10240x128xf32, #tpu.memory_space<hbm>> -> memref<640x128xf32, #tpu.memory_space<hbm>>
      tpu.wait_dma2 semaphore(%run_scoped3A : memref<!tpu.dma_semaphore, #tpu.memory_space<semaphore_mem>>) src(%dma_wait3A_15 : memref<640x128xf32, #tpu.memory_space<hbm>>) dst(%dma_wait3A_13 : memref<640x128xf32, #tpu.memory_space<vmem_shared>>)
      tpu.yield
    }) : () -> ()
    "tpu.region"() ({
      %run_scoped3A = tpu.sem_alloc : memref<!tpu.dma_semaphore, #tpu.memory_space<semaphore_mem>>
      tpu.enqueue_dma source(%arg9 : memref<30720xf32, #tpu.memory_space<hbm>>) target(%arg18 : memref<30720xf32, #tpu.memory_space<vmem>>) target_semaphore(%run_scoped3A : memref<!tpu.dma_semaphore, #tpu.memory_space<semaphore_mem>>)
      tpu.wait_dma2 semaphore(%run_scoped3A : memref<!tpu.dma_semaphore, #tpu.memory_space<semaphore_mem>>) src(%arg9 : memref<30720xf32, #tpu.memory_space<hbm>>) dst(%arg18 : memref<30720xf32, #tpu.memory_space<vmem>>)
      tpu.yield
    }) : () -> ()
    %barrier3A = arith.constant 0 : index
    tpu.barrier barrier_id(%barrier3A)
    %scan3A = arith.constant 0 : i32
    %scan3A_3 = arith.constant 0 : i32
    %scan3A_4 = arith.constant 39 : i32
    %scan3A_5 = arith.addi %scan3A_3, %scan3A_4 : i32
    %scan3A_6 = arith.constant 1 : i32
    %scan3A_7 = scf.for %scan3A_10 = %scan3A_3 to %scan3A_5 step %scan3A_6 iter_args(%scan3A_11 = %scan3A) -> (i32)  : i32 {
      %mul3A_12 = arith.constant 32 : i32
      %mul3A_13 = arith.muli %scan3A_10, %mul3A_12 : i32
      %add3A_14 = arith.addi %add3A, %mul3A_13 : i32
      %lt3A = arith.constant 1248 : i32
      %lt3A_15 = arith.cmpi slt, %add3A_14, %lt3A : i32
      %convert_element_type3A = arith.extui %lt3A_15 : i1 to i32
      %cond3A = arith.constant 0 : i32
      %cond3A_16 = arith.cmpi ne, %convert_element_type3A, %cond3A : i32
      scf.if %cond3A_16 {
        %mul3A_18 = arith.constant 128 : i32
        %mul3A_19 = arith.muli %add3A_14, %mul3A_18 : i32
        %jit3A = arith.constant 4 : i32
        %div3A = arith.divsi %add3A_14, %jit3A : i32
        %sign3A = arith.constant 0 : i32
        %sign3A_20 = arith.cmpi sgt, %add3A_14, %sign3A : i32
        %sign3A_21 = arith.extui %sign3A_20 : i1 to i32
        %sign3A_22 = arith.constant 0 : i32
        %sign3A_23 = arith.cmpi slt, %add3A_14, %sign3A_22 : i32
        %sign3A_24 = arith.extui %sign3A_23 : i1 to i32
        %sign3A_25 = arith.subi %sign3A_21, %sign3A_24 : i32
        %sign3A_26 = arith.constant 0 : i32
        %sign3A_27 = arith.cmpi sgt, %jit3A, %sign3A_26 : i32
        %sign3A_28 = arith.extui %sign3A_27 : i1 to i32
        %sign3A_29 = arith.constant 0 : i32
        %sign3A_30 = arith.cmpi slt, %jit3A, %sign3A_29 : i32
        %sign3A_31 = arith.extui %sign3A_30 : i1 to i32
        %sign3A_32 = arith.subi %sign3A_28, %sign3A_31 : i32
        %ne3A = arith.cmpi ne, %sign3A_25, %sign3A_32 : i32
        %rem3A = arith.remsi %add3A_14, %jit3A : i32
        %ne3A_33 = arith.constant 0 : i32
        %ne3A_34 = arith.cmpi ne, %rem3A, %ne3A_33 : i32
        %and3A = arith.andi %ne3A, %ne3A_34 : i1
        %sub3A = arith.constant 1 : i32
        %sub3A_35 = arith.subi %div3A, %sub3A : i32
        %select_n3A = arith.select %and3A, %sub3A_35, %div3A : i32
        %jit3A_36 = arith.constant 4 : i32
        %eq3A = arith.constant 0 : i32
        %eq3A_37 = arith.cmpi eq, %jit3A_36, %eq3A : i32
        %jit3A_38 = arith.constant 1 : i32
        %select_n3A_39 = arith.select %eq3A_37, %jit3A_38, %jit3A_36 : i32
        %rem3A_40 = arith.remsi %add3A_14, %select_n3A_39 : i32
        %ne3A_41 = arith.constant 0 : i32
        %ne3A_42 = arith.cmpi ne, %rem3A_40, %ne3A_41 : i32
        %lt3A_43 = arith.constant 0 : i32
        %lt3A_44 = arith.cmpi slt, %rem3A_40, %lt3A_43 : i32
        %lt3A_45 = arith.constant 0 : i32
        %lt3A_46 = arith.cmpi slt, %select_n3A_39, %lt3A_45 : i32
        %ne3A_47 = arith.xori %lt3A_44, %lt3A_46 : i1
        %and3A_48 = arith.andi %ne3A_47, %ne3A_42 : i1
        %add3A_49 = arith.addi %rem3A_40, %select_n3A_39 : i32
        %select_n3A_50 = arith.select %and3A_48, %add3A_49, %rem3A_40 : i32
        %mul3A_51 = arith.constant 128 : i32
        %mul3A_52 = arith.muli %select_n3A_50, %mul3A_51 : i32
        %dma_start3A = tpu.memref_slice %arg7[%mul3A_19] : memref<159744xi32, #tpu.memory_space<hbm>> -> memref<128xi32, #tpu.memory_space<hbm>>
        %dma_start3A_53 = tpu.memref_slice %arg7[%mul3A_19] : memref<159744xi32, #tpu.memory_space<hbm>> -> memref<128xi32, #tpu.memory_space<hbm>>
        tpu.enqueue_dma source(%dma_start3A_53 : memref<128xi32, #tpu.memory_space<hbm>>) target(%arg12 : memref<128xi32, #tpu.memory_space<vmem>>) target_semaphore(%arg20 : memref<!tpu.dma_semaphore, #tpu.memory_space<semaphore_mem>>)
        %dma_start3A_54 = arith.constant 0 : i32
        %dma_start3A_55 = tpu.memref_slice %arg2[%mul3A_19, %dma_start3A_54] : memref<159744x128xf32, #tpu.memory_space<hbm>> -> memref<128x128xf32, #tpu.memory_space<hbm>>
        %dma_start3A_56 = arith.constant 0 : i32
        %dma_start3A_57 = tpu.memref_slice %arg2[%mul3A_19, %dma_start3A_56] : memref<159744x128xf32, #tpu.memory_space<hbm>> -> memref<128x128xf32, #tpu.memory_space<hbm>>
        tpu.enqueue_dma source(%dma_start3A_57 : memref<128x128xf32, #tpu.memory_space<hbm>>) target(%arg13 : memref<128x128xf32, #tpu.memory_space<vmem>>) target_semaphore(%arg20 : memref<!tpu.dma_semaphore, #tpu.memory_space<semaphore_mem>>)
        %dma_start3A_58 = arith.constant 0 : i32
        %dma_start3A_59 = tpu.memref_slice %arg3[%select_n3A, %dma_start3A_58, %mul3A_52] : memref<312x1x512xf32, #tpu.memory_space<hbm>> -> memref<1x1x128xf32, #tpu.memory_space<hbm>>
        %dma_start3A_60 = tpu.memref_squeeze %dma_start3A_59 : memref<1x1x128xf32, #tpu.memory_space<hbm>> -> memref<128xf32, #tpu.memory_space<hbm>>
        %dma_start3A_61 = tpu.memref_slice %arg3[%select_n3A, %dma_start3A_58, %mul3A_52] : memref<312x1x512xf32, #tpu.memory_space<hbm>> -> memref<1x1x128xf32, #tpu.memory_space<hbm>>
        %dma_start3A_62 = tpu.memref_squeeze %dma_start3A_61 : memref<1x1x128xf32, #tpu.memory_space<hbm>> -> memref<128xf32, #tpu.memory_space<hbm>>
        tpu.enqueue_dma source(%dma_start3A_62 : memref<128xf32, #tpu.memory_space<hbm>>) target(%arg14 : memref<128xf32, #tpu.memory_space<vmem>>) target_semaphore(%arg20 : memref<!tpu.dma_semaphore, #tpu.memory_space<semaphore_mem>>)
        %dma_start3A_63 = arith.constant 0 : i32
        %dma_start3A_64 = tpu.memref_slice %arg4[%select_n3A, %dma_start3A_63, %mul3A_52] : memref<312x1x512xf32, #tpu.memory_space<hbm>> -> memref<1x1x128xf32, #tpu.memory_space<hbm>>
        %dma_start3A_65 = tpu.memref_squeeze %dma_start3A_64 : memref<1x1x128xf32, #tpu.memory_space<hbm>> -> memref<128xf32, #tpu.memory_space<hbm>>
        %dma_start3A_66 = tpu.memref_slice %arg4[%select_n3A, %dma_start3A_63, %mul3A_52] : memref<312x1x512xf32, #tpu.memory_space<hbm>> -> memref<1x1x128xf32, #tpu.memory_space<hbm>>
        %dma_start3A_67 = tpu.memref_squeeze %dma_start3A_66 : memref<1x1x128xf32, #tpu.memory_space<hbm>> -> memref<128xf32, #tpu.memory_space<hbm>>
        tpu.enqueue_dma source(%dma_start3A_67 : memref<128xf32, #tpu.memory_space<hbm>>) target(%arg15 : memref<128xf32, #tpu.memory_space<vmem>>) target_semaphore(%arg20 : memref<!tpu.dma_semaphore, #tpu.memory_space<semaphore_mem>>)
        %dma_start3A_68 = arith.constant 0 : i32
        %dma_start3A_69 = tpu.memref_slice %arg5[%select_n3A, %dma_start3A_68, %mul3A_52] : memref<312x1x512xf32, #tpu.memory_space<hbm>> -> memref<1x1x128xf32, #tpu.memory_space<hbm>>
        %dma_start3A_70 = tpu.memref_squeeze %dma_start3A_69 : memref<1x1x128xf32, #tpu.memory_space<hbm>> -> memref<128xf32, #tpu.memory_space<hbm>>
        %dma_start3A_71 = tpu.memref_slice %arg5[%select_n3A, %dma_start3A_68, %mul3A_52] : memref<312x1x512xf32, #tpu.memory_space<hbm>> -> memref<1x1x128xf32, #tpu.memory_space<hbm>>
        %dma_start3A_72 = tpu.memref_squeeze %dma_start3A_71 : memref<1x1x128xf32, #tpu.memory_space<hbm>> -> memref<128xf32, #tpu.memory_space<hbm>>
        tpu.enqueue_dma source(%dma_start3A_72 : memref<128xf32, #tpu.memory_space<hbm>>) target(%arg16 : memref<128xf32, #tpu.memory_space<vmem>>) target_semaphore(%arg20 : memref<!tpu.dma_semaphore, #tpu.memory_space<semaphore_mem>>)
        %dma_start3A_73 = arith.constant 0 : i32
        %dma_start3A_74 = tpu.memref_slice %arg6[%select_n3A, %dma_start3A_73, %mul3A_52] : memref<312x1x512xf32, #tpu.memory_space<hbm>> -> memref<1x1x128xf32, #tpu.memory_space<hbm>>
        %dma_start3A_75 = tpu.memref_squeeze %dma_start3A_74 : memref<1x1x128xf32, #tpu.memory_space<hbm>> -> memref<128xf32, #tpu.memory_space<hbm>>
        %dma_start3A_76 = tpu.memref_slice %arg6[%select_n3A, %dma_start3A_73, %mul3A_52] : memref<312x1x512xf32, #tpu.memory_space<hbm>> -> memref<1x1x128xf32, #tpu.memory_space<hbm>>
        %dma_start3A_77 = tpu.memref_squeeze %dma_start3A_76 : memref<1x1x128xf32, #tpu.memory_space<hbm>> -> memref<128xf32, #tpu.memory_space<hbm>>
        tpu.enqueue_dma source(%dma_start3A_77 : memref<128xf32, #tpu.memory_space<hbm>>) target(%arg17 : memref<128xf32, #tpu.memory_space<vmem>>) target_semaphore(%arg20 : memref<!tpu.dma_semaphore, #tpu.memory_space<semaphore_mem>>)
        %dma_wait3A = tpu.memref_slice %arg7[%mul3A_19] : memref<159744xi32, #tpu.memory_space<hbm>> -> memref<128xi32, #tpu.memory_space<hbm>>
        %dma_wait3A_78 = tpu.memref_slice %arg7[%mul3A_19] : memref<159744xi32, #tpu.memory_space<hbm>> -> memref<128xi32, #tpu.memory_space<hbm>>
        tpu.wait_dma2 semaphore(%arg20 : memref<!tpu.dma_semaphore, #tpu.memory_space<semaphore_mem>>) src(%dma_wait3A_78 : memref<128xi32, #tpu.memory_space<hbm>>) dst(%arg12 : memref<128xi32, #tpu.memory_space<vmem>>)
        %dma_wait3A_79 = arith.constant 0 : i32
        %dma_wait3A_80 = tpu.memref_slice %arg2[%mul3A_19, %dma_wait3A_79] : memref<159744x128xf32, #tpu.memory_space<hbm>> -> memref<128x128xf32, #tpu.memory_space<hbm>>
        %dma_wait3A_81 = arith.constant 0 : i32
        %dma_wait3A_82 = tpu.memref_slice %arg2[%mul3A_19, %dma_wait3A_81] : memref<159744x128xf32, #tpu.memory_space<hbm>> -> memref<128x128xf32, #tpu.memory_space<hbm>>
        tpu.wait_dma2 semaphore(%arg20 : memref<!tpu.dma_semaphore, #tpu.memory_space<semaphore_mem>>) src(%dma_wait3A_82 : memref<128x128xf32, #tpu.memory_space<hbm>>) dst(%arg13 : memref<128x128xf32, #tpu.memory_space<vmem>>)
        %dma_wait3A_83 = arith.constant 0 : i32
        %dma_wait3A_84 = tpu.memref_slice %arg3[%select_n3A, %dma_wait3A_83, %mul3A_52] : memref<312x1x512xf32, #tpu.memory_space<hbm>> -> memref<1x1x128xf32, #tpu.memory_space<hbm>>
        %dma_wait3A_85 = tpu.memref_squeeze %dma_wait3A_84 : memref<1x1x128xf32, #tpu.memory_space<hbm>> -> memref<128xf32, #tpu.memory_space<hbm>>
        %dma_wait3A_86 = tpu.memref_slice %arg3[%select_n3A, %dma_wait3A_83, %mul3A_52] : memref<312x1x512xf32, #tpu.memory_space<hbm>> -> memref<1x1x128xf32, #tpu.memory_space<hbm>>
        %dma_wait3A_87 = tpu.memref_squeeze %dma_wait3A_86 : memref<1x1x128xf32, #tpu.memory_space<hbm>> -> memref<128xf32, #tpu.memory_space<hbm>>
        tpu.wait_dma2 semaphore(%arg20 : memref<!tpu.dma_semaphore, #tpu.memory_space<semaphore_mem>>) src(%dma_wait3A_87 : memref<128xf32, #tpu.memory_space<hbm>>) dst(%arg14 : memref<128xf32, #tpu.memory_space<vmem>>)
        %dma_wait3A_88 = arith.constant 0 : i32
        %dma_wait3A_89 = tpu.memref_slice %arg4[%select_n3A, %dma_wait3A_88, %mul3A_52] : memref<312x1x512xf32, #tpu.memory_space<hbm>> -> memref<1x1x128xf32, #tpu.memory_space<hbm>>
        %dma_wait3A_90 = tpu.memref_squeeze %dma_wait3A_89 : memref<1x1x128xf32, #tpu.memory_space<hbm>> -> memref<128xf32, #tpu.memory_space<hbm>>
        %dma_wait3A_91 = tpu.memref_slice %arg4[%select_n3A, %dma_wait3A_88, %mul3A_52] : memref<312x1x512xf32, #tpu.memory_space<hbm>> -> memref<1x1x128xf32, #tpu.memory_space<hbm>>
        %dma_wait3A_92 = tpu.memref_squeeze %dma_wait3A_91 : memref<1x1x128xf32, #tpu.memory_space<hbm>> -> memref<128xf32, #tpu.memory_space<hbm>>
        tpu.wait_dma2 semaphore(%arg20 : memref<!tpu.dma_semaphore, #tpu.memory_space<semaphore_mem>>) src(%dma_wait3A_92 : memref<128xf32, #tpu.memory_space<hbm>>) dst(%arg15 : memref<128xf32, #tpu.memory_space<vmem>>)
        %dma_wait3A_93 = arith.constant 0 : i32
        %dma_wait3A_94 = tpu.memref_slice %arg5[%select_n3A, %dma_wait3A_93, %mul3A_52] : memref<312x1x512xf32, #tpu.memory_space<hbm>> -> memref<1x1x128xf32, #tpu.memory_space<hbm>>
        %dma_wait3A_95 = tpu.memref_squeeze %dma_wait3A_94 : memref<1x1x128xf32, #tpu.memory_space<hbm>> -> memref<128xf32, #tpu.memory_space<hbm>>
        %dma_wait3A_96 = tpu.memref_slice %arg5[%select_n3A, %dma_wait3A_93, %mul3A_52] : memref<312x1x512xf32, #tpu.memory_space<hbm>> -> memref<1x1x128xf32, #tpu.memory_space<hbm>>
        %dma_wait3A_97 = tpu.memref_squeeze %dma_wait3A_96 : memref<1x1x128xf32, #tpu.memory_space<hbm>> -> memref<128xf32, #tpu.memory_space<hbm>>
        tpu.wait_dma2 semaphore(%arg20 : memref<!tpu.dma_semaphore, #tpu.memory_space<semaphore_mem>>) src(%dma_wait3A_97 : memref<128xf32, #tpu.memory_space<hbm>>) dst(%arg16 : memref<128xf32, #tpu.memory_space<vmem>>)
        %dma_wait3A_98 = arith.constant 0 : i32
        %dma_wait3A_99 = tpu.memref_slice %arg6[%select_n3A, %dma_wait3A_98, %mul3A_52] : memref<312x1x512xf32, #tpu.memory_space<hbm>> -> memref<1x1x128xf32, #tpu.memory_space<hbm>>
        %dma_wait3A_100 = tpu.memref_squeeze %dma_wait3A_99 : memref<1x1x128xf32, #tpu.memory_space<hbm>> -> memref<128xf32, #tpu.memory_space<hbm>>
        %dma_wait3A_101 = tpu.memref_slice %arg6[%select_n3A, %dma_wait3A_98, %mul3A_52] : memref<312x1x512xf32, #tpu.memory_space<hbm>> -> memref<1x1x128xf32, #tpu.memory_space<hbm>>
        %dma_wait3A_102 = tpu.memref_squeeze %dma_wait3A_101 : memref<1x1x128xf32, #tpu.memory_space<hbm>> -> memref<128xf32, #tpu.memory_space<hbm>>
        tpu.wait_dma2 semaphore(%arg20 : memref<!tpu.dma_semaphore, #tpu.memory_space<semaphore_mem>>) src(%dma_wait3A_102 : memref<128xf32, #tpu.memory_space<hbm>>) dst(%arg17 : memref<128xf32, #tpu.memory_space<vmem>>)
        "tpu.region"() ({
          %run_scoped3A = tpu.sem_alloc : memref<!tpu.dma_semaphore, #tpu.memory_space<semaphore_mem>>
          %dma_start3A_278 = arith.constant 0 : i32
          %dma_start3A_279 = arith.constant 0 : i32
          %dma_start3A_280 = tpu.memref_slice %arg19[%dma_start3A_278, %dma_start3A_279] : memref<10240x128xf32, #tpu.memory_space<vmem_shared>> -> memref<10240x128xf32, #tpu.memory_space<vmem_shared>>
          tpu.enqueue_indirect_dma source(%arg13 : memref<128x128xf32, #tpu.memory_space<vmem>>) target(%dma_start3A_280 : memref<10240x128xf32, #tpu.memory_space<vmem_shared>>) offsets(%arg12 : memref<128xi32, #tpu.memory_space<vmem>>) semaphore(%run_scoped3A : memref<!tpu.dma_semaphore, #tpu.memory_space<semaphore_mem>>) {add = true}
          %dma_wait3A_281 = arith.constant 0 : i32
          %dma_wait3A_282 = arith.constant 0 : i32
          %dma_wait3A_283 = tpu.memref_slice %arg19[%dma_wait3A_281, %dma_wait3A_282] : memref<10240x128xf32, #tpu.memory_space<vmem_shared>> -> memref<10240x128xf32, #tpu.memory_space<vmem_shared>>
          tpu.wait_indirect_dma semaphore(%run_scoped3A : memref<!tpu.dma_semaphore, #tpu.memory_space<semaphore_mem>>) src(%arg13 : memref<128x128xf32, #tpu.memory_space<vmem>>) dst(%dma_wait3A_283 : memref<10240x128xf32, #tpu.memory_space<vmem_shared>>)
          tpu.yield
        }) : () -> ()
        %get3A = arith.constant 0 : index
        %get3A_103 = tpu.vector_load %arg12[%get3A] {strides = array<i32>} : memref<128xi32, #tpu.memory_space<vmem>>, vector<16xi32>,
        %mul3A_104 = arith.constant 3 : i32
        %mul3A_105 = vector.broadcast %mul3A_104 : i32 to vector<16xi32>
        %mul3A_106 = arith.muli %get3A_103, %mul3A_105 : vector<16xi32>
        %get3A_107 = arith.constant 0 : index
        %get3A_108 = tpu.vector_load %arg14[%get3A_107] {strides = array<i32>} : memref<128xf32, #tpu.memory_space<vmem>>, vector<16xf32>,
        %get3A_109 = arith.constant 0 : index
        %get3A_110 = tpu.vector_load %arg15[%get3A_109] {strides = array<i32>} : memref<128xf32, #tpu.memory_space<vmem>>, vector<16xf32>,
        %mul3A_111 = arith.mulf %get3A_110, %get3A_108 : vector<16xf32>
        tpu.vector_store_idx %arg18[%mul3A_106], %mul3A_111 {add = true} : memref<30720xf32, #tpu.memory_space<vmem>>[vector<16xi32>], vector<16xf32>,
        %add3A_112 = arith.constant 1 : i32
        %add3A_113 = vector.broadcast %add3A_112 : i32 to vector<16xi32>
        %add3A_114 = arith.addi %mul3A_106, %add3A_113 : vector<16xi32>
        %get3A_115 = arith.constant 0 : index
        %get3A_116 = tpu.vector_load %arg16[%get3A_115] {strides = array<i32>} : memref<128xf32, #tpu.memory_space<vmem>>, vector<16xf32>,
        %mul3A_117 = arith.mulf %get3A_116, %get3A_108 : vector<16xf32>
        tpu.vector_store_idx %arg18[%add3A_114], %mul3A_117 {add = true} : memref<30720xf32, #tpu.memory_space<vmem>>[vector<16xi32>], vector<16xf32>,
        %add3A_118 = arith.constant 2 : i32
        %add3A_119 = vector.broadcast %add3A_118 : i32 to vector<16xi32>
        %add3A_120 = arith.addi %mul3A_106, %add3A_119 : vector<16xi32>
        %get3A_121 = arith.constant 0 : index
        %get3A_122 = tpu.vector_load %arg17[%get3A_121] {strides = array<i32>} : memref<128xf32, #tpu.memory_space<vmem>>, vector<16xf32>,
        %mul3A_123 = arith.mulf %get3A_122, %get3A_108 : vector<16xf32>
        tpu.vector_store_idx %arg18[%add3A_120], %mul3A_123 {add = true} : memref<30720xf32, #tpu.memory_space<vmem>>[vector<16xi32>], vector<16xf32>,
        %get3A_124 = arith.constant 16 : index
        %get3A_125 = tpu.vector_load %arg12[%get3A_124] {strides = array<i32>} : memref<128xi32, #tpu.memory_space<vmem>>, vector<16xi32>,
        %mul3A_126 = arith.constant 3 : i32
        %mul3A_127 = vector.broadcast %mul3A_126 : i32 to vector<16xi32>
        %mul3A_128 = arith.muli %get3A_125, %mul3A_127 : vector<16xi32>
        %get3A_129 = arith.constant 16 : index
        %get3A_130 = tpu.vector_load %arg14[%get3A_129] {strides = array<i32>} : memref<128xf32, #tpu.memory_space<vmem>>, vector<16xf32>,
        %get3A_131 = arith.constant 16 : index
        %get3A_132 = tpu.vector_load %arg15[%get3A_131] {strides = array<i32>} : memref<128xf32, #tpu.memory_space<vmem>>, vector<16xf32>,
        %mul3A_133 = arith.mulf %get3A_132, %get3A_130 : vector<16xf32>
        tpu.vector_store_idx %arg18[%mul3A_128], %mul3A_133 {add = true} : memref<30720xf32, #tpu.memory_space<vmem>>[vector<16xi32>], vector<16xf32>,
        %add3A_134 = arith.constant 1 : i32
        %add3A_135 = vector.broadcast %add3A_134 : i32 to vector<16xi32>
        %add3A_136 = arith.addi %mul3A_128, %add3A_135 : vector<16xi32>
        %get3A_137 = arith.constant 16 : index
        %get3A_138 = tpu.vector_load %arg16[%get3A_137] {strides = array<i32>} : memref<128xf32, #tpu.memory_space<vmem>>, vector<16xf32>,
        %mul3A_139 = arith.mulf %get3A_138, %get3A_130 : vector<16xf32>
        tpu.vector_store_idx %arg18[%add3A_136], %mul3A_139 {add = true} : memref<30720xf32, #tpu.memory_space<vmem>>[vector<16xi32>], vector<16xf32>,
        %add3A_140 = arith.constant 2 : i32
        %add3A_141 = vector.broadcast %add3A_140 : i32 to vector<16xi32>
        %add3A_142 = arith.addi %mul3A_128, %add3A_141 : vector<16xi32>
        %get3A_143 = arith.constant 16 : index
        %get3A_144 = tpu.vector_load %arg17[%get3A_143] {strides = array<i32>} : memref<128xf32, #tpu.memory_space<vmem>>, vector<16xf32>,
        %mul3A_145 = arith.mulf %get3A_144, %get3A_130 : vector<16xf32>
        tpu.vector_store_idx %arg18[%add3A_142], %mul3A_145 {add = true} : memref<30720xf32, #tpu.memory_space<vmem>>[vector<16xi32>], vector<16xf32>,
        %get3A_146 = arith.constant 32 : index
        %get3A_147 = tpu.vector_load %arg12[%get3A_146] {strides = array<i32>} : memref<128xi32, #tpu.memory_space<vmem>>, vector<16xi32>,
        %mul3A_148 = arith.constant 3 : i32
        %mul3A_149 = vector.broadcast %mul3A_148 : i32 to vector<16xi32>
        %mul3A_150 = arith.muli %get3A_147, %mul3A_149 : vector<16xi32>
        %get3A_151 = arith.constant 32 : index
        %get3A_152 = tpu.vector_load %arg14[%get3A_151] {strides = array<i32>} : memref<128xf32, #tpu.memory_space<vmem>>, vector<16xf32>,
        %get3A_153 = arith.constant 32 : index
        %get3A_154 = tpu.vector_load %arg15[%get3A_153] {strides = array<i32>} : memref<128xf32, #tpu.memory_space<vmem>>, vector<16xf32>,
        %mul3A_155 = arith.mulf %get3A_154, %get3A_152 : vector<16xf32>
        tpu.vector_store_idx %arg18[%mul3A_150], %mul3A_155 {add = true} : memref<30720xf32, #tpu.memory_space<vmem>>[vector<16xi32>], vector<16xf32>,
        %add3A_156 = arith.constant 1 : i32
        %add3A_157 = vector.broadcast %add3A_156 : i32 to vector<16xi32>
        %add3A_158 = arith.addi %mul3A_150, %add3A_157 : vector<16xi32>
        %get3A_159 = arith.constant 32 : index
        %get3A_160 = tpu.vector_load %arg16[%get3A_159] {strides = array<i32>} : memref<128xf32, #tpu.memory_space<vmem>>, vector<16xf32>,
        %mul3A_161 = arith.mulf %get3A_160, %get3A_152 : vector<16xf32>
        tpu.vector_store_idx %arg18[%add3A_158], %mul3A_161 {add = true} : memref<30720xf32, #tpu.memory_space<vmem>>[vector<16xi32>], vector<16xf32>,
        %add3A_162 = arith.constant 2 : i32
        %add3A_163 = vector.broadcast %add3A_162 : i32 to vector<16xi32>
        %add3A_164 = arith.addi %mul3A_150, %add3A_163 : vector<16xi32>
        %get3A_165 = arith.constant 32 : index
        %get3A_166 = tpu.vector_load %arg17[%get3A_165] {strides = array<i32>} : memref<128xf32, #tpu.memory_space<vmem>>, vector<16xf32>,
        %mul3A_167 = arith.mulf %get3A_166, %get3A_152 : vector<16xf32>
        tpu.vector_store_idx %arg18[%add3A_164], %mul3A_167 {add = true} : memref<30720xf32, #tpu.memory_space<vmem>>[vector<16xi32>], vector<16xf32>,
        %get3A_168 = arith.constant 48 : index
        %get3A_169 = tpu.vector_load %arg12[%get3A_168] {strides = array<i32>} : memref<128xi32, #tpu.memory_space<vmem>>, vector<16xi32>,
        %mul3A_170 = arith.constant 3 : i32
        %mul3A_171 = vector.broadcast %mul3A_170 : i32 to vector<16xi32>
        %mul3A_172 = arith.muli %get3A_169, %mul3A_171 : vector<16xi32>
        %get3A_173 = arith.constant 48 : index
        %get3A_174 = tpu.vector_load %arg14[%get3A_173] {strides = array<i32>} : memref<128xf32, #tpu.memory_space<vmem>>, vector<16xf32>,
        %get3A_175 = arith.constant 48 : index
        %get3A_176 = tpu.vector_load %arg15[%get3A_175] {strides = array<i32>} : memref<128xf32, #tpu.memory_space<vmem>>, vector<16xf32>,
        %mul3A_177 = arith.mulf %get3A_176, %get3A_174 : vector<16xf32>
        tpu.vector_store_idx %arg18[%mul3A_172], %mul3A_177 {add = true} : memref<30720xf32, #tpu.memory_space<vmem>>[vector<16xi32>], vector<16xf32>,
        %add3A_178 = arith.constant 1 : i32
        %add3A_179 = vector.broadcast %add3A_178 : i32 to vector<16xi32>
        %add3A_180 = arith.addi %mul3A_172, %add3A_179 : vector<16xi32>
        %get3A_181 = arith.constant 48 : index
        %get3A_182 = tpu.vector_load %arg16[%get3A_181] {strides = array<i32>} : memref<128xf32, #tpu.memory_space<vmem>>, vector<16xf32>,
        %mul3A_183 = arith.mulf %get3A_182, %get3A_174 : vector<16xf32>
        tpu.vector_store_idx %arg18[%add3A_180], %mul3A_183 {add = true} : memref<30720xf32, #tpu.memory_space<vmem>>[vector<16xi32>], vector<16xf32>,
        %add3A_184 = arith.constant 2 : i32
        %add3A_185 = vector.broadcast %add3A_184 : i32 to vector<16xi32>
        %add3A_186 = arith.addi %mul3A_172, %add3A_185 : vector<16xi32>
        %get3A_187 = arith.constant 48 : index
        %get3A_188 = tpu.vector_load %arg17[%get3A_187] {strides = array<i32>} : memref<128xf32, #tpu.memory_space<vmem>>, vector<16xf32>,
        %mul3A_189 = arith.mulf %get3A_188, %get3A_174 : vector<16xf32>
        tpu.vector_store_idx %arg18[%add3A_186], %mul3A_189 {add = true} : memref<30720xf32, #tpu.memory_space<vmem>>[vector<16xi32>], vector<16xf32>,
        %get3A_190 = arith.constant 64 : index
        %get3A_191 = tpu.vector_load %arg12[%get3A_190] {strides = array<i32>} : memref<128xi32, #tpu.memory_space<vmem>>, vector<16xi32>,
        %mul3A_192 = arith.constant 3 : i32
        %mul3A_193 = vector.broadcast %mul3A_192 : i32 to vector<16xi32>
        %mul3A_194 = arith.muli %get3A_191, %mul3A_193 : vector<16xi32>
        %get3A_195 = arith.constant 64 : index
        %get3A_196 = tpu.vector_load %arg14[%get3A_195] {strides = array<i32>} : memref<128xf32, #tpu.memory_space<vmem>>, vector<16xf32>,
        %get3A_197 = arith.constant 64 : index
        %get3A_198 = tpu.vector_load %arg15[%get3A_197] {strides = array<i32>} : memref<128xf32, #tpu.memory_space<vmem>>, vector<16xf32>,
        %mul3A_199 = arith.mulf %get3A_198, %get3A_196 : vector<16xf32>
        tpu.vector_store_idx %arg18[%mul3A_194], %mul3A_199 {add = true} : memref<30720xf32, #tpu.memory_space<vmem>>[vector<16xi32>], vector<16xf32>,
        %add3A_200 = arith.constant 1 : i32
        %add3A_201 = vector.broadcast %add3A_200 : i32 to vector<16xi32>
        %add3A_202 = arith.addi %mul3A_194, %add3A_201 : vector<16xi32>
        %get3A_203 = arith.constant 64 : index
        %get3A_204 = tpu.vector_load %arg16[%get3A_203] {strides = array<i32>} : memref<128xf32, #tpu.memory_space<vmem>>, vector<16xf32>,
        %mul3A_205 = arith.mulf %get3A_204, %get3A_196 : vector<16xf32>
        tpu.vector_store_idx %arg18[%add3A_202], %mul3A_205 {add = true} : memref<30720xf32, #tpu.memory_space<vmem>>[vector<16xi32>], vector<16xf32>,
        %add3A_206 = arith.constant 2 : i32
        %add3A_207 = vector.broadcast %add3A_206 : i32 to vector<16xi32>
        %add3A_208 = arith.addi %mul3A_194, %add3A_207 : vector<16xi32>
        %get3A_209 = arith.constant 64 : index
        %get3A_210 = tpu.vector_load %arg17[%get3A_209] {strides = array<i32>} : memref<128xf32, #tpu.memory_space<vmem>>, vector<16xf32>,
        %mul3A_211 = arith.mulf %get3A_210, %get3A_196 : vector<16xf32>
        tpu.vector_store_idx %arg18[%add3A_208], %mul3A_211 {add = true} : memref<30720xf32, #tpu.memory_space<vmem>>[vector<16xi32>], vector<16xf32>,
        %get3A_212 = arith.constant 80 : index
        %get3A_213 = tpu.vector_load %arg12[%get3A_212] {strides = array<i32>} : memref<128xi32, #tpu.memory_space<vmem>>, vector<16xi32>,
        %mul3A_214 = arith.constant 3 : i32
        %mul3A_215 = vector.broadcast %mul3A_214 : i32 to vector<16xi32>
        %mul3A_216 = arith.muli %get3A_213, %mul3A_215 : vector<16xi32>
        %get3A_217 = arith.constant 80 : index
        %get3A_218 = tpu.vector_load %arg14[%get3A_217] {strides = array<i32>} : memref<128xf32, #tpu.memory_space<vmem>>, vector<16xf32>,
        %get3A_219 = arith.constant 80 : index
        %get3A_220 = tpu.vector_load %arg15[%get3A_219] {strides = array<i32>} : memref<128xf32, #tpu.memory_space<vmem>>, vector<16xf32>,
        %mul3A_221 = arith.mulf %get3A_220, %get3A_218 : vector<16xf32>
        tpu.vector_store_idx %arg18[%mul3A_216], %mul3A_221 {add = true} : memref<30720xf32, #tpu.memory_space<vmem>>[vector<16xi32>], vector<16xf32>,
        %add3A_222 = arith.constant 1 : i32
        %add3A_223 = vector.broadcast %add3A_222 : i32 to vector<16xi32>
        %add3A_224 = arith.addi %mul3A_216, %add3A_223 : vector<16xi32>
        %get3A_225 = arith.constant 80 : index
        %get3A_226 = tpu.vector_load %arg16[%get3A_225] {strides = array<i32>} : memref<128xf32, #tpu.memory_space<vmem>>, vector<16xf32>,
        %mul3A_227 = arith.mulf %get3A_226, %get3A_218 : vector<16xf32>
        tpu.vector_store_idx %arg18[%add3A_224], %mul3A_227 {add = true} : memref<30720xf32, #tpu.memory_space<vmem>>[vector<16xi32>], vector<16xf32>,
        %add3A_228 = arith.constant 2 : i32
        %add3A_229 = vector.broadcast %add3A_228 : i32 to vector<16xi32>
        %add3A_230 = arith.addi %mul3A_216, %add3A_229 : vector<16xi32>
        %get3A_231 = arith.constant 80 : index
        %get3A_232 = tpu.vector_load %arg17[%get3A_231] {strides = array<i32>} : memref<128xf32, #tpu.memory_space<vmem>>, vector<16xf32>,
        %mul3A_233 = arith.mulf %get3A_232, %get3A_218 : vector<16xf32>
        tpu.vector_store_idx %arg18[%add3A_230], %mul3A_233 {add = true} : memref<30720xf32, #tpu.memory_space<vmem>>[vector<16xi32>], vector<16xf32>,
        %get3A_234 = arith.constant 96 : index
        %get3A_235 = tpu.vector_load %arg12[%get3A_234] {strides = array<i32>} : memref<128xi32, #tpu.memory_space<vmem>>, vector<16xi32>,
        %mul3A_236 = arith.constant 3 : i32
        %mul3A_237 = vector.broadcast %mul3A_236 : i32 to vector<16xi32>
        %mul3A_238 = arith.muli %get3A_235, %mul3A_237 : vector<16xi32>
        %get3A_239 = arith.constant 96 : index
        %get3A_240 = tpu.vector_load %arg14[%get3A_239] {strides = array<i32>} : memref<128xf32, #tpu.memory_space<vmem>>, vector<16xf32>,
        %get3A_241 = arith.constant 96 : index
        %get3A_242 = tpu.vector_load %arg15[%get3A_241] {strides = array<i32>} : memref<128xf32, #tpu.memory_space<vmem>>, vector<16xf32>,
        %mul3A_243 = arith.mulf %get3A_242, %get3A_240 : vector<16xf32>
        tpu.vector_store_idx %arg18[%mul3A_238], %mul3A_243 {add = true} : memref<30720xf32, #tpu.memory_space<vmem>>[vector<16xi32>], vector<16xf32>,
        %add3A_244 = arith.constant 1 : i32
        %add3A_245 = vector.broadcast %add3A_244 : i32 to vector<16xi32>
        %add3A_246 = arith.addi %mul3A_238, %add3A_245 : vector<16xi32>
        %get3A_247 = arith.constant 96 : index
        %get3A_248 = tpu.vector_load %arg16[%get3A_247] {strides = array<i32>} : memref<128xf32, #tpu.memory_space<vmem>>, vector<16xf32>,
        %mul3A_249 = arith.mulf %get3A_248, %get3A_240 : vector<16xf32>
        tpu.vector_store_idx %arg18[%add3A_246], %mul3A_249 {add = true} : memref<30720xf32, #tpu.memory_space<vmem>>[vector<16xi32>], vector<16xf32>,
        %add3A_250 = arith.constant 2 : i32
        %add3A_251 = vector.broadcast %add3A_250 : i32 to vector<16xi32>
        %add3A_252 = arith.addi %mul3A_238, %add3A_251 : vector<16xi32>
        %get3A_253 = arith.constant 96 : index
        %get3A_254 = tpu.vector_load %arg17[%get3A_253] {strides = array<i32>} : memref<128xf32, #tpu.memory_space<vmem>>, vector<16xf32>,
        %mul3A_255 = arith.mulf %get3A_254, %get3A_240 : vector<16xf32>
        tpu.vector_store_idx %arg18[%add3A_252], %mul3A_255 {add = true} : memref<30720xf32, #tpu.memory_space<vmem>>[vector<16xi32>], vector<16xf32>,
        %get3A_256 = arith.constant 112 : index
        %get3A_257 = tpu.vector_load %arg12[%get3A_256] {strides = array<i32>} : memref<128xi32, #tpu.memory_space<vmem>>, vector<16xi32>,
        %mul3A_258 = arith.constant 3 : i32
        %mul3A_259 = vector.broadcast %mul3A_258 : i32 to vector<16xi32>
        %mul3A_260 = arith.muli %get3A_257, %mul3A_259 : vector<16xi32>
        %get3A_261 = arith.constant 112 : index
        %get3A_262 = tpu.vector_load %arg14[%get3A_261] {strides = array<i32>} : memref<128xf32, #tpu.memory_space<vmem>>, vector<16xf32>,
        %get3A_263 = arith.constant 112 : index
        %get3A_264 = tpu.vector_load %arg15[%get3A_263] {strides = array<i32>} : memref<128xf32, #tpu.memory_space<vmem>>, vector<16xf32>,
        %mul3A_265 = arith.mulf %get3A_264, %get3A_262 : vector<16xf32>
        tpu.vector_store_idx %arg18[%mul3A_260], %mul3A_265 {add = true} : memref<30720xf32, #tpu.memory_space<vmem>>[vector<16xi32>], vector<16xf32>,
        %add3A_266 = arith.constant 1 : i32
        %add3A_267 = vector.broadcast %add3A_266 : i32 to vector<16xi32>
        %add3A_268 = arith.addi %mul3A_260, %add3A_267 : vector<16xi32>
        %get3A_269 = arith.constant 112 : index
        %get3A_270 = tpu.vector_load %arg16[%get3A_269] {strides = array<i32>} : memref<128xf32, #tpu.memory_space<vmem>>, vector<16xf32>,
        %mul3A_271 = arith.mulf %get3A_270, %get3A_262 : vector<16xf32>
        tpu.vector_store_idx %arg18[%add3A_268], %mul3A_271 {add = true} : memref<30720xf32, #tpu.memory_space<vmem>>[vector<16xi32>], vector<16xf32>,
        %add3A_272 = arith.constant 2 : i32
        %add3A_273 = vector.broadcast %add3A_272 : i32 to vector<16xi32>
        %add3A_274 = arith.addi %mul3A_260, %add3A_273 : vector<16xi32>
        %get3A_275 = arith.constant 112 : index
        %get3A_276 = tpu.vector_load %arg17[%get3A_275] {strides = array<i32>} : memref<128xf32, #tpu.memory_space<vmem>>, vector<16xf32>,
        %mul3A_277 = arith.mulf %get3A_276, %get3A_262 : vector<16xf32>
        tpu.vector_store_idx %arg18[%add3A_274], %mul3A_277 {add = true} : memref<30720xf32, #tpu.memory_space<vmem>>[vector<16xi32>], vector<16xf32>,
      } else {
      }
      %scan3A_17 = arith.constant 0 : i32
      scf.yield %scan3A_17 : i32
    }
    %scan3A_8 = arith.constant 39 : i32
    %barrier3A_9 = arith.constant 0 : index
    tpu.barrier barrier_id(%barrier3A_9)
    "tpu.region"() ({
      %run_scoped3A = tpu.sem_alloc : memref<!tpu.dma_semaphore, #tpu.memory_space<semaphore_mem>>
      %dma_start3A = arith.constant 0 : i32
      %dma_start3A_10 = tpu.memref_slice %arg10[%arg0, %mul3A_2, %dma_start3A] : memref<2x10240x128xf32, #tpu.memory_space<hbm>> -> memref<1x640x128xf32, #tpu.memory_space<hbm>>
      %dma_start3A_11 = tpu.memref_squeeze %dma_start3A_10 : memref<1x640x128xf32, #tpu.memory_space<hbm>> -> memref<640x128xf32, #tpu.memory_space<hbm>>
      %dma_start3A_12 = arith.constant 0 : i32
      %dma_start3A_13 = tpu.memref_slice %arg19[%mul3A_2, %dma_start3A_12] : memref<10240x128xf32, #tpu.memory_space<vmem_shared>> -> memref<640x128xf32, #tpu.memory_space<vmem_shared>>
      tpu.enqueue_dma source(%dma_start3A_13 : memref<640x128xf32, #tpu.memory_space<vmem_shared>>) target(%dma_start3A_11 : memref<640x128xf32, #tpu.memory_space<hbm>>) target_semaphore(%run_scoped3A : memref<!tpu.dma_semaphore, #tpu.memory_space<semaphore_mem>>)
      %dma_wait3A = arith.constant 0 : i32
      %dma_wait3A_14 = tpu.memref_slice %arg10[%arg0, %mul3A_2, %dma_wait3A] : memref<2x10240x128xf32, #tpu.memory_space<hbm>> -> memref<1x640x128xf32, #tpu.memory_space<hbm>>
      %dma_wait3A_15 = tpu.memref_squeeze %dma_wait3A_14 : memref<1x640x128xf32, #tpu.memory_space<hbm>> -> memref<640x128xf32, #tpu.memory_space<hbm>>
      %dma_wait3A_16 = arith.constant 0 : i32
      %dma_wait3A_17 = tpu.memref_slice %arg19[%mul3A_2, %dma_wait3A_16] : memref<10240x128xf32, #tpu.memory_space<vmem_shared>> -> memref<640x128xf32, #tpu.memory_space<vmem_shared>>
      tpu.wait_dma2 semaphore(%run_scoped3A : memref<!tpu.dma_semaphore, #tpu.memory_space<semaphore_mem>>) src(%dma_wait3A_17 : memref<640x128xf32, #tpu.memory_space<vmem_shared>>) dst(%dma_wait3A_15 : memref<640x128xf32, #tpu.memory_space<hbm>>)
      tpu.yield
    }) : () -> ()
    "tpu.region"() ({
      %run_scoped3A = tpu.sem_alloc : memref<!tpu.dma_semaphore, #tpu.memory_space<semaphore_mem>>
      %dma_start3A = arith.constant 0 : i32
      %dma_start3A_10 = tpu.memref_slice %arg11[%add3A, %dma_start3A] : memref<32x30720xf32, #tpu.memory_space<hbm>> -> memref<1x30720xf32, #tpu.memory_space<hbm>>
      %dma_start3A_11 = tpu.memref_squeeze %dma_start3A_10 : memref<1x30720xf32, #tpu.memory_space<hbm>> -> memref<30720xf32, #tpu.memory_space<hbm>>
      %dma_start3A_12 = arith.constant 0 : i32
      %dma_start3A_13 = tpu.memref_slice %arg11[%add3A, %dma_start3A_12] : memref<32x30720xf32, #tpu.memory_space<hbm>> -> memref<1x30720xf32, #tpu.memory_space<hbm>>
      %dma_start3A_14 = tpu.memref_squeeze %dma_start3A_13 : memref<1x30720xf32, #tpu.memory_space<hbm>> -> memref<30720xf32, #tpu.memory_space<hbm>>
      tpu.enqueue_dma source(%arg18 : memref<30720xf32, #tpu.memory_space<vmem>>) target(%dma_start3A_14 : memref<30720xf32, #tpu.memory_space<hbm>>) target_semaphore(%run_scoped3A : memref<!tpu.dma_semaphore, #tpu.memory_space<semaphore_mem>>)
      %dma_wait3A = arith.constant 0 : i32
      %dma_wait3A_15 = tpu.memref_slice %arg11[%add3A, %dma_wait3A] : memref<32x30720xf32, #tpu.memory_space<hbm>> -> memref<1x30720xf32, #tpu.memory_space<hbm>>
      %dma_wait3A_16 = tpu.memref_squeeze %dma_wait3A_15 : memref<1x30720xf32, #tpu.memory_space<hbm>> -> memref<30720xf32, #tpu.memory_space<hbm>>
      %dma_wait3A_17 = arith.constant 0 : i32
      %dma_wait3A_18 = tpu.memref_slice %arg11[%add3A, %dma_wait3A_17] : memref<32x30720xf32, #tpu.memory_space<hbm>> -> memref<1x30720xf32, #tpu.memory_space<hbm>>
      %dma_wait3A_19 = tpu.memref_squeeze %dma_wait3A_18 : memref<1x30720xf32, #tpu.memory_space<hbm>> -> memref<30720xf32, #tpu.memory_space<hbm>>
      tpu.wait_dma2 semaphore(%run_scoped3A : memref<!tpu.dma_semaphore, #tpu.memory_space<semaphore_mem>>) src(%arg18 : memref<30720xf32, #tpu.memory_space<vmem>>) dst(%dma_wait3A_19 : memref<30720xf32, #tpu.memory_space<hbm>>)
      tpu.yield
    }) : () -> ()
    return
  }
}

module attributes {stable_mosaic.version = 14 : i64} {
  func.func @_prep_body(%arg0: i32, %arg1: memref<512x128xf32, #tpu.memory_space<vmem>>, %arg2: memref<128x128xf32, #tpu.memory_space<vmem>>, %arg3: memref<128x128xf32, #tpu.memory_space<vmem>>, %arg4: memref<512x128xf32, #tpu.memory_space<vmem>>, %arg5: memref<512x128xf32, #tpu.memory_space<vmem>>) attributes {dimension_semantics = [#tpu.dimension_semantics<arbitrary>], iteration_bounds = array<i64: 20>, scalar_prefetch = 0 : i64, scratch_operands = 0 : i64, tpu.core_type = #tpu.core_type<tc>, window_params = [{transform_indices = @transform_0, window_bounds = array<i64: 512, 128>}, {pipeline_mode = #tpu.pipeline_mode<synchronous>, transform_indices = @transform_1, window_bounds = array<i64: 128, 128>}, {pipeline_mode = #tpu.pipeline_mode<synchronous>, transform_indices = @transform_2, window_bounds = array<i64: 128, 128>}, {transform_indices = @transform_3, window_bounds = array<i64: 512, 128>}, {transform_indices = @transform_4, window_bounds = array<i64: 512, 128>}]} {
    %get3A = arith.constant 0 : index
    %get3A_0 = arith.constant 0 : index
    %get3A_1 = vector.load %arg1[%get3A, %get3A_0] : memref<512x128xf32, #tpu.memory_space<vmem>>, vector<512x128xf32>
    %get3A_2 = arith.constant 0 : index
    %get3A_3 = arith.constant 0 : index
    %get3A_4 = vector.load %arg2[%get3A_2, %get3A_3] : memref<128x128xf32, #tpu.memory_space<vmem>>, vector<128x128xf32>
    %dot_general3A = arith.constant dense<0.000000e+00> : vector<512x128xf32>
    %dot_general3A_5 = tpu.matmul %get3A_1, %get3A_4, %dot_general3A {dimension_numbers = #tpu.dot_dimension_numbers<[1], [0], [0], [1], [0, 0, 1, 1], [], []>, transpose_lhs_hint = false} : vector<512x128xf32>, vector<128x128xf32>, vector<512x128xf32> -> vector<512x128xf32>
    %swap3A = arith.constant 0 : index
    %swap3A_6 = arith.constant 0 : index
    %swap3A_7 = vector.load %arg4[%swap3A, %swap3A_6] : memref<512x128xf32, #tpu.memory_space<vmem>>, vector<512x128xf32>
    tpu.vector_store %arg4[%swap3A, %swap3A_6], %dot_general3A_5 {strides = array<i32>} : memref<512x128xf32, #tpu.memory_space<vmem>>, vector<512x128xf32>,
    %get3A_8 = arith.constant 0 : index
    %get3A_9 = arith.constant 0 : index
    %get3A_10 = vector.load %arg1[%get3A_8, %get3A_9] : memref<512x128xf32, #tpu.memory_space<vmem>>, vector<512x128xf32>
    %get3A_11 = arith.constant 0 : index
    %get3A_12 = arith.constant 0 : index
    %get3A_13 = vector.load %arg3[%get3A_11, %get3A_12] : memref<128x128xf32, #tpu.memory_space<vmem>>, vector<128x128xf32>
    %dot_general3A_14 = arith.constant dense<0.000000e+00> : vector<512x128xf32>
    %dot_general3A_15 = tpu.matmul %get3A_10, %get3A_13, %dot_general3A_14 {dimension_numbers = #tpu.dot_dimension_numbers<[1], [0], [0], [1], [0, 0, 1, 1], [], []>, transpose_lhs_hint = false} : vector<512x128xf32>, vector<128x128xf32>, vector<512x128xf32> -> vector<512x128xf32>
    %swap3A_16 = arith.constant 0 : index
    %swap3A_17 = arith.constant 0 : index
    %swap3A_18 = vector.load %arg5[%swap3A_16, %swap3A_17] : memref<512x128xf32, #tpu.memory_space<vmem>>, vector<512x128xf32>
    tpu.vector_store %arg5[%swap3A_16, %swap3A_17], %dot_general3A_15 {strides = array<i32>} : memref<512x128xf32, #tpu.memory_space<vmem>>, vector<512x128xf32>,
    return
  }
  func.func @transform_0(%arg0: i32) -> (i32, i32) {
    %c0_i32 = arith.constant 0 : i32
    %c0_i32_0 = arith.constant 0 : i32
    return %arg0, %c0_i32 : i32, i32
  }
  func.func @transform_1(%arg0: i32) -> (i32, i32) {
    %c0_i32 = arith.constant 0 : i32
    %c0_i32_0 = arith.constant 0 : i32
    %c0_i32_1 = arith.constant 0 : i32
    return %c0_i32, %c0_i32_0 : i32, i32
  }
  func.func @transform_2(%arg0: i32) -> (i32, i32) {
    %c0_i32 = arith.constant 0 : i32
    %c0_i32_0 = arith.constant 0 : i32
    %c0_i32_1 = arith.constant 0 : i32
    return %c0_i32, %c0_i32_0 : i32, i32
  }
  func.func @transform_3(%arg0: i32) -> (i32, i32) {
    %c0_i32 = arith.constant 0 : i32
    %c0_i32_0 = arith.constant 0 : i32
    return %arg0, %c0_i32 : i32, i32
  }
  func.func @transform_4(%arg0: i32) -> (i32, i32) {
    %c0_i32 = arith.constant 0 : i32
    %c0_i32_0 = arith.constant 0 : i32
    return %arg0, %c0_i32 : i32, i32
  }
}

module attributes {stable_mosaic.version = 14 : i64} {
  func.func @_edge_body(%arg0: i32, %arg1: memref<512x128xf32, #tpu.memory_space<vmem>>, %arg2: memref<512x128xf32, #tpu.memory_space<vmem>>, %arg3: memref<1x1x512xf32, #tpu.memory_space<vmem>>, %arg4: memref<512x16xf32, #tpu.memory_space<vmem>>, %arg5: memref<1x1x512xf32, #tpu.memory_space<vmem>>, %arg6: memref<1x128xf32, #tpu.memory_space<vmem>>, %arg7: memref<16x128xf32, #tpu.memory_space<vmem>>, %arg8: memref<1x128xf32, #tpu.memory_space<vmem>>, %arg9: memref<128x128xf32, #tpu.memory_space<vmem>>, %arg10: memref<1x128xf32, #tpu.memory_space<vmem>>, %arg11: memref<1x128xf32, #tpu.memory_space<vmem>>, %arg12: memref<1x1xf32, #tpu.memory_space<vmem>>, %arg13: memref<1x128xf32, #tpu.memory_space<vmem>>, %arg14: memref<1x1xf32, #tpu.memory_space<vmem>>, %arg15: memref<512x128xf32, #tpu.memory_space<vmem>>, %arg16: memref<1x1x512xf32, #tpu.memory_space<vmem>>) attributes {dimension_semantics = [#tpu.dimension_semantics<arbitrary>], iteration_bounds = array<i64: 313>, scalar_prefetch = 0 : i64, scratch_operands = 0 : i64, tpu.core_type = #tpu.core_type<tc>, window_params = [{transform_indices = @transform_0, window_bounds = array<i64: 512, 128>}, {transform_indices = @transform_1, window_bounds = array<i64: 512, 128>}, {transform_indices = @transform_2, window_bounds = array<i64: 1, 1, 512>}, {transform_indices = @transform_3, window_bounds = array<i64: 512, 16>}, {transform_indices = @transform_4, window_bounds = array<i64: 1, 1, 512>}, {pipeline_mode = #tpu.pipeline_mode<synchronous>, transform_indices = @transform_5, window_bounds = array<i64: 1, 128>}, {pipeline_mode = #tpu.pipeline_mode<synchronous>, transform_indices = @transform_6, window_bounds = array<i64: 16, 128>}, {pipeline_mode = #tpu.pipeline_mode<synchronous>, transform_indices = @transform_7, window_bounds = array<i64: 1, 128>}, {pipeline_mode = #tpu.pipeline_mode<synchronous>, transform_indices = @transform_8, window_bounds = array<i64: 128, 128>}, {pipeline_mode = #tpu.pipeline_mode<synchronous>, transform_indices = @transform_9, window_bounds = array<i64: 1, 128>}, {pipeline_mode = #tpu.pipeline_mode<synchronous>, transform_indices = @transform_10, window_bounds = array<i64: 1, 128>}, {pipeline_mode = #tpu.pipeline_mode<synchronous>, transform_indices = @transform_11, window_bounds = array<i64: 1, 1>}, {pipeline_mode = #tpu.pipeline_mode<synchronous>, transform_indices = @transform_12, window_bounds = array<i64: 1, 128>}, {pipeline_mode = #tpu.pipeline_mode<synchronous>, transform_indices = @transform_13, window_bounds = array<i64: 1, 1>}, {transform_indices = @transform_14, window_bounds = array<i64: 512, 128>}, {transform_indices = @transform_15, window_bounds = array<i64: 1, 1, 512>}]} {
    %get3A = arith.constant 0 : index
    %get3A_0 = arith.constant 0 : index
    %get3A_1 = arith.constant 0 : index
    %get3A_2 = vector.load %arg3[%get3A, %get3A_0, %get3A_1] : memref<1x1x512xf32, #tpu.memory_space<vmem>>, vector<1x1x512xf32>
    %reshape3A = vector.shape_cast %get3A_2 : vector<1x1x512xf32> to vector<512x1xf32>
    %add3A = arith.constant 9.99999993E-9 : f32
    %add3A_3 = vector.broadcast %add3A : f32 to vector<512x1xf32>
    %add3A_4 = arith.addf %reshape3A, %add3A_3 : vector<512x1xf32>
    %sqrt3A = math.sqrt %add3A_4 : vector<512x1xf32>
    %get3A_5 = arith.constant 0 : index
    %get3A_6 = arith.constant 0 : index
    %get3A_7 = vector.load %arg1[%get3A_5, %get3A_6] : memref<512x128xf32, #tpu.memory_space<vmem>>, vector<512x128xf32>
    %get3A_8 = arith.constant 0 : index
    %get3A_9 = arith.constant 0 : index
    %get3A_10 = vector.load %arg2[%get3A_8, %get3A_9] : memref<512x128xf32, #tpu.memory_space<vmem>>, vector<512x128xf32>
    %add3A_11 = arith.addf %get3A_7, %get3A_10 : vector<512x128xf32>
    %get3A_12 = arith.constant 0 : index
    %get3A_13 = arith.constant 0 : index
    %get3A_14 = vector.load %arg6[%get3A_12, %get3A_13] : memref<1x128xf32, #tpu.memory_space<vmem>>, vector<1x128xf32>
    %mul3A = vector.broadcast %sqrt3A : vector<512x1xf32> to vector<512x128xf32>
    %mul3A_15 = vector.broadcast %get3A_14 : vector<1x128xf32> to vector<512x128xf32>
    %mul3A_16 = arith.mulf %mul3A, %mul3A_15 : vector<512x128xf32>
    %add3A_17 = arith.addf %add3A_11, %mul3A_16 : vector<512x128xf32>
    %get3A_18 = arith.constant 0 : index
    %get3A_19 = arith.constant 0 : index
    %get3A_20 = vector.load %arg4[%get3A_18, %get3A_19] : memref<512x16xf32, #tpu.memory_space<vmem>>, vector<512x16xf32>
    %get3A_21 = arith.constant 0 : index
    %get3A_22 = arith.constant 0 : index
    %get3A_23 = vector.load %arg7[%get3A_21, %get3A_22] : memref<16x128xf32, #tpu.memory_space<vmem>>, vector<16x128xf32>
    %dot_general3A = arith.constant dense<0.000000e+00> : vector<512x128xf32>
    %dot_general3A_24 = tpu.matmul %get3A_20, %get3A_23, %dot_general3A {dimension_numbers = #tpu.dot_dimension_numbers<[1], [0], [0], [1], [0, 0, 1, 1], [], []>, transpose_lhs_hint = false} : vector<512x16xf32>, vector<16x128xf32>, vector<512x128xf32> -> vector<512x128xf32>
    %add3A_25 = arith.addf %add3A_17, %dot_general3A_24 : vector<512x128xf32>
    %get3A_26 = arith.constant 0 : index
    %get3A_27 = arith.constant 0 : index
    %get3A_28 = vector.load %arg8[%get3A_26, %get3A_27] : memref<1x128xf32, #tpu.memory_space<vmem>>, vector<1x128xf32>
    %add3A_29 = vector.broadcast %get3A_28 : vector<1x128xf32> to vector<512x128xf32>
    %add3A_30 = arith.addf %add3A_25, %add3A_29 : vector<512x128xf32>
    %logistic3A = arith.negf %add3A_30 : vector<512x128xf32>
    %logistic3A_31 = math.exp %logistic3A : vector<512x128xf32>
    %logistic3A_32 = arith.constant 1.000000e+00 : f32
    %logistic3A_33 = vector.broadcast %logistic3A_32 : f32 to vector<512x128xf32>
    %logistic3A_34 = arith.addf %logistic3A_33, %logistic3A_31 : vector<512x128xf32>
    %logistic3A_35 = arith.divf %logistic3A_33, %logistic3A_34 : vector<512x128xf32>
    %mul3A_36 = arith.mulf %add3A_30, %logistic3A_35 : vector<512x128xf32>
    %get3A_37 = arith.constant 0 : index
    %get3A_38 = arith.constant 0 : index
    %get3A_39 = vector.load %arg9[%get3A_37, %get3A_38] : memref<128x128xf32, #tpu.memory_space<vmem>>, vector<128x128xf32>
    %dot_general3A_40 = arith.constant dense<0.000000e+00> : vector<512x128xf32>
    %dot_general3A_41 = tpu.matmul %mul3A_36, %get3A_39, %dot_general3A_40 {dimension_numbers = #tpu.dot_dimension_numbers<[1], [0], [0], [1], [0, 0, 1, 1], [], []>, transpose_lhs_hint = false} : vector<512x128xf32>, vector<128x128xf32>, vector<512x128xf32> -> vector<512x128xf32>
    %get3A_42 = arith.constant 0 : index
    %get3A_43 = arith.constant 0 : index
    %get3A_44 = vector.load %arg10[%get3A_42, %get3A_43] : memref<1x128xf32, #tpu.memory_space<vmem>>, vector<1x128xf32>
    %add3A_45 = vector.broadcast %get3A_44 : vector<1x128xf32> to vector<512x128xf32>
    %add3A_46 = arith.addf %dot_general3A_41, %add3A_45 : vector<512x128xf32>
    %logistic3A_47 = arith.negf %add3A_46 : vector<512x128xf32>
    %logistic3A_48 = math.exp %logistic3A_47 : vector<512x128xf32>
    %logistic3A_49 = arith.constant 1.000000e+00 : f32
    %logistic3A_50 = vector.broadcast %logistic3A_49 : f32 to vector<512x128xf32>
    %logistic3A_51 = arith.addf %logistic3A_50, %logistic3A_48 : vector<512x128xf32>
    %logistic3A_52 = arith.divf %logistic3A_50, %logistic3A_51 : vector<512x128xf32>
    %mul3A_53 = arith.mulf %add3A_46, %logistic3A_52 : vector<512x128xf32>
    %get3A_54 = arith.constant 0 : index
    %get3A_55 = arith.constant 0 : index
    %get3A_56 = vector.load %arg11[%get3A_54, %get3A_55] : memref<1x128xf32, #tpu.memory_space<vmem>>, vector<1x128xf32>
    %mul3A_57 = vector.broadcast %get3A_56 : vector<1x128xf32> to vector<512x128xf32>
    %mul3A_58 = arith.mulf %mul3A_53, %mul3A_57 : vector<512x128xf32>
    %reduce_sum3A = arith.constant dense<0.000000e+00> : vector<512xf32>
    %reduce_sum3A_59 = vector.multi_reduction <add>, %mul3A_58, %reduce_sum3A [1] : vector<512x128xf32> to vector<512xf32>
    %broadcast_in_dim3A = vector.shape_cast %reduce_sum3A_59 : vector<512xf32> to vector<512x1xf32>
    %get3A_60 = arith.constant 0 : index
    %get3A_61 = arith.constant 0 : index
    %get3A_62 = vector.load %arg12[%get3A_60, %get3A_61] : memref<1x1xf32, #tpu.memory_space<vmem>>, vector<1x1xf32>
    %add3A_63 = vector.broadcast %get3A_62 : vector<1x1xf32> to vector<512x1xf32>
    %add3A_64 = arith.addf %broadcast_in_dim3A, %add3A_63 : vector<512x1xf32>
    %logistic3A_65 = arith.negf %add3A_64 : vector<512x1xf32>
    %logistic3A_66 = math.exp %logistic3A_65 : vector<512x1xf32>
    %logistic3A_67 = arith.constant 1.000000e+00 : f32
    %logistic3A_68 = vector.broadcast %logistic3A_67 : f32 to vector<512x1xf32>
    %logistic3A_69 = arith.addf %logistic3A_68, %logistic3A_66 : vector<512x1xf32>
    %logistic3A_70 = arith.divf %logistic3A_68, %logistic3A_69 : vector<512x1xf32>
    %get3A_71 = arith.constant 0 : index
    %get3A_72 = arith.constant 0 : index
    %get3A_73 = arith.constant 0 : index
    %get3A_74 = vector.load %arg5[%get3A_71, %get3A_72, %get3A_73] : memref<1x1x512xf32, #tpu.memory_space<vmem>>, vector<1x1x512xf32>
    %reshape3A_75 = vector.shape_cast %get3A_74 : vector<1x1x512xf32> to vector<512x1xf32>
    %mul3A_76 = arith.mulf %logistic3A_70, %reshape3A_75 : vector<512x1xf32>
    %mul3A_77 = vector.broadcast %mul3A_76 : vector<512x1xf32> to vector<512x128xf32>
    %mul3A_78 = arith.mulf %mul3A_53, %mul3A_77 : vector<512x128xf32>
    %get3A_79 = arith.constant 0 : index
    %get3A_80 = arith.constant 0 : index
    %get3A_81 = vector.load %arg13[%get3A_79, %get3A_80] : memref<1x128xf32, #tpu.memory_space<vmem>>, vector<1x128xf32>
    %mul3A_82 = vector.broadcast %get3A_81 : vector<1x128xf32> to vector<512x128xf32>
    %mul3A_83 = arith.mulf %mul3A_78, %mul3A_82 : vector<512x128xf32>
    %reduce_sum3A_84 = arith.constant dense<0.000000e+00> : vector<512xf32>
    %reduce_sum3A_85 = vector.multi_reduction <add>, %mul3A_83, %reduce_sum3A_84 [1] : vector<512x128xf32> to vector<512xf32>
    %broadcast_in_dim3A_86 = vector.shape_cast %reduce_sum3A_85 : vector<512xf32> to vector<512x1xf32>
    %get3A_87 = arith.constant 0 : index
    %get3A_88 = arith.constant 0 : index
    %get3A_89 = vector.load %arg14[%get3A_87, %get3A_88] : memref<1x1xf32, #tpu.memory_space<vmem>>, vector<1x1xf32>
    %add3A_90 = vector.broadcast %get3A_89 : vector<1x1xf32> to vector<512x1xf32>
    %add3A_91 = arith.addf %broadcast_in_dim3A_86, %add3A_90 : vector<512x1xf32>
    %swap3A = arith.constant 0 : index
    %swap3A_92 = arith.constant 0 : index
    %swap3A_93 = vector.load %arg15[%swap3A, %swap3A_92] : memref<512x128xf32, #tpu.memory_space<vmem>>, vector<512x128xf32>
    tpu.vector_store %arg15[%swap3A, %swap3A_92], %mul3A_78 {strides = array<i32>} : memref<512x128xf32, #tpu.memory_space<vmem>>, vector<512x128xf32>,
    %reshape3A_94 = vector.shape_cast %add3A_91 : vector<512x1xf32> to vector<1x1x512xf32>
    %swap3A_95 = arith.constant 0 : index
    %swap3A_96 = arith.constant 0 : index
    %swap3A_97 = arith.constant 0 : index
    %swap3A_98 = vector.load %arg16[%swap3A_95, %swap3A_96, %swap3A_97] : memref<1x1x512xf32, #tpu.memory_space<vmem>>, vector<1x1x512xf32>
    tpu.vector_store %arg16[%swap3A_95, %swap3A_96, %swap3A_97], %reshape3A_94 {strides = array<i32>} : memref<1x1x512xf32, #tpu.memory_space<vmem>>, vector<1x1x512xf32>,
    return
  }
  func.func @transform_0(%arg0: i32) -> (i32, i32) {
    %c0_i32 = arith.constant 0 : i32
    %c0_i32_0 = arith.constant 0 : i32
    return %arg0, %c0_i32 : i32, i32
  }
  func.func @transform_1(%arg0: i32) -> (i32, i32) {
    %c0_i32 = arith.constant 0 : i32
    %c0_i32_0 = arith.constant 0 : i32
    return %arg0, %c0_i32 : i32, i32
  }
  func.func @transform_2(%arg0: i32) -> (i32, i32, i32) {
    %c0_i32 = arith.constant 0 : i32
    %c0_i32_0 = arith.constant 0 : i32
    %c0_i32_1 = arith.constant 0 : i32
    return %arg0, %c0_i32, %c0_i32_0 : i32, i32, i32
  }
  func.func @transform_3(%arg0: i32) -> (i32, i32) {
    %c0_i32 = arith.constant 0 : i32
    %c0_i32_0 = arith.constant 0 : i32
    return %arg0, %c0_i32 : i32, i32
  }
  func.func @transform_4(%arg0: i32) -> (i32, i32, i32) {
    %c0_i32 = arith.constant 0 : i32
    %c0_i32_0 = arith.constant 0 : i32
    %c0_i32_1 = arith.constant 0 : i32
    return %arg0, %c0_i32, %c0_i32_0 : i32, i32, i32
  }
  func.func @transform_5(%arg0: i32) -> (i32, i32) {
    %c0_i32 = arith.constant 0 : i32
    %c0_i32_0 = arith.constant 0 : i32
    %c0_i32_1 = arith.constant 0 : i32
    return %c0_i32, %c0_i32_0 : i32, i32
  }
  func.func @transform_6(%arg0: i32) -> (i32, i32) {
    %c0_i32 = arith.constant 0 : i32
    %c0_i32_0 = arith.constant 0 : i32
    %c0_i32_1 = arith.constant 0 : i32
    return %c0_i32, %c0_i32_0 : i32, i32
  }
  func.func @transform_7(%arg0: i32) -> (i32, i32) {
    %c0_i32 = arith.constant 0 : i32
    %c0_i32_0 = arith.constant 0 : i32
    %c0_i32_1 = arith.constant 0 : i32
    return %c0_i32, %c0_i32_0 : i32, i32
  }
  func.func @transform_8(%arg0: i32) -> (i32, i32) {
    %c0_i32 = arith.constant 0 : i32
    %c0_i32_0 = arith.constant 0 : i32
    %c0_i32_1 = arith.constant 0 : i32
    return %c0_i32, %c0_i32_0 : i32, i32
  }
  func.func @transform_9(%arg0: i32) -> (i32, i32) {
    %c0_i32 = arith.constant 0 : i32
    %c0_i32_0 = arith.constant 0 : i32
    %c0_i32_1 = arith.constant 0 : i32
    return %c0_i32, %c0_i32_0 : i32, i32
  }
  func.func @transform_10(%arg0: i32) -> (i32, i32) {
    %c0_i32 = arith.constant 0 : i32
    %c0_i32_0 = arith.constant 0 : i32
    %c0_i32_1 = arith.constant 0 : i32
    return %c0_i32, %c0_i32_0 : i32, i32
  }
  func.func @transform_11(%arg0: i32) -> (i32, i32) {
    %c0_i32 = arith.constant 0 : i32
    %c0_i32_0 = arith.constant 0 : i32
    %c0_i32_1 = arith.constant 0 : i32
    return %c0_i32, %c0_i32_0 : i32, i32
  }
  func.func @transform_12(%arg0: i32) -> (i32, i32) {
    %c0_i32 = arith.constant 0 : i32
    %c0_i32_0 = arith.constant 0 : i32
    %c0_i32_1 = arith.constant 0 : i32
    return %c0_i32, %c0_i32_0 : i32, i32
  }
  func.func @transform_13(%arg0: i32) -> (i32, i32) {
    %c0_i32 = arith.constant 0 : i32
    %c0_i32_0 = arith.constant 0 : i32
    %c0_i32_1 = arith.constant 0 : i32
    return %c0_i32, %c0_i32_0 : i32, i32
  }
  func.func @transform_14(%arg0: i32) -> (i32, i32) {
    %c0_i32 = arith.constant 0 : i32
    %c0_i32_0 = arith.constant 0 : i32
    return %arg0, %c0_i32 : i32, i32
  }
  func.func @transform_15(%arg0: i32) -> (i32, i32, i32) {
    %c0_i32 = arith.constant 0 : i32
    %c0_i32_0 = arith.constant 0 : i32
    %c0_i32_1 = arith.constant 0 : i32
    return %arg0, %c0_i32, %c0_i32_0 : i32, i32, i32
  }
}

module attributes {stable_mosaic.version = 14 : i64} {
  func.func @_edge_body(%arg0: i32, %arg1: memref<512x128xf32, #tpu.memory_space<vmem>>, %arg2: memref<512x128xf32, #tpu.memory_space<vmem>>, %arg3: memref<1x1x512xf32, #tpu.memory_space<vmem>>, %arg4: memref<512x16xf32, #tpu.memory_space<vmem>>, %arg5: memref<1x1x512xf32, #tpu.memory_space<vmem>>, %arg6: memref<1x128xf32, #tpu.memory_space<vmem>>, %arg7: memref<16x128xf32, #tpu.memory_space<vmem>>, %arg8: memref<1x128xf32, #tpu.memory_space<vmem>>, %arg9: memref<128x128xf32, #tpu.memory_space<vmem>>, %arg10: memref<1x128xf32, #tpu.memory_space<vmem>>, %arg11: memref<1x128xf32, #tpu.memory_space<vmem>>, %arg12: memref<1x1xf32, #tpu.memory_space<vmem>>, %arg13: memref<1x128xf32, #tpu.memory_space<vmem>>, %arg14: memref<1x1xf32, #tpu.memory_space<vmem>>, %arg15: memref<512x128xf32, #tpu.memory_space<vmem>>, %arg16: memref<1x1x512xf32, #tpu.memory_space<vmem>>) attributes {dimension_semantics = [#tpu.dimension_semantics<arbitrary>], iteration_bounds = array<i64: 312>, scalar_prefetch = 0 : i64, scratch_operands = 0 : i64, tpu.core_type = #tpu.core_type<tc>, window_params = [{transform_indices = @transform_0, window_bounds = array<i64: 512, 128>}, {transform_indices = @transform_1, window_bounds = array<i64: 512, 128>}, {transform_indices = @transform_2, window_bounds = array<i64: 1, 1, 512>}, {transform_indices = @transform_3, window_bounds = array<i64: 512, 16>}, {transform_indices = @transform_4, window_bounds = array<i64: 1, 1, 512>}, {pipeline_mode = #tpu.pipeline_mode<synchronous>, transform_indices = @transform_5, window_bounds = array<i64: 1, 128>}, {pipeline_mode = #tpu.pipeline_mode<synchronous>, transform_indices = @transform_6, window_bounds = array<i64: 16, 128>}, {pipeline_mode = #tpu.pipeline_mode<synchronous>, transform_indices = @transform_7, window_bounds = array<i64: 1, 128>}, {pipeline_mode = #tpu.pipeline_mode<synchronous>, transform_indices = @transform_8, window_bounds = array<i64: 128, 128>}, {pipeline_mode = #tpu.pipeline_mode<synchronous>, transform_indices = @transform_9, window_bounds = array<i64: 1, 128>}, {pipeline_mode = #tpu.pipeline_mode<synchronous>, transform_indices = @transform_10, window_bounds = array<i64: 1, 128>}, {pipeline_mode = #tpu.pipeline_mode<synchronous>, transform_indices = @transform_11, window_bounds = array<i64: 1, 1>}, {pipeline_mode = #tpu.pipeline_mode<synchronous>, transform_indices = @transform_12, window_bounds = array<i64: 1, 128>}, {pipeline_mode = #tpu.pipeline_mode<synchronous>, transform_indices = @transform_13, window_bounds = array<i64: 1, 1>}, {transform_indices = @transform_14, window_bounds = array<i64: 512, 128>}, {transform_indices = @transform_15, window_bounds = array<i64: 1, 1, 512>}]} {
    %get3A = arith.constant 0 : index
    %get3A_0 = arith.constant 0 : index
    %get3A_1 = arith.constant 0 : index
    %get3A_2 = vector.load %arg3[%get3A, %get3A_0, %get3A_1] : memref<1x1x512xf32, #tpu.memory_space<vmem>>, vector<1x1x512xf32>
    %reshape3A = vector.shape_cast %get3A_2 : vector<1x1x512xf32> to vector<512x1xf32>
    %add3A = arith.constant 9.99999993E-9 : f32
    %add3A_3 = vector.broadcast %add3A : f32 to vector<512x1xf32>
    %add3A_4 = arith.addf %reshape3A, %add3A_3 : vector<512x1xf32>
    %sqrt3A = math.sqrt %add3A_4 : vector<512x1xf32>
    %get3A_5 = arith.constant 0 : index
    %get3A_6 = arith.constant 0 : index
    %get3A_7 = vector.load %arg1[%get3A_5, %get3A_6] : memref<512x128xf32, #tpu.memory_space<vmem>>, vector<512x128xf32>
    %get3A_8 = arith.constant 0 : index
    %get3A_9 = arith.constant 0 : index
    %get3A_10 = vector.load %arg2[%get3A_8, %get3A_9] : memref<512x128xf32, #tpu.memory_space<vmem>>, vector<512x128xf32>
    %add3A_11 = arith.addf %get3A_7, %get3A_10 : vector<512x128xf32>
    %get3A_12 = arith.constant 0 : index
    %get3A_13 = arith.constant 0 : index
    %get3A_14 = vector.load %arg6[%get3A_12, %get3A_13] : memref<1x128xf32, #tpu.memory_space<vmem>>, vector<1x128xf32>
    %mul3A = vector.broadcast %sqrt3A : vector<512x1xf32> to vector<512x128xf32>
    %mul3A_15 = vector.broadcast %get3A_14 : vector<1x128xf32> to vector<512x128xf32>
    %mul3A_16 = arith.mulf %mul3A, %mul3A_15 : vector<512x128xf32>
    %add3A_17 = arith.addf %add3A_11, %mul3A_16 : vector<512x128xf32>
    %get3A_18 = arith.constant 0 : index
    %get3A_19 = arith.constant 0 : index
    %get3A_20 = vector.load %arg4[%get3A_18, %get3A_19] : memref<512x16xf32, #tpu.memory_space<vmem>>, vector<512x16xf32>
    %get3A_21 = arith.constant 0 : index
    %get3A_22 = arith.constant 0 : index
    %get3A_23 = vector.load %arg7[%get3A_21, %get3A_22] : memref<16x128xf32, #tpu.memory_space<vmem>>, vector<16x128xf32>
    %dot_general3A = arith.constant dense<0.000000e+00> : vector<512x128xf32>
    %dot_general3A_24 = tpu.matmul %get3A_20, %get3A_23, %dot_general3A {dimension_numbers = #tpu.dot_dimension_numbers<[1], [0], [0], [1], [0, 0, 1, 1], [], []>, transpose_lhs_hint = false} : vector<512x16xf32>, vector<16x128xf32>, vector<512x128xf32> -> vector<512x128xf32>
    %add3A_25 = arith.addf %add3A_17, %dot_general3A_24 : vector<512x128xf32>
    %get3A_26 = arith.constant 0 : index
    %get3A_27 = arith.constant 0 : index
    %get3A_28 = vector.load %arg8[%get3A_26, %get3A_27] : memref<1x128xf32, #tpu.memory_space<vmem>>, vector<1x128xf32>
    %add3A_29 = vector.broadcast %get3A_28 : vector<1x128xf32> to vector<512x128xf32>
    %add3A_30 = arith.addf %add3A_25, %add3A_29 : vector<512x128xf32>
    %logistic3A = arith.negf %add3A_30 : vector<512x128xf32>
    %logistic3A_31 = math.exp %logistic3A : vector<512x128xf32>
    %logistic3A_32 = arith.constant 1.000000e+00 : f32
    %logistic3A_33 = vector.broadcast %logistic3A_32 : f32 to vector<512x128xf32>
    %logistic3A_34 = arith.addf %logistic3A_33, %logistic3A_31 : vector<512x128xf32>
    %logistic3A_35 = arith.divf %logistic3A_33, %logistic3A_34 : vector<512x128xf32>
    %mul3A_36 = arith.mulf %add3A_30, %logistic3A_35 : vector<512x128xf32>
    %get3A_37 = arith.constant 0 : index
    %get3A_38 = arith.constant 0 : index
    %get3A_39 = vector.load %arg9[%get3A_37, %get3A_38] : memref<128x128xf32, #tpu.memory_space<vmem>>, vector<128x128xf32>
    %dot_general3A_40 = arith.constant dense<0.000000e+00> : vector<512x128xf32>
    %dot_general3A_41 = tpu.matmul %mul3A_36, %get3A_39, %dot_general3A_40 {dimension_numbers = #tpu.dot_dimension_numbers<[1], [0], [0], [1], [0, 0, 1, 1], [], []>, transpose_lhs_hint = false} : vector<512x128xf32>, vector<128x128xf32>, vector<512x128xf32> -> vector<512x128xf32>
    %get3A_42 = arith.constant 0 : index
    %get3A_43 = arith.constant 0 : index
    %get3A_44 = vector.load %arg10[%get3A_42, %get3A_43] : memref<1x128xf32, #tpu.memory_space<vmem>>, vector<1x128xf32>
    %add3A_45 = vector.broadcast %get3A_44 : vector<1x128xf32> to vector<512x128xf32>
    %add3A_46 = arith.addf %dot_general3A_41, %add3A_45 : vector<512x128xf32>
    %logistic3A_47 = arith.negf %add3A_46 : vector<512x128xf32>
    %logistic3A_48 = math.exp %logistic3A_47 : vector<512x128xf32>
    %logistic3A_49 = arith.constant 1.000000e+00 : f32
    %logistic3A_50 = vector.broadcast %logistic3A_49 : f32 to vector<512x128xf32>
    %logistic3A_51 = arith.addf %logistic3A_50, %logistic3A_48 : vector<512x128xf32>
    %logistic3A_52 = arith.divf %logistic3A_50, %logistic3A_51 : vector<512x128xf32>
    %mul3A_53 = arith.mulf %add3A_46, %logistic3A_52 : vector<512x128xf32>
    %get3A_54 = arith.constant 0 : index
    %get3A_55 = arith.constant 0 : index
    %get3A_56 = vector.load %arg11[%get3A_54, %get3A_55] : memref<1x128xf32, #tpu.memory_space<vmem>>, vector<1x128xf32>
    %mul3A_57 = vector.broadcast %get3A_56 : vector<1x128xf32> to vector<512x128xf32>
    %mul3A_58 = arith.mulf %mul3A_53, %mul3A_57 : vector<512x128xf32>
    %reduce_sum3A = arith.constant dense<0.000000e+00> : vector<512xf32>
    %reduce_sum3A_59 = vector.multi_reduction <add>, %mul3A_58, %reduce_sum3A [1] : vector<512x128xf32> to vector<512xf32>
    %broadcast_in_dim3A = vector.shape_cast %reduce_sum3A_59 : vector<512xf32> to vector<512x1xf32>
    %get3A_60 = arith.constant 0 : index
    %get3A_61 = arith.constant 0 : index
    %get3A_62 = vector.load %arg12[%get3A_60, %get3A_61] : memref<1x1xf32, #tpu.memory_space<vmem>>, vector<1x1xf32>
    %add3A_63 = vector.broadcast %get3A_62 : vector<1x1xf32> to vector<512x1xf32>
    %add3A_64 = arith.addf %broadcast_in_dim3A, %add3A_63 : vector<512x1xf32>
    %logistic3A_65 = arith.negf %add3A_64 : vector<512x1xf32>
    %logistic3A_66 = math.exp %logistic3A_65 : vector<512x1xf32>
    %logistic3A_67 = arith.constant 1.000000e+00 : f32
    %logistic3A_68 = vector.broadcast %logistic3A_67 : f32 to vector<512x1xf32>
    %logistic3A_69 = arith.addf %logistic3A_68, %logistic3A_66 : vector<512x1xf32>
    %logistic3A_70 = arith.divf %logistic3A_68, %logistic3A_69 : vector<512x1xf32>
    %get3A_71 = arith.constant 0 : index
    %get3A_72 = arith.constant 0 : index
    %get3A_73 = arith.constant 0 : index
    %get3A_74 = vector.load %arg5[%get3A_71, %get3A_72, %get3A_73] : memref<1x1x512xf32, #tpu.memory_space<vmem>>, vector<1x1x512xf32>
    %reshape3A_75 = vector.shape_cast %get3A_74 : vector<1x1x512xf32> to vector<512x1xf32>
    %mul3A_76 = arith.mulf %logistic3A_70, %reshape3A_75 : vector<512x1xf32>
    %mul3A_77 = vector.broadcast %mul3A_76 : vector<512x1xf32> to vector<512x128xf32>
    %mul3A_78 = arith.mulf %mul3A_53, %mul3A_77 : vector<512x128xf32>
    %get3A_79 = arith.constant 0 : index
    %get3A_80 = arith.constant 0 : index
    %get3A_81 = vector.load %arg13[%get3A_79, %get3A_80] : memref<1x128xf32, #tpu.memory_space<vmem>>, vector<1x128xf32>
    %mul3A_82 = vector.broadcast %get3A_81 : vector<1x128xf32> to vector<512x128xf32>
    %mul3A_83 = arith.mulf %mul3A_78, %mul3A_82 : vector<512x128xf32>
    %reduce_sum3A_84 = arith.constant dense<0.000000e+00> : vector<512xf32>
    %reduce_sum3A_85 = vector.multi_reduction <add>, %mul3A_83, %reduce_sum3A_84 [1] : vector<512x128xf32> to vector<512xf32>
    %broadcast_in_dim3A_86 = vector.shape_cast %reduce_sum3A_85 : vector<512xf32> to vector<512x1xf32>
    %get3A_87 = arith.constant 0 : index
    %get3A_88 = arith.constant 0 : index
    %get3A_89 = vector.load %arg14[%get3A_87, %get3A_88] : memref<1x1xf32, #tpu.memory_space<vmem>>, vector<1x1xf32>
    %add3A_90 = vector.broadcast %get3A_89 : vector<1x1xf32> to vector<512x1xf32>
    %add3A_91 = arith.addf %broadcast_in_dim3A_86, %add3A_90 : vector<512x1xf32>
    %swap3A = arith.constant 0 : index
    %swap3A_92 = arith.constant 0 : index
    %swap3A_93 = vector.load %arg15[%swap3A, %swap3A_92] : memref<512x128xf32, #tpu.memory_space<vmem>>, vector<512x128xf32>
    tpu.vector_store %arg15[%swap3A, %swap3A_92], %mul3A_78 {strides = array<i32>} : memref<512x128xf32, #tpu.memory_space<vmem>>, vector<512x128xf32>,
    %reshape3A_94 = vector.shape_cast %add3A_91 : vector<512x1xf32> to vector<1x1x512xf32>
    %swap3A_95 = arith.constant 0 : index
    %swap3A_96 = arith.constant 0 : index
    %swap3A_97 = arith.constant 0 : index
    %swap3A_98 = vector.load %arg16[%swap3A_95, %swap3A_96, %swap3A_97] : memref<1x1x512xf32, #tpu.memory_space<vmem>>, vector<1x1x512xf32>
    tpu.vector_store %arg16[%swap3A_95, %swap3A_96, %swap3A_97], %reshape3A_94 {strides = array<i32>} : memref<1x1x512xf32, #tpu.memory_space<vmem>>, vector<1x1x512xf32>,
    return
  }
  func.func @transform_0(%arg0: i32) -> (i32, i32) {
    %c0_i32 = arith.constant 0 : i32
    %c0_i32_0 = arith.constant 0 : i32
    return %arg0, %c0_i32 : i32, i32
  }
  func.func @transform_1(%arg0: i32) -> (i32, i32) {
    %c0_i32 = arith.constant 0 : i32
    %c0_i32_0 = arith.constant 0 : i32
    return %arg0, %c0_i32 : i32, i32
  }
  func.func @transform_2(%arg0: i32) -> (i32, i32, i32) {
    %c0_i32 = arith.constant 0 : i32
    %c0_i32_0 = arith.constant 0 : i32
    %c0_i32_1 = arith.constant 0 : i32
    return %arg0, %c0_i32, %c0_i32_0 : i32, i32, i32
  }
  func.func @transform_3(%arg0: i32) -> (i32, i32) {
    %c0_i32 = arith.constant 0 : i32
    %c0_i32_0 = arith.constant 0 : i32
    return %arg0, %c0_i32 : i32, i32
  }
  func.func @transform_4(%arg0: i32) -> (i32, i32, i32) {
    %c0_i32 = arith.constant 0 : i32
    %c0_i32_0 = arith.constant 0 : i32
    %c0_i32_1 = arith.constant 0 : i32
    return %arg0, %c0_i32, %c0_i32_0 : i32, i32, i32
  }
  func.func @transform_5(%arg0: i32) -> (i32, i32) {
    %c0_i32 = arith.constant 0 : i32
    %c0_i32_0 = arith.constant 0 : i32
    %c0_i32_1 = arith.constant 0 : i32
    return %c0_i32, %c0_i32_0 : i32, i32
  }
  func.func @transform_6(%arg0: i32) -> (i32, i32) {
    %c0_i32 = arith.constant 0 : i32
    %c0_i32_0 = arith.constant 0 : i32
    %c0_i32_1 = arith.constant 0 : i32
    return %c0_i32, %c0_i32_0 : i32, i32
  }
  func.func @transform_7(%arg0: i32) -> (i32, i32) {
    %c0_i32 = arith.constant 0 : i32
    %c0_i32_0 = arith.constant 0 : i32
    %c0_i32_1 = arith.constant 0 : i32
    return %c0_i32, %c0_i32_0 : i32, i32
  }
  func.func @transform_8(%arg0: i32) -> (i32, i32) {
    %c0_i32 = arith.constant 0 : i32
    %c0_i32_0 = arith.constant 0 : i32
    %c0_i32_1 = arith.constant 0 : i32
    return %c0_i32, %c0_i32_0 : i32, i32
  }
  func.func @transform_9(%arg0: i32) -> (i32, i32) {
    %c0_i32 = arith.constant 0 : i32
    %c0_i32_0 = arith.constant 0 : i32
    %c0_i32_1 = arith.constant 0 : i32
    return %c0_i32, %c0_i32_0 : i32, i32
  }
  func.func @transform_10(%arg0: i32) -> (i32, i32) {
    %c0_i32 = arith.constant 0 : i32
    %c0_i32_0 = arith.constant 0 : i32
    %c0_i32_1 = arith.constant 0 : i32
    return %c0_i32, %c0_i32_0 : i32, i32
  }
  func.func @transform_11(%arg0: i32) -> (i32, i32) {
    %c0_i32 = arith.constant 0 : i32
    %c0_i32_0 = arith.constant 0 : i32
    %c0_i32_1 = arith.constant 0 : i32
    return %c0_i32, %c0_i32_0 : i32, i32
  }
  func.func @transform_12(%arg0: i32) -> (i32, i32) {
    %c0_i32 = arith.constant 0 : i32
    %c0_i32_0 = arith.constant 0 : i32
    %c0_i32_1 = arith.constant 0 : i32
    return %c0_i32, %c0_i32_0 : i32, i32
  }
  func.func @transform_13(%arg0: i32) -> (i32, i32) {
    %c0_i32 = arith.constant 0 : i32
    %c0_i32_0 = arith.constant 0 : i32
    %c0_i32_1 = arith.constant 0 : i32
    return %c0_i32, %c0_i32_0 : i32, i32
  }
  func.func @transform_14(%arg0: i32) -> (i32, i32) {
    %c0_i32 = arith.constant 0 : i32
    %c0_i32_0 = arith.constant 0 : i32
    return %arg0, %c0_i32 : i32, i32
  }
  func.func @transform_15(%arg0: i32) -> (i32, i32, i32) {
    %c0_i32 = arith.constant 0 : i32
    %c0_i32_0 = arith.constant 0 : i32
    %c0_i32_1 = arith.constant 0 : i32
    return %arg0, %c0_i32, %c0_i32_0 : i32, i32, i32
  }
}

module attributes {stable_mosaic.version = 14 : i64} {
  func.func @_node_body(%arg0: i32, %arg1: memref<512x128xf32, #tpu.memory_space<vmem>>, %arg2: memref<1x512x128xf32, #tpu.memory_space<vmem>>, %arg3: memref<1x512x128xf32, #tpu.memory_space<vmem>>, %arg4: memref<1x512x128xf32, #tpu.memory_space<vmem>>, %arg5: memref<1x512x128xf32, #tpu.memory_space<vmem>>, %arg6: memref<32x1536xf32, #tpu.memory_space<vmem>>, %arg7: memref<32x1536xf32, #tpu.memory_space<vmem>>, %arg8: memref<1x1x1536xf32, #tpu.memory_space<vmem>>, %arg9: memref<128x128xf32, #tpu.memory_space<vmem>>, %arg10: memref<128x128xf32, #tpu.memory_space<vmem>>, %arg11: memref<1x128xf32, #tpu.memory_space<vmem>>, %arg12: memref<128x128xf32, #tpu.memory_space<vmem>>, %arg13: memref<1x128xf32, #tpu.memory_space<vmem>>, %arg14: memref<512x128xf32, #tpu.memory_space<vmem>>, %arg15: memref<1x1x1536xf32, #tpu.memory_space<vmem>>) attributes {dimension_semantics = [#tpu.dimension_semantics<arbitrary>], iteration_bounds = array<i64: 20>, scalar_prefetch = 0 : i64, scratch_operands = 0 : i64, tpu.core_type = #tpu.core_type<tc>, window_params = [{transform_indices = @transform_0, window_bounds = array<i64: 512, 128>}, {transform_indices = @transform_1, window_bounds = array<i64: 1, 512, 128>}, {transform_indices = @transform_2, window_bounds = array<i64: 1, 512, 128>}, {transform_indices = @transform_3, window_bounds = array<i64: 1, 512, 128>}, {transform_indices = @transform_4, window_bounds = array<i64: 1, 512, 128>}, {transform_indices = @transform_5, window_bounds = array<i64: 32, 1536>}, {transform_indices = @transform_6, window_bounds = array<i64: 32, 1536>}, {transform_indices = @transform_7, window_bounds = array<i64: 1, 1, 1536>}, {pipeline_mode = #tpu.pipeline_mode<synchronous>, transform_indices = @transform_8, window_bounds = array<i64: 128, 128>}, {pipeline_mode = #tpu.pipeline_mode<synchronous>, transform_indices = @transform_9, window_bounds = array<i64: 128, 128>}, {pipeline_mode = #tpu.pipeline_mode<synchronous>, transform_indices = @transform_10, window_bounds = array<i64: 1, 128>}, {pipeline_mode = #tpu.pipeline_mode<synchronous>, transform_indices = @transform_11, window_bounds = array<i64: 128, 128>}, {pipeline_mode = #tpu.pipeline_mode<synchronous>, transform_indices = @transform_12, window_bounds = array<i64: 1, 128>}, {transform_indices = @transform_13, window_bounds = array<i64: 512, 128>}, {transform_indices = @transform_14, window_bounds = array<i64: 1, 1, 1536>}]} {
    %get3A = arith.constant 0 : index
    %get3A_0 = arith.constant 0 : index
    %get3A_1 = arith.constant 0 : index
    %get3A_2 = vector.load %arg2[%get3A, %get3A_0, %get3A_1] : memref<1x512x128xf32, #tpu.memory_space<vmem>>, vector<1x512x128xf32>
    %get3A_3 = vector.shape_cast %get3A_2 : vector<1x512x128xf32> to vector<512x128xf32>
    %get3A_4 = arith.constant 0 : index
    %get3A_5 = arith.constant 0 : index
    %get3A_6 = arith.constant 0 : index
    %get3A_7 = vector.load %arg3[%get3A_4, %get3A_5, %get3A_6] : memref<1x512x128xf32, #tpu.memory_space<vmem>>, vector<1x512x128xf32>
    %get3A_8 = vector.shape_cast %get3A_7 : vector<1x512x128xf32> to vector<512x128xf32>
    %add3A = arith.addf %get3A_3, %get3A_8 : vector<512x128xf32>
    %get3A_9 = arith.constant 0 : index
    %get3A_10 = arith.constant 0 : index
    %get3A_11 = arith.constant 0 : index
    %get3A_12 = vector.load %arg4[%get3A_9, %get3A_10, %get3A_11] : memref<1x512x128xf32, #tpu.memory_space<vmem>>, vector<1x512x128xf32>
    %get3A_13 = vector.shape_cast %get3A_12 : vector<1x512x128xf32> to vector<512x128xf32>
    %get3A_14 = arith.constant 0 : index
    %get3A_15 = arith.constant 0 : index
    %get3A_16 = arith.constant 0 : index
    %get3A_17 = vector.load %arg5[%get3A_14, %get3A_15, %get3A_16] : memref<1x512x128xf32, #tpu.memory_space<vmem>>, vector<1x512x128xf32>
    %get3A_18 = vector.shape_cast %get3A_17 : vector<1x512x128xf32> to vector<512x128xf32>
    %add3A_19 = arith.addf %get3A_13, %get3A_18 : vector<512x128xf32>
    %add3A_20 = arith.addf %add3A, %add3A_19 : vector<512x128xf32>
    %get3A_21 = arith.constant 0 : index
    %get3A_22 = arith.constant 0 : index
    %get3A_23 = vector.load %arg1[%get3A_21, %get3A_22] : memref<512x128xf32, #tpu.memory_space<vmem>>, vector<512x128xf32>
    %get3A_24 = arith.constant 0 : index
    %get3A_25 = arith.constant 0 : index
    %get3A_26 = vector.load %arg9[%get3A_24, %get3A_25] : memref<128x128xf32, #tpu.memory_space<vmem>>, vector<128x128xf32>
    %dot_general3A = arith.constant dense<0.000000e+00> : vector<512x128xf32>
    %dot_general3A_27 = tpu.matmul %get3A_23, %get3A_26, %dot_general3A {dimension_numbers = #tpu.dot_dimension_numbers<[1], [0], [0], [1], [0, 0, 1, 1], [], []>, transpose_lhs_hint = false} : vector<512x128xf32>, vector<128x128xf32>, vector<512x128xf32> -> vector<512x128xf32>
    %get3A_28 = arith.constant 0 : index
    %get3A_29 = arith.constant 0 : index
    %get3A_30 = vector.load %arg10[%get3A_28, %get3A_29] : memref<128x128xf32, #tpu.memory_space<vmem>>, vector<128x128xf32>
    %dot_general3A_31 = arith.constant dense<0.000000e+00> : vector<512x128xf32>
    %dot_general3A_32 = tpu.matmul %add3A_20, %get3A_30, %dot_general3A_31 {dimension_numbers = #tpu.dot_dimension_numbers<[1], [0], [0], [1], [0, 0, 1, 1], [], []>, transpose_lhs_hint = false} : vector<512x128xf32>, vector<128x128xf32>, vector<512x128xf32> -> vector<512x128xf32>
    %add3A_33 = arith.addf %dot_general3A_27, %dot_general3A_32 : vector<512x128xf32>
    %get3A_34 = arith.constant 0 : index
    %get3A_35 = arith.constant 0 : index
    %get3A_36 = vector.load %arg11[%get3A_34, %get3A_35] : memref<1x128xf32, #tpu.memory_space<vmem>>, vector<1x128xf32>
    %add3A_37 = vector.broadcast %get3A_36 : vector<1x128xf32> to vector<512x128xf32>
    %add3A_38 = arith.addf %add3A_33, %add3A_37 : vector<512x128xf32>
    %logistic3A = arith.negf %add3A_38 : vector<512x128xf32>
    %logistic3A_39 = math.exp %logistic3A : vector<512x128xf32>
    %logistic3A_40 = arith.constant 1.000000e+00 : f32
    %logistic3A_41 = vector.broadcast %logistic3A_40 : f32 to vector<512x128xf32>
    %logistic3A_42 = arith.addf %logistic3A_41, %logistic3A_39 : vector<512x128xf32>
    %logistic3A_43 = arith.divf %logistic3A_41, %logistic3A_42 : vector<512x128xf32>
    %mul3A = arith.mulf %add3A_38, %logistic3A_43 : vector<512x128xf32>
    %get3A_44 = arith.constant 0 : index
    %get3A_45 = arith.constant 0 : index
    %get3A_46 = vector.load %arg12[%get3A_44, %get3A_45] : memref<128x128xf32, #tpu.memory_space<vmem>>, vector<128x128xf32>
    %dot_general3A_47 = arith.constant dense<0.000000e+00> : vector<512x128xf32>
    %dot_general3A_48 = tpu.matmul %mul3A, %get3A_46, %dot_general3A_47 {dimension_numbers = #tpu.dot_dimension_numbers<[1], [0], [0], [1], [0, 0, 1, 1], [], []>, transpose_lhs_hint = false} : vector<512x128xf32>, vector<128x128xf32>, vector<512x128xf32> -> vector<512x128xf32>
    %get3A_49 = arith.constant 0 : index
    %get3A_50 = arith.constant 0 : index
    %get3A_51 = vector.load %arg13[%get3A_49, %get3A_50] : memref<1x128xf32, #tpu.memory_space<vmem>>, vector<1x128xf32>
    %add3A_52 = vector.broadcast %get3A_51 : vector<1x128xf32> to vector<512x128xf32>
    %add3A_53 = arith.addf %dot_general3A_48, %add3A_52 : vector<512x128xf32>
    %get3A_54 = arith.constant 0 : index
    %get3A_55 = arith.constant 0 : index
    %get3A_56 = vector.load %arg1[%get3A_54, %get3A_55] : memref<512x128xf32, #tpu.memory_space<vmem>>, vector<512x128xf32>
    %add3A_57 = arith.addf %get3A_56, %add3A_53 : vector<512x128xf32>
    %swap3A = arith.constant 0 : index
    %swap3A_58 = arith.constant 0 : index
    %swap3A_59 = vector.load %arg14[%swap3A, %swap3A_58] : memref<512x128xf32, #tpu.memory_space<vmem>>, vector<512x128xf32>
    tpu.vector_store %arg14[%swap3A, %swap3A_58], %add3A_57 {strides = array<i32>} : memref<512x128xf32, #tpu.memory_space<vmem>>, vector<512x128xf32>,
    %get3A_60 = arith.constant 0 : index
    %get3A_61 = arith.constant 0 : index
    %get3A_62 = vector.load %arg6[%get3A_60, %get3A_61] : memref<32x1536xf32, #tpu.memory_space<vmem>>, vector<32x1536xf32>
    %reduce_sum3A = arith.constant dense<0.000000e+00> : vector<1536xf32>
    %reduce_sum3A_63 = vector.multi_reduction <add>, %get3A_62, %reduce_sum3A [0] : vector<32x1536xf32> to vector<1536xf32>
    %get3A_64 = arith.constant 0 : index
    %get3A_65 = arith.constant 0 : index
    %get3A_66 = vector.load %arg7[%get3A_64, %get3A_65] : memref<32x1536xf32, #tpu.memory_space<vmem>>, vector<32x1536xf32>
    %reduce_sum3A_67 = arith.constant dense<0.000000e+00> : vector<1536xf32>
    %reduce_sum3A_68 = vector.multi_reduction <add>, %get3A_66, %reduce_sum3A_67 [0] : vector<32x1536xf32> to vector<1536xf32>
    %add3A_69 = arith.addf %reduce_sum3A_63, %reduce_sum3A_68 : vector<1536xf32>
    %get3A_70 = arith.constant 0 : index
    %get3A_71 = arith.constant 0 : index
    %get3A_72 = arith.constant 0 : index
    %get3A_73 = vector.load %arg8[%get3A_70, %get3A_71, %get3A_72] : memref<1x1x1536xf32, #tpu.memory_space<vmem>>, vector<1x1x1536xf32>
    %reshape3A = vector.shape_cast %add3A_69 : vector<1536xf32> to vector<1x1x1536xf32>
    %add3A_74 = arith.addf %get3A_73, %reshape3A : vector<1x1x1536xf32>
    %swap3A_75 = arith.constant 0 : index
    %swap3A_76 = arith.constant 0 : index
    %swap3A_77 = arith.constant 0 : index
    %swap3A_78 = vector.load %arg15[%swap3A_75, %swap3A_76, %swap3A_77] : memref<1x1x1536xf32, #tpu.memory_space<vmem>>, vector<1x1x1536xf32>
    tpu.vector_store %arg15[%swap3A_75, %swap3A_76, %swap3A_77], %add3A_74 {strides = array<i32>} : memref<1x1x1536xf32, #tpu.memory_space<vmem>>, vector<1x1x1536xf32>,
    return
  }
  func.func @transform_0(%arg0: i32) -> (i32, i32) {
    %c0_i32 = arith.constant 0 : i32
    %c0_i32_0 = arith.constant 0 : i32
    return %arg0, %c0_i32 : i32, i32
  }
  func.func @transform_1(%arg0: i32) -> (i32, i32, i32) {
    %c0_i32 = arith.constant 0 : i32
    %c0_i32_0 = arith.constant 0 : i32
    %c0_i32_1 = arith.constant 0 : i32
    return %c0_i32, %arg0, %c0_i32_0 : i32, i32, i32
  }
  func.func @transform_2(%arg0: i32) -> (i32, i32, i32) {
    %c1_i32 = arith.constant 1 : i32
    %c0_i32 = arith.constant 0 : i32
    %c0_i32_0 = arith.constant 0 : i32
    return %c1_i32, %arg0, %c0_i32 : i32, i32, i32
  }
  func.func @transform_3(%arg0: i32) -> (i32, i32, i32) {
    %c0_i32 = arith.constant 0 : i32
    %c0_i32_0 = arith.constant 0 : i32
    %c0_i32_1 = arith.constant 0 : i32
    return %c0_i32, %arg0, %c0_i32_0 : i32, i32, i32
  }
  func.func @transform_4(%arg0: i32) -> (i32, i32, i32) {
    %c1_i32 = arith.constant 1 : i32
    %c0_i32 = arith.constant 0 : i32
    %c0_i32_0 = arith.constant 0 : i32
    return %c1_i32, %arg0, %c0_i32 : i32, i32, i32
  }
  func.func @transform_5(%arg0: i32) -> (i32, i32) {
    %c0_i32 = arith.constant 0 : i32
    %c0_i32_0 = arith.constant 0 : i32
    return %c0_i32, %arg0 : i32, i32
  }
  func.func @transform_6(%arg0: i32) -> (i32, i32) {
    %c0_i32 = arith.constant 0 : i32
    %c0_i32_0 = arith.constant 0 : i32
    return %c0_i32, %arg0 : i32, i32
  }
  func.func @transform_7(%arg0: i32) -> (i32, i32, i32) {
    %c0_i32 = arith.constant 0 : i32
    %c0_i32_0 = arith.constant 0 : i32
    %c0_i32_1 = arith.constant 0 : i32
    return %arg0, %c0_i32, %c0_i32_0 : i32, i32, i32
  }
  func.func @transform_8(%arg0: i32) -> (i32, i32) {
    %c0_i32 = arith.constant 0 : i32
    %c0_i32_0 = arith.constant 0 : i32
    %c0_i32_1 = arith.constant 0 : i32
    return %c0_i32, %c0_i32_0 : i32, i32
  }
  func.func @transform_9(%arg0: i32) -> (i32, i32) {
    %c0_i32 = arith.constant 0 : i32
    %c0_i32_0 = arith.constant 0 : i32
    %c0_i32_1 = arith.constant 0 : i32
    return %c0_i32, %c0_i32_0 : i32, i32
  }
  func.func @transform_10(%arg0: i32) -> (i32, i32) {
    %c0_i32 = arith.constant 0 : i32
    %c0_i32_0 = arith.constant 0 : i32
    %c0_i32_1 = arith.constant 0 : i32
    return %c0_i32, %c0_i32_0 : i32, i32
  }
  func.func @transform_11(%arg0: i32) -> (i32, i32) {
    %c0_i32 = arith.constant 0 : i32
    %c0_i32_0 = arith.constant 0 : i32
    %c0_i32_1 = arith.constant 0 : i32
    return %c0_i32, %c0_i32_0 : i32, i32
  }
  func.func @transform_12(%arg0: i32) -> (i32, i32) {
    %c0_i32 = arith.constant 0 : i32
    %c0_i32_0 = arith.constant 0 : i32
    %c0_i32_1 = arith.constant 0 : i32
    return %c0_i32, %c0_i32_0 : i32, i32
  }
  func.func @transform_13(%arg0: i32) -> (i32, i32) {
    %c0_i32 = arith.constant 0 : i32
    %c0_i32_0 = arith.constant 0 : i32
    return %arg0, %c0_i32 : i32, i32
  }
  func.func @transform_14(%arg0: i32) -> (i32, i32, i32) {
    %c0_i32 = arith.constant 0 : i32
    %c0_i32_0 = arith.constant 0 : i32
    %c0_i32_1 = arith.constant 0 : i32
    return %arg0, %c0_i32, %c0_i32_0 : i32, i32, i32
  }
}

</mosaic_0001>

<sc_bundles>
// kernel: kernel.10.cloned.1.call-start
scs
__scs_entry_jumppad:
0x0: {  	(pc) =	sbr.rel $0x88, $3  }
0x1: {  	(tag) =	ssettag $0x0;
	lr =	simm.s32 $0x1  }
0x2: {  	[smem:$0x3F90] =	sst lr;
	_ =	strace $0xD0000000  }
0x3: {  	_ = 	snop  }
0x4: {  	_ = 	snop  }
0x5: {  	_ = 	snop  }
0x6: {  	_ = 	snop  }
0x7: {  	_ = 	snop  }
__scs_overlays_trampoline_lowered:
0x8: {  	[smem:$0x3F9F] =	sst s0  }
0x9: {  	[smem:$0x3FA0] =	sst s1  }
0xa: {  	[smem:$0x3FA1] =	sst s2  }
0xb: {  	[smem:$0x3FA2] =	sst s3  }
0xc: {  	[smem:$0x3FA3] =	sst s4  }
0xd: {  	[smem:$0x3FA4] =	sst s5  }
0xe: {  	[smem:$0x3FA5] =	sst s6  }
0xf: {  	[smem:$0x3FA6] =	sst s7  }
0x10: {  	[smem:$0x3FA7] =	sst s8  }
0x11: {  	[smem:$0x3FA8] =	sst s9;
	s0 =	simm.s32 @!p0 $0x0  }
0x12: {  	s1 =	sld [smem:$0x3F8E];
	s0 =	simm.s32 @p0 $0x1  }
0x13: {  	[smem:$0x3FA9] =	sst s0;
	s0 =	simm.s32 @!p1 $0x0  }
0x14: {  	s2 =	sld [smem:$0x3F8D];
	s0 =	simm.s32 @p1 $0x1  }
0x15: {  	[smem:$0x3FAA] =	sst s0;
	s0 =	simm.s32 @!p2 $0x0  }
0x16: {  	s3 =	sld [smem:$0x3FDB];
	s0 =	simm.s32 @p2 $0x1  }
0x17: {  	s4 =	simm.s32 $0x1BF5;
	[smem:$0x3FAC] =	sst s0  }
0x18: {  	s0 =	sld [smem:$0x3F8F];
	_ =	swait.ge [sflag:s4], $0x0  }
0x19: {  	s7 =	sld [smem:$0x3F90]  }
0x1a: {  	s8 =	sadd.s32 $0xFFFFE003, lr  }
0x1b: {  	s9 =	sadd.s32 $0xFFFFFEF7, lr;
	s5 =	simm.s32 $0xFFFFFFFF;
	p2 =	slt.u32 s8, $0xFFFFF086  }
0x1c: {  	p1 =	slt.u32 s9, $0xF7A;
	s5 =	simm.s32 @!p2 $0x0  }
0x1d: {  	s5 =	simm.s32 @p1 $0x1;
	p0 =	seq.s32 s7, s2  }
0x1e: {  	s7 =	smul.u32 @!p0 $0xF7A, s2;
	p2 =	seq.s32 @!p0 s5, $0x0  }
0x1f: {  	s9 =	smul.u32 $0xF7A, s1;
	s8 =	simm.s32 @!p0 $0x1BF5;
	p2 =	por !p2, p0  }
0x20: {  	[sflag:s8] =	ssyncset.s32 @!p0 $0xFFFFF086;
	s6 =	sadd.s32 @!p0 s3, s7;
	s7 =	simm.s32 @!p0 $0x108  }
0x21: {  	s3 =	sadd.s32 s3, s9;
	s6 =	sadd.s32 @!p0 $0x88, s6;
	s7 =	simm.s32 @p2 $0x1082  }
0x22: {  	[simem:s7], [sflag:s8] =	dma.local @!p0 [hbm:s6], $0xF7A  }
0x23: {  	s9 =	sor.u32 $0xD0000000, s2;
	s6 =	simm.s32 $0x108;
	_ =	swait.ge @!p0 [sflag:s8], $0x0  }
0x24: {  	s3 =	sadd.s32 $0x88, s3;
	s6 =	simm.s32 @!p1 $0x1082;
	[sflag:s4] =	ssyncset.s32 $0xFFFFF086  }
0x25: {  	[simem:s6], [sflag:s4] =	dma.local [hbm:s3], $0xF7A  }
0x26: {  	[smem:$0x3F90] =	sst s1;
	(tag) =	ssettag s2;
	_ =	strace s9  }
0x27: {  	s1 =	sld [smem:$0x3FA0]  }
0x28: {  	s2 =	sld [smem:$0x3FA1]  }
0x29: {  	s4 =	sld [smem:$0x3FA3]  }
0x2a: {  	p0 =	seq.s32 s5, $0x0;
	s5 =	sld [smem:$0x3FA4]  }
0x2b: {  	s6 =	sld [smem:$0x3FA5]  }
0x2c: {  	s7 =	sld [smem:$0x3FA6]  }
0x2d: {  	s3 =	simm.s32 $0x108;
	s8 =	sld [smem:$0x3FA7]  }
0x2e: {  	s3 =	simm.s32 @!p0 $0x1082;
	s9 =	sld [smem:$0x3FA8]  }
0x2f: {  	lr =	sadd.s32 s0, s3;
	s0 =	sld [smem:$0x3F9F]  }
0x30: {  	s3 =	sld [smem:$0x3FA2]  }
0x31: {  	[smem:$0x3FAB] =	sst s10  }
0x32: {  	s10 =	sld [smem:$0x3FA9];
	_ =	sdelay $0x3  }
0x33: {  	p0 =	seq.s32 s10, $0x1;
	s10 =	sld [smem:$0x3FAB];
	_ =	sdelay $0x3  }
0x34: {  	[smem:$0x3FAB] =	sst s10  }
0x35: {  	s10 =	sld [smem:$0x3FAA];
	_ =	sdelay $0x3  }
0x36: {  	p1 =	seq.s32 s10, $0x1;
	s10 =	sld [smem:$0x3FAB];
	_ =	sdelay $0x3  }
0x37: {  	[smem:$0x3FAB] =	sst s10  }
0x38: {  	s10 =	sld [smem:$0x3FAC]  }
0x39: {  	_ = 	snop;
	(pc) =	sbr.ind lr, $3  }
0x3a: {  	_ = 	snop  }
0x3b: {  	_ = 	snop  }
0x3c: {  	p2 =	seq.s32 s10, $0x1;
	s10 =	sld [smem:$0x3FAB]  }
0x3d: {  	_ =	shalt  }
0x3e: {  	_ =	shalt  }
0x3f: {  	_ =	shalt  }
0x40: {  	_ =	shalt  }
0x41: {  	_ =	shalt  }
0x42: {  	_ =	shalt  }
0x43: {  	_ =	shalt  }
0x44: {  	_ =	shalt  }
0x45: {  	_ =	shalt  }
0x46: {  	_ =	shalt  }
0x47: {  	_ =	shalt  }
0x48: {  	_ =	shalt  }
0x49: {  	_ =	shalt  }
0x4a: {  	_ =	shalt  }
0x4b: {  	_ =	shalt  }
0x4c: {  	_ =	shalt  }
0x4d: {  	_ =	shalt  }
0x4e: {  	_ =	shalt  }
0x4f: {  	_ =	shalt  }
0x50: {  	_ =	shalt  }
0x51: {  	_ =	shalt  }
0x52: {  	_ =	shalt  }
0x53: {  	_ =	shalt  }
0x54: {  	_ =	shalt  }
0x55: {  	_ =	shalt  }
0x56: {  	_ =	shalt  }
0x57: {  	_ =	shalt  }
0x58: {  	_ =	shalt  }
0x59: {  	_ =	shalt  }
0x5a: {  	_ =	shalt  }
0x5b: {  	_ =	shalt  }
0x5c: {  	_ =	shalt  }
0x5d: {  	_ =	shalt  }
0x5e: {  	_ =	shalt  }
0x5f: {  	_ =	shalt  }
0x60: {  	_ =	shalt  }
0x61: {  	_ =	shalt  }
0x62: {  	_ =	shalt  }
0x63: {  	_ =	shalt  }
0x64: {  	_ =	shalt  }
0x65: {  	_ =	shalt  }
0x66: {  	_ =	shalt  }
0x67: {  	_ =	shalt  }
0x68: {  	_ =	shalt  }
0x69: {  	_ =	shalt  }
0x6a: {  	_ =	shalt  }
0x6b: {  	_ =	shalt  }
0x6c: {  	_ =	shalt  }
0x6d: {  	_ =	shalt  }
0x6e: {  	_ =	shalt  }
0x6f: {  	_ =	shalt  }
0x70: {  	_ =	shalt  }
0x71: {  	_ =	shalt  }
0x72: {  	_ =	shalt  }
0x73: {  	_ =	shalt  }
0x74: {  	_ =	shalt  }
0x75: {  	_ =	shalt  }
0x76: {  	_ =	shalt  }
0x77: {  	_ =	shalt  }
0x78: {  	_ =	shalt  }
0x79: {  	_ =	shalt  }
0x7a: {  	_ =	shalt  }
0x7b: {  	_ =	shalt  }
0x7c: {  	_ =	shalt  }
0x7d: {  	_ =	shalt  }
0x7e: {  	_ =	shalt  }
0x7f: {  	_ =	shalt  }
0x80: {  	_ =	shalt  }
0x81: {  	_ =	shalt  }
0x82: {  	_ =	shalt  }
0x83: {  	_ =	shalt  }
0x84: {  	_ =	shalt  }
0x85: {  	_ =	shalt  }
0x86: {  	_ =	shalt  }
0x87: {  	_ =	shalt  }
.Lfunc_end0:
.L_simem_size_0:
called_computation_lowered:
.L_overlay_start_0:
0x88: {  	s2 =	sld [smem:$0x3FD9]  }
0x89: {  	s3 =	sld [smem:$0x3FFE];
	_ =	sdelay $0x1  }
0x8a: {  	s1 =	srdreg.scid  }
0x8b: {  	s0 =	sand.u32 $0x1, s1  }
0x8c: {  	s17 =	sshll.u32 s0, $0xA;
	s2 =	sadd.s32 s3, s2  }
0x8d: {  	s2 =	sadd.s32 s2, s17  }
0x8e: {  	[smem:$0x3FB7] =	sst s2  }
0x8f: {  	_ = 	snop  }
0x90: {  	(tm) =	ssettm $0x1  }
0x91: {  	s18 =	sld [smem:$0x3FFB];
	_ =	sdelay $0x3  }
0x92: {  	_ =	strace s18  }
0x93: {  	s2 =	sld [smem:$0x3FFC];
	_ =	sdelay $0x3  }
0x94: {  	_ =	strace s2  }
0x95: {  	s2 =	sld [smem:$0x3FFD];
	_ =	sdelay $0x3  }
0x96: {  	_ =	strace s2  }
0x97: {  	_ =	strace $0x8FFFFFFF  }
0x98: {  	s19 =	sld [smem:$0x3FDB];
	_ =	sdelay $0x1  }
0x99: {  	s20 =	simm.s32 $_scs_section_size  }
0x9a: {  	s4 =	simm.s32 $_size__tile_overlayer_lowered;
	s5 =	simm.s32 $_tile_overlayer_lowered  }
0x9b: {  	s6 =	simm.s32 $0x1BFF;
	s21 =	sshll.u32 s5, $0x1;
	s3 =	sadd.s32 s20, s19  }
0x9c: {  	s22 =	simm.s32 $0x0;
	s4 =	sshll.u32 s4, $0x1;
	s5 =	sadd.s32 s21, s3  }
0x9d: {  	[timem:s22], [sflag:s6] =	dma.local [hbm:s5], s4  }
0x9e: {  	_ =	swait.ge [sflag:s6], s4  }
0x9f: {  	s4 =	ssub.s32 $0x0, s4;
	[sflag:s6] =	ssyncset.done $0x0  }
0xa0: {  	[sflag:s6] =	ssyncadd.s32 s4;
	_ =	sdelay $0x1  }
0xa1: {  	s23 =	simm.s32 $0x1B8B  }
0xa2: {  	_ =	swait.ge [sflag:s23], $0x1  }
0xa3: {  	[sflag:s23] =	ssyncset.done $0x0  }
0xa4: {  	[sflag:s23] =	ssyncadd.s32 $0xFFFFFFFF  }
0xa5: {  	s4 =	sld [smem:$0x0]  }
0xa6: {  	s5 =	sand.u32 $0xFFFFFFFE, s1  }
0xa7: {  	p0 =	sne.s32 s1, s5  }
0xa8: {  	s5 =	sshll.u32 @p0 s5, $0xE  }
0xa9: {  	s5 =	sadd.s32 @p0 $0x11B8D, s5;
	s6 =	sshll.u32 @p0 s4, $0x11  }
0xaa: {  	s5 =	sor.u32 @p0 s6, s5  }
0xab: {  	[sflag:s5] =	ssyncadd.remote.s32 @p0 $0x1;
	_ =	sdelay $0x1  }
0xac: {  	s5 =	simm.s32 @p0 $0x1B8D  }
0xad: {  	_ =	swait.eq @p0 [sflag:s5], $0x1  }
0xae: {  	[sflag:s5] =	ssyncadd.s32 @p0 $0xFFFFFFFF  }
0xaf: {  	s6 =	sshll.u32 @!p0 s1, $0xE  }
0xb0: {  	s6 =	sor.u32 @!p0 $0x4000, s6;
	s5 =	simm.s32 @!p0 $0x1B8D  }
0xb1: {  	s4 =	sshll.u32 @!p0 s4, $0x11;
	s6 =	sadd.s32 @!p0 $0x11B8D, s6;
	_ =	swait.eq @!p0 [sflag:s5], $0x1  }
0xb2: {  	s4 =	sor.u32 @!p0 s4, s6;
	[sflag:s5] =	ssyncadd.s32 @!p0 $0xFFFFFFFF  }
0xb3: {  	s25 =	simm.s32 $0x1B8E;
	s24 =	sld [smem:$0x3FFE];
	[sflag:s4] =	ssyncadd.remote.s32 @!p0 $0x1  }
0xb4: {  	s26 =	simm.s32 $execute0_lowered;
	[smem:$0x3FD2] =	sst s25  }
0xb5: {  	s5 =	sshll.u32 s26, $0x1;
	_ =	strace $0x80000049;
	[dreg:$0x1] =	wrdreg $0xFFFFFFFF  }
0xb6: {  	s28 =	simm.s32 $_size_execute0_lowered;
	s3 =	sadd.s32 s3, s5;
	[dreg:$0x0] =	wrdreg $0x0  }
0xb7: {  	s5 =	sshll.u32 s28, $0x1;
	[dreg:$0x2] =	wrdreg s3  }
0xb8: {  	[dreg:$0x3] =	wrdreg s5  }
0xb9: {  	[dreg:$0x4] =	wrdreg $0xC0  }
0xba: {  	_ =	task [dreg:s22], $0x5FFFF  }
0xbb: {  	[dreg:$0x1] =	wrdreg $0xFFFFFFFF  }
0xbc: {  	[dreg:$0x0] =	wrdreg $0x60  }
0xbd: {  	[dreg:$0x2] =	wrdreg s24  }
0xbe: {  	[dreg:$0x3] =	wrdreg $0x9  }
0xbf: {  	_ =	task.clear_ibuf [dreg:s22], $0x4FFFF;
	_ =	strace $0x90000049  }
0xc0: {  	s29 =	simm.s32 $0x9;
	_ =	strace $0x8000004B  }
0xc1: {  	_ =	swait.ge [sflag:s29], $0x1  }
0xc2: {  	[sflag:s29] =	ssyncadd.s32 $0xFFFFFFFF  }
0xc3: {  	_ =	strace $0x9000004B  }
0xc4: {  	_ =	sfence  }
0xc5: {  	s30 =	sld [smem:$0x0];
	_ =	sdelay $0x2  }
0xc6: {  	s31 =	sshll.u32 s1, $0xD;
	s1 =	sshrl.u32 s1, $0x2  }
0xc7: {  	s4 =	sand.u32 $0x4000, s31;
	s1 =	sadd.s32 s1, s30  }
0xc8: {  	s0 =	sor.u32 s4, s0;
	s1 =	sshll.u32 s1, $0x11  }
0xc9: {  	s0 =	sor.u32 s1, s0  }
0xca: {  	s0 =	sadd.s32 $0x8F2B, s0  }
0xcb: {  	[sflag:s0] =	ssyncadd.remote.s32 $0x1  }
0xcc: {  	_ =	sfence.sel $0xFFFF  }
0xcd: {  	[dreg:$0x0] =	wrdreg $0xFFFFFFFF;
	(pc) =	sbr.abs _section_cstart, $3  }
0xce: {  	[dreg:$0x1] =	wrdreg $0xFFFFFFFF  }
0xcf: {  	_ =	task.clear_ibuf [dreg:s22], $0x2FFFF;
	_ =	strace $0x9FFFFFFF  }
0xd0: {  	(tm) =	ssettm $0x7FFFFFFF  }
0xd1: {  	_ =	shalt  }
tec
execute0_lowered:
.L_overlay_start_1:
0x0: {  	(tag) =	ssettag $0x1  }
0x1: {  	s6 =	rddreg [dreg:$0x0]  }
0x2: {  	s0 =	rddreg [dreg:$0x1]  }
0x3: {  	s1 =	srdreg.scid;
	s2 =	simm.s32 $0x0;
	s15 =	simm.s32 $0x2  }
0x4: {  	s16 =	simm.s32 $0x9C80;
	s17 =	simm.s32 $0x9D00;
	s18 =	simm.s32 $0x1  }
0x5: {  	s19 =	simm.s32 $0x80;
	s20 =	simm.s32 $0x9D80;
	s21 =	simm.s32 $0xDD80  }
0x6: {  	s22 =	simm.s32 $0x11D80;
	s23 =	simm.s32 $0x11E00;
	s24 =	simm.s32 $0x11E80  }
0x7: {  	s25 =	simm.s32 $0x11F00;
	s26 =	simm.s32 $0x0;
	s10 =	sand.u32 $0x1, s1  }
0x8: {  	s1 =	stileid.u32;
	[smem:$0x7FF] =	sst s2;
	s4 =	sadd.s32 $0x2E400, s6  }
0x9: {  	s5 =	sadd.s32 $0x61800, s6;
	s7 =	sshll.u32 s1, $0x5;
	s3 =	sshll.u32 s10, $0x4  }
0xa: {  	_ =	strace $0x8000004A;
	s9 =	sshll.u32 s1, $0xC;
	s12 =	ssub.s32 $0x2, s10  }
0xb: {  	s14 =	sshll.u32 s10, $0xB;
	s8 =	sor.u32 s3, s7;
	s3 =	sadd.s32 $0x39800, s6  }
0xc: {  	s7 =	sand.u32 $0x1C0, s7;
	s13 =	sadd.s32 s9, s6;
	s30 =	sshrl.u32 s12, $0x1  }
0xd: {  	s11 =	sadd.s32 s8, s6;
	s7 =	sadd.s32 s7, s6;
	s8 =	sand.u32 $0x30, s8  }
0xe: {  	s14 =	sadd.s32 s14, s13;
	s10 =	sadd.s32 $0x586600, s11;
	s11 =	sadd.s32 $0x581800, s11  }
0xf: {  	s31 =	sadd.s32 s8, s7;
	s13 =	sadd.s32 $0x800200, s14;
	s14 =	sadd.s32 $0x590200, s14  }
0x10: {  	s12 =	ssub.s32 s12, s30;
	s6 =	sadd.s32 $0xA70200, s31;
	s7 =	sadd.s32 $0xA79E00, s31  }
0x11: {  	s12 =	smax.u32 s12, $0x1;
	s8 =	sadd.s32 $0xA75000, s31;
	s9 =	sadd.s32 $0x58B400, s31  }
.LBB2_1:
0x12: {  	[tilespmem:s2], [sflag:$0x2] =	stream.linear.gather [hbm4b:s4+s2], $0x9C80, $0x38;
	[tilespmem:$0x11F80] =	vst v63  }
0x13: {  	_ =	swait.ge [sflag:s15], $0x9C80  }
0x14: {  	s28 =	smov.u32 s14;
	[sflag:s15] =	ssyncset.done $0x0  }
0x15: {  	s29 =	smov.u32 s13;
	s30 =	simm.s32 $0x0;
	[sflag:s15] =	ssyncadd.s32 $0xFFFF6380  }
.LBB2_2:
0x16: {  	s31 =	sadd.s32 s30, s11  }
0x17: {  	[tilespmem:s16], [sflag:$0x1] =	stream.linear.gather [hbm4b:s31+s2], $0x80, $0x38;
	[tilespmem:$0x11F80] =	vst v63  }
0x18: {  	s31 =	sadd.s32 s30, s10  }
0x19: {  	[tilespmem:s17], [sflag:$0x1] =	stream.linear.gather [hbm4b:s31+s2], $0x80, $0x38;
	[tilespmem:$0x11F80] =	vst v63  }
0x1a: {  	_ =	swait.ge [sflag:s18], $0x80  }
0x1b: {  	[sflag:s18] =	ssyncset.done $0x0  }
0x1c: {  	[sflag:s18] =	ssyncadd.s32 $0xFFFFFF80  }
0x1d: {  	_ =	swait.ge [sflag:s18], $0x80  }
0x1e: {  	[sflag:s18] =	ssyncset.done $0x0  }
0x1f: {  	[sflag:s18] =	ssyncadd.s32 $0xFFFFFF80  }
0x20: {  	[tilespmem:s20], [sflag:$0x1] =	stream.indirect.gather [hbm4b:s3+s19], $0x80, s17, s19, $0xb8;
	[tilespmem:$0x11F80] =	vst v63  }
0x21: {  	_ = 	snop  }
0x22: {  	[tilespmem:s21], [sflag:$0x1] =	stream.indirect.gather [hbm4b:s5+s19], $0x80, s16, s19, $0xb8;
	[tilespmem:$0x11F80] =	vst v63  }
0x23: {  	v0 =	vld [tilespmem:$0x9D00]  }
0x24: {  	v1 =	vld [tilespmem:$0x9C80];
	_ =	sdelay $0x3  }
0x25: {  	v0 =	vshll.u32 v0, $0x2  }
0x26: {  	v1 =	vshll.u32 v1, $0x2  }
0x27: {  	v2 =	vor.u32 $0x1, v0  }
0x28: {  	v3 =	vor.u32 $0x1, v1  }
0x29: {  	v4 =	vor.u32 $0x2, v0  }
0x2a: {  	v5 =	vor.u32 $0x2, v1;
	v0 =	vld.idx.msk [tilespmem:v0+s2+$0x0], $0xffff  }
0x2b: {  	v1 =	vld.idx.msk [tilespmem:v1+s2+$0x0], $0xffff  }
0x2c: {  	v2 =	vld.idx.msk [tilespmem:v2+s2+$0x0], $0xffff  }
0x2d: {  	v3 =	vld.idx.msk [tilespmem:v3+s2+$0x0], $0xffff  }
0x2e: {  	v4 =	vld.idx.msk [tilespmem:v4+s2+$0x0], $0xffff  }
0x2f: {  	v5 =	vld.idx.msk [tilespmem:v5+s2+$0x0], $0xffff;
	_ =	sdelay $0x1  }
0x30: {  	v6 =	vld [tilespmem:$0x9D10]  }
0x31: {  	v37 =	vld [tilespmem:$0x9C90];
	v0 =	vsub.f32 v0, v1;
	v36 =	vsub.f32 v2, v3;
	_ =	sdelay $0x1  }
0x32: {  	v38 =	vsub.f32 v4, v5;
	v39 =	vmul.f32 v0, v0;
	v40 =	vmul.f32 v36, v36;
	_ =	sdelay $0x1  }
0x33: {  	v6 =	vshll.u32 v6, $0x2;
	v41 =	vmul.f32 v38, v38;
	v4 =	vadd.f32 v40, v39  }
0x34: {  	v42 =	vshll.u32 v37, $0x2;
	[tilespmem:$0x11D80] =	vst v0  }
0x35: {  	v44 =	vor.u32 $0x1, v6;
	[tilespmem:$0x11E00] =	vst v36;
	v43 =	vadd.f32 v41, v4  }
0x36: {  	v45 =	vor.u32 $0x1, v42;
	[tilespmem:$0x11E80] =	vst v38  }
0x37: {  	v46 =	vor.u32 $0x2, v6;
	[tilespmem:$0x11F00] =	vst v43  }
0x38: {  	v48 =	vor.u32 $0x2, v42;
	v47 =	vld.idx.msk [tilespmem:v6+s2+$0x0], $0xffff  }
0x39: {  	v0 =	vld.idx.msk [tilespmem:v42+s2+$0x0], $0xffff  }
0x3a: {  	v2 =	vld.idx.msk [tilespmem:v44+s2+$0x0], $0xffff  }
0x3b: {  	v3 =	vld.idx.msk [tilespmem:v45+s2+$0x0], $0xffff  }
0x3c: {  	v1 =	vld.idx.msk [tilespmem:v46+s2+$0x0], $0xffff  }
0x3d: {  	v5 =	vld.idx.msk [tilespmem:v48+s2+$0x0], $0xffff;
	_ =	sdelay $0x1  }
0x3e: {  	v49 =	vld [tilespmem:$0x9D20]  }
0x3f: {  	v50 =	vld [tilespmem:$0x9CA0];
	v0 =	vsub.f32 v47, v0;
	v2 =	vsub.f32 v2, v3;
	_ =	sdelay $0x1  }
0x40: {  	v1 =	vsub.f32 v1, v5;
	v4 =	vmul.f32 v0, v0;
	v51 =	vmul.f32 v2, v2;
	_ =	sdelay $0x1  }
0x41: {  	v6 =	vshll.u32 v49, $0x2;
	v52 =	vmul.f32 v1, v1;
	v4 =	vadd.f32 v51, v4  }
0x42: {  	v53 =	vshll.u32 v50, $0x2;
	[tilespmem:$0x11D90] =	vst v0  }
0x43: {  	v55 =	vor.u32 $0x1, v6;
	[tilespmem:$0x11E10] =	vst v2;
	v54 =	vadd.f32 v52, v4  }
0x44: {  	v56 =	vor.u32 $0x1, v53;
	[tilespmem:$0x11E90] =	vst v1  }
0x45: {  	v57 =	vor.u32 $0x2, v6;
	[tilespmem:$0x11F10] =	vst v54  }
0x46: {  	v59 =	vor.u32 $0x2, v53;
	v58 =	vld.idx.msk [tilespmem:v6+s2+$0x0], $0xffff  }
0x47: {  	v0 =	vld.idx.msk [tilespmem:v53+s2+$0x0], $0xffff  }
0x48: {  	v3 =	vld.idx.msk [tilespmem:v55+s2+$0x0], $0xffff  }
0x49: {  	v1 =	vld.idx.msk [tilespmem:v56+s2+$0x0], $0xffff  }
0x4a: {  	v2 =	vld.idx.msk [tilespmem:v57+s2+$0x0], $0xffff  }
0x4b: {  	v5 =	vld.idx.msk [tilespmem:v59+s2+$0x0], $0xffff;
	_ =	sdelay $0x1  }
0x4c: {  	v60 =	vld [tilespmem:$0x9D30]  }
0x4d: {  	v61 =	vld [tilespmem:$0x9CB0];
	v0 =	vsub.f32 v58, v0;
	v1 =	vsub.f32 v3, v1;
	_ =	sdelay $0x1  }
0x4e: {  	v2 =	vsub.f32 v2, v5;
	v4 =	vmul.f32 v0, v0;
	v62 =	vmul.f32 v1, v1;
	_ =	sdelay $0x1  }
0x4f: {  	v6 =	vshll.u32 v60, $0x2;
	v63 =	vmul.f32 v2, v2;
	v4 =	vadd.f32 v62, v4  }
0x50: {  	v9 =	vshll.u32 v61, $0x2;
	[tilespmem:$0x11DA0] =	vst v0  }
0x51: {  	v11 =	vor.u32 $0x1, v6;
	[tilespmem:$0x11E20] =	vst v1;
	v10 =	vadd.f32 v63, v4  }
0x52: {  	v12 =	vor.u32 $0x1, v9;
	[tilespmem:$0x11EA0] =	vst v2  }
0x53: {  	v13 =	vor.u32 $0x2, v6;
	[tilespmem:$0x11F20] =	vst v10  }
0x54: {  	v15 =	vor.u32 $0x2, v9;
	v14 =	vld.idx.msk [tilespmem:v6+s2+$0x0], $0xffff  }
0x55: {  	v0 =	vld.idx.msk [tilespmem:v9+s2+$0x0], $0xffff  }
0x56: {  	v3 =	vld.idx.msk [tilespmem:v11+s2+$0x0], $0xffff  }
0x57: {  	v2 =	vld.idx.msk [tilespmem:v12+s2+$0x0], $0xffff  }
0x58: {  	v1 =	vld.idx.msk [tilespmem:v13+s2+$0x0], $0xffff  }
0x59: {  	v5 =	vld.idx.msk [tilespmem:v15+s2+$0x0], $0xffff;
	_ =	sdelay $0x1  }
0x5a: {  	v16 =	vld [tilespmem:$0x9D40]  }
0x5b: {  	v17 =	vld [tilespmem:$0x9CC0];
	v0 =	vsub.f32 v14, v0;
	v2 =	vsub.f32 v3, v2;
	_ =	sdelay $0x1  }
0x5c: {  	v1 =	vsub.f32 v1, v5;
	v4 =	vmul.f32 v0, v0;
	v18 =	vmul.f32 v2, v2;
	_ =	sdelay $0x1  }
0x5d: {  	v6 =	vshll.u32 v16, $0x2;
	v19 =	vmul.f32 v1, v1;
	v4 =	vadd.f32 v18, v4  }
0x5e: {  	v20 =	vshll.u32 v17, $0x2;
	[tilespmem:$0x11DB0] =	vst v0  }
0x5f: {  	v22 =	vor.u32 $0x1, v6;
	[tilespmem:$0x11E30] =	vst v2;
	v21 =	vadd.f32 v19, v4  }
0x60: {  	v23 =	vor.u32 $0x1, v20;
	[tilespmem:$0x11EB0] =	vst v1  }
0x61: {  	v24 =	vor.u32 $0x2, v6;
	[tilespmem:$0x11F30] =	vst v21  }
0x62: {  	v26 =	vor.u32 $0x2, v20;
	v25 =	vld.idx.msk [tilespmem:v6+s2+$0x0], $0xffff  }
0x63: {  	v0 =	vld.idx.msk [tilespmem:v20+s2+$0x0], $0xffff  }
0x64: {  	v3 =	vld.idx.msk [tilespmem:v22+s2+$0x0], $0xffff  }
0x65: {  	v1 =	vld.idx.msk [tilespmem:v23+s2+$0x0], $0xffff  }
0x66: {  	v2 =	vld.idx.msk [tilespmem:v24+s2+$0x0], $0xffff  }
0x67: {  	v5 =	vld.idx.msk [tilespmem:v26+s2+$0x0], $0xffff;
	_ =	sdelay $0x1  }
0x68: {  	v27 =	vld [tilespmem:$0x9D50]  }
0x69: {  	v28 =	vld [tilespmem:$0x9CD0];
	v0 =	vsub.f32 v25, v0;
	v1 =	vsub.f32 v3, v1;
	_ =	sdelay $0x1  }
0x6a: {  	v2 =	vsub.f32 v2, v5;
	v4 =	vmul.f32 v0, v0;
	v29 =	vmul.f32 v1, v1;
	_ =	sdelay $0x1  }
0x6b: {  	v6 =	vshll.u32 v27, $0x2;
	v30 =	vmul.f32 v2, v2;
	v4 =	vadd.f32 v29, v4  }
0x6c: {  	v31 =	vshll.u32 v28, $0x2;
	[tilespmem:$0x11DC0] =	vst v0  }
0x6d: {  	v33 =	vor.u32 $0x1, v6;
	[tilespmem:$0x11E40] =	vst v1;
	v32 =	vadd.f32 v30, v4  }
0x6e: {  	v34 =	vor.u32 $0x1, v31;
	[tilespmem:$0x11EC0] =	vst v2  }
0x6f: {  	v35 =	vor.u32 $0x2, v6;
	[tilespmem:$0x11F40] =	vst v32  }
0x70: {  	v37 =	vor.u32 $0x2, v31;
	v36 =	vld.idx.msk [tilespmem:v6+s2+$0x0], $0xffff  }
0x71: {  	v0 =	vld.idx.msk [tilespmem:v31+s2+$0x0], $0xffff  }
0x72: {  	v3 =	vld.idx.msk [tilespmem:v33+s2+$0x0], $0xffff  }
0x73: {  	v2 =	vld.idx.msk [tilespmem:v34+s2+$0x0], $0xffff  }
0x74: {  	v1 =	vld.idx.msk [tilespmem:v35+s2+$0x0], $0xffff  }
0x75: {  	v5 =	vld.idx.msk [tilespmem:v37+s2+$0x0], $0xffff;
	_ =	sdelay $0x1  }
0x76: {  	v38 =	vld [tilespmem:$0x9D60]  }
0x77: {  	v39 =	vld [tilespmem:$0x9CE0];
	v0 =	vsub.f32 v36, v0;
	v2 =	vsub.f32 v3, v2;
	_ =	sdelay $0x1  }
0x78: {  	v1 =	vsub.f32 v1, v5;
	v4 =	vmul.f32 v0, v0;
	v40 =	vmul.f32 v2, v2;
	_ =	sdelay $0x1  }
0x79: {  	v6 =	vshll.u32 v38, $0x2;
	v41 =	vmul.f32 v1, v1;
	v4 =	vadd.f32 v40, v4  }
0x7a: {  	v42 =	vshll.u32 v39, $0x2;
	[tilespmem:$0x11DD0] =	vst v0  }
0x7b: {  	v44 =	vor.u32 $0x1, v6;
	[tilespmem:$0x11E50] =	vst v2;
	v43 =	vadd.f32 v41, v4  }
0x7c: {  	v45 =	vor.u32 $0x1, v42;
	[tilespmem:$0x11ED0] =	vst v1  }
0x7d: {  	v46 =	vor.u32 $0x2, v6;
	[tilespmem:$0x11F50] =	vst v43  }
0x7e: {  	v48 =	vor.u32 $0x2, v42;
	v47 =	vld.idx.msk [tilespmem:v6+s2+$0x0], $0xffff  }
0x7f: {  	v0 =	vld.idx.msk [tilespmem:v42+s2+$0x0], $0xffff  }
0x80: {  	v3 =	vld.idx.msk [tilespmem:v44+s2+$0x0], $0xffff  }
0x81: {  	v1 =	vld.idx.msk [tilespmem:v45+s2+$0x0], $0xffff  }
0x82: {  	v2 =	vld.idx.msk [tilespmem:v46+s2+$0x0], $0xffff  }
0x83: {  	v5 =	vld.idx.msk [tilespmem:v48+s2+$0x0], $0xffff;
	_ =	sdelay $0x1  }
0x84: {  	v49 =	vld [tilespmem:$0x9D70]  }
0x85: {  	v50 =	vld [tilespmem:$0x9CF0];
	v0 =	vsub.f32 v47, v0;
	v1 =	vsub.f32 v3, v1;
	_ =	sdelay $0x1  }
0x86: {  	v2 =	vsub.f32 v2, v5;
	v4 =	vmul.f32 v0, v0;
	v51 =	vmul.f32 v1, v1;
	_ =	sdelay $0x1  }
0x87: {  	v6 =	vshll.u32 v49, $0x2;
	v52 =	vmul.f32 v2, v2;
	v4 =	vadd.f32 v51, v4  }
0x88: {  	v53 =	vshll.u32 v50, $0x2;
	[tilespmem:$0x11DE0] =	vst v0  }
0x89: {  	v55 =	vor.u32 $0x1, v6;
	[tilespmem:$0x11E60] =	vst v1;
	v54 =	vadd.f32 v52, v4  }
0x8a: {  	v56 =	vor.u32 $0x1, v53;
	[tilespmem:$0x11EE0] =	vst v2  }
0x8b: {  	v57 =	vor.u32 $0x2, v6;
	[tilespmem:$0x11F60] =	vst v54  }
0x8c: {  	v59 =	vor.u32 $0x2, v53;
	v58 =	vld.idx.msk [tilespmem:v6+s2+$0x0], $0xffff  }
0x8d: {  	v0 =	vld.idx.msk [tilespmem:v53+s2+$0x0], $0xffff  }
0x8e: {  	v3 =	vld.idx.msk [tilespmem:v55+s2+$0x0], $0xffff  }
0x8f: {  	v2 =	vld.idx.msk [tilespmem:v56+s2+$0x0], $0xffff  }
0x90: {  	v1 =	vld.idx.msk [tilespmem:v57+s2+$0x0], $0xffff  }
0x91: {  	v5 =	vld.idx.msk [tilespmem:v59+s2+$0x0], $0xffff;
	_ =	sdelay $0x2  }
0x92: {  	v0 =	vsub.f32 v58, v0;
	v2 =	vsub.f32 v3, v2;
	_ =	sdelay $0x1  }
0x93: {  	v1 =	vsub.f32 v1, v5;
	v60 =	vmul.f32 v0, v0;
	v61 =	vmul.f32 v2, v2;
	_ =	sdelay $0x1  }
0x94: {  	v62 =	vmul.f32 v1, v1;
	v3 =	vadd.f32 v61, v60  }
0x95: {  	[tilespmem:$0x11DF0] =	vst v0  }
0x96: {  	[tilespmem:$0x11E70] =	vst v2;
	v63 =	vadd.f32 v62, v3  }
0x97: {  	[tilespmem:$0x11EF0] =	vst v1  }
0x98: {  	s31 =	sadd.s32 s30, s6;
	[tilespmem:$0x11F70] =	vst v63  }
0x99: {  	[hbm4b:s31+s2] =	stream.linear.scatter [tilespmem:s22], [sflag:$0x1], $0x80, $0x38;
	[tilespmem:$0x11F80] =	vst v63  }
0x9a: {  	s31 =	sadd.s32 s30, s8  }
0x9b: {  	[hbm4b:s31+s2] =	stream.linear.scatter [tilespmem:s23], [sflag:$0x1], $0x80, $0x38;
	[tilespmem:$0x11F80] =	vst v63  }
0x9c: {  	s31 =	sadd.s32 s30, s7  }
0x9d: {  	[hbm4b:s31+s2] =	stream.linear.scatter [tilespmem:s24], [sflag:$0x1], $0x80, $0x38;
	[tilespmem:$0x11F80] =	vst v63  }
0x9e: {  	s31 =	sadd.s32 s30, s9  }
0x9f: {  	[hbm4b:s31+s2] =	stream.linear.scatter [tilespmem:s25], [sflag:$0x1], $0x80, $0x38;
	[tilespmem:$0x11F80] =	vst v63  }
0xa0: {  	_ =	swait.ge [sflag:s18], $0x4000  }
0xa1: {  	[sflag:s18] =	ssyncset.done $0x0  }
0xa2: {  	[sflag:s18] =	ssyncadd.s32 $0xFFFFC000  }
0xa3: {  	_ =	swait.ge [sflag:s18], $0x4000  }
0xa4: {  	[sflag:s18] =	ssyncset.done $0x0  }
0xa5: {  	[sflag:s18] =	ssyncadd.s32 $0xFFFFC000  }
0xa6: {  	[hbm4b:s28+s2] =	stream.linear.scatter [tilespmem:s20], [sflag:$0x1], $0x4000, $0x38;
	[tilespmem:$0x11F80] =	vst v63  }
0xa7: {  	_ = 	snop  }
0xa8: {  	[hbm4b:s29+s2] =	stream.linear.scatter [tilespmem:s21], [sflag:$0x1], $0x4000, $0x38;
	[tilespmem:$0x11F80] =	vst v63  }
0xa9: {  	_ =	swait.ge [sflag:s18], $0x80  }
0xaa: {  	[sflag:s18] =	ssyncset.done $0x0  }
0xab: {  	[sflag:s18] =	ssyncadd.s32 $0xFFFFFF80  }
0xac: {  	_ =	swait.ge [sflag:s18], $0x80  }
0xad: {  	[sflag:s18] =	ssyncset.done $0x0  }
0xae: {  	[sflag:s18] =	ssyncadd.s32 $0xFFFFFF80  }
0xaf: {  	_ =	swait.ge [sflag:s18], $0x80  }
0xb0: {  	[sflag:s18] =	ssyncset.done $0x0  }
0xb1: {  	[sflag:s18] =	ssyncadd.s32 $0xFFFFFF80  }
0xb2: {  	_ =	swait.ge [sflag:s18], $0x80  }
0xb3: {  	[sflag:s18] =	ssyncset.done $0x0  }
0xb4: {  	[sflag:s18] =	ssyncadd.s32 $0xFFFFFF80  }
0xb5: {  	p0 =	sne.s32 s30, $0x4C00;
	_ =	swait.ge [sflag:s18], $0x4000  }
.Ltmp0:
0xb6: {  	[sflag:s18] =	ssyncset.done $0x0;
	(pc) =	sbr.rel @p0 .LBB2_2-.Ltmp0, $4  }
0xb7: {  	[sflag:s18] =	ssyncadd.s32 $0xFFFFC000  }
0xb8: {  	_ =	swait.ge [sflag:s18], $0x4000  }
0xb9: {  	s30 =	sadd.s32 $0x200, s30;
	[sflag:s18] =	ssyncset.done $0x0  }
0xba: {  	s28 =	sadd.s32 $0x10000, s28;
	s29 =	sadd.s32 $0x10000, s29;
	[sflag:s18] =	ssyncadd.s32 $0xFFFFC000  }
0xbb: {  	s26 =	sadd.s32 $0x1, s26  }
0xbc: {  	p0 =	sne.s32 s26, s12  }
.Ltmp1:
0xbd: {  	_ = 	snop;
	(pc) =	sbr.rel @p0 .LBB2_1-.Ltmp1, $1  }
0xbe: {  	_ =	sdelay $0x3  }
0xbf: {  	_ =	sfence.sel $0x180000  }
0xc0: {  	[bflag:$0x0] =	sbarrier.arrive $0xFFFF  }
0xc1: {  	p0 =	sne.s32 s1, $0x0;
	_ =	strace $0x9000004A  }
0xc2: {  	s0 =	sadd.s32 @!p0 $0x100000, s0;
	[bflag:$0x2] =	sbarrier.arrive $0xFFFF  }
0xc3: {  	[sflag:s0] =	ssyncadd.tile.s32 @!p0 $0x1;
	_ =	shalt  }
.Lfunc_end2:
_tile_overlayer_lowered:
.L_overlay_start_2:
0xc4: {  	(tag) =	ssettag $0x2  }
0xc5: {  	s0 =	rddreg [dreg:$0x0];
	s2 =	stileid.u32  }
0xc6: {  	s1 =	rddreg [dreg:$0x1];
	p0 =	sne.s32 s2, $0x0  }
0xc7: {  	s3 =	rddreg [dreg:$0x2];
	[bflag:$0x3] =	sbarrier.arrive $0xFFFF;
	s2 =	simm.s32 @!p0 $0x1C02  }
0xc8: {  	[timem:s3], [sflag:s2] =	dma.local @!p0 [hbm:s0], s1  }
0xc9: {  	s0 =	simm.s32 @!p0 $0x2  }
0xca: {  	_ =	swait.ge @!p0 [sflag:s0], s1  }
0xcb: {  	s1 =	ssub.s32 @!p0 $0x0, s1;
	[sflag:s0] =	ssyncset.done @!p0 $0x0  }
0xcc: {  	[sflag:s0] =	ssyncadd.s32 @!p0 s1  }
0xcd: {  	[bflag:$0x3] =	sbarrier.arrive $0xFFFF  }
0xce: {  	_ =	shalt  }

// kernel: kernel.13.cloned.1.call-start
scs
__scs_entry_jumppad:
0x0: {  	(pc) =	sbr.rel $0x88, $3  }
0x1: {  	(tag) =	ssettag $0x0;
	lr =	simm.s32 $0x1  }
0x2: {  	[smem:$0x3F90] =	sst lr;
	_ =	strace $0xD0000000  }
0x3: {  	_ = 	snop  }
0x4: {  	_ = 	snop  }
0x5: {  	_ = 	snop  }
0x6: {  	_ = 	snop  }
0x7: {  	_ = 	snop  }
__scs_overlays_trampoline_lowered:
0x8: {  	[smem:$0x3F9F] =	sst s0  }
0x9: {  	[smem:$0x3FA0] =	sst s1  }
0xa: {  	[smem:$0x3FA1] =	sst s2  }
0xb: {  	[smem:$0x3FA2] =	sst s3  }
0xc: {  	[smem:$0x3FA3] =	sst s4  }
0xd: {  	[smem:$0x3FA4] =	sst s5  }
0xe: {  	[smem:$0x3FA5] =	sst s6  }
0xf: {  	[smem:$0x3FA6] =	sst s7  }
0x10: {  	[smem:$0x3FA7] =	sst s8  }
0x11: {  	[smem:$0x3FA8] =	sst s9;
	s0 =	simm.s32 @!p0 $0x0  }
0x12: {  	s1 =	sld [smem:$0x3F8E];
	s0 =	simm.s32 @p0 $0x1  }
0x13: {  	[smem:$0x3FA9] =	sst s0;
	s0 =	simm.s32 @!p1 $0x0  }
0x14: {  	s2 =	sld [smem:$0x3F8D];
	s0 =	simm.s32 @p1 $0x1  }
0x15: {  	[smem:$0x3FAA] =	sst s0;
	s0 =	simm.s32 @!p2 $0x0  }
0x16: {  	s3 =	sld [smem:$0x3FDB];
	s0 =	simm.s32 @p2 $0x1  }
0x17: {  	s4 =	simm.s32 $0x1BF5;
	[smem:$0x3FAC] =	sst s0  }
0x18: {  	s0 =	sld [smem:$0x3F8F];
	_ =	swait.ge [sflag:s4], $0x0  }
0x19: {  	s7 =	sld [smem:$0x3F90]  }
0x1a: {  	s8 =	sadd.s32 $0xFFFFE003, lr  }
0x1b: {  	s9 =	sadd.s32 $0xFFFFFEF7, lr;
	s5 =	simm.s32 $0xFFFFFFFF;
	p2 =	slt.u32 s8, $0xFFFFF086  }
0x1c: {  	p1 =	slt.u32 s9, $0xF7A;
	s5 =	simm.s32 @!p2 $0x0  }
0x1d: {  	s5 =	simm.s32 @p1 $0x1;
	p0 =	seq.s32 s7, s2  }
0x1e: {  	s7 =	smul.u32 @!p0 $0xF7A, s2;
	p2 =	seq.s32 @!p0 s5, $0x0  }
0x1f: {  	s9 =	smul.u32 $0xF7A, s1;
	s8 =	simm.s32 @!p0 $0x1BF5;
	p2 =	por !p2, p0  }
0x20: {  	[sflag:s8] =	ssyncset.s32 @!p0 $0xFFFFF086;
	s6 =	sadd.s32 @!p0 s3, s7;
	s7 =	simm.s32 @!p0 $0x108  }
0x21: {  	s3 =	sadd.s32 s3, s9;
	s6 =	sadd.s32 @!p0 $0x88, s6;
	s7 =	simm.s32 @p2 $0x1082  }
0x22: {  	[simem:s7], [sflag:s8] =	dma.local @!p0 [hbm:s6], $0xF7A  }
0x23: {  	s9 =	sor.u32 $0xD0000000, s2;
	s6 =	simm.s32 $0x108;
	_ =	swait.ge @!p0 [sflag:s8], $0x0  }
0x24: {  	s3 =	sadd.s32 $0x88, s3;
	s6 =	simm.s32 @!p1 $0x1082;
	[sflag:s4] =	ssyncset.s32 $0xFFFFF086  }
0x25: {  	[simem:s6], [sflag:s4] =	dma.local [hbm:s3], $0xF7A  }
0x26: {  	[smem:$0x3F90] =	sst s1;
	(tag) =	ssettag s2;
	_ =	strace s9  }
0x27: {  	s1 =	sld [smem:$0x3FA0]  }
0x28: {  	s2 =	sld [smem:$0x3FA1]  }
0x29: {  	s4 =	sld [smem:$0x3FA3]  }
0x2a: {  	p0 =	seq.s32 s5, $0x0;
	s5 =	sld [smem:$0x3FA4]  }
0x2b: {  	s6 =	sld [smem:$0x3FA5]  }
0x2c: {  	s7 =	sld [smem:$0x3FA6]  }
0x2d: {  	s3 =	simm.s32 $0x108;
	s8 =	sld [smem:$0x3FA7]  }
0x2e: {  	s3 =	simm.s32 @!p0 $0x1082;
	s9 =	sld [smem:$0x3FA8]  }
0x2f: {  	lr =	sadd.s32 s0, s3;
	s0 =	sld [smem:$0x3F9F]  }
0x30: {  	s3 =	sld [smem:$0x3FA2]  }
0x31: {  	[smem:$0x3FAB] =	sst s10  }
0x32: {  	s10 =	sld [smem:$0x3FA9];
	_ =	sdelay $0x3  }
0x33: {  	p0 =	seq.s32 s10, $0x1;
	s10 =	sld [smem:$0x3FAB];
	_ =	sdelay $0x3  }
0x34: {  	[smem:$0x3FAB] =	sst s10  }
0x35: {  	s10 =	sld [smem:$0x3FAA];
	_ =	sdelay $0x3  }
0x36: {  	p1 =	seq.s32 s10, $0x1;
	s10 =	sld [smem:$0x3FAB];
	_ =	sdelay $0x3  }
0x37: {  	[smem:$0x3FAB] =	sst s10  }
0x38: {  	s10 =	sld [smem:$0x3FAC]  }
0x39: {  	_ = 	snop;
	(pc) =	sbr.ind lr, $3  }
0x3a: {  	_ = 	snop  }
0x3b: {  	_ = 	snop  }
0x3c: {  	p2 =	seq.s32 s10, $0x1;
	s10 =	sld [smem:$0x3FAB]  }
0x3d: {  	_ =	shalt  }
0x3e: {  	_ =	shalt  }
0x3f: {  	_ =	shalt  }
0x40: {  	_ =	shalt  }
0x41: {  	_ =	shalt  }
0x42: {  	_ =	shalt  }
0x43: {  	_ =	shalt  }
0x44: {  	_ =	shalt  }
0x45: {  	_ =	shalt  }
0x46: {  	_ =	shalt  }
0x47: {  	_ =	shalt  }
0x48: {  	_ =	shalt  }
0x49: {  	_ =	shalt  }
0x4a: {  	_ =	shalt  }
0x4b: {  	_ =	shalt  }
0x4c: {  	_ =	shalt  }
0x4d: {  	_ =	shalt  }
0x4e: {  	_ =	shalt  }
0x4f: {  	_ =	shalt  }
0x50: {  	_ =	shalt  }
0x51: {  	_ =	shalt  }
0x52: {  	_ =	shalt  }
0x53: {  	_ =	shalt  }
0x54: {  	_ =	shalt  }
0x55: {  	_ =	shalt  }
0x56: {  	_ =	shalt  }
0x57: {  	_ =	shalt  }
0x58: {  	_ =	shalt  }
0x59: {  	_ =	shalt  }
0x5a: {  	_ =	shalt  }
0x5b: {  	_ =	shalt  }
0x5c: {  	_ =	shalt  }
0x5d: {  	_ =	shalt  }
0x5e: {  	_ =	shalt  }
0x5f: {  	_ =	shalt  }
0x60: {  	_ =	shalt  }
0x61: {  	_ =	shalt  }
0x62: {  	_ =	shalt  }
0x63: {  	_ =	shalt  }
0x64: {  	_ =	shalt  }
0x65: {  	_ =	shalt  }
0x66: {  	_ =	shalt  }
0x67: {  	_ =	shalt  }
0x68: {  	_ =	shalt  }
0x69: {  	_ =	shalt  }
0x6a: {  	_ =	shalt  }
0x6b: {  	_ =	shalt  }
0x6c: {  	_ =	shalt  }
0x6d: {  	_ =	shalt  }
0x6e: {  	_ =	shalt  }
0x6f: {  	_ =	shalt  }
0x70: {  	_ =	shalt  }
0x71: {  	_ =	shalt  }
0x72: {  	_ =	shalt  }
0x73: {  	_ =	shalt  }
0x74: {  	_ =	shalt  }
0x75: {  	_ =	shalt  }
0x76: {  	_ =	shalt  }
0x77: {  	_ =	shalt  }
0x78: {  	_ =	shalt  }
0x79: {  	_ =	shalt  }
0x7a: {  	_ =	shalt  }
0x7b: {  	_ =	shalt  }
0x7c: {  	_ =	shalt  }
0x7d: {  	_ =	shalt  }
0x7e: {  	_ =	shalt  }
0x7f: {  	_ =	shalt  }
0x80: {  	_ =	shalt  }
0x81: {  	_ =	shalt  }
0x82: {  	_ =	shalt  }
0x83: {  	_ =	shalt  }
0x84: {  	_ =	shalt  }
0x85: {  	_ =	shalt  }
0x86: {  	_ =	shalt  }
0x87: {  	_ =	shalt  }
.Lfunc_end0:
.L_simem_size_0:
called_computation.1_lowered:
.L_overlay_start_0:
0x88: {  	s2 =	sld [smem:$0x3FD9]  }
0x89: {  	s3 =	sld [smem:$0x3FFE];
	_ =	sdelay $0x1  }
0x8a: {  	s1 =	srdreg.scid  }
0x8b: {  	s0 =	sand.u32 $0x1, s1  }
0x8c: {  	s16 =	sshll.u32 s0, $0xA;
	s2 =	sadd.s32 s3, s2  }
0x8d: {  	s2 =	sadd.s32 s2, s16  }
0x8e: {  	[smem:$0x3FB7] =	sst s2  }
0x8f: {  	_ = 	snop  }
0x90: {  	(tm) =	ssettm $0x1  }
0x91: {  	s17 =	sld [smem:$0x3FFB];
	_ =	sdelay $0x3  }
0x92: {  	_ =	strace s17  }
0x93: {  	s2 =	sld [smem:$0x3FFC];
	_ =	sdelay $0x3  }
0x94: {  	_ =	strace s2  }
0x95: {  	s2 =	sld [smem:$0x3FFD];
	_ =	sdelay $0x3  }
0x96: {  	_ =	strace s2  }
0x97: {  	_ =	strace $0x8FFFFFFF  }
0x98: {  	s18 =	sld [smem:$0x3FDB];
	_ =	sdelay $0x1  }
0x99: {  	s19 =	simm.s32 $_scs_section_size  }
0x9a: {  	s4 =	simm.s32 $_size__tile_overlayer_lowered;
	s5 =	simm.s32 $_tile_overlayer_lowered  }
0x9b: {  	s22 =	simm.s32 $0x1BFF;
	s21 =	sshll.u32 s5, $0x1;
	s2 =	sadd.s32 s19, s18  }
0x9c: {  	s6 =	simm.s32 $0x0;
	s20 =	sshll.u32 s4, $0x1;
	s4 =	sadd.s32 s21, s2  }
0x9d: {  	[timem:s6], [sflag:s22] =	dma.local [hbm:s4], s20  }
0x9e: {  	_ =	swait.ge [sflag:s22], s20  }
0x9f: {  	s3 =	ssub.s32 $0x0, s20;
	[sflag:s22] =	ssyncset.done $0x0  }
0xa0: {  	[sflag:s22] =	ssyncadd.s32 s3;
	_ =	sdelay $0x1  }
0xa1: {  	s23 =	simm.s32 $0x1B8B  }
0xa2: {  	_ =	swait.ge [sflag:s23], $0x1  }
0xa3: {  	[sflag:s23] =	ssyncset.done $0x0  }
0xa4: {  	s25 =	simm.s32 $0x1B8E;
	s24 =	sld [smem:$0x3FFE];
	[sflag:s23] =	ssyncadd.s32 $0xFFFFFFFF  }
0xa5: {  	s26 =	simm.s32 $execute0_lowered;
	[smem:$0x3FD2] =	sst s25  }
0xa6: {  	s4 =	sshll.u32 s26, $0x1;
	_ =	strace $0x80000046;
	[dreg:$0x1] =	wrdreg $0xFFFFFFFF  }
0xa7: {  	s28 =	simm.s32 $_size_execute0_lowered;
	s2 =	sadd.s32 s2, s4;
	[dreg:$0x0] =	wrdreg $0x0  }
0xa8: {  	s4 =	sshll.u32 s28, $0x1;
	[dreg:$0x2] =	wrdreg s2  }
0xa9: {  	[dreg:$0x3] =	wrdreg s4  }
0xaa: {  	[dreg:$0x4] =	wrdreg $0xC0  }
0xab: {  	_ =	task [dreg:s6], $0x5FFFF  }
0xac: {  	[dreg:$0x1] =	wrdreg $0xFFFFFFFF  }
0xad: {  	[dreg:$0x0] =	wrdreg $0x60  }
0xae: {  	[dreg:$0x2] =	wrdreg s24  }
0xaf: {  	[dreg:$0x3] =	wrdreg $0xA  }
0xb0: {  	_ =	task.clear_ibuf [dreg:s6], $0x4FFFF;
	_ =	strace $0x90000046  }
0xb1: {  	s29 =	simm.s32 $0xA;
	_ =	strace $0x80000048  }
0xb2: {  	_ =	swait.ge [sflag:s29], $0x1  }
0xb3: {  	[sflag:s29] =	ssyncadd.s32 $0xFFFFFFFF  }
0xb4: {  	_ =	strace $0x90000048  }
0xb5: {  	_ =	sfence  }
0xb6: {  	s30 =	sld [smem:$0x0];
	_ =	sdelay $0x2  }
0xb7: {  	s31 =	sshll.u32 s1, $0xD;
	s1 =	sshrl.u32 s1, $0x2  }
0xb8: {  	s3 =	sand.u32 $0x4000, s31;
	s1 =	sadd.s32 s1, s30  }
0xb9: {  	s0 =	sor.u32 s3, s0;
	s1 =	sshll.u32 s1, $0x11  }
0xba: {  	s0 =	sor.u32 s1, s0  }
0xbb: {  	s0 =	sadd.s32 $0x8F2B, s0  }
0xbc: {  	[sflag:s0] =	ssyncadd.remote.s32 $0x1  }
0xbd: {  	_ =	sfence.sel $0xFFFF  }
0xbe: {  	[dreg:$0x0] =	wrdreg $0xFFFFFFFF;
	(pc) =	sbr.abs _section_cstart, $3  }
0xbf: {  	[dreg:$0x1] =	wrdreg $0xFFFFFFFF  }
0xc0: {  	_ =	task.clear_ibuf [dreg:s6], $0x2FFFF;
	_ =	strace $0x9FFFFFFF  }
0xc1: {  	(tm) =	ssettm $0x7FFFFFFF  }
tec
execute0_lowered:
.L_overlay_start_1:
0x0: {  	(tag) =	ssettag $0x1  }
0x1: {  	s0 =	rddreg [dreg:$0x0];
	s1 =	srdreg.scid;
	s2 =	simm.s32 $0x0  }
0x2: {  	s29 =	stileid.u32;
	s16 =	simm.s32 $0x2;
	s17 =	simm.s32 $0x9C80  }
0x3: {  	s18 =	simm.s32 $0x9D00;
	s19 =	simm.s32 $0x1;
	s20 =	simm.s32 $0x80  }
0x4: {  	s21 =	simm.s32 $0x9D80;
	s22 =	simm.s32 $0xDD80;
	s23 =	simm.s32 $0x11D80  }
0x5: {  	s24 =	simm.s32 $0x11E00;
	s25 =	simm.s32 $0x11E80;
	s26 =	simm.s32 $0x11F00  }
0x6: {  	s28 =	simm.s32 $0x0;
	s7 =	sand.u32 $0x1, s1;
	[smem:$0x7FF] =	sst s2  }
0x7: {  	s6 =	sshll.u32 s29, $0x5;
	s3 =	sadd.s32 $0x39800, s0;
	s5 =	sadd.s32 $0x61800, s0  }
0x8: {  	s10 =	sshll.u32 s29, $0xC;
	s4 =	sshll.u32 s7, $0x4;
	_ =	strace $0x80000047  }
0x9: {  	s11 =	ssub.s32 $0x2, s7;
	s10 =	sadd.s32 s10, s0;
	s12 =	sshll.u32 s7, $0xB  }
0xa: {  	s8 =	sor.u32 s4, s6;
	s4 =	sadd.s32 $0x2E400, s0;
	s6 =	sand.u32 $0x1C0, s6  }
0xb: {  	s30 =	sshrl.u32 s11, $0x1;
	s13 =	sadd.s32 s12, s10;
	s9 =	sadd.s32 s8, s0  }
.Ltmp0:
0xc: {  	s0 =	sadd.s32 s6, s0;
	s11 =	ssub.s32 s11, s30;
	(pc) =	sbr.rel .LBB2_1-.Ltmp0, $4  }
0xd: {  	s6 =	sshll.u32 s29, $0x1;
	s31 =	sand.u32 $0x30, s8;
	s7 =	sadd.s32 $0x2F800, s9  }
0xe: {  	s8 =	sadd.s32 $0x34800, s9;
	s9 =	sadd.s32 $0x300800, s13;
	s0 =	sadd.s32 s31, s0  }
0xf: {  	s10 =	smax.u32 s11, $0x1;
	s11 =	sadd.s32 $0x572800, s0;
	s12 =	sadd.s32 $0x577800, s0  }
0x10: {  	s13 =	sadd.s32 $0x8E800, s13;
	s14 =	sadd.s32 $0x57C800, s0;
	s15 =	sadd.s32 $0x89800, s0  }
.LBB2_5:
0x11: {  	s28 =	sadd.s32 $0x1, s28  }
0x12: {  	p0 =	sne.s32 s28, s10  }
.Ltmp1:
0x13: {  	_ = 	snop;
	(pc) =	sbr.rel @!p0 .LBB2_6-.Ltmp1, $1  }
0x14: {  	_ =	sdelay $0x3  }
.LBB2_1:
.Ltmp2:
0x15: {  	(pc) =	sbr.rel .LBB2_2-.Ltmp2, $4  }
0x16: {  	[tilespmem:s2], [sflag:$0x2] =	stream.linear.gather [hbm4b:s4+s2], $0x9C80, $0x38;
	[tilespmem:$0x11F80] =	vst v63  }
0x17: {  	_ =	swait.ge [sflag:s16], $0x9C80  }
0x18: {  	s29 =	smov.u32 s6;
	s30 =	smov.u32 s13;
	[sflag:s16] =	ssyncset.done $0x0  }
0x19: {  	s31 =	smov.u32 s9;
	s0 =	simm.s32 $0x0;
	[sflag:s16] =	ssyncadd.s32 $0xFFFF6380  }
.LBB2_4:
0x1a: {  	s0 =	sadd.s32 $0x200, s0  }
0x1b: {  	p0 =	sne.s32 s0, $0x5000  }
.Ltmp3:
0x1c: {  	_ = 	snop;
	(pc) =	sbr.rel @!p0 .LBB2_5-.Ltmp3, $2  }
0x1d: {  	_ =	sdelay $0x2  }
0x1e: {  	s31 =	sadd.s32 $0x10000, s31;
	s30 =	sadd.s32 $0x10000, s30;
	s29 =	sadd.s32 $0x20, s29  }
.LBB2_2:
0x1f: {  	p0 =	sgt.u32 s29, $0x4E3  }
.Ltmp4:
0x20: {  	_ = 	snop;
	(pc) =	sbr.rel @p0 .LBB2_4-.Ltmp4, $1  }
0x21: {  	_ =	sdelay $0x3  }
0x22: {  	s1 =	sadd.s32 s0, s8  }
0x23: {  	[tilespmem:s17], [sflag:$0x1] =	stream.linear.gather [hbm4b:s1+s2], $0x80, $0x38;
	[tilespmem:$0x11F80] =	vst v63  }
0x24: {  	s1 =	sadd.s32 s0, s7  }
0x25: {  	[tilespmem:s18], [sflag:$0x1] =	stream.linear.gather [hbm4b:s1+s2], $0x80, $0x38;
	[tilespmem:$0x11F80] =	vst v63  }
0x26: {  	_ =	swait.ge [sflag:s19], $0x80  }
0x27: {  	[sflag:s19] =	ssyncset.done $0x0  }
0x28: {  	[sflag:s19] =	ssyncadd.s32 $0xFFFFFF80  }
0x29: {  	_ =	swait.ge [sflag:s19], $0x80  }
0x2a: {  	[sflag:s19] =	ssyncset.done $0x0  }
0x2b: {  	[sflag:s19] =	ssyncadd.s32 $0xFFFFFF80  }
0x2c: {  	[tilespmem:s21], [sflag:$0x1] =	stream.indirect.gather [hbm4b:s3+s20], $0x80, s18, s20, $0xb8;
	[tilespmem:$0x11F80] =	vst v63  }
0x2d: {  	_ = 	snop  }
0x2e: {  	[tilespmem:s22], [sflag:$0x1] =	stream.indirect.gather [hbm4b:s5+s20], $0x80, s17, s20, $0xb8;
	[tilespmem:$0x11F80] =	vst v63  }
0x2f: {  	v0 =	vld [tilespmem:$0x9D00]  }
0x30: {  	v1 =	vld [tilespmem:$0x9C80];
	_ =	sdelay $0x3  }
0x31: {  	v0 =	vshll.u32 v0, $0x2  }
0x32: {  	v1 =	vshll.u32 v1, $0x2  }
0x33: {  	v2 =	vor.u32 $0x1, v0  }
0x34: {  	v3 =	vor.u32 $0x1, v1  }
0x35: {  	v4 =	vor.u32 $0x2, v0  }
0x36: {  	v5 =	vor.u32 $0x2, v1;
	v0 =	vld.idx.msk [tilespmem:v0+s2+$0x0], $0xffff  }
0x37: {  	v1 =	vld.idx.msk [tilespmem:v1+s2+$0x0], $0xffff  }
0x38: {  	v2 =	vld.idx.msk [tilespmem:v2+s2+$0x0], $0xffff  }
0x39: {  	v3 =	vld.idx.msk [tilespmem:v3+s2+$0x0], $0xffff  }
0x3a: {  	v4 =	vld.idx.msk [tilespmem:v4+s2+$0x0], $0xffff  }
0x3b: {  	v5 =	vld.idx.msk [tilespmem:v5+s2+$0x0], $0xffff;
	_ =	sdelay $0x1  }
0x3c: {  	v6 =	vld [tilespmem:$0x9D10]  }
0x3d: {  	v37 =	vld [tilespmem:$0x9C90];
	v0 =	vsub.f32 v0, v1;
	v36 =	vsub.f32 v2, v3;
	_ =	sdelay $0x1  }
0x3e: {  	v38 =	vsub.f32 v4, v5;
	v39 =	vmul.f32 v0, v0;
	v40 =	vmul.f32 v36, v36;
	_ =	sdelay $0x1  }
0x3f: {  	v6 =	vshll.u32 v6, $0x2;
	v41 =	vmul.f32 v38, v38;
	v4 =	vadd.f32 v40, v39  }
0x40: {  	v42 =	vshll.u32 v37, $0x2;
	[tilespmem:$0x11D80] =	vst v0  }
0x41: {  	v44 =	vor.u32 $0x1, v6;
	[tilespmem:$0x11E00] =	vst v36;
	v43 =	vadd.f32 v41, v4  }
0x42: {  	v45 =	vor.u32 $0x1, v42;
	[tilespmem:$0x11E80] =	vst v38  }
0x43: {  	v46 =	vor.u32 $0x2, v6;
	[tilespmem:$0x11F00] =	vst v43  }
0x44: {  	v48 =	vor.u32 $0x2, v42;
	v47 =	vld.idx.msk [tilespmem:v6+s2+$0x0], $0xffff  }
0x45: {  	v0 =	vld.idx.msk [tilespmem:v42+s2+$0x0], $0xffff  }
0x46: {  	v2 =	vld.idx.msk [tilespmem:v44+s2+$0x0], $0xffff  }
0x47: {  	v3 =	vld.idx.msk [tilespmem:v45+s2+$0x0], $0xffff  }
0x48: {  	v1 =	vld.idx.msk [tilespmem:v46+s2+$0x0], $0xffff  }
0x49: {  	v5 =	vld.idx.msk [tilespmem:v48+s2+$0x0], $0xffff;
	_ =	sdelay $0x1  }
0x4a: {  	v49 =	vld [tilespmem:$0x9D20]  }
0x4b: {  	v50 =	vld [tilespmem:$0x9CA0];
	v0 =	vsub.f32 v47, v0;
	v2 =	vsub.f32 v2, v3;
	_ =	sdelay $0x1  }
0x4c: {  	v1 =	vsub.f32 v1, v5;
	v4 =	vmul.f32 v0, v0;
	v51 =	vmul.f32 v2, v2;
	_ =	sdelay $0x1  }
0x4d: {  	v6 =	vshll.u32 v49, $0x2;
	v52 =	vmul.f32 v1, v1;
	v4 =	vadd.f32 v51, v4  }
0x4e: {  	v53 =	vshll.u32 v50, $0x2;
	[tilespmem:$0x11D90] =	vst v0  }
0x4f: {  	v55 =	vor.u32 $0x1, v6;
	[tilespmem:$0x11E10] =	vst v2;
	v54 =	vadd.f32 v52, v4  }
0x50: {  	v56 =	vor.u32 $0x1, v53;
	[tilespmem:$0x11E90] =	vst v1  }
0x51: {  	v57 =	vor.u32 $0x2, v6;
	[tilespmem:$0x11F10] =	vst v54  }
0x52: {  	v59 =	vor.u32 $0x2, v53;
	v58 =	vld.idx.msk [tilespmem:v6+s2+$0x0], $0xffff  }
0x53: {  	v0 =	vld.idx.msk [tilespmem:v53+s2+$0x0], $0xffff  }
0x54: {  	v3 =	vld.idx.msk [tilespmem:v55+s2+$0x0], $0xffff  }
0x55: {  	v1 =	vld.idx.msk [tilespmem:v56+s2+$0x0], $0xffff  }
0x56: {  	v2 =	vld.idx.msk [tilespmem:v57+s2+$0x0], $0xffff  }
0x57: {  	v5 =	vld.idx.msk [tilespmem:v59+s2+$0x0], $0xffff;
	_ =	sdelay $0x1  }
0x58: {  	v60 =	vld [tilespmem:$0x9D30]  }
0x59: {  	v61 =	vld [tilespmem:$0x9CB0];
	v0 =	vsub.f32 v58, v0;
	v1 =	vsub.f32 v3, v1;
	_ =	sdelay $0x1  }
0x5a: {  	v2 =	vsub.f32 v2, v5;
	v4 =	vmul.f32 v0, v0;
	v62 =	vmul.f32 v1, v1;
	_ =	sdelay $0x1  }
0x5b: {  	v6 =	vshll.u32 v60, $0x2;
	v63 =	vmul.f32 v2, v2;
	v4 =	vadd.f32 v62, v4  }
0x5c: {  	v9 =	vshll.u32 v61, $0x2;
	[tilespmem:$0x11DA0] =	vst v0  }
0x5d: {  	v11 =	vor.u32 $0x1, v6;
	[tilespmem:$0x11E20] =	vst v1;
	v10 =	vadd.f32 v63, v4  }
0x5e: {  	v12 =	vor.u32 $0x1, v9;
	[tilespmem:$0x11EA0] =	vst v2  }
0x5f: {  	v13 =	vor.u32 $0x2, v6;
	[tilespmem:$0x11F20] =	vst v10  }
0x60: {  	v15 =	vor.u32 $0x2, v9;
	v14 =	vld.idx.msk [tilespmem:v6+s2+$0x0], $0xffff  }
0x61: {  	v0 =	vld.idx.msk [tilespmem:v9+s2+$0x0], $0xffff  }
0x62: {  	v3 =	vld.idx.msk [tilespmem:v11+s2+$0x0], $0xffff  }
0x63: {  	v2 =	vld.idx.msk [tilespmem:v12+s2+$0x0], $0xffff  }
0x64: {  	v1 =	vld.idx.msk [tilespmem:v13+s2+$0x0], $0xffff  }
0x65: {  	v5 =	vld.idx.msk [tilespmem:v15+s2+$0x0], $0xffff;
	_ =	sdelay $0x1  }
0x66: {  	v16 =	vld [tilespmem:$0x9D40]  }
0x67: {  	v17 =	vld [tilespmem:$0x9CC0];
	v0 =	vsub.f32 v14, v0;
	v2 =	vsub.f32 v3, v2;
	_ =	sdelay $0x1  }
0x68: {  	v1 =	vsub.f32 v1, v5;
	v4 =	vmul.f32 v0, v0;
	v18 =	vmul.f32 v2, v2;
	_ =	sdelay $0x1  }
0x69: {  	v6 =	vshll.u32 v16, $0x2;
	v19 =	vmul.f32 v1, v1;
	v4 =	vadd.f32 v18, v4  }
0x6a: {  	v20 =	vshll.u32 v17, $0x2;
	[tilespmem:$0x11DB0] =	vst v0  }
0x6b: {  	v22 =	vor.u32 $0x1, v6;
	[tilespmem:$0x11E30] =	vst v2;
	v21 =	vadd.f32 v19, v4  }
0x6c: {  	v23 =	vor.u32 $0x1, v20;
	[tilespmem:$0x11EB0] =	vst v1  }
0x6d: {  	v24 =	vor.u32 $0x2, v6;
	[tilespmem:$0x11F30] =	vst v21  }
0x6e: {  	v26 =	vor.u32 $0x2, v20;
	v25 =	vld.idx.msk [tilespmem:v6+s2+$0x0], $0xffff  }
0x6f: {  	v0 =	vld.idx.msk [tilespmem:v20+s2+$0x0], $0xffff  }
0x70: {  	v3 =	vld.idx.msk [tilespmem:v22+s2+$0x0], $0xffff  }
0x71: {  	v1 =	vld.idx.msk [tilespmem:v23+s2+$0x0], $0xffff  }
0x72: {  	v2 =	vld.idx.msk [tilespmem:v24+s2+$0x0], $0xffff  }
0x73: {  	v5 =	vld.idx.msk [tilespmem:v26+s2+$0x0], $0xffff;
	_ =	sdelay $0x1  }
0x74: {  	v27 =	vld [tilespmem:$0x9D50]  }
0x75: {  	v28 =	vld [tilespmem:$0x9CD0];
	v0 =	vsub.f32 v25, v0;
	v1 =	vsub.f32 v3, v1;
	_ =	sdelay $0x1  }
0x76: {  	v2 =	vsub.f32 v2, v5;
	v4 =	vmul.f32 v0, v0;
	v29 =	vmul.f32 v1, v1;
	_ =	sdelay $0x1  }
0x77: {  	v6 =	vshll.u32 v27, $0x2;
	v30 =	vmul.f32 v2, v2;
	v4 =	vadd.f32 v29, v4  }
0x78: {  	v31 =	vshll.u32 v28, $0x2;
	[tilespmem:$0x11DC0] =	vst v0  }
0x79: {  	v33 =	vor.u32 $0x1, v6;
	[tilespmem:$0x11E40] =	vst v1;
	v32 =	vadd.f32 v30, v4  }
0x7a: {  	v34 =	vor.u32 $0x1, v31;
	[tilespmem:$0x11EC0] =	vst v2  }
0x7b: {  	v35 =	vor.u32 $0x2, v6;
	[tilespmem:$0x11F40] =	vst v32  }
0x7c: {  	v37 =	vor.u32 $0x2, v31;
	v36 =	vld.idx.msk [tilespmem:v6+s2+$0x0], $0xffff  }
0x7d: {  	v0 =	vld.idx.msk [tilespmem:v31+s2+$0x0], $0xffff  }
0x7e: {  	v3 =	vld.idx.msk [tilespmem:v33+s2+$0x0], $0xffff  }
0x7f: {  	v2 =	vld.idx.msk [tilespmem:v34+s2+$0x0], $0xffff  }
0x80: {  	v1 =	vld.idx.msk [tilespmem:v35+s2+$0x0], $0xffff  }
0x81: {  	v5 =	vld.idx.msk [tilespmem:v37+s2+$0x0], $0xffff;
	_ =	sdelay $0x1  }
0x82: {  	v38 =	vld [tilespmem:$0x9D60]  }
0x83: {  	v39 =	vld [tilespmem:$0x9CE0];
	v0 =	vsub.f32 v36, v0;
	v2 =	vsub.f32 v3, v2;
	_ =	sdelay $0x1  }
0x84: {  	v1 =	vsub.f32 v1, v5;
	v4 =	vmul.f32 v0, v0;
	v40 =	vmul.f32 v2, v2;
	_ =	sdelay $0x1  }
0x85: {  	v6 =	vshll.u32 v38, $0x2;
	v41 =	vmul.f32 v1, v1;
	v4 =	vadd.f32 v40, v4  }
0x86: {  	v42 =	vshll.u32 v39, $0x2;
	[tilespmem:$0x11DD0] =	vst v0  }
0x87: {  	v44 =	vor.u32 $0x1, v6;
	[tilespmem:$0x11E50] =	vst v2;
	v43 =	vadd.f32 v41, v4  }
0x88: {  	v45 =	vor.u32 $0x1, v42;
	[tilespmem:$0x11ED0] =	vst v1  }
0x89: {  	v46 =	vor.u32 $0x2, v6;
	[tilespmem:$0x11F50] =	vst v43  }
0x8a: {  	v48 =	vor.u32 $0x2, v42;
	v47 =	vld.idx.msk [tilespmem:v6+s2+$0x0], $0xffff  }
0x8b: {  	v0 =	vld.idx.msk [tilespmem:v42+s2+$0x0], $0xffff  }
0x8c: {  	v3 =	vld.idx.msk [tilespmem:v44+s2+$0x0], $0xffff  }
0x8d: {  	v1 =	vld.idx.msk [tilespmem:v45+s2+$0x0], $0xffff  }
0x8e: {  	v2 =	vld.idx.msk [tilespmem:v46+s2+$0x0], $0xffff  }
0x8f: {  	v5 =	vld.idx.msk [tilespmem:v48+s2+$0x0], $0xffff;
	_ =	sdelay $0x1  }
0x90: {  	v49 =	vld [tilespmem:$0x9D70]  }
0x91: {  	v50 =	vld [tilespmem:$0x9CF0];
	v0 =	vsub.f32 v47, v0;
	v1 =	vsub.f32 v3, v1;
	_ =	sdelay $0x1  }
0x92: {  	v2 =	vsub.f32 v2, v5;
	v4 =	vmul.f32 v0, v0;
	v51 =	vmul.f32 v1, v1;
	_ =	sdelay $0x1  }
0x93: {  	v6 =	vshll.u32 v49, $0x2;
	v52 =	vmul.f32 v2, v2;
	v4 =	vadd.f32 v51, v4  }
0x94: {  	v53 =	vshll.u32 v50, $0x2;
	[tilespmem:$0x11DE0] =	vst v0  }
0x95: {  	v55 =	vor.u32 $0x1, v6;
	[tilespmem:$0x11E60] =	vst v1;
	v54 =	vadd.f32 v52, v4  }
0x96: {  	v56 =	vor.u32 $0x1, v53;
	[tilespmem:$0x11EE0] =	vst v2  }
0x97: {  	v57 =	vor.u32 $0x2, v6;
	[tilespmem:$0x11F60] =	vst v54  }
0x98: {  	v59 =	vor.u32 $0x2, v53;
	v58 =	vld.idx.msk [tilespmem:v6+s2+$0x0], $0xffff  }
0x99: {  	v0 =	vld.idx.msk [tilespmem:v53+s2+$0x0], $0xffff  }
0x9a: {  	v3 =	vld.idx.msk [tilespmem:v55+s2+$0x0], $0xffff  }
0x9b: {  	v2 =	vld.idx.msk [tilespmem:v56+s2+$0x0], $0xffff  }
0x9c: {  	v1 =	vld.idx.msk [tilespmem:v57+s2+$0x0], $0xffff  }
0x9d: {  	v5 =	vld.idx.msk [tilespmem:v59+s2+$0x0], $0xffff;
	_ =	sdelay $0x2  }
0x9e: {  	v0 =	vsub.f32 v58, v0;
	v2 =	vsub.f32 v3, v2;
	_ =	sdelay $0x1  }
0x9f: {  	v1 =	vsub.f32 v1, v5;
	v60 =	vmul.f32 v0, v0;
	v61 =	vmul.f32 v2, v2;
	_ =	sdelay $0x1  }
0xa0: {  	v62 =	vmul.f32 v1, v1;
	v3 =	vadd.f32 v61, v60  }
0xa1: {  	[tilespmem:$0x11DF0] =	vst v0  }
0xa2: {  	[tilespmem:$0x11E70] =	vst v2;
	v63 =	vadd.f32 v62, v3  }
0xa3: {  	[tilespmem:$0x11EF0] =	vst v1  }
0xa4: {  	s1 =	sadd.s32 s0, s11;
	[tilespmem:$0x11F70] =	vst v63  }
0xa5: {  	[hbm4b:s1+s2] =	stream.linear.scatter [tilespmem:s23], [sflag:$0x1], $0x80, $0x38;
	[tilespmem:$0x11F80] =	vst v63  }
0xa6: {  	s1 =	sadd.s32 s0, s12  }
0xa7: {  	[hbm4b:s1+s2] =	stream.linear.scatter [tilespmem:s24], [sflag:$0x1], $0x80, $0x38;
	[tilespmem:$0x11F80] =	vst v63  }
0xa8: {  	s1 =	sadd.s32 s0, s14  }
0xa9: {  	[hbm4b:s1+s2] =	stream.linear.scatter [tilespmem:s25], [sflag:$0x1], $0x80, $0x38;
	[tilespmem:$0x11F80] =	vst v63  }
0xaa: {  	s1 =	sadd.s32 s0, s15  }
0xab: {  	[hbm4b:s1+s2] =	stream.linear.scatter [tilespmem:s26], [sflag:$0x1], $0x80, $0x38;
	[tilespmem:$0x11F80] =	vst v63  }
0xac: {  	_ =	swait.ge [sflag:s19], $0x4000  }
0xad: {  	[sflag:s19] =	ssyncset.done $0x0  }
0xae: {  	[sflag:s19] =	ssyncadd.s32 $0xFFFFC000  }
0xaf: {  	_ =	swait.ge [sflag:s19], $0x4000  }
0xb0: {  	[sflag:s19] =	ssyncset.done $0x0  }
0xb1: {  	[sflag:s19] =	ssyncadd.s32 $0xFFFFC000  }
0xb2: {  	[hbm4b:s30+s2] =	stream.linear.scatter [tilespmem:s21], [sflag:$0x1], $0x4000, $0x38;
	[tilespmem:$0x11F80] =	vst v63  }
0xb3: {  	_ = 	snop  }
0xb4: {  	[hbm4b:s31+s2] =	stream.linear.scatter [tilespmem:s22], [sflag:$0x1], $0x4000, $0x38;
	[tilespmem:$0x11F80] =	vst v63  }
0xb5: {  	_ =	swait.ge [sflag:s19], $0x80  }
0xb6: {  	[sflag:s19] =	ssyncset.done $0x0  }
0xb7: {  	[sflag:s19] =	ssyncadd.s32 $0xFFFFFF80  }
0xb8: {  	_ =	swait.ge [sflag:s19], $0x80  }
0xb9: {  	[sflag:s19] =	ssyncset.done $0x0  }
0xba: {  	[sflag:s19] =	ssyncadd.s32 $0xFFFFFF80  }
0xbb: {  	_ =	swait.ge [sflag:s19], $0x80  }
0xbc: {  	[sflag:s19] =	ssyncset.done $0x0  }
0xbd: {  	[sflag:s19] =	ssyncadd.s32 $0xFFFFFF80  }
0xbe: {  	_ =	swait.ge [sflag:s19], $0x80  }
0xbf: {  	[sflag:s19] =	ssyncset.done $0x0  }
0xc0: {  	[sflag:s19] =	ssyncadd.s32 $0xFFFFFF80  }
0xc1: {  	_ =	swait.ge [sflag:s19], $0x4000  }
.Ltmp5:
0xc2: {  	[sflag:s19] =	ssyncset.done $0x0;
	(pc) =	sbr.rel .LBB2_4-.Ltmp5, $4  }
0xc3: {  	[sflag:s19] =	ssyncadd.s32 $0xFFFFC000  }
0xc4: {  	_ =	swait.ge [sflag:s19], $0x4000  }
0xc5: {  	[sflag:s19] =	ssyncset.done $0x0  }
0xc6: {  	[sflag:s19] =	ssyncadd.s32 $0xFFFFC000  }
.LBB2_6:
0xc7: {  	_ =	sfence.sel $0x180000  }
0xc8: {  	[bflag:$0x0] =	sbarrier.arrive $0xFFFF  }
0xc9: {  	_ =	strace $0x90000047  }
0xca: {  	s0 =	stileid.u32;
	[bflag:$0x2] =	sbarrier.arrive $0xFFFF  }
0xcb: {  	p0 =	sne.s32 s0, $0x0;
	s0 =	rddreg [dreg:$0x1]  }
0xcc: {  	s0 =	sadd.s32 @!p0 $0x100000, s0  }
0xcd: {  	[sflag:s0] =	ssyncadd.tile.s32 @!p0 $0x1;
	_ =	shalt  }
.Lfunc_end2:
_tile_overlayer_lowered:
.L_overlay_start_2:
0xce: {  	(tag) =	ssettag $0x2  }
0xcf: {  	s0 =	rddreg [dreg:$0x0];
	s2 =	stileid.u32  }
0xd0: {  	s1 =	rddreg [dreg:$0x1];
	p0 =	sne.s32 s2, $0x0  }
0xd1: {  	s3 =	rddreg [dreg:$0x2];
	[bflag:$0x3] =	sbarrier.arrive $0xFFFF;
	s2 =	simm.s32 @!p0 $0x1C02  }
0xd2: {  	[timem:s3], [sflag:s2] =	dma.local @!p0 [hbm:s0], s1  }
0xd3: {  	s0 =	simm.s32 @!p0 $0x2  }
0xd4: {  	_ =	swait.ge @!p0 [sflag:s0], s1  }
0xd5: {  	s1 =	ssub.s32 @!p0 $0x0, s1;
	[sflag:s0] =	ssyncset.done @!p0 $0x0  }
0xd6: {  	[sflag:s0] =	ssyncadd.s32 @!p0 s1  }
0xd7: {  	[bflag:$0x3] =	sbarrier.arrive $0xFFFF  }
0xd8: {  	_ =	shalt  }

// kernel: kernel.16.cloned.1.call-start
scs
__scs_entry_jumppad:
0x0: {  	(pc) =	sbr.rel $0x88, $3  }
0x1: {  	(tag) =	ssettag $0x0;
	lr =	simm.s32 $0x1  }
0x2: {  	[smem:$0x3F90] =	sst lr;
	_ =	strace $0xD0000000  }
0x3: {  	_ = 	snop  }
0x4: {  	_ = 	snop  }
0x5: {  	_ = 	snop  }
0x6: {  	_ = 	snop  }
0x7: {  	_ = 	snop  }
__scs_overlays_trampoline_lowered:
0x8: {  	[smem:$0x3F9F] =	sst s0  }
0x9: {  	[smem:$0x3FA0] =	sst s1  }
0xa: {  	[smem:$0x3FA1] =	sst s2  }
0xb: {  	[smem:$0x3FA2] =	sst s3  }
0xc: {  	[smem:$0x3FA3] =	sst s4  }
0xd: {  	[smem:$0x3FA4] =	sst s5  }
0xe: {  	[smem:$0x3FA5] =	sst s6  }
0xf: {  	[smem:$0x3FA6] =	sst s7  }
0x10: {  	[smem:$0x3FA7] =	sst s8  }
0x11: {  	[smem:$0x3FA8] =	sst s9;
	s0 =	simm.s32 @!p0 $0x0  }
0x12: {  	s1 =	sld [smem:$0x3F8E];
	s0 =	simm.s32 @p0 $0x1  }
0x13: {  	[smem:$0x3FA9] =	sst s0;
	s0 =	simm.s32 @!p1 $0x0  }
0x14: {  	s2 =	sld [smem:$0x3F8D];
	s0 =	simm.s32 @p1 $0x1  }
0x15: {  	[smem:$0x3FAA] =	sst s0;
	s0 =	simm.s32 @!p2 $0x0  }
0x16: {  	s3 =	sld [smem:$0x3FDB];
	s0 =	simm.s32 @p2 $0x1  }
0x17: {  	s4 =	simm.s32 $0x1BF5;
	[smem:$0x3FAC] =	sst s0  }
0x18: {  	s0 =	sld [smem:$0x3F8F];
	_ =	swait.ge [sflag:s4], $0x0  }
0x19: {  	s7 =	sld [smem:$0x3F90]  }
0x1a: {  	s8 =	sadd.s32 $0xFFFFE003, lr  }
0x1b: {  	s9 =	sadd.s32 $0xFFFFFEF7, lr;
	s5 =	simm.s32 $0xFFFFFFFF;
	p2 =	slt.u32 s8, $0xFFFFF086  }
0x1c: {  	p1 =	slt.u32 s9, $0xF7A;
	s5 =	simm.s32 @!p2 $0x0  }
0x1d: {  	s5 =	simm.s32 @p1 $0x1;
	p0 =	seq.s32 s7, s2  }
0x1e: {  	s7 =	smul.u32 @!p0 $0xF7A, s2;
	p2 =	seq.s32 @!p0 s5, $0x0  }
0x1f: {  	s9 =	smul.u32 $0xF7A, s1;
	s8 =	simm.s32 @!p0 $0x1BF5;
	p2 =	por !p2, p0  }
0x20: {  	[sflag:s8] =	ssyncset.s32 @!p0 $0xFFFFF086;
	s6 =	sadd.s32 @!p0 s3, s7;
	s7 =	simm.s32 @!p0 $0x108  }
0x21: {  	s3 =	sadd.s32 s3, s9;
	s6 =	sadd.s32 @!p0 $0x88, s6;
	s7 =	simm.s32 @p2 $0x1082  }
0x22: {  	[simem:s7], [sflag:s8] =	dma.local @!p0 [hbm:s6], $0xF7A  }
0x23: {  	s9 =	sor.u32 $0xD0000000, s2;
	s6 =	simm.s32 $0x108;
	_ =	swait.ge @!p0 [sflag:s8], $0x0  }
0x24: {  	s3 =	sadd.s32 $0x88, s3;
	s6 =	simm.s32 @!p1 $0x1082;
	[sflag:s4] =	ssyncset.s32 $0xFFFFF086  }
0x25: {  	[simem:s6], [sflag:s4] =	dma.local [hbm:s3], $0xF7A  }
0x26: {  	[smem:$0x3F90] =	sst s1;
	(tag) =	ssettag s2;
	_ =	strace s9  }
0x27: {  	s1 =	sld [smem:$0x3FA0]  }
0x28: {  	s2 =	sld [smem:$0x3FA1]  }
0x29: {  	s4 =	sld [smem:$0x3FA3]  }
0x2a: {  	p0 =	seq.s32 s5, $0x0;
	s5 =	sld [smem:$0x3FA4]  }
0x2b: {  	s6 =	sld [smem:$0x3FA5]  }
0x2c: {  	s7 =	sld [smem:$0x3FA6]  }
0x2d: {  	s3 =	simm.s32 $0x108;
	s8 =	sld [smem:$0x3FA7]  }
0x2e: {  	s3 =	simm.s32 @!p0 $0x1082;
	s9 =	sld [smem:$0x3FA8]  }
0x2f: {  	lr =	sadd.s32 s0, s3;
	s0 =	sld [smem:$0x3F9F]  }
0x30: {  	s3 =	sld [smem:$0x3FA2]  }
0x31: {  	[smem:$0x3FAB] =	sst s10  }
0x32: {  	s10 =	sld [smem:$0x3FA9];
	_ =	sdelay $0x3  }
0x33: {  	p0 =	seq.s32 s10, $0x1;
	s10 =	sld [smem:$0x3FAB];
	_ =	sdelay $0x3  }
0x34: {  	[smem:$0x3FAB] =	sst s10  }
0x35: {  	s10 =	sld [smem:$0x3FAA];
	_ =	sdelay $0x3  }
0x36: {  	p1 =	seq.s32 s10, $0x1;
	s10 =	sld [smem:$0x3FAB];
	_ =	sdelay $0x3  }
0x37: {  	[smem:$0x3FAB] =	sst s10  }
0x38: {  	s10 =	sld [smem:$0x3FAC]  }
0x39: {  	_ = 	snop;
	(pc) =	sbr.ind lr, $3  }
0x3a: {  	_ = 	snop  }
0x3b: {  	_ = 	snop  }
0x3c: {  	p2 =	seq.s32 s10, $0x1;
	s10 =	sld [smem:$0x3FAB]  }
0x3d: {  	_ =	shalt  }
0x3e: {  	_ =	shalt  }
0x3f: {  	_ =	shalt  }
0x40: {  	_ =	shalt  }
0x41: {  	_ =	shalt  }
0x42: {  	_ =	shalt  }
0x43: {  	_ =	shalt  }
0x44: {  	_ =	shalt  }
0x45: {  	_ =	shalt  }
0x46: {  	_ =	shalt  }
0x47: {  	_ =	shalt  }
0x48: {  	_ =	shalt  }
0x49: {  	_ =	shalt  }
0x4a: {  	_ =	shalt  }
0x4b: {  	_ =	shalt  }
0x4c: {  	_ =	shalt  }
0x4d: {  	_ =	shalt  }
0x4e: {  	_ =	shalt  }
0x4f: {  	_ =	shalt  }
0x50: {  	_ =	shalt  }
0x51: {  	_ =	shalt  }
0x52: {  	_ =	shalt  }
0x53: {  	_ =	shalt  }
0x54: {  	_ =	shalt  }
0x55: {  	_ =	shalt  }
0x56: {  	_ =	shalt  }
0x57: {  	_ =	shalt  }
0x58: {  	_ =	shalt  }
0x59: {  	_ =	shalt  }
0x5a: {  	_ =	shalt  }
0x5b: {  	_ =	shalt  }
0x5c: {  	_ =	shalt  }
0x5d: {  	_ =	shalt  }
0x5e: {  	_ =	shalt  }
0x5f: {  	_ =	shalt  }
0x60: {  	_ =	shalt  }
0x61: {  	_ =	shalt  }
0x62: {  	_ =	shalt  }
0x63: {  	_ =	shalt  }
0x64: {  	_ =	shalt  }
0x65: {  	_ =	shalt  }
0x66: {  	_ =	shalt  }
0x67: {  	_ =	shalt  }
0x68: {  	_ =	shalt  }
0x69: {  	_ =	shalt  }
0x6a: {  	_ =	shalt  }
0x6b: {  	_ =	shalt  }
0x6c: {  	_ =	shalt  }
0x6d: {  	_ =	shalt  }
0x6e: {  	_ =	shalt  }
0x6f: {  	_ =	shalt  }
0x70: {  	_ =	shalt  }
0x71: {  	_ =	shalt  }
0x72: {  	_ =	shalt  }
0x73: {  	_ =	shalt  }
0x74: {  	_ =	shalt  }
0x75: {  	_ =	shalt  }
0x76: {  	_ =	shalt  }
0x77: {  	_ =	shalt  }
0x78: {  	_ =	shalt  }
0x79: {  	_ =	shalt  }
0x7a: {  	_ =	shalt  }
0x7b: {  	_ =	shalt  }
0x7c: {  	_ =	shalt  }
0x7d: {  	_ =	shalt  }
0x7e: {  	_ =	shalt  }
0x7f: {  	_ =	shalt  }
0x80: {  	_ =	shalt  }
0x81: {  	_ =	shalt  }
0x82: {  	_ =	shalt  }
0x83: {  	_ =	shalt  }
0x84: {  	_ =	shalt  }
0x85: {  	_ =	shalt  }
0x86: {  	_ =	shalt  }
0x87: {  	_ =	shalt  }
.Lfunc_end0:
.L_simem_size_0:
called_computation.2_lowered:
.L_overlay_start_0:
0x88: {  	s2 =	sld [smem:$0x3FD9]  }
0x89: {  	s3 =	sld [smem:$0x3FFE];
	_ =	sdelay $0x1  }
0x8a: {  	s1 =	srdreg.scid  }
0x8b: {  	s0 =	sand.u32 $0x1, s1  }
0x8c: {  	s15 =	sshll.u32 s0, $0xA;
	s2 =	sadd.s32 s3, s2  }
0x8d: {  	s2 =	sadd.s32 s2, s15  }
0x8e: {  	[smem:$0x3FB7] =	sst s2  }
0x8f: {  	_ = 	snop  }
0x90: {  	s2 =	sld [smem:$0x3FD0];
	_ =	sdelay $0x2  }
0x91: {  	s16 =	simm.s32 $0xB;
	s4 =	simm.s32 $0x10  }
0x92: {  	[smem:s4], [sflag:s16] =	dma.local [hbm:s2], $0x1  }
0x93: {  	_ =	swait.eq [sflag:s16], $0x1  }
0x94: {  	[sflag:s16] =	ssyncset.done $0x0  }
0x95: {  	[sflag:s16] =	ssyncadd.s32 $0xFFFFFFFF  }
0x96: {  	s17 =	sld [smem:$0x11];
	(tm) =	ssettm $0x1  }
0x97: {  	s18 =	sld [smem:$0x3FFB];
	_ =	sdelay $0x3  }
0x98: {  	_ =	strace s18  }
0x99: {  	s2 =	sld [smem:$0x3FFC];
	_ =	sdelay $0x3  }
0x9a: {  	_ =	strace s2  }
0x9b: {  	s2 =	sld [smem:$0x3FFD];
	_ =	sdelay $0x3  }
0x9c: {  	_ =	strace s2  }
0x9d: {  	_ =	strace $0x8FFFFFFF  }
0x9e: {  	s19 =	sld [smem:$0x3FDB];
	_ =	sdelay $0x1  }
0x9f: {  	s20 =	simm.s32 $_scs_section_size  }
0xa0: {  	s5 =	simm.s32 $_size__tile_overlayer_lowered;
	s6 =	simm.s32 $_tile_overlayer_lowered  }
0xa1: {  	s7 =	simm.s32 $0x1BFF;
	s21 =	sshll.u32 s6, $0x1;
	s4 =	sadd.s32 s20, s19  }
0xa2: {  	s22 =	simm.s32 $0x0;
	s5 =	sshll.u32 s5, $0x1;
	s6 =	sadd.s32 s21, s4  }
0xa3: {  	[timem:s22], [sflag:s7] =	dma.local [hbm:s6], s5  }
0xa4: {  	_ =	swait.ge [sflag:s7], s5  }
0xa5: {  	s5 =	ssub.s32 $0x0, s5;
	[sflag:s7] =	ssyncset.done $0x0  }
0xa6: {  	[sflag:s7] =	ssyncadd.s32 s5;
	_ =	sdelay $0x1  }
0xa7: {  	s23 =	simm.s32 $0x1B8B  }
0xa8: {  	_ =	swait.ge [sflag:s23], $0x1  }
0xa9: {  	[sflag:s23] =	ssyncset.done $0x0  }
0xaa: {  	[sflag:s23] =	ssyncadd.s32 $0xFFFFFFFF  }
0xab: {  	s5 =	sld [smem:$0x0]  }
0xac: {  	s6 =	sand.u32 $0xFFFFFFFE, s1  }
0xad: {  	p0 =	sne.s32 s1, s6  }
0xae: {  	s6 =	sshll.u32 @p0 s6, $0xE  }
0xaf: {  	s6 =	sadd.s32 @p0 $0x11B8D, s6;
	s7 =	sshll.u32 @p0 s5, $0x11  }
0xb0: {  	s6 =	sor.u32 @p0 s7, s6  }
0xb1: {  	[sflag:s6] =	ssyncadd.remote.s32 @p0 $0x1;
	_ =	sdelay $0x1  }
0xb2: {  	s6 =	simm.s32 @p0 $0x1B8D  }
0xb3: {  	_ =	swait.eq @p0 [sflag:s6], $0x1  }
0xb4: {  	[sflag:s6] =	ssyncadd.s32 @p0 $0xFFFFFFFF  }
0xb5: {  	s7 =	sshll.u32 @!p0 s1, $0xE  }
0xb6: {  	s7 =	sor.u32 @!p0 $0x4000, s7;
	s6 =	simm.s32 @!p0 $0x1B8D  }
0xb7: {  	s5 =	sshll.u32 @!p0 s5, $0x11;
	s7 =	sadd.s32 @!p0 $0x11B8D, s7;
	_ =	swait.eq @!p0 [sflag:s6], $0x1  }
0xb8: {  	s5 =	sor.u32 @!p0 s5, s7;
	[sflag:s6] =	ssyncadd.s32 @!p0 $0xFFFFFFFF  }
0xb9: {  	s25 =	simm.s32 $0x1B8E;
	s24 =	sld [smem:$0x3FFE];
	[sflag:s5] =	ssyncadd.remote.s32 @!p0 $0x1  }
0xba: {  	s26 =	simm.s32 $execute0_lowered;
	[smem:$0x3FD2] =	sst s25  }
0xbb: {  	s6 =	sshll.u32 s26, $0x1;
	_ =	strace $0x8000004F;
	[dreg:$0x1] =	wrdreg $0xFFFFFFFF  }
0xbc: {  	s28 =	simm.s32 $_size_execute0_lowered;
	s4 =	sadd.s32 s4, s6;
	[dreg:$0x0] =	wrdreg $0x0  }
0xbd: {  	s6 =	sshll.u32 s28, $0x1;
	[dreg:$0x2] =	wrdreg s4  }
0xbe: {  	[dreg:$0x3] =	wrdreg s6  }
0xbf: {  	[dreg:$0x4] =	wrdreg $0xC0  }
0xc0: {  	_ =	task [dreg:s22], $0x5FFFF  }
0xc1: {  	[dreg:$0x1] =	wrdreg $0xFFFFFFFF  }
0xc2: {  	[dreg:$0x0] =	wrdreg $0x60  }
0xc3: {  	[dreg:$0x2] =	wrdreg s24  }
0xc4: {  	[dreg:$0x3] =	wrdreg s17  }
0xc5: {  	[dreg:$0x4] =	wrdreg $0xBA800  }
0xc6: {  	[dreg:$0x5] =	wrdreg $0x9  }
0xc7: {  	_ =	task.clear_ibuf [dreg:s22], $0x6FFFF;
	_ =	strace $0x9000004F  }
0xc8: {  	s29 =	simm.s32 $0x9;
	_ =	strace $0x80000051  }
0xc9: {  	_ =	swait.ge [sflag:s29], $0x1  }
0xca: {  	[sflag:s29] =	ssyncadd.s32 $0xFFFFFFFF  }
0xcb: {  	_ =	strace $0x90000051  }
0xcc: {  	_ =	sfence  }
0xcd: {  	s30 =	sld [smem:$0x0];
	_ =	sdelay $0x2  }
0xce: {  	s31 =	sshll.u32 s1, $0xD;
	s1 =	sshrl.u32 s1, $0x2  }
0xcf: {  	s4 =	sand.u32 $0x4000, s31;
	s1 =	sadd.s32 s1, s30  }
0xd0: {  	s0 =	sor.u32 s4, s0;
	s1 =	sshll.u32 s1, $0x11  }
0xd1: {  	s0 =	sor.u32 s1, s0  }
0xd2: {  	s0 =	sadd.s32 $0x8F2B, s0  }
0xd3: {  	[sflag:s0] =	ssyncadd.remote.s32 $0x1  }
0xd4: {  	_ =	sfence.sel $0xFFFF  }
0xd5: {  	[dreg:$0x0] =	wrdreg $0xFFFFFFFF;
	(pc) =	sbr.abs _section_cstart, $3  }
0xd6: {  	[dreg:$0x1] =	wrdreg $0xFFFFFFFF  }
0xd7: {  	_ =	task.clear_ibuf [dreg:s22], $0x2FFFF;
	_ =	strace $0x9FFFFFFF  }
0xd8: {  	(tm) =	ssettm $0x7FFFFFFF  }
0xd9: {  	_ =	shalt  }
tec
execute0_lowered:
.L_overlay_start_1:
0x0: {  	(tag) =	ssettag $0x1  }
0x1: {  	s0 =	rddreg [dreg:$0x0]  }
0x2: {  	s2 =	rddreg [dreg:$0x2];
	s4 =	simm.s32 $0x0;
	s1 =	stileid.u32  }
0x3: {  	s18 =	srdreg.scid;
	s28 =	simm.s32 $0x400;
	s29 =	simm.s32 $0x0  }
0x4: {  	[smem:$0x7FF] =	sst s4;
	s16 =	sshll.u32 s1, $0xC;
	s5 =	sadd.s32 $0x581800, s0  }
0x5: {  	s6 =	sadd.s32 $0xA75000, s0;
	s8 =	sshll.u32 s1, $0x5;
	s7 =	sadd.s32 $0xA79E00, s0  }
0x6: {  	s9 =	smul.u32 $0x14000, s1;
	s14 =	sand.u32 $0x1, s18;
	s17 =	sshll.u32 s1, $0x1  }
0x7: {  	s11 =	sshrl.u32 s1, $0x2;
	s20 =	smul.u32 $0x50000, s1;
	s24 =	sshll.u32 s1, $0x6  }
0x8: {  	_ =	strace $0x80000050;
	s13 =	sadd.s32 s16, s0;
	[dreg:$0x4] =	wrdreg s5  }
0x9: {  	s5 =	sadd.s32 $0xA70200, s0;
	s15 =	sadd.s32 s8, s0;
	s8 =	smul.u32 $0x140000, s14  }
0xa: {  	s10 =	sor.u32 s14, s17;
	s11 =	smul.u32 $0x3C000, s11;
	s22 =	ssub.s32 $0x2, s14  }
0xb: {  	s25 =	sshll.u32 s14, $0xB;
	s30 =	sshll.u32 s14, $0x4;
	s17 =	sshrl.u32 s17, $0x2  }
0xc: {  	s12 =	sshrl.u32 s9, $0x3;
	s18 =	sshll.u32 s10, $0x7;
	s23 =	sshrl.u32 s22, $0x1  }
0xd: {  	s26 =	sadd.s32 s25, s13;
	s31 =	sadd.s32 s30, s15;
	s16 =	sor.u32 s25, s16  }
0xe: {  	s25 =	simm.s32 $0x4180;
	s12 =	sadd.s32 s12, s0;
	s19 =	sand.u32 $0x380, s18  }
0xf: {  	s8 =	sadd.s32 s9, s8;
	s14 =	sadd.s32 $0x2F9800, s26;
	s15 =	sadd.s32 $0x586600, s31  }
0x10: {  	s26 =	simm.s32 $0x4200;
	s8 =	sshrl.u32 s8, $0x3;
	s9 =	sor.u32 s11, s19  }
0x11: {  	s11 =	sshrl.u32 s20, $0x2;
	s20 =	ssub.s32 s22, s23;
	s22 =	sand.u32 $0x3, s10  }
0x12: {  	s10 =	sand.u32 $0x180, s18;
	s23 =	simm.s32 $0x4080;
	s19 =	sadd.s32 s8, s0  }
0x13: {  	s21 =	sshrl.u32 s9, $0x3;
	s8 =	sadd.s32 $0xA7F000, s12;
	s9 =	sor.u32 $0x1C02, s24  }
0x14: {  	s13 =	smax.u32 s20, $0x1;
	s20 =	simm.s32 $0x4280;
	p0 =	sne.s32 s22, $0x0  }
0x15: {  	s22 =	simm.s32 $0x80;
	s24 =	simm.s32 $0x4100;
	s0 =	sadd.s32 s21, s0  }
0x16: {  	s21 =	sadd.s32 s11, s2;
	s11 =	sadd.s32 $0xB33000, s19;
	s19 =	simm.s32 $0x2  }
0x17: {  	s12 =	sadd.s32 $0xB15000, s0;
	s18 =	sshrl.u32 s21, $0x3;
	s21 =	simm.s32 $0x1  }
.LBB2_1:
0x18: {  	[spmem:s18], [sflag:s9] =	dma.local [hbm:s8], $0x2800  }
0x19: {  	_ =	swait.ge [sflag:s19], $0x2800  }
0x1a: {  	[sflag:s19] =	ssyncset.done $0x0  }
0x1b: {  	[sflag:s19] =	ssyncadd.s32 $0xFFFFD800  }
0x1c: {  	s0 =	rddreg [dreg:$0x1]  }
0x1d: {  	[tilespmem:s20], [sflag:$0x2] =	stream.linear.gather [hbm4b:s0+s4], $0x7800, $0x38;
	[tilespmem:$0x1FA80] =	vst v63  }
0x1e: {  	_ =	swait.ge [sflag:s19], $0x7800  }
0x1f: {  	[sflag:s19] =	ssyncset.done $0x0  }
0x20: {  	s30 =	smov.u32 s17;
	[sflag:s19] =	ssyncadd.s32 $0xFFFF8800  }
0x21: {  	s31 =	smov.u32 s15;
	s0 =	simm.s32 $0x0;
	[bflag:$0x0] =	sbarrier.arrive $0xFFFF  }
.LBB2_2:
0x22: {  	s3 =	sadd.s32 s0, s16  }
0x23: {  	[tilespmem:s4], [sflag:$0x1] =	stream.linear.gather [hbm4b:s31+s4], $0x80, $0x38;
	[tilespmem:$0x1FA80] =	vst v63  }
0x24: {  	p1 =	seq.s32 s3, $0x0  }
0x25: {  	s1 =	sadd.s32 s0, s14;
	p1 =	por !p0, !p1  }
0x26: {  	[tilespmem:s22], [sflag:$0x1] =	stream.linear.gather [hbm4b:s1+s4], $0x4000, $0x38;
	[tilespmem:$0x1FA80] =	vst v63  }
0x27: {  	s3 =	simm.s32 $0x1;
	p1 =	por !p1, !p1  }
0x28: {  	s3 =	simm.s32 @!p1 $0x0  }
0x29: {  	s3 =	ssub.s32 s30, s3  }
0x2a: {  	s1 =	sshll.u32 s3, $0x9  }
0x2b: {  	s1 =	sor.u32 s10, s1  }
0x2c: {  	s3 =	rddreg [dreg:$0x4];
	s1 =	sshrl.u32 s1, $0x3  }
0x2d: {  	s3 =	sadd.s32 s3, s1  }
0x2e: {  	[tilespmem:s23], [sflag:$0x1] =	stream.linear.gather [hbm4b:s3+s4], $0x80, $0x38;
	[tilespmem:$0x1FA80] =	vst v63  }
0x2f: {  	s3 =	sadd.s32 s5, s1  }
0x30: {  	[tilespmem:s24], [sflag:$0x1] =	stream.linear.gather [hbm4b:s3+s4], $0x80, $0x38;
	[tilespmem:$0x1FA80] =	vst v63  }
0x31: {  	s3 =	sadd.s32 s6, s1  }
0x32: {  	[tilespmem:s25], [sflag:$0x1] =	stream.linear.gather [hbm4b:s3+s4], $0x80, $0x38;
	[tilespmem:$0x1FA80] =	vst v63  }
0x33: {  	s1 =	sadd.s32 s7, s1  }
0x34: {  	[tilespmem:s26], [sflag:$0x1] =	stream.linear.gather [hbm4b:s1+s4], $0x80, $0x38;
	[tilespmem:$0x1FA80] =	vst v63  }
0x35: {  	_ =	swait.ge [sflag:s21], $0x80  }
0x36: {  	[sflag:s21] =	ssyncset.done $0x0  }
0x37: {  	[sflag:s21] =	ssyncadd.s32 $0xFFFFFF80  }
0x38: {  	_ =	swait.ge [sflag:s21], $0x4000  }
0x39: {  	[sflag:s21] =	ssyncset.done $0x0  }
0x3a: {  	[sflag:s21] =	ssyncadd.s32 $0xFFFFC000  }
0x3b: {  	_ =	swait.ge [sflag:s21], $0x80  }
0x3c: {  	[sflag:s21] =	ssyncset.done $0x0  }
0x3d: {  	[sflag:s21] =	ssyncadd.s32 $0xFFFFFF80  }
0x3e: {  	_ =	swait.ge [sflag:s21], $0x80  }
0x3f: {  	[sflag:s21] =	ssyncset.done $0x0  }
0x40: {  	[sflag:s21] =	ssyncadd.s32 $0xFFFFFF80  }
0x41: {  	_ =	swait.ge [sflag:s21], $0x80  }
0x42: {  	[sflag:s21] =	ssyncset.done $0x0  }
0x43: {  	[sflag:s21] =	ssyncadd.s32 $0xFFFFFF80  }
0x44: {  	_ =	swait.ge [sflag:s21], $0x80  }
0x45: {  	[sflag:s21] =	ssyncset.done $0x0  }
0x46: {  	[sflag:s21] =	ssyncadd.s32 $0xFFFFFF80  }
0x47: {  	[spmem:s2] =	stream.indirect.scatter.add.f32 [tilespmem:s22], [sflag:$0x2], $0x80, s4, s22, $0xb8;
	[tilespmem:$0x1FA80] =	vst v63  }
0x48: {  	_ =	swait.ge [sflag:s19], $0x4000  }
0x49: {  	[sflag:s19] =	ssyncset.done $0x0  }
0x4a: {  	[sflag:s19] =	ssyncadd.s32 $0xFFFFC000  }
0x4b: {  	v0 =	vld [tilespmem:$0x0];
	_ =	sdelay $0x2  }
0x4c: {  	v1 =	vld [tilespmem:$0x4080]  }
0x4d: {  	v2 =	vld [tilespmem:$0x4100]  }
0x4e: {  	v0 =	vmul.u32 $0x3, v0;
	_ =	sdelay $0x3  }
0x4f: {  	v2 =	vmul.f32 v2, v1;
	_ =	sdelay $0x1  }
0x50: {  	[tilespmem:v0+s20+$0x0] =	vst.idx.add.f32.msk $0xffff, v2  }
0x51: {  	v2 =	vld [tilespmem:$0x4180];
	_ =	sdelay $0x1  }
0x52: {  	v3 =	vadd.s32 $0x1, v0;
	_ =	sdelay $0x2  }
0x53: {  	v2 =	vmul.f32 v2, v1;
	_ =	sdelay $0x1  }
0x54: {  	[tilespmem:v3+s20+$0x0] =	vst.idx.add.f32.msk $0xffff, v2  }
0x55: {  	v2 =	vld [tilespmem:$0x4200];
	_ =	sdelay $0x1  }
0x56: {  	v0 =	vadd.s32 $0x2, v0;
	_ =	sdelay $0x2  }
0x57: {  	v1 =	vmul.f32 v2, v1;
	_ =	sdelay $0x1  }
0x58: {  	[tilespmem:v0+s20+$0x0] =	vst.idx.add.f32.msk $0xffff, v1  }
0x59: {  	v0 =	vld [tilespmem:$0x10];
	_ =	sdelay $0x2  }
0x5a: {  	v1 =	vld [tilespmem:$0x4090]  }
0x5b: {  	v50 =	vld [tilespmem:$0x4110]  }
0x5c: {  	v0 =	vmul.u32 $0x3, v0;
	_ =	sdelay $0x3  }
0x5d: {  	v2 =	vmul.f32 v50, v1;
	_ =	sdelay $0x1  }
0x5e: {  	[tilespmem:v0+s20+$0x0] =	vst.idx.add.f32.msk $0xffff, v2  }
0x5f: {  	v2 =	vld [tilespmem:$0x4190];
	_ =	sdelay $0x1  }
0x60: {  	v51 =	vadd.s32 $0x1, v0;
	_ =	sdelay $0x2  }
0x61: {  	v2 =	vmul.f32 v2, v1;
	_ =	sdelay $0x1  }
0x62: {  	[tilespmem:v51+s20+$0x0] =	vst.idx.add.f32.msk $0xffff, v2  }
0x63: {  	v2 =	vld [tilespmem:$0x4210];
	_ =	sdelay $0x1  }
0x64: {  	v0 =	vadd.s32 $0x2, v0;
	_ =	sdelay $0x2  }
0x65: {  	v1 =	vmul.f32 v2, v1;
	_ =	sdelay $0x1  }
0x66: {  	[tilespmem:v0+s20+$0x0] =	vst.idx.add.f32.msk $0xffff, v1  }
0x67: {  	v0 =	vld [tilespmem:$0x20];
	_ =	sdelay $0x2  }
0x68: {  	v1 =	vld [tilespmem:$0x40A0]  }
0x69: {  	v52 =	vld [tilespmem:$0x4120]  }
0x6a: {  	v0 =	vmul.u32 $0x3, v0;
	_ =	sdelay $0x3  }
0x6b: {  	v2 =	vmul.f32 v52, v1;
	_ =	sdelay $0x1  }
0x6c: {  	[tilespmem:v0+s20+$0x0] =	vst.idx.add.f32.msk $0xffff, v2  }
0x6d: {  	v2 =	vld [tilespmem:$0x41A0];
	_ =	sdelay $0x1  }
0x6e: {  	v53 =	vadd.s32 $0x1, v0;
	_ =	sdelay $0x2  }
0x6f: {  	v2 =	vmul.f32 v2, v1;
	_ =	sdelay $0x1  }
0x70: {  	[tilespmem:v53+s20+$0x0] =	vst.idx.add.f32.msk $0xffff, v2  }
0x71: {  	v2 =	vld [tilespmem:$0x4220];
	_ =	sdelay $0x1  }
0x72: {  	v0 =	vadd.s32 $0x2, v0;
	_ =	sdelay $0x2  }
0x73: {  	v1 =	vmul.f32 v2, v1;
	_ =	sdelay $0x1  }
0x74: {  	[tilespmem:v0+s20+$0x0] =	vst.idx.add.f32.msk $0xffff, v1  }
0x75: {  	v0 =	vld [tilespmem:$0x30];
	_ =	sdelay $0x2  }
0x76: {  	v1 =	vld [tilespmem:$0x40B0]  }
0x77: {  	v54 =	vld [tilespmem:$0x4130]  }
0x78: {  	v0 =	vmul.u32 $0x3, v0;
	_ =	sdelay $0x3  }
0x79: {  	v2 =	vmul.f32 v54, v1;
	_ =	sdelay $0x1  }
0x7a: {  	[tilespmem:v0+s20+$0x0] =	vst.idx.add.f32.msk $0xffff, v2  }
0x7b: {  	v2 =	vld [tilespmem:$0x41B0];
	_ =	sdelay $0x1  }
0x7c: {  	v55 =	vadd.s32 $0x1, v0;
	_ =	sdelay $0x2  }
0x7d: {  	v2 =	vmul.f32 v2, v1;
	_ =	sdelay $0x1  }
0x7e: {  	[tilespmem:v55+s20+$0x0] =	vst.idx.add.f32.msk $0xffff, v2  }
0x7f: {  	v2 =	vld [tilespmem:$0x4230];
	_ =	sdelay $0x1  }
0x80: {  	v0 =	vadd.s32 $0x2, v0;
	_ =	sdelay $0x2  }
0x81: {  	v1 =	vmul.f32 v2, v1;
	_ =	sdelay $0x1  }
0x82: {  	[tilespmem:v0+s20+$0x0] =	vst.idx.add.f32.msk $0xffff, v1  }
0x83: {  	v0 =	vld [tilespmem:$0x40];
	_ =	sdelay $0x2  }
0x84: {  	v1 =	vld [tilespmem:$0x40C0]  }
0x85: {  	v56 =	vld [tilespmem:$0x4140]  }
0x86: {  	v0 =	vmul.u32 $0x3, v0;
	_ =	sdelay $0x3  }
0x87: {  	v2 =	vmul.f32 v56, v1;
	_ =	sdelay $0x1  }
0x88: {  	[tilespmem:v0+s20+$0x0] =	vst.idx.add.f32.msk $0xffff, v2  }
0x89: {  	v2 =	vld [tilespmem:$0x41C0];
	_ =	sdelay $0x1  }
0x8a: {  	v57 =	vadd.s32 $0x1, v0;
	_ =	sdelay $0x2  }
0x8b: {  	v2 =	vmul.f32 v2, v1;
	_ =	sdelay $0x1  }
0x8c: {  	[tilespmem:v57+s20+$0x0] =	vst.idx.add.f32.msk $0xffff, v2  }
0x8d: {  	v2 =	vld [tilespmem:$0x4240];
	_ =	sdelay $0x1  }
0x8e: {  	v0 =	vadd.s32 $0x2, v0;
	_ =	sdelay $0x2  }
0x8f: {  	v1 =	vmul.f32 v2, v1;
	_ =	sdelay $0x1  }
0x90: {  	[tilespmem:v0+s20+$0x0] =	vst.idx.add.f32.msk $0xffff, v1  }
0x91: {  	v0 =	vld [tilespmem:$0x50];
	_ =	sdelay $0x2  }
0x92: {  	v1 =	vld [tilespmem:$0x40D0]  }
0x93: {  	v58 =	vld [tilespmem:$0x4150]  }
0x94: {  	v0 =	vmul.u32 $0x3, v0;
	_ =	sdelay $0x3  }
0x95: {  	v2 =	vmul.f32 v58, v1;
	_ =	sdelay $0x1  }
0x96: {  	[tilespmem:v0+s20+$0x0] =	vst.idx.add.f32.msk $0xffff, v2  }
0x97: {  	v2 =	vld [tilespmem:$0x41D0];
	_ =	sdelay $0x1  }
0x98: {  	v59 =	vadd.s32 $0x1, v0;
	_ =	sdelay $0x2  }
0x99: {  	v2 =	vmul.f32 v2, v1;
	_ =	sdelay $0x1  }
0x9a: {  	[tilespmem:v59+s20+$0x0] =	vst.idx.add.f32.msk $0xffff, v2  }
0x9b: {  	v2 =	vld [tilespmem:$0x4250];
	_ =	sdelay $0x1  }
0x9c: {  	v0 =	vadd.s32 $0x2, v0;
	_ =	sdelay $0x2  }
0x9d: {  	v1 =	vmul.f32 v2, v1;
	_ =	sdelay $0x1  }
0x9e: {  	[tilespmem:v0+s20+$0x0] =	vst.idx.add.f32.msk $0xffff, v1  }
0x9f: {  	v0 =	vld [tilespmem:$0x60];
	_ =	sdelay $0x2  }
0xa0: {  	v1 =	vld [tilespmem:$0x40E0]  }
0xa1: {  	v60 =	vld [tilespmem:$0x4160]  }
0xa2: {  	v0 =	vmul.u32 $0x3, v0;
	_ =	sdelay $0x3  }
0xa3: {  	v2 =	vmul.f32 v60, v1;
	_ =	sdelay $0x1  }
0xa4: {  	[tilespmem:v0+s20+$0x0] =	vst.idx.add.f32.msk $0xffff, v2  }
0xa5: {  	v2 =	vld [tilespmem:$0x41E0];
	_ =	sdelay $0x1  }
0xa6: {  	v61 =	vadd.s32 $0x1, v0;
	_ =	sdelay $0x2  }
0xa7: {  	v2 =	vmul.f32 v2, v1;
	_ =	sdelay $0x1  }
0xa8: {  	[tilespmem:v61+s20+$0x0] =	vst.idx.add.f32.msk $0xffff, v2  }
0xa9: {  	v2 =	vld [tilespmem:$0x4260];
	_ =	sdelay $0x1  }
0xaa: {  	v0 =	vadd.s32 $0x2, v0;
	_ =	sdelay $0x2  }
0xab: {  	v1 =	vmul.f32 v2, v1;
	_ =	sdelay $0x1  }
0xac: {  	[tilespmem:v0+s20+$0x0] =	vst.idx.add.f32.msk $0xffff, v1  }
0xad: {  	v0 =	vld [tilespmem:$0x70];
	_ =	sdelay $0x2  }
0xae: {  	v1 =	vld [tilespmem:$0x40F0]  }
0xaf: {  	v62 =	vld [tilespmem:$0x4170]  }
0xb0: {  	v0 =	vmul.u32 $0x3, v0;
	_ =	sdelay $0x3  }
0xb1: {  	v2 =	vmul.f32 v62, v1;
	_ =	sdelay $0x1  }
0xb2: {  	[tilespmem:v0+s20+$0x0] =	vst.idx.add.f32.msk $0xffff, v2  }
0xb3: {  	v2 =	vld [tilespmem:$0x41F0];
	_ =	sdelay $0x1  }
0xb4: {  	v63 =	vadd.s32 $0x1, v0;
	_ =	sdelay $0x2  }
0xb5: {  	v2 =	vmul.f32 v2, v1;
	_ =	sdelay $0x1  }
0xb6: {  	[tilespmem:v63+s20+$0x0] =	vst.idx.add.f32.msk $0xffff, v2  }
0xb7: {  	v2 =	vld [tilespmem:$0x4270];
	_ =	sdelay $0x1  }
0xb8: {  	p1 =	sne.s32 s0, $0x260000;
	v0 =	vadd.s32 $0x2, v0  }
.Ltmp0:
0xb9: {  	_ = 	snop;
	(pc) =	sbr.rel @p1 .LBB2_2-.Ltmp0, $3  }
0xba: {  	_ = 	snop  }
0xbb: {  	v1 =	vmul.f32 v2, v1;
	_ =	sdelay $0x1  }
0xbc: {  	s31 =	sadd.s32 $0x200, s31;
	s0 =	sadd.s32 $0x10000, s0;
	s30 =	sadd.s32 $0x8, s30;
	[tilespmem:v0+s20+$0x0] =	vst.idx.add.f32.msk $0xffff, v1  }
0xbd: {  	[bflag:$0x0] =	sbarrier.arrive $0xFFFF  }
0xbe: {  	[hbm:s11], [sflag:s9] =	dma.local [spmem:s18], $0x2800  }
0xbf: {  	s29 =	sadd.s32 $0x1, s29;
	_ =	swait.ge [sflag:s19], $0x2800  }
0xc0: {  	p1 =	sne.s32 s29, s13;
	[sflag:s19] =	ssyncset.done $0x0  }
.Ltmp1:
0xc1: {  	[sflag:s19] =	ssyncadd.s32 $0xFFFFD800;
	(pc) =	sbr.rel @p1 .LBB2_1-.Ltmp1, $4  }
0xc2: {  	[hbm4b:s12+s22] =	stream.strided.scatter [tilespmem:s20], [sflag:$0x2], $0x7800, s28, s22, $0x38;
	[tilespmem:$0x1FA80] =	vst v63  }
0xc3: {  	_ =	swait.ge [sflag:s19], $0x7800  }
0xc4: {  	[sflag:s19] =	ssyncset.done $0x0  }
0xc5: {  	[sflag:s19] =	ssyncadd.s32 $0xFFFF8800  }
0xc6: {  	_ =	sfence.sel $0x180000  }
0xc7: {  	[bflag:$0x0] =	sbarrier.arrive $0xFFFF  }
0xc8: {  	_ =	strace $0x90000050  }
0xc9: {  	s0 =	stileid.u32;
	[bflag:$0x2] =	sbarrier.arrive $0xFFFF  }
0xca: {  	p0 =	sne.s32 s0, $0x0;
	s0 =	rddreg [dreg:$0x3]  }
0xcb: {  	s0 =	sadd.s32 @!p0 $0x100000, s0  }
0xcc: {  	[sflag:s0] =	ssyncadd.tile.s32 @!p0 $0x1;
	_ =	shalt  }
.Lfunc_end2:
_tile_overlayer_lowered:
.L_overlay_start_2:
0xcd: {  	(tag) =	ssettag $0x2  }
0xce: {  	s0 =	rddreg [dreg:$0x0];
	s2 =	stileid.u32  }
0xcf: {  	s1 =	rddreg [dreg:$0x1];
	p0 =	sne.s32 s2, $0x0  }
0xd0: {  	s3 =	rddreg [dreg:$0x2];
	[bflag:$0x3] =	sbarrier.arrive $0xFFFF;
	s2 =	simm.s32 @!p0 $0x1C02  }
0xd1: {  	[timem:s3], [sflag:s2] =	dma.local @!p0 [hbm:s0], s1  }
0xd2: {  	s0 =	simm.s32 @!p0 $0x2  }
0xd3: {  	_ =	swait.ge @!p0 [sflag:s0], s1  }
0xd4: {  	s1 =	ssub.s32 @!p0 $0x0, s1;
	[sflag:s0] =	ssyncset.done @!p0 $0x0  }
0xd5: {  	[sflag:s0] =	ssyncadd.s32 @!p0 s1  }
0xd6: {  	[bflag:$0x3] =	sbarrier.arrive $0xFFFF  }
0xd7: {  	_ =	shalt  }

// kernel: kernel.19.cloned.1.call-start
scs
__scs_entry_jumppad:
0x0: {  	(pc) =	sbr.rel $0x88, $3  }
0x1: {  	(tag) =	ssettag $0x0;
	lr =	simm.s32 $0x1  }
0x2: {  	[smem:$0x3F90] =	sst lr;
	_ =	strace $0xD0000000  }
0x3: {  	_ = 	snop  }
0x4: {  	_ = 	snop  }
0x5: {  	_ = 	snop  }
0x6: {  	_ = 	snop  }
0x7: {  	_ = 	snop  }
__scs_overlays_trampoline_lowered:
0x8: {  	[smem:$0x3F9F] =	sst s0  }
0x9: {  	[smem:$0x3FA0] =	sst s1  }
0xa: {  	[smem:$0x3FA1] =	sst s2  }
0xb: {  	[smem:$0x3FA2] =	sst s3  }
0xc: {  	[smem:$0x3FA3] =	sst s4  }
0xd: {  	[smem:$0x3FA4] =	sst s5  }
0xe: {  	[smem:$0x3FA5] =	sst s6  }
0xf: {  	[smem:$0x3FA6] =	sst s7  }
0x10: {  	[smem:$0x3FA7] =	sst s8  }
0x11: {  	[smem:$0x3FA8] =	sst s9;
	s0 =	simm.s32 @!p0 $0x0  }
0x12: {  	s1 =	sld [smem:$0x3F8E];
	s0 =	simm.s32 @p0 $0x1  }
0x13: {  	[smem:$0x3FA9] =	sst s0;
	s0 =	simm.s32 @!p1 $0x0  }
0x14: {  	s2 =	sld [smem:$0x3F8D];
	s0 =	simm.s32 @p1 $0x1  }
0x15: {  	[smem:$0x3FAA] =	sst s0;
	s0 =	simm.s32 @!p2 $0x0  }
0x16: {  	s3 =	sld [smem:$0x3FDB];
	s0 =	simm.s32 @p2 $0x1  }
0x17: {  	s4 =	simm.s32 $0x1BF5;
	[smem:$0x3FAC] =	sst s0  }
0x18: {  	s0 =	sld [smem:$0x3F8F];
	_ =	swait.ge [sflag:s4], $0x0  }
0x19: {  	s7 =	sld [smem:$0x3F90]  }
0x1a: {  	s8 =	sadd.s32 $0xFFFFE003, lr  }
0x1b: {  	s9 =	sadd.s32 $0xFFFFFEF7, lr;
	s5 =	simm.s32 $0xFFFFFFFF;
	p2 =	slt.u32 s8, $0xFFFFF086  }
0x1c: {  	p1 =	slt.u32 s9, $0xF7A;
	s5 =	simm.s32 @!p2 $0x0  }
0x1d: {  	s5 =	simm.s32 @p1 $0x1;
	p0 =	seq.s32 s7, s2  }
0x1e: {  	s7 =	smul.u32 @!p0 $0xF7A, s2;
	p2 =	seq.s32 @!p0 s5, $0x0  }
0x1f: {  	s9 =	smul.u32 $0xF7A, s1;
	s8 =	simm.s32 @!p0 $0x1BF5;
	p2 =	por !p2, p0  }
0x20: {  	[sflag:s8] =	ssyncset.s32 @!p0 $0xFFFFF086;
	s6 =	sadd.s32 @!p0 s3, s7;
	s7 =	simm.s32 @!p0 $0x108  }
0x21: {  	s3 =	sadd.s32 s3, s9;
	s6 =	sadd.s32 @!p0 $0x88, s6;
	s7 =	simm.s32 @p2 $0x1082  }
0x22: {  	[simem:s7], [sflag:s8] =	dma.local @!p0 [hbm:s6], $0xF7A  }
0x23: {  	s9 =	sor.u32 $0xD0000000, s2;
	s6 =	simm.s32 $0x108;
	_ =	swait.ge @!p0 [sflag:s8], $0x0  }
0x24: {  	s3 =	sadd.s32 $0x88, s3;
	s6 =	simm.s32 @!p1 $0x1082;
	[sflag:s4] =	ssyncset.s32 $0xFFFFF086  }
0x25: {  	[simem:s6], [sflag:s4] =	dma.local [hbm:s3], $0xF7A  }
0x26: {  	[smem:$0x3F90] =	sst s1;
	(tag) =	ssettag s2;
	_ =	strace s9  }
0x27: {  	s1 =	sld [smem:$0x3FA0]  }
0x28: {  	s2 =	sld [smem:$0x3FA1]  }
0x29: {  	s4 =	sld [smem:$0x3FA3]  }
0x2a: {  	p0 =	seq.s32 s5, $0x0;
	s5 =	sld [smem:$0x3FA4]  }
0x2b: {  	s6 =	sld [smem:$0x3FA5]  }
0x2c: {  	s7 =	sld [smem:$0x3FA6]  }
0x2d: {  	s3 =	simm.s32 $0x108;
	s8 =	sld [smem:$0x3FA7]  }
0x2e: {  	s3 =	simm.s32 @!p0 $0x1082;
	s9 =	sld [smem:$0x3FA8]  }
0x2f: {  	lr =	sadd.s32 s0, s3;
	s0 =	sld [smem:$0x3F9F]  }
0x30: {  	s3 =	sld [smem:$0x3FA2]  }
0x31: {  	[smem:$0x3FAB] =	sst s10  }
0x32: {  	s10 =	sld [smem:$0x3FA9];
	_ =	sdelay $0x3  }
0x33: {  	p0 =	seq.s32 s10, $0x1;
	s10 =	sld [smem:$0x3FAB];
	_ =	sdelay $0x3  }
0x34: {  	[smem:$0x3FAB] =	sst s10  }
0x35: {  	s10 =	sld [smem:$0x3FAA];
	_ =	sdelay $0x3  }
0x36: {  	p1 =	seq.s32 s10, $0x1;
	s10 =	sld [smem:$0x3FAB];
	_ =	sdelay $0x3  }
0x37: {  	[smem:$0x3FAB] =	sst s10  }
0x38: {  	s10 =	sld [smem:$0x3FAC]  }
0x39: {  	_ = 	snop;
	(pc) =	sbr.ind lr, $3  }
0x3a: {  	_ = 	snop  }
0x3b: {  	_ = 	snop  }
0x3c: {  	p2 =	seq.s32 s10, $0x1;
	s10 =	sld [smem:$0x3FAB]  }
0x3d: {  	_ =	shalt  }
0x3e: {  	_ =	shalt  }
0x3f: {  	_ =	shalt  }
0x40: {  	_ =	shalt  }
0x41: {  	_ =	shalt  }
0x42: {  	_ =	shalt  }
0x43: {  	_ =	shalt  }
0x44: {  	_ =	shalt  }
0x45: {  	_ =	shalt  }
0x46: {  	_ =	shalt  }
0x47: {  	_ =	shalt  }
0x48: {  	_ =	shalt  }
0x49: {  	_ =	shalt  }
0x4a: {  	_ =	shalt  }
0x4b: {  	_ =	shalt  }
0x4c: {  	_ =	shalt  }
0x4d: {  	_ =	shalt  }
0x4e: {  	_ =	shalt  }
0x4f: {  	_ =	shalt  }
0x50: {  	_ =	shalt  }
0x51: {  	_ =	shalt  }
0x52: {  	_ =	shalt  }
0x53: {  	_ =	shalt  }
0x54: {  	_ =	shalt  }
0x55: {  	_ =	shalt  }
0x56: {  	_ =	shalt  }
0x57: {  	_ =	shalt  }
0x58: {  	_ =	shalt  }
0x59: {  	_ =	shalt  }
0x5a: {  	_ =	shalt  }
0x5b: {  	_ =	shalt  }
0x5c: {  	_ =	shalt  }
0x5d: {  	_ =	shalt  }
0x5e: {  	_ =	shalt  }
0x5f: {  	_ =	shalt  }
0x60: {  	_ =	shalt  }
0x61: {  	_ =	shalt  }
0x62: {  	_ =	shalt  }
0x63: {  	_ =	shalt  }
0x64: {  	_ =	shalt  }
0x65: {  	_ =	shalt  }
0x66: {  	_ =	shalt  }
0x67: {  	_ =	shalt  }
0x68: {  	_ =	shalt  }
0x69: {  	_ =	shalt  }
0x6a: {  	_ =	shalt  }
0x6b: {  	_ =	shalt  }
0x6c: {  	_ =	shalt  }
0x6d: {  	_ =	shalt  }
0x6e: {  	_ =	shalt  }
0x6f: {  	_ =	shalt  }
0x70: {  	_ =	shalt  }
0x71: {  	_ =	shalt  }
0x72: {  	_ =	shalt  }
0x73: {  	_ =	shalt  }
0x74: {  	_ =	shalt  }
0x75: {  	_ =	shalt  }
0x76: {  	_ =	shalt  }
0x77: {  	_ =	shalt  }
0x78: {  	_ =	shalt  }
0x79: {  	_ =	shalt  }
0x7a: {  	_ =	shalt  }
0x7b: {  	_ =	shalt  }
0x7c: {  	_ =	shalt  }
0x7d: {  	_ =	shalt  }
0x7e: {  	_ =	shalt  }
0x7f: {  	_ =	shalt  }
0x80: {  	_ =	shalt  }
0x81: {  	_ =	shalt  }
0x82: {  	_ =	shalt  }
0x83: {  	_ =	shalt  }
0x84: {  	_ =	shalt  }
0x85: {  	_ =	shalt  }
0x86: {  	_ =	shalt  }
0x87: {  	_ =	shalt  }
.Lfunc_end0:
.L_simem_size_0:
called_computation.3_lowered:
.L_overlay_start_0:
0x88: {  	s2 =	sld [smem:$0x3FD9]  }
0x89: {  	s3 =	sld [smem:$0x3FFE];
	_ =	sdelay $0x1  }
0x8a: {  	s1 =	srdreg.scid  }
0x8b: {  	s0 =	sand.u32 $0x1, s1  }
0x8c: {  	s15 =	sshll.u32 s0, $0xA;
	s2 =	sadd.s32 s3, s2  }
0x8d: {  	s2 =	sadd.s32 s2, s15  }
0x8e: {  	[smem:$0x3FB7] =	sst s2  }
0x8f: {  	_ = 	snop  }
0x90: {  	s2 =	sld [smem:$0x3FD0];
	_ =	sdelay $0x2  }
0x91: {  	s16 =	simm.s32 $0xB;
	s4 =	simm.s32 $0x10  }
0x92: {  	[smem:s4], [sflag:s16] =	dma.local [hbm:s2], $0x1  }
0x93: {  	_ =	swait.eq [sflag:s16], $0x1  }
0x94: {  	[sflag:s16] =	ssyncset.done $0x0  }
0x95: {  	[sflag:s16] =	ssyncadd.s32 $0xFFFFFFFF  }
0x96: {  	s17 =	sld [smem:$0x11];
	(tm) =	ssettm $0x1  }
0x97: {  	s18 =	sld [smem:$0x3FFB];
	_ =	sdelay $0x3  }
0x98: {  	_ =	strace s18  }
0x99: {  	s2 =	sld [smem:$0x3FFC];
	_ =	sdelay $0x3  }
0x9a: {  	_ =	strace s2  }
0x9b: {  	s2 =	sld [smem:$0x3FFD];
	_ =	sdelay $0x3  }
0x9c: {  	_ =	strace s2  }
0x9d: {  	_ =	strace $0x8FFFFFFF  }
0x9e: {  	s19 =	sld [smem:$0x3FDB];
	_ =	sdelay $0x1  }
0x9f: {  	s20 =	simm.s32 $_scs_section_size  }
0xa0: {  	s5 =	simm.s32 $_size__tile_overlayer_lowered;
	s6 =	simm.s32 $_tile_overlayer_lowered  }
0xa1: {  	s7 =	simm.s32 $0x1BFF;
	s21 =	sshll.u32 s6, $0x1;
	s4 =	sadd.s32 s20, s19  }
0xa2: {  	s22 =	simm.s32 $0x0;
	s5 =	sshll.u32 s5, $0x1;
	s6 =	sadd.s32 s21, s4  }
0xa3: {  	[timem:s22], [sflag:s7] =	dma.local [hbm:s6], s5  }
0xa4: {  	_ =	swait.ge [sflag:s7], s5  }
0xa5: {  	s5 =	ssub.s32 $0x0, s5;
	[sflag:s7] =	ssyncset.done $0x0  }
0xa6: {  	[sflag:s7] =	ssyncadd.s32 s5;
	_ =	sdelay $0x1  }
0xa7: {  	s23 =	simm.s32 $0x1B8B  }
0xa8: {  	_ =	swait.ge [sflag:s23], $0x1  }
0xa9: {  	[sflag:s23] =	ssyncset.done $0x0  }
0xaa: {  	[sflag:s23] =	ssyncadd.s32 $0xFFFFFFFF  }
0xab: {  	s5 =	sld [smem:$0x0]  }
0xac: {  	s6 =	sand.u32 $0xFFFFFFFE, s1  }
0xad: {  	p0 =	sne.s32 s1, s6  }
0xae: {  	s6 =	sshll.u32 @p0 s6, $0xE  }
0xaf: {  	s6 =	sadd.s32 @p0 $0x11B8D, s6;
	s7 =	sshll.u32 @p0 s5, $0x11  }
0xb0: {  	s6 =	sor.u32 @p0 s7, s6  }
0xb1: {  	[sflag:s6] =	ssyncadd.remote.s32 @p0 $0x1;
	_ =	sdelay $0x1  }
0xb2: {  	s6 =	simm.s32 @p0 $0x1B8D  }
0xb3: {  	_ =	swait.eq @p0 [sflag:s6], $0x1  }
0xb4: {  	[sflag:s6] =	ssyncadd.s32 @p0 $0xFFFFFFFF  }
0xb5: {  	s7 =	sshll.u32 @!p0 s1, $0xE  }
0xb6: {  	s7 =	sor.u32 @!p0 $0x4000, s7;
	s6 =	simm.s32 @!p0 $0x1B8D  }
0xb7: {  	s5 =	sshll.u32 @!p0 s5, $0x11;
	s7 =	sadd.s32 @!p0 $0x11B8D, s7;
	_ =	swait.eq @!p0 [sflag:s6], $0x1  }
0xb8: {  	s5 =	sor.u32 @!p0 s5, s7;
	[sflag:s6] =	ssyncadd.s32 @!p0 $0xFFFFFFFF  }
0xb9: {  	s25 =	simm.s32 $0x1B8E;
	s24 =	sld [smem:$0x3FFE];
	[sflag:s5] =	ssyncadd.remote.s32 @!p0 $0x1  }
0xba: {  	s26 =	simm.s32 $execute0_lowered;
	[smem:$0x3FD2] =	sst s25  }
0xbb: {  	s6 =	sshll.u32 s26, $0x1;
	_ =	strace $0x8000004C;
	[dreg:$0x1] =	wrdreg $0xFFFFFFFF  }
0xbc: {  	s28 =	simm.s32 $_size_execute0_lowered;
	s4 =	sadd.s32 s4, s6;
	[dreg:$0x0] =	wrdreg $0x0  }
0xbd: {  	s6 =	sshll.u32 s28, $0x1;
	[dreg:$0x2] =	wrdreg s4  }
0xbe: {  	[dreg:$0x3] =	wrdreg s6  }
0xbf: {  	[dreg:$0x4] =	wrdreg $0xC0  }
0xc0: {  	_ =	task [dreg:s22], $0x5FFFF  }
0xc1: {  	[dreg:$0x1] =	wrdreg $0xFFFFFFFF  }
0xc2: {  	[dreg:$0x0] =	wrdreg $0x60  }
0xc3: {  	[dreg:$0x2] =	wrdreg s24  }
0xc4: {  	[dreg:$0x3] =	wrdreg s17  }
0xc5: {  	[dreg:$0x4] =	wrdreg $0xBA800  }
0xc6: {  	[dreg:$0x5] =	wrdreg $0xA  }
0xc7: {  	_ =	task.clear_ibuf [dreg:s22], $0x6FFFF;
	_ =	strace $0x9000004C  }
0xc8: {  	s29 =	simm.s32 $0xA;
	_ =	strace $0x8000004E  }
0xc9: {  	_ =	swait.ge [sflag:s29], $0x1  }
0xca: {  	[sflag:s29] =	ssyncadd.s32 $0xFFFFFFFF  }
0xcb: {  	_ =	strace $0x9000004E  }
0xcc: {  	_ =	sfence  }
0xcd: {  	s30 =	sld [smem:$0x0];
	_ =	sdelay $0x2  }
0xce: {  	s31 =	sshll.u32 s1, $0xD;
	s1 =	sshrl.u32 s1, $0x2  }
0xcf: {  	s4 =	sand.u32 $0x4000, s31;
	s1 =	sadd.s32 s1, s30  }
0xd0: {  	s0 =	sor.u32 s4, s0;
	s1 =	sshll.u32 s1, $0x11  }
0xd1: {  	s0 =	sor.u32 s1, s0  }
0xd2: {  	s0 =	sadd.s32 $0x8F2B, s0  }
0xd3: {  	[sflag:s0] =	ssyncadd.remote.s32 $0x1  }
0xd4: {  	_ =	sfence.sel $0xFFFF  }
0xd5: {  	[dreg:$0x0] =	wrdreg $0xFFFFFFFF;
	(pc) =	sbr.abs _section_cstart, $3  }
0xd6: {  	[dreg:$0x1] =	wrdreg $0xFFFFFFFF  }
0xd7: {  	_ =	task.clear_ibuf [dreg:s22], $0x2FFFF;
	_ =	strace $0x9FFFFFFF  }
0xd8: {  	(tm) =	ssettm $0x7FFFFFFF  }
0xd9: {  	_ =	shalt  }
tec
execute0_lowered:
.L_overlay_start_1:
0x0: {  	(tag) =	ssettag $0x1  }
0x1: {  	s1 =	rddreg [dreg:$0x0]  }
0x2: {  	s3 =	rddreg [dreg:$0x2];
	s4 =	simm.s32 $0x0;
	s21 =	stileid.u32  }
0x3: {  	s2 =	srdreg.scid;
	s28 =	simm.s32 $0x4180;
	s29 =	simm.s32 $0x4200  }
0x4: {  	s31 =	simm.s32 $0x0;
	[smem:$0x7FF] =	sst s4;
	s0 =	sshll.u32 s21, $0xC  }
0x5: {  	s5 =	sadd.s32 $0x34800, s1;
	s2 =	sand.u32 $0x1, s2;
	s6 =	sadd.s32 $0x572800, s1  }
0x6: {  	s19 =	sshll.u32 s21, $0x5;
	s7 =	sadd.s32 $0x577800, s1;
	s8 =	sadd.s32 $0x57C800, s1  }
0x7: {  	s11 =	smul.u32 $0x14000, s21;
	s18 =	sshll.u32 s21, $0x1;
	s13 =	sshrl.u32 s21, $0x2  }
0x8: {  	s22 =	smul.u32 $0x50000, s21;
	s26 =	sshll.u32 s21, $0x6;
	s21 =	simm.s32 $0x2  }
0x9: {  	_ =	strace $0x8000004D;
	s10 =	sadd.s32 s0, s1;
	s12 =	smul.u32 $0x140000, s2  }
0xa: {  	s9 =	sshll.u32 s2, $0x4;
	s0 =	sor.u32 s2, s18;
	s13 =	smul.u32 $0x3C000, s13  }
0xb: {  	s24 =	ssub.s32 $0x2, s2;
	s2 =	sshll.u32 s2, $0xB;
	s9 =	sor.u32 s9, s19  }
0xc: {  	s14 =	sshrl.u32 s11, $0x3;
	s15 =	sshll.u32 s0, $0x7;
	s25 =	sshrl.u32 s24, $0x1  }
0xd: {  	[dreg:$0x4] =	wrdreg s0;
	s2 =	sadd.s32 s2, s10;
	s17 =	sadd.s32 s9, s1  }
0xe: {  	s14 =	sadd.s32 s14, s1;
	s11 =	sadd.s32 s11, s12;
	s20 =	sand.u32 $0x380, s15  }
0xf: {  	s19 =	ssub.s32 s24, s25;
	s2 =	sadd.s32 $0xCF1000, s2;
	s24 =	simm.s32 $0x80  }
0x10: {  	s25 =	simm.s32 $0x4080;
	s11 =	sshrl.u32 s11, $0x3;
	s12 =	sor.u32 s13, s20  }
0x11: {  	s13 =	sshrl.u32 s22, $0x2;
	s30 =	sadd.s32 $0xA7F000, s14;
	s22 =	simm.s32 $0x4280  }
0x12: {  	s16 =	sadd.s32 s11, s1;
	s23 =	sshrl.u32 s12, $0x3;
	s20 =	sadd.s32 s13, s3  }
.Ltmp0:
0x13: {  	[dreg:$0x5] =	wrdreg s30;
	s12 =	sor.u32 $0x1C02, s26;
	(pc) =	sbr.rel .LBB2_1-.Ltmp0, $4  }
0x14: {  	s13 =	sand.u32 $0x180, s15;
	s26 =	simm.s32 $0x4100;
	s1 =	sadd.s32 s23, s1  }
0x15: {  	s23 =	sand.u32 $0x3, s0;
	s14 =	sadd.s32 $0xAC5000, s16;
	s16 =	smax.u32 s19, $0x1  }
0x16: {  	s20 =	sshrl.u32 s20, $0x3;
	s15 =	sadd.s32 $0xAA7000, s1;
	s1 =	sshrl.u32 s18, $0x2  }
0x17: {  	s18 =	sadd.s32 $0x2F800, s17;
	p0 =	sne.s32 s23, $0x0;
	s23 =	simm.s32 $0x1  }
.LBB2_5:
0x18: {  	[bflag:$0x0] =	sbarrier.arrive $0xFFFF  }
0x19: {  	[hbm:s14], [sflag:s12] =	dma.local [spmem:s20], $0x2800  }
0x1a: {  	s31 =	sadd.s32 $0x1, s31;
	_ =	swait.ge [sflag:s21], $0x2800  }
0x1b: {  	p1 =	sne.s32 s31, s16;
	[sflag:s21] =	ssyncset.done $0x0  }
.Ltmp1:
0x1c: {  	s0 =	simm.s32 $0x400;
	[sflag:s21] =	ssyncadd.s32 $0xFFFFD800;
	(pc) =	sbr.rel @!p1 .LBB2_6-.Ltmp1, $4  }
0x1d: {  	[hbm4b:s15+s24] =	stream.strided.scatter [tilespmem:s22], [sflag:$0x2], $0x7800, s0, s24, $0x38;
	[tilespmem:$0x1FA80] =	vst v63  }
0x1e: {  	_ =	swait.ge [sflag:s21], $0x7800  }
0x1f: {  	[sflag:s21] =	ssyncset.done $0x0  }
0x20: {  	[sflag:s21] =	ssyncadd.s32 $0xFFFF8800  }
.LBB2_1:
0x21: {  	s0 =	rddreg [dreg:$0x5]  }
0x22: {  	[spmem:s20], [sflag:s12] =	dma.local [hbm:s0], $0x2800  }
0x23: {  	_ =	swait.ge [sflag:s21], $0x2800  }
0x24: {  	[sflag:s21] =	ssyncset.done $0x0  }
0x25: {  	[sflag:s21] =	ssyncadd.s32 $0xFFFFD800  }
0x26: {  	s19 =	rddreg [dreg:$0x1]  }
0x27: {  	[tilespmem:s22], [sflag:$0x2] =	stream.linear.gather [hbm4b:s19+s4], $0x7800, $0x38;
	[tilespmem:$0x1FA80] =	vst v63  }
.Ltmp2:
0x28: {  	_ =	swait.ge [sflag:s21], $0x7800;
	(pc) =	sbr.rel .LBB2_2-.Ltmp2, $4  }
0x29: {  	[sflag:s21] =	ssyncset.done $0x0  }
0x2a: {  	[sflag:s21] =	ssyncadd.s32 $0xFFFF8800  }
0x2b: {  	s17 =	smov.u32 s1;
	[bflag:$0x0] =	sbarrier.arrive $0xFFFF  }
0x2c: {  	s30 =	simm.s32 $0x0;
	s19 =	smov.u32 s2;
	s10 =	rddreg [dreg:$0x4]  }
.LBB2_4:
0x2d: {  	s30 =	sadd.s32 $0x200, s30  }
0x2e: {  	p1 =	sne.s32 s30, $0x5000  }
.Ltmp3:
0x2f: {  	_ = 	snop;
	(pc) =	sbr.rel @!p1 .LBB2_5-.Ltmp3, $2  }
0x30: {  	_ =	sdelay $0x2  }
0x31: {  	s17 =	sadd.s32 $0x8, s17;
	s19 =	sadd.s32 $0x10000, s19;
	s10 =	sadd.s32 $0x20, s10  }
.LBB2_2:
0x32: {  	p1 =	sgt.u32 s10, $0x4E3  }
.Ltmp4:
0x33: {  	_ = 	snop;
	(pc) =	sbr.rel @p1 .LBB2_4-.Ltmp4, $1  }
0x34: {  	_ =	sdelay $0x3  }
0x35: {  	s0 =	sadd.s32 s30, s9  }
0x36: {  	s11 =	sadd.s32 s30, s18;
	p1 =	seq.s32 s0, $0x0  }
0x37: {  	[tilespmem:s4], [sflag:$0x1] =	stream.linear.gather [hbm4b:s11+s4], $0x80, $0x38;
	[tilespmem:$0x1FA80] =	vst v63  }
0x38: {  	p1 =	por !p0, !p1  }
0x39: {  	s0 =	simm.s32 $0x1;
	p1 =	por !p1, !p1  }
0x3a: {  	[tilespmem:s24], [sflag:$0x1] =	stream.linear.gather [hbm4b:s19+s4], $0x4000, $0x38;
	[tilespmem:$0x1FA80] =	vst v63  }
0x3b: {  	s0 =	simm.s32 @!p1 $0x0  }
0x3c: {  	s0 =	ssub.s32 s17, s0  }
0x3d: {  	s0 =	sshll.u32 s0, $0x9  }
0x3e: {  	s0 =	sor.u32 s13, s0  }
0x3f: {  	s0 =	sshrl.u32 s0, $0x3  }
0x40: {  	s11 =	sadd.s32 s5, s0  }
0x41: {  	[tilespmem:s25], [sflag:$0x1] =	stream.linear.gather [hbm4b:s11+s4], $0x80, $0x38;
	[tilespmem:$0x1FA80] =	vst v63  }
0x42: {  	s11 =	sadd.s32 s6, s0  }
0x43: {  	[tilespmem:s26], [sflag:$0x1] =	stream.linear.gather [hbm4b:s11+s4], $0x80, $0x38;
	[tilespmem:$0x1FA80] =	vst v63  }
0x44: {  	s11 =	sadd.s32 s7, s0  }
0x45: {  	[tilespmem:s28], [sflag:$0x1] =	stream.linear.gather [hbm4b:s11+s4], $0x80, $0x38;
	[tilespmem:$0x1FA80] =	vst v63  }
0x46: {  	s0 =	sadd.s32 s8, s0  }
0x47: {  	[tilespmem:s29], [sflag:$0x1] =	stream.linear.gather [hbm4b:s0+s4], $0x80, $0x38;
	[tilespmem:$0x1FA80] =	vst v63  }
0x48: {  	_ =	swait.ge [sflag:s23], $0x80  }
0x49: {  	[sflag:s23] =	ssyncset.done $0x0  }
0x4a: {  	[sflag:s23] =	ssyncadd.s32 $0xFFFFFF80  }
0x4b: {  	_ =	swait.ge [sflag:s23], $0x4000  }
0x4c: {  	[sflag:s23] =	ssyncset.done $0x0  }
0x4d: {  	[sflag:s23] =	ssyncadd.s32 $0xFFFFC000  }
0x4e: {  	_ =	swait.ge [sflag:s23], $0x80  }
0x4f: {  	[sflag:s23] =	ssyncset.done $0x0  }
0x50: {  	[sflag:s23] =	ssyncadd.s32 $0xFFFFFF80  }
0x51: {  	_ =	swait.ge [sflag:s23], $0x80  }
0x52: {  	[sflag:s23] =	ssyncset.done $0x0  }
0x53: {  	[sflag:s23] =	ssyncadd.s32 $0xFFFFFF80  }
0x54: {  	_ =	swait.ge [sflag:s23], $0x80  }
0x55: {  	[sflag:s23] =	ssyncset.done $0x0  }
0x56: {  	[sflag:s23] =	ssyncadd.s32 $0xFFFFFF80  }
0x57: {  	_ =	swait.ge [sflag:s23], $0x80  }
0x58: {  	[sflag:s23] =	ssyncset.done $0x0  }
0x59: {  	[sflag:s23] =	ssyncadd.s32 $0xFFFFFF80  }
0x5a: {  	[spmem:s3] =	stream.indirect.scatter.add.f32 [tilespmem:s24], [sflag:$0x2], $0x80, s4, s24, $0xb8;
	[tilespmem:$0x1FA80] =	vst v63  }
0x5b: {  	_ =	swait.ge [sflag:s21], $0x4000  }
0x5c: {  	[sflag:s21] =	ssyncset.done $0x0  }
0x5d: {  	[sflag:s21] =	ssyncadd.s32 $0xFFFFC000  }
0x5e: {  	v0 =	vld [tilespmem:$0x0];
	_ =	sdelay $0x2  }
0x5f: {  	v1 =	vld [tilespmem:$0x4080]  }
0x60: {  	v2 =	vld [tilespmem:$0x4100]  }
0x61: {  	v0 =	vmul.u32 $0x3, v0;
	_ =	sdelay $0x3  }
0x62: {  	v2 =	vmul.f32 v2, v1;
	_ =	sdelay $0x1  }
0x63: {  	[tilespmem:v0+s22+$0x0] =	vst.idx.add.f32.msk $0xffff, v2  }
0x64: {  	v2 =	vld [tilespmem:$0x4180];
	_ =	sdelay $0x1  }
0x65: {  	v3 =	vadd.s32 $0x1, v0;
	_ =	sdelay $0x2  }
0x66: {  	v2 =	vmul.f32 v2, v1;
	_ =	sdelay $0x1  }
0x67: {  	[tilespmem:v3+s22+$0x0] =	vst.idx.add.f32.msk $0xffff, v2  }
0x68: {  	v2 =	vld [tilespmem:$0x4200];
	_ =	sdelay $0x1  }
0x69: {  	v0 =	vadd.s32 $0x2, v0;
	_ =	sdelay $0x2  }
0x6a: {  	v1 =	vmul.f32 v2, v1;
	_ =	sdelay $0x1  }
0x6b: {  	[tilespmem:v0+s22+$0x0] =	vst.idx.add.f32.msk $0xffff, v1  }
0x6c: {  	v0 =	vld [tilespmem:$0x10];
	_ =	sdelay $0x2  }
0x6d: {  	v1 =	vld [tilespmem:$0x4090]  }
0x6e: {  	v50 =	vld [tilespmem:$0x4110]  }
0x6f: {  	v0 =	vmul.u32 $0x3, v0;
	_ =	sdelay $0x3  }
0x70: {  	v2 =	vmul.f32 v50, v1;
	_ =	sdelay $0x1  }
0x71: {  	[tilespmem:v0+s22+$0x0] =	vst.idx.add.f32.msk $0xffff, v2  }
0x72: {  	v2 =	vld [tilespmem:$0x4190];
	_ =	sdelay $0x1  }
0x73: {  	v51 =	vadd.s32 $0x1, v0;
	_ =	sdelay $0x2  }
0x74: {  	v2 =	vmul.f32 v2, v1;
	_ =	sdelay $0x1  }
0x75: {  	[tilespmem:v51+s22+$0x0] =	vst.idx.add.f32.msk $0xffff, v2  }
0x76: {  	v2 =	vld [tilespmem:$0x4210];
	_ =	sdelay $0x1  }
0x77: {  	v0 =	vadd.s32 $0x2, v0;
	_ =	sdelay $0x2  }
0x78: {  	v1 =	vmul.f32 v2, v1;
	_ =	sdelay $0x1  }
0x79: {  	[tilespmem:v0+s22+$0x0] =	vst.idx.add.f32.msk $0xffff, v1  }
0x7a: {  	v0 =	vld [tilespmem:$0x20];
	_ =	sdelay $0x2  }
0x7b: {  	v1 =	vld [tilespmem:$0x40A0]  }
0x7c: {  	v52 =	vld [tilespmem:$0x4120]  }
0x7d: {  	v0 =	vmul.u32 $0x3, v0;
	_ =	sdelay $0x3  }
0x7e: {  	v2 =	vmul.f32 v52, v1;
	_ =	sdelay $0x1  }
0x7f: {  	[tilespmem:v0+s22+$0x0] =	vst.idx.add.f32.msk $0xffff, v2  }
0x80: {  	v2 =	vld [tilespmem:$0x41A0];
	_ =	sdelay $0x1  }
0x81: {  	v53 =	vadd.s32 $0x1, v0;
	_ =	sdelay $0x2  }
0x82: {  	v2 =	vmul.f32 v2, v1;
	_ =	sdelay $0x1  }
0x83: {  	[tilespmem:v53+s22+$0x0] =	vst.idx.add.f32.msk $0xffff, v2  }
0x84: {  	v2 =	vld [tilespmem:$0x4220];
	_ =	sdelay $0x1  }
0x85: {  	v0 =	vadd.s32 $0x2, v0;
	_ =	sdelay $0x2  }
0x86: {  	v1 =	vmul.f32 v2, v1;
	_ =	sdelay $0x1  }
0x87: {  	[tilespmem:v0+s22+$0x0] =	vst.idx.add.f32.msk $0xffff, v1  }
0x88: {  	v0 =	vld [tilespmem:$0x30];
	_ =	sdelay $0x2  }
0x89: {  	v1 =	vld [tilespmem:$0x40B0]  }
0x8a: {  	v54 =	vld [tilespmem:$0x4130]  }
0x8b: {  	v0 =	vmul.u32 $0x3, v0;
	_ =	sdelay $0x3  }
0x8c: {  	v2 =	vmul.f32 v54, v1;
	_ =	sdelay $0x1  }
0x8d: {  	[tilespmem:v0+s22+$0x0] =	vst.idx.add.f32.msk $0xffff, v2  }
0x8e: {  	v2 =	vld [tilespmem:$0x41B0];
	_ =	sdelay $0x1  }
0x8f: {  	v55 =	vadd.s32 $0x1, v0;
	_ =	sdelay $0x2  }
0x90: {  	v2 =	vmul.f32 v2, v1;
	_ =	sdelay $0x1  }
0x91: {  	[tilespmem:v55+s22+$0x0] =	vst.idx.add.f32.msk $0xffff, v2  }
0x92: {  	v2 =	vld [tilespmem:$0x4230];
	_ =	sdelay $0x1  }
0x93: {  	v0 =	vadd.s32 $0x2, v0;
	_ =	sdelay $0x2  }
0x94: {  	v1 =	vmul.f32 v2, v1;
	_ =	sdelay $0x1  }
0x95: {  	[tilespmem:v0+s22+$0x0] =	vst.idx.add.f32.msk $0xffff, v1  }
0x96: {  	v0 =	vld [tilespmem:$0x40];
	_ =	sdelay $0x2  }
0x97: {  	v1 =	vld [tilespmem:$0x40C0]  }
0x98: {  	v56 =	vld [tilespmem:$0x4140]  }
0x99: {  	v0 =	vmul.u32 $0x3, v0;
	_ =	sdelay $0x3  }
0x9a: {  	v2 =	vmul.f32 v56, v1;
	_ =	sdelay $0x1  }
0x9b: {  	[tilespmem:v0+s22+$0x0] =	vst.idx.add.f32.msk $0xffff, v2  }
0x9c: {  	v2 =	vld [tilespmem:$0x41C0];
	_ =	sdelay $0x1  }
0x9d: {  	v57 =	vadd.s32 $0x1, v0;
	_ =	sdelay $0x2  }
0x9e: {  	v2 =	vmul.f32 v2, v1;
	_ =	sdelay $0x1  }
0x9f: {  	[tilespmem:v57+s22+$0x0] =	vst.idx.add.f32.msk $0xffff, v2  }
0xa0: {  	v2 =	vld [tilespmem:$0x4240];
	_ =	sdelay $0x1  }
0xa1: {  	v0 =	vadd.s32 $0x2, v0;
	_ =	sdelay $0x2  }
0xa2: {  	v1 =	vmul.f32 v2, v1;
	_ =	sdelay $0x1  }
0xa3: {  	[tilespmem:v0+s22+$0x0] =	vst.idx.add.f32.msk $0xffff, v1  }
0xa4: {  	v0 =	vld [tilespmem:$0x50];
	_ =	sdelay $0x2  }
0xa5: {  	v1 =	vld [tilespmem:$0x40D0]  }
0xa6: {  	v58 =	vld [tilespmem:$0x4150]  }
0xa7: {  	v0 =	vmul.u32 $0x3, v0;
	_ =	sdelay $0x3  }
0xa8: {  	v2 =	vmul.f32 v58, v1;
	_ =	sdelay $0x1  }
0xa9: {  	[tilespmem:v0+s22+$0x0] =	vst.idx.add.f32.msk $0xffff, v2  }
0xaa: {  	v2 =	vld [tilespmem:$0x41D0];
	_ =	sdelay $0x1  }
0xab: {  	v59 =	vadd.s32 $0x1, v0;
	_ =	sdelay $0x2  }
0xac: {  	v2 =	vmul.f32 v2, v1;
	_ =	sdelay $0x1  }
0xad: {  	[tilespmem:v59+s22+$0x0] =	vst.idx.add.f32.msk $0xffff, v2  }
0xae: {  	v2 =	vld [tilespmem:$0x4250];
	_ =	sdelay $0x1  }
0xaf: {  	v0 =	vadd.s32 $0x2, v0;
	_ =	sdelay $0x2  }
0xb0: {  	v1 =	vmul.f32 v2, v1;
	_ =	sdelay $0x1  }
0xb1: {  	[tilespmem:v0+s22+$0x0] =	vst.idx.add.f32.msk $0xffff, v1  }
0xb2: {  	v0 =	vld [tilespmem:$0x60];
	_ =	sdelay $0x2  }
0xb3: {  	v1 =	vld [tilespmem:$0x40E0]  }
0xb4: {  	v60 =	vld [tilespmem:$0x4160]  }
0xb5: {  	v0 =	vmul.u32 $0x3, v0;
	_ =	sdelay $0x3  }
0xb6: {  	v2 =	vmul.f32 v60, v1;
	_ =	sdelay $0x1  }
0xb7: {  	[tilespmem:v0+s22+$0x0] =	vst.idx.add.f32.msk $0xffff, v2  }
0xb8: {  	v2 =	vld [tilespmem:$0x41E0];
	_ =	sdelay $0x1  }
0xb9: {  	v61 =	vadd.s32 $0x1, v0;
	_ =	sdelay $0x2  }
0xba: {  	v2 =	vmul.f32 v2, v1;
	_ =	sdelay $0x1  }
0xbb: {  	[tilespmem:v61+s22+$0x0] =	vst.idx.add.f32.msk $0xffff, v2  }
0xbc: {  	v2 =	vld [tilespmem:$0x4260];
	_ =	sdelay $0x1  }
0xbd: {  	v0 =	vadd.s32 $0x2, v0;
	_ =	sdelay $0x2  }
0xbe: {  	v1 =	vmul.f32 v2, v1;
	_ =	sdelay $0x1  }
0xbf: {  	[tilespmem:v0+s22+$0x0] =	vst.idx.add.f32.msk $0xffff, v1  }
0xc0: {  	v0 =	vld [tilespmem:$0x70];
	_ =	sdelay $0x2  }
0xc1: {  	v1 =	vld [tilespmem:$0x40F0]  }
0xc2: {  	v62 =	vld [tilespmem:$0x4170]  }
0xc3: {  	v0 =	vmul.u32 $0x3, v0;
	_ =	sdelay $0x3  }
0xc4: {  	v2 =	vmul.f32 v62, v1;
	_ =	sdelay $0x1  }
0xc5: {  	[tilespmem:v0+s22+$0x0] =	vst.idx.add.f32.msk $0xffff, v2  }
0xc6: {  	v2 =	vld [tilespmem:$0x41F0];
	_ =	sdelay $0x1  }
0xc7: {  	v63 =	vadd.s32 $0x1, v0;
	_ =	sdelay $0x2  }
0xc8: {  	v2 =	vmul.f32 v2, v1;
	_ =	sdelay $0x1  }
0xc9: {  	[tilespmem:v63+s22+$0x0] =	vst.idx.add.f32.msk $0xffff, v2  }
0xca: {  	v2 =	vld [tilespmem:$0x4270];
	_ =	sdelay $0x1  }
0xcb: {  	v0 =	vadd.s32 $0x2, v0  }
.Ltmp5:
0xcc: {  	_ = 	snop;
	(pc) =	sbr.rel .LBB2_4-.Ltmp5, $3  }
0xcd: {  	_ = 	snop  }
0xce: {  	v1 =	vmul.f32 v2, v1;
	_ =	sdelay $0x1  }
0xcf: {  	[tilespmem:v0+s22+$0x0] =	vst.idx.add.f32.msk $0xffff, v1  }
.LBB2_6:
0xd0: {  	_ =	sfence.sel $0x180000  }
0xd1: {  	[bflag:$0x0] =	sbarrier.arrive $0xFFFF  }
0xd2: {  	_ =	strace $0x9000004D  }
0xd3: {  	s0 =	stileid.u32;
	[bflag:$0x2] =	sbarrier.arrive $0xFFFF  }
0xd4: {  	p0 =	sne.s32 s0, $0x0;
	s0 =	rddreg [dreg:$0x3]  }
0xd5: {  	s0 =	sadd.s32 @!p0 $0x100000, s0  }
0xd6: {  	[sflag:s0] =	ssyncadd.tile.s32 @!p0 $0x1;
	_ =	shalt  }
.Lfunc_end2:
_tile_overlayer_lowered:
.L_overlay_start_2:
0xd7: {  	(tag) =	ssettag $0x2  }
0xd8: {  	s0 =	rddreg [dreg:$0x0];
	s2 =	stileid.u32  }
0xd9: {  	s1 =	rddreg [dreg:$0x1];
	p0 =	sne.s32 s2, $0x0  }
0xda: {  	s3 =	rddreg [dreg:$0x2];
	[bflag:$0x3] =	sbarrier.arrive $0xFFFF;
	s2 =	simm.s32 @!p0 $0x1C02  }
0xdb: {  	[timem:s3], [sflag:s2] =	dma.local @!p0 [hbm:s0], s1  }
0xdc: {  	s0 =	simm.s32 @!p0 $0x2  }
0xdd: {  	_ =	swait.ge @!p0 [sflag:s0], s1  }
0xde: {  	s1 =	ssub.s32 @!p0 $0x0, s1;
	[sflag:s0] =	ssyncset.done @!p0 $0x0  }
0xdf: {  	[sflag:s0] =	ssyncadd.s32 @!p0 s1  }
0xe0: {  	[bflag:$0x3] =	sbarrier.arrive $0xFFFF  }
0xe1: {  	_ =	shalt  }

</sc_bundles>
